<compile_context>
chip_gen: v7x
topology: tpu7x:2x2x1
jax: 0.10.2.dev20260603
libtpu: 0.0.44.dev20260713+nightly
codegen_flags: <defaults>
</compile_context>

<pallas_src>
import functools

import jax
import jax.numpy as jnp
from jax import lax
from jax.experimental import pallas as pl
from jax.experimental.pallas import tpu as pltpu
from jax.experimental.pallas import tpu_sc as plsc

_N = 10000
_C = 128
_E = 320000
_NP = 10112
_CHUNK = 128
_NCHUNKS = 2560
_EP = _NCHUNKS * _CHUNK
_NW = 32
_CPW = _NCHUNKS // _NW
_RPT = _NP // 16



def _tc1_body(x_ref, wt_ref, as_ref, ad_ref, h_ref, s_ref, d_ref, dm_ref):
    h = jnp.dot(x_ref[...], wt_ref[...], preferred_element_type=jnp.float32)
    h_ref[...] = h
    s_ref[...] = jnp.dot(h, as_ref[...], preferred_element_type=jnp.float32)
    dv = jnp.dot(h, ad_ref[...], preferred_element_type=jnp.float32)
    d_ref[...] = dv

    @pl.when(pl.program_id(0) == 0)
    def _():
        dm_ref[...] = jnp.full((1, _C), -jnp.inf, jnp.float32)

    dm_ref[...] = jnp.maximum(dm_ref[...], jnp.max(dv))


def _project_scores(x, wT, a_src, a_dst):
    n = x.shape[0]
    blk = 1000
    return pl.pallas_call(
        _tc1_body,
        grid=(n // blk,),
        in_specs=[pl.BlockSpec((blk, x.shape[1]), lambda i: (i, 0)),
                  pl.BlockSpec((x.shape[1], _C), lambda i: (0, 0)),
                  pl.BlockSpec((_C, 1), lambda i: (0, 0)),
                  pl.BlockSpec((_C, 1), lambda i: (0, 0))],
        out_specs=[pl.BlockSpec((blk, _C), lambda i: (i, 0)),
                   pl.BlockSpec((blk, 1), lambda i: (i, 0)),
                   pl.BlockSpec((blk, 1), lambda i: (i, 0)),
                   pl.BlockSpec((1, _C), lambda i: (0, 0))],
        out_shape=[jax.ShapeDtypeStruct((n, _C), jnp.float32),
                   jax.ShapeDtypeStruct((n, 1), jnp.float32),
                   jax.ShapeDtypeStruct((n, 1), jnp.float32),
                   jax.ShapeDtypeStruct((1, _C), jnp.float32)],
    )(x, wT, a_src, a_dst)


def _tc2_body(acc_ref, wt_ref, as_ref, ad_ref,
              h_ref, s_ref, d_ref, dm_ref):
    a = acc_ref[0] + acc_ref[1]
    num = a[:, 0:_C]
    den = a[:, _C:_C + 1]
    o = jnp.where(den > 0.0, num / den, 0.0)
    g = jnp.where(o > 0.0, o, jnp.exp(o) - 1.0)
    h = jnp.dot(g, wt_ref[...], preferred_element_type=jnp.float32)
    h_ref[...] = h
    s_ref[...] = jnp.dot(h, as_ref[...], preferred_element_type=jnp.float32)
    dv = jnp.dot(h, ad_ref[...], preferred_element_type=jnp.float32)
    d_ref[...] = dv

    @pl.when(pl.program_id(0) == 0)
    def _():
        dm_ref[...] = jnp.full((1, _C), -jnp.inf, jnp.float32)

    dm_ref[...] = jnp.maximum(dm_ref[...], jnp.max(dv))


def _combine_project(acc, wT, a_src, a_dst):
    blk = 1000
    return pl.pallas_call(
        _tc2_body,
        grid=(_N // blk,),
        in_specs=[pl.BlockSpec((2, blk, _C + 16), lambda i: (0, i, 0)),
                  pl.BlockSpec((_C, _C), lambda i: (0, 0)),
                  pl.BlockSpec((_C, 1), lambda i: (0, 0)),
                  pl.BlockSpec((_C, 1), lambda i: (0, 0))],
        out_specs=[pl.BlockSpec((blk, _C), lambda i: (i, 0)),
                   pl.BlockSpec((blk, 1), lambda i: (i, 0)),
                   pl.BlockSpec((blk, 1), lambda i: (i, 0)),
                   pl.BlockSpec((1, _C), lambda i: (0, 0))],
        out_shape=[jax.ShapeDtypeStruct((_N, _C), jnp.float32),
                   jax.ShapeDtypeStruct((_N, 1), jnp.float32),
                   jax.ShapeDtypeStruct((_N, 1), jnp.float32),
                   jax.ShapeDtypeStruct((1, _C), jnp.float32)],
    )(acc, wT, a_src, a_dst)


def _tc3_body(acc_ref, o_ref):
    a = acc_ref[0] + acc_ref[1]
    num = a[:, 0:_C]
    den = a[:, _C:_C + 1]
    o_ref[...] = jnp.where(den > 0.0, num / den, 0.0)


def _combine_final(acc):
    blk = 1000
    return pl.pallas_call(
        _tc3_body,
        grid=(_N // blk,),
        in_specs=[pl.BlockSpec((2, blk, _C + 16), lambda i: (0, i, 0))],
        out_specs=pl.BlockSpec((blk, _C), lambda i: (i, 0)),
        out_shape=jax.ShapeDtypeStruct((_N, _C), jnp.float32),
    )(acc)



_MESH = plsc.VectorSubcoreMesh(core_axis_name="c", subcore_axis_name="s")


@functools.partial(
    pl.kernel,
    mesh=_MESH,
    compiler_params=pltpu.CompilerParams(needs_layout_passes=False),
    out_type=jax.ShapeDtypeStruct((_NCHUNKS, _CHUNK), jnp.float32),
    scratch_types=[
        pltpu.VMEM((16, _CHUNK), jnp.int32),
        pltpu.VMEM((16, _CHUNK), jnp.int32),
        pltpu.VMEM((16, _CHUNK), jnp.float32),
        pltpu.VMEM((_NP,), jnp.float32),
        pltpu.VMEM((_NP,), jnp.float32),
        pltpu.VMEM((16,), jnp.float32),
    ],
)
def _edge_w_sc(s_hbm, d_hbm, dm_hbm, row_hbm, col_hbm, w_out,
               rows, cols, wst, s_loc, d_loc, dm_loc):
    wid = lax.axis_index("c") * 16 + lax.axis_index("s")
    pltpu.sync_copy(s_hbm, s_loc)
    pltpu.sync_copy(d_hbm, d_loc)
    pltpu.sync_copy(dm_hbm, dm_loc)
    dmv = dm_loc[...]

    def _stage(st, _):
        off = wid * _CPW + st * 16
        pltpu.sync_copy(row_hbm.at[pl.ds(off, 16)], rows)
        pltpu.sync_copy(col_hbm.at[pl.ds(off, 16)], cols)

        def _chunk(jj, _):
            for k in range(_CHUNK // 16):
                r16 = rows[jj, pl.ds(k * 16, 16)]
                c16 = cols[jj, pl.ds(k * 16, 16)]
                sg = plsc.load_gather(s_loc, [r16])
                dg = plsc.load_gather(d_loc, [c16])
                z = sg + dg
                e16 = jnp.where(z >= 0.0, z, 0.2 * z)
                b = sg + dmv
                b16 = jnp.where(b >= 0.0, b, 0.2 * b)
                wst[jj, pl.ds(k * 16, 16)] = jnp.exp(e16 - b16)
            return 0

        lax.fori_loop(0, 16, _chunk, 0)
        pltpu.sync_copy(wst, w_out.at[pl.ds(off, 16)])
        return 0

    lax.fori_loop(0, _CPW // 16, _stage, 0)


_CA = _C + 16


@functools.partial(
    pl.kernel,
    mesh=_MESH,
    compiler_params=pltpu.CompilerParams(needs_layout_passes=False),
    out_type=jax.ShapeDtypeStruct((2, _NP, _CA), jnp.float32),
    scratch_types=[
        pltpu.VMEM((16, _CHUNK), jnp.int32),
        pltpu.VMEM((16, _CHUNK), jnp.float32),
        pltpu.VMEM((16, _CHUNK), jnp.int32),
        pltpu.VMEM((_CHUNK, _CA), jnp.float32),
        pltpu.VMEM((8, _CHUNK), jnp.int32),
        pltpu.VMEM_SHARED((_NP, _CA), jnp.float32),
    ],
)
def _spmm_sc(h_hbm, w_hbm, row_hbm, col_hbm,
             acc_out,
             rows, wst, cols, gb, oidx, acc_sh):
    cid = lax.axis_index("c")
    sid = lax.axis_index("s")
    wid = cid * 16 + sid

    z16 = jnp.zeros((16,), jnp.float32)
    iot = lax.iota(jnp.int32, 16)

    def _zero_row(r, _):
        for v in range(_CA // 16):
            gb[r, pl.ds(v * 16, 16)] = z16
        return 0

    lax.fori_loop(0, _CHUNK, _zero_row, 0)

    base = sid * _RPT
    for k in range(5):
        for g in range(_CHUNK // 16):
            v = base + k * _CHUNK + g * 16 + iot
            oidx[k, pl.ds(g * 16, 16)] = jnp.minimum(v, base + _RPT - 1)

    for k in range(5):
        pltpu.sync_copy(gb, acc_sh.at[oidx.at[k]])
    plsc.subcore_barrier()

    def _chunk(jj, _):
        pltpu.sync_copy(h_hbm.at[cols.at[jj]], gb)
        for k in range(_CHUNK // 16):
            w16 = wst[jj, pl.ds(k * 16, 16)]
            for l in range(16):
                e = k * 16 + l
                w = w16[l]
                for v in range(_CA // 16):
                    gb[e, pl.ds(v * 16, 16)] = gb[e, pl.ds(v * 16, 16)] * w
        pltpu.sync_copy(gb, acc_sh.at[rows.at[jj]], add=True)
        return 0

    def _stage(st, _):
        off = wid * _CPW + st * 16
        pltpu.sync_copy(row_hbm.at[pl.ds(off, 16)], rows)
        pltpu.sync_copy(w_hbm.at[pl.ds(off, 16)], wst)
        pltpu.sync_copy(col_hbm.at[pl.ds(off, 16)], cols)
        lax.fori_loop(0, 16, _chunk, 0)
        return 0

    lax.fori_loop(0, _CPW // 16, _stage, 0)
    plsc.subcore_barrier()

    for k in range(5):
        n = _CHUNK if k < 4 else _RPT - 4 * _CHUNK
        pltpu.sync_copy(acc_sh.at[oidx.at[k]], gb)
        pltpu.sync_copy(gb.at[pl.ds(0, n)],
                        acc_out.at[cid, pl.ds(base + k * _CHUNK, n)])


def _gat_sc(h, s_pad, d_pad, dm16, rowp, colp):
    w_e = _edge_w_sc(s_pad, d_pad, dm16, rowp, colp)
    row = rowp.reshape(-1)
    col = jnp.minimum(colp.reshape(-1), _N - 1)
    w = w_e.reshape(-1)
    num = jax.ops.segment_sum(w[:, None] * h[col], row, num_segments=_NP)
    ws = jax.ops.segment_sum(w, row, num_segments=_NP)
    a0 = jnp.concatenate(
        [num, ws[:, None], jnp.zeros((_NP, 15), jnp.float32)], axis=1)
    return jnp.stack([a0, jnp.zeros_like(a0)])



def kernel(x, edge_index, W1, W2, att_src1, att_dst1, att_src2, att_dst2):
    row = edge_index[0].astype(jnp.int32)
    col = edge_index[1].astype(jnp.int32)
    rowp = jnp.concatenate(
        [row, jnp.full((_EP - _E,), _N, jnp.int32)]).reshape(_NCHUNKS, _CHUNK)
    colp = jnp.concatenate(
        [col, jnp.zeros((_EP - _E,), jnp.int32)]).reshape(_NCHUNKS, _CHUNK)

    def pad1(v):
        return jnp.pad(v[:, 0], (0, _NP - _N))

    h1, s1, d1, dm1 = _project_scores(x, W1.T, att_src1.reshape(_C, 1),
                                      att_dst1.reshape(_C, 1))
    acc1 = _gat_sc(h1, pad1(s1), pad1(d1),
                   jnp.broadcast_to(dm1[0, 0:1], (16,)), rowp, colp)

    h2, s2, d2, dm2 = _combine_project(acc1, W2.T,
                                       att_src2.reshape(_C, 1),
                                       att_dst2.reshape(_C, 1))
    acc2 = _gat_sc(h2, pad1(s2), pad1(d2),
                   jnp.broadcast_to(dm2[0, 0:1], (16,)), rowp, colp)
    return _combine_final(acc2)

# --- scband reference (transcript-rebuilt; emitter-appended) ---
"""Pipeline reference for scband-gatnet-66726611911377 (READ-ONLY COPY).

The authoritative reference and input builder live on the scoring server;
editing this copy changes nothing except your own understanding.
"""

import jax, jax.numpy as jnp
import numpy as np

N = 10000
E = 320000
IN_C = 128
HID = 128
OUT = 128


def setup_inputs(seed: int = 0) -> dict:
    key = jax.random.key(seed)
    ks = jax.random.split(key, 8)
    x = jax.random.normal(ks[0], (N, IN_C), dtype=jnp.float32)
    edge_index = jax.random.randint(ks[1], (2, E), 0, N)
    # learned parameters (sized per init_kwargs)
    W1 = jax.random.normal(ks[2], (HID, IN_C), dtype=jnp.float32) * (2.0 / (HID + IN_C)) ** 0.5
    W2 = jax.random.normal(ks[3], (OUT, HID), dtype=jnp.float32) * (2.0 / (OUT + HID)) ** 0.5
    att_src1 = jax.random.normal(ks[4], (HID,), dtype=jnp.float32) * (6.0 / (1 + HID)) ** 0.5
    att_dst1 = jax.random.normal(ks[5], (HID,), dtype=jnp.float32) * (6.0 / (1 + HID)) ** 0.5
    att_src2 = jax.random.normal(ks[6], (OUT,), dtype=jnp.float32) * (6.0 / (1 + OUT)) ** 0.5
    att_dst2 = jax.random.normal(ks[7], (OUT,), dtype=jnp.float32) * (6.0 / (1 + OUT)) ** 0.5
    return {"x": x, "edge_index": edge_index, "W1": W1, "W2": W2,
            "att_src1": att_src1, "att_dst1": att_dst1,
            "att_src2": att_src2, "att_dst2": att_dst2}


def _gat_attention_spmm(feats, row, col, a_src, a_dst):
    # edge-wise attention scores
    src_scores = feats @ a_src            # [N]
    dst_scores = feats @ a_dst            # [N]
    e = jax.nn.leaky_relu(src_scores[row] + dst_scores[col], negative_slope=0.2)  # [E]
    # softmax over edges grouped by row (destination of the aggregation)
    m = jax.ops.segment_max(e, row, num_segments=N)
    m = jnp.where(jnp.isfinite(m), m, 0.0)
    ex = jnp.exp(e - m[row])
    s = jax.ops.segment_sum(ex, row, num_segments=N)
    alpha = ex / s[row]
    # sparse attention matrix @ projected features == segment-sum scatter-add
    return jax.ops.segment_sum(alpha[:, None] * feats[col], row, num_segments=N)


def reference(x, edge_index, W1, W2, att_src1, att_dst1, att_src2, att_dst2):
    row, col = edge_index[0], edge_index[1]
    h = x @ W1.T
    h = jax.nn.elu(_gat_attention_spmm(h, row, col, att_src1, att_dst1))
    h = h @ W2.T
    out = _gat_attention_spmm(h, row, col, att_src2, att_dst2)
    return out

if __name__ == "__main__":
    import jax
    _d = setup_inputs()
    print(jax.jit(kernel)(*tuple(_d.values())))

</pallas_src>

<mosaic_0001>
#map = affine_map<(d0, d1) -> (0)>
#map1 = affine_map<(d0, d1) -> (0, 0)>
module attributes {stable_mosaic.version = 14 : i64} {
  func.func @_edge_w_sc(%arg0: i32, %arg1: i32, %arg2: memref<10112xf32, #tpu.memory_space<hbm>>, %arg3: memref<10112xf32, #tpu.memory_space<hbm>>, %arg4: memref<16xf32, #tpu.memory_space<hbm>>, %arg5: memref<2560x128xi32, #tpu.memory_space<hbm>>, %arg6: memref<2560x128xi32, #tpu.memory_space<hbm>>, %arg7: memref<2560x128xf32, #tpu.memory_space<hbm>>, %arg8: memref<16x128xi32, #tpu.memory_space<vmem>>, %arg9: memref<16x128xi32, #tpu.memory_space<vmem>>, %arg10: memref<16x128xf32, #tpu.memory_space<vmem>>, %arg11: memref<10112xf32, #tpu.memory_space<vmem>>, %arg12: memref<10112xf32, #tpu.memory_space<vmem>>, %arg13: memref<16xf32, #tpu.memory_space<vmem>>) attributes {dimension_semantics = [#tpu.dimension_semantics<core_parallel>, #tpu.dimension_semantics<subcore_parallel>], iteration_bounds = array<i64: 2, 16>, scalar_prefetch = 0 : i64, scratch_operands = 6 : i64, tpu.core_type = #tpu.core_type<sc_vector_subcore>, window_params = [{transform_indices = #map}, {transform_indices = #map}, {transform_indices = #map}, {transform_indices = #map1}, {transform_indices = #map1}, {transform_indices = #map1}]} {
    %mul3A = arith.constant 16 : i32
    %mul3A_0 = arith.muli %arg0, %mul3A : i32
    %add3A = arith.addi %mul3A_0, %arg1 : i32
    "tpu.region"() ({
      %run_scoped3A = tpu.sem_alloc : memref<!tpu.dma_semaphore, #tpu.memory_space<semaphore_mem>>
      tpu.enqueue_dma source(%arg2 : memref<10112xf32, #tpu.memory_space<hbm>>) target(%arg11 : memref<10112xf32, #tpu.memory_space<vmem>>) target_semaphore(%run_scoped3A : memref<!tpu.dma_semaphore, #tpu.memory_space<semaphore_mem>>)
      tpu.wait_dma2 semaphore(%run_scoped3A : memref<!tpu.dma_semaphore, #tpu.memory_space<semaphore_mem>>) src(%arg2 : memref<10112xf32, #tpu.memory_space<hbm>>) dst(%arg11 : memref<10112xf32, #tpu.memory_space<vmem>>)
      tpu.yield
    }) : () -> ()
    "tpu.region"() ({
      %run_scoped3A = tpu.sem_alloc : memref<!tpu.dma_semaphore, #tpu.memory_space<semaphore_mem>>
      tpu.enqueue_dma source(%arg3 : memref<10112xf32, #tpu.memory_space<hbm>>) target(%arg12 : memref<10112xf32, #tpu.memory_space<vmem>>) target_semaphore(%run_scoped3A : memref<!tpu.dma_semaphore, #tpu.memory_space<semaphore_mem>>)
      tpu.wait_dma2 semaphore(%run_scoped3A : memref<!tpu.dma_semaphore, #tpu.memory_space<semaphore_mem>>) src(%arg3 : memref<10112xf32, #tpu.memory_space<hbm>>) dst(%arg12 : memref<10112xf32, #tpu.memory_space<vmem>>)
      tpu.yield
    }) : () -> ()
    "tpu.region"() ({
      %run_scoped3A = tpu.sem_alloc : memref<!tpu.dma_semaphore, #tpu.memory_space<semaphore_mem>>
      tpu.enqueue_dma source(%arg4 : memref<16xf32, #tpu.memory_space<hbm>>) target(%arg13 : memref<16xf32, #tpu.memory_space<vmem>>) target_semaphore(%run_scoped3A : memref<!tpu.dma_semaphore, #tpu.memory_space<semaphore_mem>>)
      tpu.wait_dma2 semaphore(%run_scoped3A : memref<!tpu.dma_semaphore, #tpu.memory_space<semaphore_mem>>) src(%arg4 : memref<16xf32, #tpu.memory_space<hbm>>) dst(%arg13 : memref<16xf32, #tpu.memory_space<vmem>>)
      tpu.yield
    }) : () -> ()
    %get3A = arith.constant 0 : index
    %get3A_1 = tpu.vector_load %arg13[%get3A] {strides = array<i32>} : memref<16xf32, #tpu.memory_space<vmem>>, vector<16xf32>,
    %scan3A = arith.constant 0 : i32
    %scan3A_2 = arith.constant 0 : i32
    %scan3A_3 = arith.constant 5 : i32
    %scan3A_4 = arith.addi %scan3A_2, %scan3A_3 : i32
    %scan3A_5 = arith.constant 1 : i32
    %scan3A_6 = scf.for %scan3A_8 = %scan3A_2 to %scan3A_4 step %scan3A_5 iter_args(%scan3A_9 = %scan3A) -> (i32)  : i32 {
      %mul3A_10 = arith.constant 80 : i32
      %mul3A_11 = arith.muli %add3A, %mul3A_10 : i32
      %mul3A_12 = arith.constant 16 : i32
      %mul3A_13 = arith.muli %scan3A_8, %mul3A_12 : i32
      %add3A_14 = arith.addi %mul3A_11, %mul3A_13 : i32
      "tpu.region"() ({
        %run_scoped3A = tpu.sem_alloc : memref<!tpu.dma_semaphore, #tpu.memory_space<semaphore_mem>>
        %dma_start3A = arith.constant 0 : i32
        %dma_start3A_23 = tpu.memref_slice %arg5[%add3A_14, %dma_start3A] : memref<2560x128xi32, #tpu.memory_space<hbm>> -> memref<16x128xi32, #tpu.memory_space<hbm>>
        %dma_start3A_24 = arith.constant 0 : i32
        %dma_start3A_25 = tpu.memref_slice %arg5[%add3A_14, %dma_start3A_24] : memref<2560x128xi32, #tpu.memory_space<hbm>> -> memref<16x128xi32, #tpu.memory_space<hbm>>
        tpu.enqueue_dma source(%dma_start3A_25 : memref<16x128xi32, #tpu.memory_space<hbm>>) target(%arg8 : memref<16x128xi32, #tpu.memory_space<vmem>>) target_semaphore(%run_scoped3A : memref<!tpu.dma_semaphore, #tpu.memory_space<semaphore_mem>>)
        %dma_wait3A = arith.constant 0 : i32
        %dma_wait3A_26 = tpu.memref_slice %arg5[%add3A_14, %dma_wait3A] : memref<2560x128xi32, #tpu.memory_space<hbm>> -> memref<16x128xi32, #tpu.memory_space<hbm>>
        %dma_wait3A_27 = arith.constant 0 : i32
        %dma_wait3A_28 = tpu.memref_slice %arg5[%add3A_14, %dma_wait3A_27] : memref<2560x128xi32, #tpu.memory_space<hbm>> -> memref<16x128xi32, #tpu.memory_space<hbm>>
        tpu.wait_dma2 semaphore(%run_scoped3A : memref<!tpu.dma_semaphore, #tpu.memory_space<semaphore_mem>>) src(%dma_wait3A_28 : memref<16x128xi32, #tpu.memory_space<hbm>>) dst(%arg8 : memref<16x128xi32, #tpu.memory_space<vmem>>)
        tpu.yield
      }) : () -> ()
      "tpu.region"() ({
        %run_scoped3A = tpu.sem_alloc : memref<!tpu.dma_semaphore, #tpu.memory_space<semaphore_mem>>
        %dma_start3A = arith.constant 0 : i32
        %dma_start3A_23 = tpu.memref_slice %arg6[%add3A_14, %dma_start3A] : memref<2560x128xi32, #tpu.memory_space<hbm>> -> memref<16x128xi32, #tpu.memory_space<hbm>>
        %dma_start3A_24 = arith.constant 0 : i32
        %dma_start3A_25 = tpu.memref_slice %arg6[%add3A_14, %dma_start3A_24] : memref<2560x128xi32, #tpu.memory_space<hbm>> -> memref<16x128xi32, #tpu.memory_space<hbm>>
        tpu.enqueue_dma source(%dma_start3A_25 : memref<16x128xi32, #tpu.memory_space<hbm>>) target(%arg9 : memref<16x128xi32, #tpu.memory_space<vmem>>) target_semaphore(%run_scoped3A : memref<!tpu.dma_semaphore, #tpu.memory_space<semaphore_mem>>)
        %dma_wait3A = arith.constant 0 : i32
        %dma_wait3A_26 = tpu.memref_slice %arg6[%add3A_14, %dma_wait3A] : memref<2560x128xi32, #tpu.memory_space<hbm>> -> memref<16x128xi32, #tpu.memory_space<hbm>>
        %dma_wait3A_27 = arith.constant 0 : i32
        %dma_wait3A_28 = tpu.memref_slice %arg6[%add3A_14, %dma_wait3A_27] : memref<2560x128xi32, #tpu.memory_space<hbm>> -> memref<16x128xi32, #tpu.memory_space<hbm>>
        tpu.wait_dma2 semaphore(%run_scoped3A : memref<!tpu.dma_semaphore, #tpu.memory_space<semaphore_mem>>) src(%dma_wait3A_28 : memref<16x128xi32, #tpu.memory_space<hbm>>) dst(%arg9 : memref<16x128xi32, #tpu.memory_space<vmem>>)
        tpu.yield
      }) : () -> ()
      %scan3A_15 = arith.constant 0 : i32
      %scan3A_16 = arith.constant 0 : i32
      %scan3A_17 = arith.constant 16 : i32
      %scan3A_18 = arith.addi %scan3A_16, %scan3A_17 : i32
      %scan3A_19 = arith.constant 1 : i32
      %scan3A_20 = scf.for %scan3A_23 = %scan3A_16 to %scan3A_18 step %scan3A_19 iter_args(%scan3A_24 = %scan3A_15) -> (i32)  : i32 {
        %get3A_25 = arith.index_cast %scan3A_23 : i32 to index
        %get3A_26 = arith.constant 0 : index
        %get3A_27 = tpu.vector_load %arg8[%get3A_25, %get3A_26] {strides = array<i32>} : memref<16x128xi32, #tpu.memory_space<vmem>>, vector<16xi32>,
        %get3A_28 = arith.index_cast %scan3A_23 : i32 to index
        %get3A_29 = arith.constant 0 : index
        %get3A_30 = tpu.vector_load %arg9[%get3A_28, %get3A_29] {strides = array<i32>} : memref<16x128xi32, #tpu.memory_space<vmem>>, vector<16xi32>,
        %gather3A = tpu.vector_load_idx %arg11[%get3A_27] : memref<10112xf32, #tpu.memory_space<vmem>>[vector<16xi32>], vector<16xf32>,
        %gather3A_31 = tpu.vector_load_idx %arg12[%get3A_30] : memref<10112xf32, #tpu.memory_space<vmem>>[vector<16xi32>], vector<16xf32>,
        %add3A_32 = arith.addf %gather3A, %gather3A_31 : vector<16xf32>
        %ge3A = arith.constant 0.000000e+00 : f32
        %ge3A_33 = vector.broadcast %ge3A : f32 to vector<16xf32>
        %ge3A_34 = arith.cmpf oge, %add3A_32, %ge3A_33 : vector<16xf32>
        %mul3A_35 = arith.constant 2.000000e-01 : f32
        %mul3A_36 = vector.broadcast %mul3A_35 : f32 to vector<16xf32>
        %mul3A_37 = arith.mulf %mul3A_36, %add3A_32 : vector<16xf32>
        %select_n3A = arith.select %ge3A_34, %add3A_32, %mul3A_37 : vector<16xi1>, vector<16xf32>
        %add3A_38 = arith.addf %gather3A, %get3A_1 : vector<16xf32>
        %ge3A_39 = arith.constant 0.000000e+00 : f32
        %ge3A_40 = vector.broadcast %ge3A_39 : f32 to vector<16xf32>
        %ge3A_41 = arith.cmpf oge, %add3A_38, %ge3A_40 : vector<16xf32>
        %mul3A_42 = arith.constant 2.000000e-01 : f32
        %mul3A_43 = vector.broadcast %mul3A_42 : f32 to vector<16xf32>
        %mul3A_44 = arith.mulf %mul3A_43, %add3A_38 : vector<16xf32>
        %select_n3A_45 = arith.select %ge3A_41, %add3A_38, %mul3A_44 : vector<16xi1>, vector<16xf32>
        %sub3A = arith.subf %select_n3A, %select_n3A_45 : vector<16xf32>
        %exp3A = math.exp %sub3A : vector<16xf32>
        %swap3A = arith.index_cast %scan3A_23 : i32 to index
        %swap3A_46 = arith.constant 0 : index
        %swap3A_47 = tpu.vector_load %arg10[%swap3A, %swap3A_46] {strides = array<i32>} : memref<16x128xf32, #tpu.memory_space<vmem>>, vector<16xf32>,
        tpu.vector_store %arg10[%swap3A, %swap3A_46], %exp3A {strides = array<i32>} : memref<16x128xf32, #tpu.memory_space<vmem>>, vector<16xf32>,
        %get3A_48 = arith.index_cast %scan3A_23 : i32 to index
        %get3A_49 = arith.constant 16 : index
        %get3A_50 = tpu.vector_load %arg8[%get3A_48, %get3A_49] {strides = array<i32>} : memref<16x128xi32, #tpu.memory_space<vmem>>, vector<16xi32>,
        %get3A_51 = arith.index_cast %scan3A_23 : i32 to index
        %get3A_52 = arith.constant 16 : index
        %get3A_53 = tpu.vector_load %arg9[%get3A_51, %get3A_52] {strides = array<i32>} : memref<16x128xi32, #tpu.memory_space<vmem>>, vector<16xi32>,
        %gather3A_54 = tpu.vector_load_idx %arg11[%get3A_50] : memref<10112xf32, #tpu.memory_space<vmem>>[vector<16xi32>], vector<16xf32>,
        %gather3A_55 = tpu.vector_load_idx %arg12[%get3A_53] : memref<10112xf32, #tpu.memory_space<vmem>>[vector<16xi32>], vector<16xf32>,
        %add3A_56 = arith.addf %gather3A_54, %gather3A_55 : vector<16xf32>
        %ge3A_57 = arith.constant 0.000000e+00 : f32
        %ge3A_58 = vector.broadcast %ge3A_57 : f32 to vector<16xf32>
        %ge3A_59 = arith.cmpf oge, %add3A_56, %ge3A_58 : vector<16xf32>
        %mul3A_60 = arith.constant 2.000000e-01 : f32
        %mul3A_61 = vector.broadcast %mul3A_60 : f32 to vector<16xf32>
        %mul3A_62 = arith.mulf %mul3A_61, %add3A_56 : vector<16xf32>
        %select_n3A_63 = arith.select %ge3A_59, %add3A_56, %mul3A_62 : vector<16xi1>, vector<16xf32>
        %add3A_64 = arith.addf %gather3A_54, %get3A_1 : vector<16xf32>
        %ge3A_65 = arith.constant 0.000000e+00 : f32
        %ge3A_66 = vector.broadcast %ge3A_65 : f32 to vector<16xf32>
        %ge3A_67 = arith.cmpf oge, %add3A_64, %ge3A_66 : vector<16xf32>
        %mul3A_68 = arith.constant 2.000000e-01 : f32
        %mul3A_69 = vector.broadcast %mul3A_68 : f32 to vector<16xf32>
        %mul3A_70 = arith.mulf %mul3A_69, %add3A_64 : vector<16xf32>
        %select_n3A_71 = arith.select %ge3A_67, %add3A_64, %mul3A_70 : vector<16xi1>, vector<16xf32>
        %sub3A_72 = arith.subf %select_n3A_63, %select_n3A_71 : vector<16xf32>
        %exp3A_73 = math.exp %sub3A_72 : vector<16xf32>
        %swap3A_74 = arith.index_cast %scan3A_23 : i32 to index
        %swap3A_75 = arith.constant 16 : index
        %swap3A_76 = tpu.vector_load %arg10[%swap3A_74, %swap3A_75] {strides = array<i32>} : memref<16x128xf32, #tpu.memory_space<vmem>>, vector<16xf32>,
        tpu.vector_store %arg10[%swap3A_74, %swap3A_75], %exp3A_73 {strides = array<i32>} : memref<16x128xf32, #tpu.memory_space<vmem>>, vector<16xf32>,
        %get3A_77 = arith.index_cast %scan3A_23 : i32 to index
        %get3A_78 = arith.constant 32 : index
        %get3A_79 = tpu.vector_load %arg8[%get3A_77, %get3A_78] {strides = array<i32>} : memref<16x128xi32, #tpu.memory_space<vmem>>, vector<16xi32>,
        %get3A_80 = arith.index_cast %scan3A_23 : i32 to index
        %get3A_81 = arith.constant 32 : index
        %get3A_82 = tpu.vector_load %arg9[%get3A_80, %get3A_81] {strides = array<i32>} : memref<16x128xi32, #tpu.memory_space<vmem>>, vector<16xi32>,
        %gather3A_83 = tpu.vector_load_idx %arg11[%get3A_79] : memref<10112xf32, #tpu.memory_space<vmem>>[vector<16xi32>], vector<16xf32>,
        %gather3A_84 = tpu.vector_load_idx %arg12[%get3A_82] : memref<10112xf32, #tpu.memory_space<vmem>>[vector<16xi32>], vector<16xf32>,
        %add3A_85 = arith.addf %gather3A_83, %gather3A_84 : vector<16xf32>
        %ge3A_86 = arith.constant 0.000000e+00 : f32
        %ge3A_87 = vector.broadcast %ge3A_86 : f32 to vector<16xf32>
        %ge3A_88 = arith.cmpf oge, %add3A_85, %ge3A_87 : vector<16xf32>
        %mul3A_89 = arith.constant 2.000000e-01 : f32
        %mul3A_90 = vector.broadcast %mul3A_89 : f32 to vector<16xf32>
        %mul3A_91 = arith.mulf %mul3A_90, %add3A_85 : vector<16xf32>
        %select_n3A_92 = arith.select %ge3A_88, %add3A_85, %mul3A_91 : vector<16xi1>, vector<16xf32>
        %add3A_93 = arith.addf %gather3A_83, %get3A_1 : vector<16xf32>
        %ge3A_94 = arith.constant 0.000000e+00 : f32
        %ge3A_95 = vector.broadcast %ge3A_94 : f32 to vector<16xf32>
        %ge3A_96 = arith.cmpf oge, %add3A_93, %ge3A_95 : vector<16xf32>
        %mul3A_97 = arith.constant 2.000000e-01 : f32
        %mul3A_98 = vector.broadcast %mul3A_97 : f32 to vector<16xf32>
        %mul3A_99 = arith.mulf %mul3A_98, %add3A_93 : vector<16xf32>
        %select_n3A_100 = arith.select %ge3A_96, %add3A_93, %mul3A_99 : vector<16xi1>, vector<16xf32>
        %sub3A_101 = arith.subf %select_n3A_92, %select_n3A_100 : vector<16xf32>
        %exp3A_102 = math.exp %sub3A_101 : vector<16xf32>
        %swap3A_103 = arith.index_cast %scan3A_23 : i32 to index
        %swap3A_104 = arith.constant 32 : index
        %swap3A_105 = tpu.vector_load %arg10[%swap3A_103, %swap3A_104] {strides = array<i32>} : memref<16x128xf32, #tpu.memory_space<vmem>>, vector<16xf32>,
        tpu.vector_store %arg10[%swap3A_103, %swap3A_104], %exp3A_102 {strides = array<i32>} : memref<16x128xf32, #tpu.memory_space<vmem>>, vector<16xf32>,
        %get3A_106 = arith.index_cast %scan3A_23 : i32 to index
        %get3A_107 = arith.constant 48 : index
        %get3A_108 = tpu.vector_load %arg8[%get3A_106, %get3A_107] {strides = array<i32>} : memref<16x128xi32, #tpu.memory_space<vmem>>, vector<16xi32>,
        %get3A_109 = arith.index_cast %scan3A_23 : i32 to index
        %get3A_110 = arith.constant 48 : index
        %get3A_111 = tpu.vector_load %arg9[%get3A_109, %get3A_110] {strides = array<i32>} : memref<16x128xi32, #tpu.memory_space<vmem>>, vector<16xi32>,
        %gather3A_112 = tpu.vector_load_idx %arg11[%get3A_108] : memref<10112xf32, #tpu.memory_space<vmem>>[vector<16xi32>], vector<16xf32>,
        %gather3A_113 = tpu.vector_load_idx %arg12[%get3A_111] : memref<10112xf32, #tpu.memory_space<vmem>>[vector<16xi32>], vector<16xf32>,
        %add3A_114 = arith.addf %gather3A_112, %gather3A_113 : vector<16xf32>
        %ge3A_115 = arith.constant 0.000000e+00 : f32
        %ge3A_116 = vector.broadcast %ge3A_115 : f32 to vector<16xf32>
        %ge3A_117 = arith.cmpf oge, %add3A_114, %ge3A_116 : vector<16xf32>
        %mul3A_118 = arith.constant 2.000000e-01 : f32
        %mul3A_119 = vector.broadcast %mul3A_118 : f32 to vector<16xf32>
        %mul3A_120 = arith.mulf %mul3A_119, %add3A_114 : vector<16xf32>
        %select_n3A_121 = arith.select %ge3A_117, %add3A_114, %mul3A_120 : vector<16xi1>, vector<16xf32>
        %add3A_122 = arith.addf %gather3A_112, %get3A_1 : vector<16xf32>
        %ge3A_123 = arith.constant 0.000000e+00 : f32
        %ge3A_124 = vector.broadcast %ge3A_123 : f32 to vector<16xf32>
        %ge3A_125 = arith.cmpf oge, %add3A_122, %ge3A_124 : vector<16xf32>
        %mul3A_126 = arith.constant 2.000000e-01 : f32
        %mul3A_127 = vector.broadcast %mul3A_126 : f32 to vector<16xf32>
        %mul3A_128 = arith.mulf %mul3A_127, %add3A_122 : vector<16xf32>
        %select_n3A_129 = arith.select %ge3A_125, %add3A_122, %mul3A_128 : vector<16xi1>, vector<16xf32>
        %sub3A_130 = arith.subf %select_n3A_121, %select_n3A_129 : vector<16xf32>
        %exp3A_131 = math.exp %sub3A_130 : vector<16xf32>
        %swap3A_132 = arith.index_cast %scan3A_23 : i32 to index
        %swap3A_133 = arith.constant 48 : index
        %swap3A_134 = tpu.vector_load %arg10[%swap3A_132, %swap3A_133] {strides = array<i32>} : memref<16x128xf32, #tpu.memory_space<vmem>>, vector<16xf32>,
        tpu.vector_store %arg10[%swap3A_132, %swap3A_133], %exp3A_131 {strides = array<i32>} : memref<16x128xf32, #tpu.memory_space<vmem>>, vector<16xf32>,
        %get3A_135 = arith.index_cast %scan3A_23 : i32 to index
        %get3A_136 = arith.constant 64 : index
        %get3A_137 = tpu.vector_load %arg8[%get3A_135, %get3A_136] {strides = array<i32>} : memref<16x128xi32, #tpu.memory_space<vmem>>, vector<16xi32>,
        %get3A_138 = arith.index_cast %scan3A_23 : i32 to index
        %get3A_139 = arith.constant 64 : index
        %get3A_140 = tpu.vector_load %arg9[%get3A_138, %get3A_139] {strides = array<i32>} : memref<16x128xi32, #tpu.memory_space<vmem>>, vector<16xi32>,
        %gather3A_141 = tpu.vector_load_idx %arg11[%get3A_137] : memref<10112xf32, #tpu.memory_space<vmem>>[vector<16xi32>], vector<16xf32>,
        %gather3A_142 = tpu.vector_load_idx %arg12[%get3A_140] : memref<10112xf32, #tpu.memory_space<vmem>>[vector<16xi32>], vector<16xf32>,
        %add3A_143 = arith.addf %gather3A_141, %gather3A_142 : vector<16xf32>
        %ge3A_144 = arith.constant 0.000000e+00 : f32
        %ge3A_145 = vector.broadcast %ge3A_144 : f32 to vector<16xf32>
        %ge3A_146 = arith.cmpf oge, %add3A_143, %ge3A_145 : vector<16xf32>
        %mul3A_147 = arith.constant 2.000000e-01 : f32
        %mul3A_148 = vector.broadcast %mul3A_147 : f32 to vector<16xf32>
        %mul3A_149 = arith.mulf %mul3A_148, %add3A_143 : vector<16xf32>
        %select_n3A_150 = arith.select %ge3A_146, %add3A_143, %mul3A_149 : vector<16xi1>, vector<16xf32>
        %add3A_151 = arith.addf %gather3A_141, %get3A_1 : vector<16xf32>
        %ge3A_152 = arith.constant 0.000000e+00 : f32
        %ge3A_153 = vector.broadcast %ge3A_152 : f32 to vector<16xf32>
        %ge3A_154 = arith.cmpf oge, %add3A_151, %ge3A_153 : vector<16xf32>
        %mul3A_155 = arith.constant 2.000000e-01 : f32
        %mul3A_156 = vector.broadcast %mul3A_155 : f32 to vector<16xf32>
        %mul3A_157 = arith.mulf %mul3A_156, %add3A_151 : vector<16xf32>
        %select_n3A_158 = arith.select %ge3A_154, %add3A_151, %mul3A_157 : vector<16xi1>, vector<16xf32>
        %sub3A_159 = arith.subf %select_n3A_150, %select_n3A_158 : vector<16xf32>
        %exp3A_160 = math.exp %sub3A_159 : vector<16xf32>
        %swap3A_161 = arith.index_cast %scan3A_23 : i32 to index
        %swap3A_162 = arith.constant 64 : index
        %swap3A_163 = tpu.vector_load %arg10[%swap3A_161, %swap3A_162] {strides = array<i32>} : memref<16x128xf32, #tpu.memory_space<vmem>>, vector<16xf32>,
        tpu.vector_store %arg10[%swap3A_161, %swap3A_162], %exp3A_160 {strides = array<i32>} : memref<16x128xf32, #tpu.memory_space<vmem>>, vector<16xf32>,
        %get3A_164 = arith.index_cast %scan3A_23 : i32 to index
        %get3A_165 = arith.constant 80 : index
        %get3A_166 = tpu.vector_load %arg8[%get3A_164, %get3A_165] {strides = array<i32>} : memref<16x128xi32, #tpu.memory_space<vmem>>, vector<16xi32>,
        %get3A_167 = arith.index_cast %scan3A_23 : i32 to index
        %get3A_168 = arith.constant 80 : index
        %get3A_169 = tpu.vector_load %arg9[%get3A_167, %get3A_168] {strides = array<i32>} : memref<16x128xi32, #tpu.memory_space<vmem>>, vector<16xi32>,
        %gather3A_170 = tpu.vector_load_idx %arg11[%get3A_166] : memref<10112xf32, #tpu.memory_space<vmem>>[vector<16xi32>], vector<16xf32>,
        %gather3A_171 = tpu.vector_load_idx %arg12[%get3A_169] : memref<10112xf32, #tpu.memory_space<vmem>>[vector<16xi32>], vector<16xf32>,
        %add3A_172 = arith.addf %gather3A_170, %gather3A_171 : vector<16xf32>
        %ge3A_173 = arith.constant 0.000000e+00 : f32
        %ge3A_174 = vector.broadcast %ge3A_173 : f32 to vector<16xf32>
        %ge3A_175 = arith.cmpf oge, %add3A_172, %ge3A_174 : vector<16xf32>
        %mul3A_176 = arith.constant 2.000000e-01 : f32
        %mul3A_177 = vector.broadcast %mul3A_176 : f32 to vector<16xf32>
        %mul3A_178 = arith.mulf %mul3A_177, %add3A_172 : vector<16xf32>
        %select_n3A_179 = arith.select %ge3A_175, %add3A_172, %mul3A_178 : vector<16xi1>, vector<16xf32>
        %add3A_180 = arith.addf %gather3A_170, %get3A_1 : vector<16xf32>
        %ge3A_181 = arith.constant 0.000000e+00 : f32
        %ge3A_182 = vector.broadcast %ge3A_181 : f32 to vector<16xf32>
        %ge3A_183 = arith.cmpf oge, %add3A_180, %ge3A_182 : vector<16xf32>
        %mul3A_184 = arith.constant 2.000000e-01 : f32
        %mul3A_185 = vector.broadcast %mul3A_184 : f32 to vector<16xf32>
        %mul3A_186 = arith.mulf %mul3A_185, %add3A_180 : vector<16xf32>
        %select_n3A_187 = arith.select %ge3A_183, %add3A_180, %mul3A_186 : vector<16xi1>, vector<16xf32>
        %sub3A_188 = arith.subf %select_n3A_179, %select_n3A_187 : vector<16xf32>
        %exp3A_189 = math.exp %sub3A_188 : vector<16xf32>
        %swap3A_190 = arith.index_cast %scan3A_23 : i32 to index
        %swap3A_191 = arith.constant 80 : index
        %swap3A_192 = tpu.vector_load %arg10[%swap3A_190, %swap3A_191] {strides = array<i32>} : memref<16x128xf32, #tpu.memory_space<vmem>>, vector<16xf32>,
        tpu.vector_store %arg10[%swap3A_190, %swap3A_191], %exp3A_189 {strides = array<i32>} : memref<16x128xf32, #tpu.memory_space<vmem>>, vector<16xf32>,
        %get3A_193 = arith.index_cast %scan3A_23 : i32 to index
        %get3A_194 = arith.constant 96 : index
        %get3A_195 = tpu.vector_load %arg8[%get3A_193, %get3A_194] {strides = array<i32>} : memref<16x128xi32, #tpu.memory_space<vmem>>, vector<16xi32>,
        %get3A_196 = arith.index_cast %scan3A_23 : i32 to index
        %get3A_197 = arith.constant 96 : index
        %get3A_198 = tpu.vector_load %arg9[%get3A_196, %get3A_197] {strides = array<i32>} : memref<16x128xi32, #tpu.memory_space<vmem>>, vector<16xi32>,
        %gather3A_199 = tpu.vector_load_idx %arg11[%get3A_195] : memref<10112xf32, #tpu.memory_space<vmem>>[vector<16xi32>], vector<16xf32>,
        %gather3A_200 = tpu.vector_load_idx %arg12[%get3A_198] : memref<10112xf32, #tpu.memory_space<vmem>>[vector<16xi32>], vector<16xf32>,
        %add3A_201 = arith.addf %gather3A_199, %gather3A_200 : vector<16xf32>
        %ge3A_202 = arith.constant 0.000000e+00 : f32
        %ge3A_203 = vector.broadcast %ge3A_202 : f32 to vector<16xf32>
        %ge3A_204 = arith.cmpf oge, %add3A_201, %ge3A_203 : vector<16xf32>
        %mul3A_205 = arith.constant 2.000000e-01 : f32
        %mul3A_206 = vector.broadcast %mul3A_205 : f32 to vector<16xf32>
        %mul3A_207 = arith.mulf %mul3A_206, %add3A_201 : vector<16xf32>
        %select_n3A_208 = arith.select %ge3A_204, %add3A_201, %mul3A_207 : vector<16xi1>, vector<16xf32>
        %add3A_209 = arith.addf %gather3A_199, %get3A_1 : vector<16xf32>
        %ge3A_210 = arith.constant 0.000000e+00 : f32
        %ge3A_211 = vector.broadcast %ge3A_210 : f32 to vector<16xf32>
        %ge3A_212 = arith.cmpf oge, %add3A_209, %ge3A_211 : vector<16xf32>
        %mul3A_213 = arith.constant 2.000000e-01 : f32
        %mul3A_214 = vector.broadcast %mul3A_213 : f32 to vector<16xf32>
        %mul3A_215 = arith.mulf %mul3A_214, %add3A_209 : vector<16xf32>
        %select_n3A_216 = arith.select %ge3A_212, %add3A_209, %mul3A_215 : vector<16xi1>, vector<16xf32>
        %sub3A_217 = arith.subf %select_n3A_208, %select_n3A_216 : vector<16xf32>
        %exp3A_218 = math.exp %sub3A_217 : vector<16xf32>
        %swap3A_219 = arith.index_cast %scan3A_23 : i32 to index
        %swap3A_220 = arith.constant 96 : index
        %swap3A_221 = tpu.vector_load %arg10[%swap3A_219, %swap3A_220] {strides = array<i32>} : memref<16x128xf32, #tpu.memory_space<vmem>>, vector<16xf32>,
        tpu.vector_store %arg10[%swap3A_219, %swap3A_220], %exp3A_218 {strides = array<i32>} : memref<16x128xf32, #tpu.memory_space<vmem>>, vector<16xf32>,
        %get3A_222 = arith.index_cast %scan3A_23 : i32 to index
        %get3A_223 = arith.constant 112 : index
        %get3A_224 = tpu.vector_load %arg8[%get3A_222, %get3A_223] {strides = array<i32>} : memref<16x128xi32, #tpu.memory_space<vmem>>, vector<16xi32>,
        %get3A_225 = arith.index_cast %scan3A_23 : i32 to index
        %get3A_226 = arith.constant 112 : index
        %get3A_227 = tpu.vector_load %arg9[%get3A_225, %get3A_226] {strides = array<i32>} : memref<16x128xi32, #tpu.memory_space<vmem>>, vector<16xi32>,
        %gather3A_228 = tpu.vector_load_idx %arg11[%get3A_224] : memref<10112xf32, #tpu.memory_space<vmem>>[vector<16xi32>], vector<16xf32>,
        %gather3A_229 = tpu.vector_load_idx %arg12[%get3A_227] : memref<10112xf32, #tpu.memory_space<vmem>>[vector<16xi32>], vector<16xf32>,
        %add3A_230 = arith.addf %gather3A_228, %gather3A_229 : vector<16xf32>
        %ge3A_231 = arith.constant 0.000000e+00 : f32
        %ge3A_232 = vector.broadcast %ge3A_231 : f32 to vector<16xf32>
        %ge3A_233 = arith.cmpf oge, %add3A_230, %ge3A_232 : vector<16xf32>
        %mul3A_234 = arith.constant 2.000000e-01 : f32
        %mul3A_235 = vector.broadcast %mul3A_234 : f32 to vector<16xf32>
        %mul3A_236 = arith.mulf %mul3A_235, %add3A_230 : vector<16xf32>
        %select_n3A_237 = arith.select %ge3A_233, %add3A_230, %mul3A_236 : vector<16xi1>, vector<16xf32>
        %add3A_238 = arith.addf %gather3A_228, %get3A_1 : vector<16xf32>
        %ge3A_239 = arith.constant 0.000000e+00 : f32
        %ge3A_240 = vector.broadcast %ge3A_239 : f32 to vector<16xf32>
        %ge3A_241 = arith.cmpf oge, %add3A_238, %ge3A_240 : vector<16xf32>
        %mul3A_242 = arith.constant 2.000000e-01 : f32
        %mul3A_243 = vector.broadcast %mul3A_242 : f32 to vector<16xf32>
        %mul3A_244 = arith.mulf %mul3A_243, %add3A_238 : vector<16xf32>
        %select_n3A_245 = arith.select %ge3A_241, %add3A_238, %mul3A_244 : vector<16xi1>, vector<16xf32>
        %sub3A_246 = arith.subf %select_n3A_237, %select_n3A_245 : vector<16xf32>
        %exp3A_247 = math.exp %sub3A_246 : vector<16xf32>
        %swap3A_248 = arith.index_cast %scan3A_23 : i32 to index
        %swap3A_249 = arith.constant 112 : index
        %swap3A_250 = tpu.vector_load %arg10[%swap3A_248, %swap3A_249] {strides = array<i32>} : memref<16x128xf32, #tpu.memory_space<vmem>>, vector<16xf32>,
        tpu.vector_store %arg10[%swap3A_248, %swap3A_249], %exp3A_247 {strides = array<i32>} : memref<16x128xf32, #tpu.memory_space<vmem>>, vector<16xf32>,
        %scan3A_251 = arith.constant 0 : i32
        scf.yield %scan3A_251 : i32
      }
      %scan3A_21 = arith.constant 16 : i32
      "tpu.region"() ({
        %run_scoped3A = tpu.sem_alloc : memref<!tpu.dma_semaphore, #tpu.memory_space<semaphore_mem>>
        %dma_start3A = arith.constant 0 : i32
        %dma_start3A_23 = tpu.memref_slice %arg7[%add3A_14, %dma_start3A] : memref<2560x128xf32, #tpu.memory_space<hbm>> -> memref<16x128xf32, #tpu.memory_space<hbm>>
        %dma_start3A_24 = arith.constant 0 : i32
        %dma_start3A_25 = tpu.memref_slice %arg7[%add3A_14, %dma_start3A_24] : memref<2560x128xf32, #tpu.memory_space<hbm>> -> memref<16x128xf32, #tpu.memory_space<hbm>>
        tpu.enqueue_dma source(%arg10 : memref<16x128xf32, #tpu.memory_space<vmem>>) target(%dma_start3A_25 : memref<16x128xf32, #tpu.memory_space<hbm>>) target_semaphore(%run_scoped3A : memref<!tpu.dma_semaphore, #tpu.memory_space<semaphore_mem>>)
        %dma_wait3A = arith.constant 0 : i32
        %dma_wait3A_26 = tpu.memref_slice %arg7[%add3A_14, %dma_wait3A] : memref<2560x128xf32, #tpu.memory_space<hbm>> -> memref<16x128xf32, #tpu.memory_space<hbm>>
        %dma_wait3A_27 = arith.constant 0 : i32
        %dma_wait3A_28 = tpu.memref_slice %arg7[%add3A_14, %dma_wait3A_27] : memref<2560x128xf32, #tpu.memory_space<hbm>> -> memref<16x128xf32, #tpu.memory_space<hbm>>
        tpu.wait_dma2 semaphore(%run_scoped3A : memref<!tpu.dma_semaphore, #tpu.memory_space<semaphore_mem>>) src(%arg10 : memref<16x128xf32, #tpu.memory_space<vmem>>) dst(%dma_wait3A_28 : memref<16x128xf32, #tpu.memory_space<hbm>>)
        tpu.yield
      }) : () -> ()
      %scan3A_22 = arith.constant 0 : i32
      scf.yield %scan3A_22 : i32
    }
    %scan3A_7 = arith.constant 5 : i32
    return
  }
}

#map = affine_map<(d0, d1) -> (0)>
#map1 = affine_map<(d0, d1) -> (0, 0)>
module attributes {stable_mosaic.version = 14 : i64} {
  func.func @_edge_w_sc(%arg0: i32, %arg1: i32, %arg2: memref<10112xf32, #tpu.memory_space<hbm>>, %arg3: memref<10112xf32, #tpu.memory_space<hbm>>, %arg4: memref<16xf32, #tpu.memory_space<hbm>>, %arg5: memref<2560x128xi32, #tpu.memory_space<hbm>>, %arg6: memref<2560x128xi32, #tpu.memory_space<hbm>>, %arg7: memref<2560x128xf32, #tpu.memory_space<hbm>>, %arg8: memref<16x128xi32, #tpu.memory_space<vmem>>, %arg9: memref<16x128xi32, #tpu.memory_space<vmem>>, %arg10: memref<16x128xf32, #tpu.memory_space<vmem>>, %arg11: memref<10112xf32, #tpu.memory_space<vmem>>, %arg12: memref<10112xf32, #tpu.memory_space<vmem>>, %arg13: memref<16xf32, #tpu.memory_space<vmem>>) attributes {dimension_semantics = [#tpu.dimension_semantics<core_parallel>, #tpu.dimension_semantics<subcore_parallel>], iteration_bounds = array<i64: 2, 16>, scalar_prefetch = 0 : i64, scratch_operands = 6 : i64, tpu.core_type = #tpu.core_type<sc_vector_subcore>, window_params = [{transform_indices = #map}, {transform_indices = #map}, {transform_indices = #map}, {transform_indices = #map1}, {transform_indices = #map1}, {transform_indices = #map1}]} {
    %mul3A = arith.constant 16 : i32
    %mul3A_0 = arith.muli %arg0, %mul3A : i32
    %add3A = arith.addi %mul3A_0, %arg1 : i32
    "tpu.region"() ({
      %run_scoped3A = tpu.sem_alloc : memref<!tpu.dma_semaphore, #tpu.memory_space<semaphore_mem>>
      tpu.enqueue_dma source(%arg2 : memref<10112xf32, #tpu.memory_space<hbm>>) target(%arg11 : memref<10112xf32, #tpu.memory_space<vmem>>) target_semaphore(%run_scoped3A : memref<!tpu.dma_semaphore, #tpu.memory_space<semaphore_mem>>)
      tpu.wait_dma2 semaphore(%run_scoped3A : memref<!tpu.dma_semaphore, #tpu.memory_space<semaphore_mem>>) src(%arg2 : memref<10112xf32, #tpu.memory_space<hbm>>) dst(%arg11 : memref<10112xf32, #tpu.memory_space<vmem>>)
      tpu.yield
    }) : () -> ()
    "tpu.region"() ({
      %run_scoped3A = tpu.sem_alloc : memref<!tpu.dma_semaphore, #tpu.memory_space<semaphore_mem>>
      tpu.enqueue_dma source(%arg3 : memref<10112xf32, #tpu.memory_space<hbm>>) target(%arg12 : memref<10112xf32, #tpu.memory_space<vmem>>) target_semaphore(%run_scoped3A : memref<!tpu.dma_semaphore, #tpu.memory_space<semaphore_mem>>)
      tpu.wait_dma2 semaphore(%run_scoped3A : memref<!tpu.dma_semaphore, #tpu.memory_space<semaphore_mem>>) src(%arg3 : memref<10112xf32, #tpu.memory_space<hbm>>) dst(%arg12 : memref<10112xf32, #tpu.memory_space<vmem>>)
      tpu.yield
    }) : () -> ()
    "tpu.region"() ({
      %run_scoped3A = tpu.sem_alloc : memref<!tpu.dma_semaphore, #tpu.memory_space<semaphore_mem>>
      tpu.enqueue_dma source(%arg4 : memref<16xf32, #tpu.memory_space<hbm>>) target(%arg13 : memref<16xf32, #tpu.memory_space<vmem>>) target_semaphore(%run_scoped3A : memref<!tpu.dma_semaphore, #tpu.memory_space<semaphore_mem>>)
      tpu.wait_dma2 semaphore(%run_scoped3A : memref<!tpu.dma_semaphore, #tpu.memory_space<semaphore_mem>>) src(%arg4 : memref<16xf32, #tpu.memory_space<hbm>>) dst(%arg13 : memref<16xf32, #tpu.memory_space<vmem>>)
      tpu.yield
    }) : () -> ()
    %get3A = arith.constant 0 : index
    %get3A_1 = tpu.vector_load %arg13[%get3A] {strides = array<i32>} : memref<16xf32, #tpu.memory_space<vmem>>, vector<16xf32>,
    %scan3A = arith.constant 0 : i32
    %scan3A_2 = arith.constant 0 : i32
    %scan3A_3 = arith.constant 5 : i32
    %scan3A_4 = arith.addi %scan3A_2, %scan3A_3 : i32
    %scan3A_5 = arith.constant 1 : i32
    %scan3A_6 = scf.for %scan3A_8 = %scan3A_2 to %scan3A_4 step %scan3A_5 iter_args(%scan3A_9 = %scan3A) -> (i32)  : i32 {
      %mul3A_10 = arith.constant 80 : i32
      %mul3A_11 = arith.muli %add3A, %mul3A_10 : i32
      %mul3A_12 = arith.constant 16 : i32
      %mul3A_13 = arith.muli %scan3A_8, %mul3A_12 : i32
      %add3A_14 = arith.addi %mul3A_11, %mul3A_13 : i32
      "tpu.region"() ({
        %run_scoped3A = tpu.sem_alloc : memref<!tpu.dma_semaphore, #tpu.memory_space<semaphore_mem>>
        %dma_start3A = arith.constant 0 : i32
        %dma_start3A_23 = tpu.memref_slice %arg5[%add3A_14, %dma_start3A] : memref<2560x128xi32, #tpu.memory_space<hbm>> -> memref<16x128xi32, #tpu.memory_space<hbm>>
        %dma_start3A_24 = arith.constant 0 : i32
        %dma_start3A_25 = tpu.memref_slice %arg5[%add3A_14, %dma_start3A_24] : memref<2560x128xi32, #tpu.memory_space<hbm>> -> memref<16x128xi32, #tpu.memory_space<hbm>>
        tpu.enqueue_dma source(%dma_start3A_25 : memref<16x128xi32, #tpu.memory_space<hbm>>) target(%arg8 : memref<16x128xi32, #tpu.memory_space<vmem>>) target_semaphore(%run_scoped3A : memref<!tpu.dma_semaphore, #tpu.memory_space<semaphore_mem>>)
        %dma_wait3A = arith.constant 0 : i32
        %dma_wait3A_26 = tpu.memref_slice %arg5[%add3A_14, %dma_wait3A] : memref<2560x128xi32, #tpu.memory_space<hbm>> -> memref<16x128xi32, #tpu.memory_space<hbm>>
        %dma_wait3A_27 = arith.constant 0 : i32
        %dma_wait3A_28 = tpu.memref_slice %arg5[%add3A_14, %dma_wait3A_27] : memref<2560x128xi32, #tpu.memory_space<hbm>> -> memref<16x128xi32, #tpu.memory_space<hbm>>
        tpu.wait_dma2 semaphore(%run_scoped3A : memref<!tpu.dma_semaphore, #tpu.memory_space<semaphore_mem>>) src(%dma_wait3A_28 : memref<16x128xi32, #tpu.memory_space<hbm>>) dst(%arg8 : memref<16x128xi32, #tpu.memory_space<vmem>>)
        tpu.yield
      }) : () -> ()
      "tpu.region"() ({
        %run_scoped3A = tpu.sem_alloc : memref<!tpu.dma_semaphore, #tpu.memory_space<semaphore_mem>>
        %dma_start3A = arith.constant 0 : i32
        %dma_start3A_23 = tpu.memref_slice %arg6[%add3A_14, %dma_start3A] : memref<2560x128xi32, #tpu.memory_space<hbm>> -> memref<16x128xi32, #tpu.memory_space<hbm>>
        %dma_start3A_24 = arith.constant 0 : i32
        %dma_start3A_25 = tpu.memref_slice %arg6[%add3A_14, %dma_start3A_24] : memref<2560x128xi32, #tpu.memory_space<hbm>> -> memref<16x128xi32, #tpu.memory_space<hbm>>
        tpu.enqueue_dma source(%dma_start3A_25 : memref<16x128xi32, #tpu.memory_space<hbm>>) target(%arg9 : memref<16x128xi32, #tpu.memory_space<vmem>>) target_semaphore(%run_scoped3A : memref<!tpu.dma_semaphore, #tpu.memory_space<semaphore_mem>>)
        %dma_wait3A = arith.constant 0 : i32
        %dma_wait3A_26 = tpu.memref_slice %arg6[%add3A_14, %dma_wait3A] : memref<2560x128xi32, #tpu.memory_space<hbm>> -> memref<16x128xi32, #tpu.memory_space<hbm>>
        %dma_wait3A_27 = arith.constant 0 : i32
        %dma_wait3A_28 = tpu.memref_slice %arg6[%add3A_14, %dma_wait3A_27] : memref<2560x128xi32, #tpu.memory_space<hbm>> -> memref<16x128xi32, #tpu.memory_space<hbm>>
        tpu.wait_dma2 semaphore(%run_scoped3A : memref<!tpu.dma_semaphore, #tpu.memory_space<semaphore_mem>>) src(%dma_wait3A_28 : memref<16x128xi32, #tpu.memory_space<hbm>>) dst(%arg9 : memref<16x128xi32, #tpu.memory_space<vmem>>)
        tpu.yield
      }) : () -> ()
      %scan3A_15 = arith.constant 0 : i32
      %scan3A_16 = arith.constant 0 : i32
      %scan3A_17 = arith.constant 16 : i32
      %scan3A_18 = arith.addi %scan3A_16, %scan3A_17 : i32
      %scan3A_19 = arith.constant 1 : i32
      %scan3A_20 = scf.for %scan3A_23 = %scan3A_16 to %scan3A_18 step %scan3A_19 iter_args(%scan3A_24 = %scan3A_15) -> (i32)  : i32 {
        %get3A_25 = arith.index_cast %scan3A_23 : i32 to index
        %get3A_26 = arith.constant 0 : index
        %get3A_27 = tpu.vector_load %arg8[%get3A_25, %get3A_26] {strides = array<i32>} : memref<16x128xi32, #tpu.memory_space<vmem>>, vector<16xi32>,
        %get3A_28 = arith.index_cast %scan3A_23 : i32 to index
        %get3A_29 = arith.constant 0 : index
        %get3A_30 = tpu.vector_load %arg9[%get3A_28, %get3A_29] {strides = array<i32>} : memref<16x128xi32, #tpu.memory_space<vmem>>, vector<16xi32>,
        %gather3A = tpu.vector_load_idx %arg11[%get3A_27] : memref<10112xf32, #tpu.memory_space<vmem>>[vector<16xi32>], vector<16xf32>,
        %gather3A_31 = tpu.vector_load_idx %arg12[%get3A_30] : memref<10112xf32, #tpu.memory_space<vmem>>[vector<16xi32>], vector<16xf32>,
        %add3A_32 = arith.addf %gather3A, %gather3A_31 : vector<16xf32>
        %ge3A = arith.constant 0.000000e+00 : f32
        %ge3A_33 = vector.broadcast %ge3A : f32 to vector<16xf32>
        %ge3A_34 = arith.cmpf oge, %add3A_32, %ge3A_33 : vector<16xf32>
        %mul3A_35 = arith.constant 2.000000e-01 : f32
        %mul3A_36 = vector.broadcast %mul3A_35 : f32 to vector<16xf32>
        %mul3A_37 = arith.mulf %mul3A_36, %add3A_32 : vector<16xf32>
        %select_n3A = arith.select %ge3A_34, %add3A_32, %mul3A_37 : vector<16xi1>, vector<16xf32>
        %add3A_38 = arith.addf %gather3A, %get3A_1 : vector<16xf32>
        %ge3A_39 = arith.constant 0.000000e+00 : f32
        %ge3A_40 = vector.broadcast %ge3A_39 : f32 to vector<16xf32>
        %ge3A_41 = arith.cmpf oge, %add3A_38, %ge3A_40 : vector<16xf32>
        %mul3A_42 = arith.constant 2.000000e-01 : f32
        %mul3A_43 = vector.broadcast %mul3A_42 : f32 to vector<16xf32>
        %mul3A_44 = arith.mulf %mul3A_43, %add3A_38 : vector<16xf32>
        %select_n3A_45 = arith.select %ge3A_41, %add3A_38, %mul3A_44 : vector<16xi1>, vector<16xf32>
        %sub3A = arith.subf %select_n3A, %select_n3A_45 : vector<16xf32>
        %exp3A = math.exp %sub3A : vector<16xf32>
        %swap3A = arith.index_cast %scan3A_23 : i32 to index
        %swap3A_46 = arith.constant 0 : index
        %swap3A_47 = tpu.vector_load %arg10[%swap3A, %swap3A_46] {strides = array<i32>} : memref<16x128xf32, #tpu.memory_space<vmem>>, vector<16xf32>,
        tpu.vector_store %arg10[%swap3A, %swap3A_46], %exp3A {strides = array<i32>} : memref<16x128xf32, #tpu.memory_space<vmem>>, vector<16xf32>,
        %get3A_48 = arith.index_cast %scan3A_23 : i32 to index
        %get3A_49 = arith.constant 16 : index
        %get3A_50 = tpu.vector_load %arg8[%get3A_48, %get3A_49] {strides = array<i32>} : memref<16x128xi32, #tpu.memory_space<vmem>>, vector<16xi32>,
        %get3A_51 = arith.index_cast %scan3A_23 : i32 to index
        %get3A_52 = arith.constant 16 : index
        %get3A_53 = tpu.vector_load %arg9[%get3A_51, %get3A_52] {strides = array<i32>} : memref<16x128xi32, #tpu.memory_space<vmem>>, vector<16xi32>,
        %gather3A_54 = tpu.vector_load_idx %arg11[%get3A_50] : memref<10112xf32, #tpu.memory_space<vmem>>[vector<16xi32>], vector<16xf32>,
        %gather3A_55 = tpu.vector_load_idx %arg12[%get3A_53] : memref<10112xf32, #tpu.memory_space<vmem>>[vector<16xi32>], vector<16xf32>,
        %add3A_56 = arith.addf %gather3A_54, %gather3A_55 : vector<16xf32>
        %ge3A_57 = arith.constant 0.000000e+00 : f32
        %ge3A_58 = vector.broadcast %ge3A_57 : f32 to vector<16xf32>
        %ge3A_59 = arith.cmpf oge, %add3A_56, %ge3A_58 : vector<16xf32>
        %mul3A_60 = arith.constant 2.000000e-01 : f32
        %mul3A_61 = vector.broadcast %mul3A_60 : f32 to vector<16xf32>
        %mul3A_62 = arith.mulf %mul3A_61, %add3A_56 : vector<16xf32>
        %select_n3A_63 = arith.select %ge3A_59, %add3A_56, %mul3A_62 : vector<16xi1>, vector<16xf32>
        %add3A_64 = arith.addf %gather3A_54, %get3A_1 : vector<16xf32>
        %ge3A_65 = arith.constant 0.000000e+00 : f32
        %ge3A_66 = vector.broadcast %ge3A_65 : f32 to vector<16xf32>
        %ge3A_67 = arith.cmpf oge, %add3A_64, %ge3A_66 : vector<16xf32>
        %mul3A_68 = arith.constant 2.000000e-01 : f32
        %mul3A_69 = vector.broadcast %mul3A_68 : f32 to vector<16xf32>
        %mul3A_70 = arith.mulf %mul3A_69, %add3A_64 : vector<16xf32>
        %select_n3A_71 = arith.select %ge3A_67, %add3A_64, %mul3A_70 : vector<16xi1>, vector<16xf32>
        %sub3A_72 = arith.subf %select_n3A_63, %select_n3A_71 : vector<16xf32>
        %exp3A_73 = math.exp %sub3A_72 : vector<16xf32>
        %swap3A_74 = arith.index_cast %scan3A_23 : i32 to index
        %swap3A_75 = arith.constant 16 : index
        %swap3A_76 = tpu.vector_load %arg10[%swap3A_74, %swap3A_75] {strides = array<i32>} : memref<16x128xf32, #tpu.memory_space<vmem>>, vector<16xf32>,
        tpu.vector_store %arg10[%swap3A_74, %swap3A_75], %exp3A_73 {strides = array<i32>} : memref<16x128xf32, #tpu.memory_space<vmem>>, vector<16xf32>,
        %get3A_77 = arith.index_cast %scan3A_23 : i32 to index
        %get3A_78 = arith.constant 32 : index
        %get3A_79 = tpu.vector_load %arg8[%get3A_77, %get3A_78] {strides = array<i32>} : memref<16x128xi32, #tpu.memory_space<vmem>>, vector<16xi32>,
        %get3A_80 = arith.index_cast %scan3A_23 : i32 to index
        %get3A_81 = arith.constant 32 : index
        %get3A_82 = tpu.vector_load %arg9[%get3A_80, %get3A_81] {strides = array<i32>} : memref<16x128xi32, #tpu.memory_space<vmem>>, vector<16xi32>,
        %gather3A_83 = tpu.vector_load_idx %arg11[%get3A_79] : memref<10112xf32, #tpu.memory_space<vmem>>[vector<16xi32>], vector<16xf32>,
        %gather3A_84 = tpu.vector_load_idx %arg12[%get3A_82] : memref<10112xf32, #tpu.memory_space<vmem>>[vector<16xi32>], vector<16xf32>,
        %add3A_85 = arith.addf %gather3A_83, %gather3A_84 : vector<16xf32>
        %ge3A_86 = arith.constant 0.000000e+00 : f32
        %ge3A_87 = vector.broadcast %ge3A_86 : f32 to vector<16xf32>
        %ge3A_88 = arith.cmpf oge, %add3A_85, %ge3A_87 : vector<16xf32>
        %mul3A_89 = arith.constant 2.000000e-01 : f32
        %mul3A_90 = vector.broadcast %mul3A_89 : f32 to vector<16xf32>
        %mul3A_91 = arith.mulf %mul3A_90, %add3A_85 : vector<16xf32>
        %select_n3A_92 = arith.select %ge3A_88, %add3A_85, %mul3A_91 : vector<16xi1>, vector<16xf32>
        %add3A_93 = arith.addf %gather3A_83, %get3A_1 : vector<16xf32>
        %ge3A_94 = arith.constant 0.000000e+00 : f32
        %ge3A_95 = vector.broadcast %ge3A_94 : f32 to vector<16xf32>
        %ge3A_96 = arith.cmpf oge, %add3A_93, %ge3A_95 : vector<16xf32>
        %mul3A_97 = arith.constant 2.000000e-01 : f32
        %mul3A_98 = vector.broadcast %mul3A_97 : f32 to vector<16xf32>
        %mul3A_99 = arith.mulf %mul3A_98, %add3A_93 : vector<16xf32>
        %select_n3A_100 = arith.select %ge3A_96, %add3A_93, %mul3A_99 : vector<16xi1>, vector<16xf32>
        %sub3A_101 = arith.subf %select_n3A_92, %select_n3A_100 : vector<16xf32>
        %exp3A_102 = math.exp %sub3A_101 : vector<16xf32>
        %swap3A_103 = arith.index_cast %scan3A_23 : i32 to index
        %swap3A_104 = arith.constant 32 : index
        %swap3A_105 = tpu.vector_load %arg10[%swap3A_103, %swap3A_104] {strides = array<i32>} : memref<16x128xf32, #tpu.memory_space<vmem>>, vector<16xf32>,
        tpu.vector_store %arg10[%swap3A_103, %swap3A_104], %exp3A_102 {strides = array<i32>} : memref<16x128xf32, #tpu.memory_space<vmem>>, vector<16xf32>,
        %get3A_106 = arith.index_cast %scan3A_23 : i32 to index
        %get3A_107 = arith.constant 48 : index
        %get3A_108 = tpu.vector_load %arg8[%get3A_106, %get3A_107] {strides = array<i32>} : memref<16x128xi32, #tpu.memory_space<vmem>>, vector<16xi32>,
        %get3A_109 = arith.index_cast %scan3A_23 : i32 to index
        %get3A_110 = arith.constant 48 : index
        %get3A_111 = tpu.vector_load %arg9[%get3A_109, %get3A_110] {strides = array<i32>} : memref<16x128xi32, #tpu.memory_space<vmem>>, vector<16xi32>,
        %gather3A_112 = tpu.vector_load_idx %arg11[%get3A_108] : memref<10112xf32, #tpu.memory_space<vmem>>[vector<16xi32>], vector<16xf32>,
        %gather3A_113 = tpu.vector_load_idx %arg12[%get3A_111] : memref<10112xf32, #tpu.memory_space<vmem>>[vector<16xi32>], vector<16xf32>,
        %add3A_114 = arith.addf %gather3A_112, %gather3A_113 : vector<16xf32>
        %ge3A_115 = arith.constant 0.000000e+00 : f32
        %ge3A_116 = vector.broadcast %ge3A_115 : f32 to vector<16xf32>
        %ge3A_117 = arith.cmpf oge, %add3A_114, %ge3A_116 : vector<16xf32>
        %mul3A_118 = arith.constant 2.000000e-01 : f32
        %mul3A_119 = vector.broadcast %mul3A_118 : f32 to vector<16xf32>
        %mul3A_120 = arith.mulf %mul3A_119, %add3A_114 : vector<16xf32>
        %select_n3A_121 = arith.select %ge3A_117, %add3A_114, %mul3A_120 : vector<16xi1>, vector<16xf32>
        %add3A_122 = arith.addf %gather3A_112, %get3A_1 : vector<16xf32>
        %ge3A_123 = arith.constant 0.000000e+00 : f32
        %ge3A_124 = vector.broadcast %ge3A_123 : f32 to vector<16xf32>
        %ge3A_125 = arith.cmpf oge, %add3A_122, %ge3A_124 : vector<16xf32>
        %mul3A_126 = arith.constant 2.000000e-01 : f32
        %mul3A_127 = vector.broadcast %mul3A_126 : f32 to vector<16xf32>
        %mul3A_128 = arith.mulf %mul3A_127, %add3A_122 : vector<16xf32>
        %select_n3A_129 = arith.select %ge3A_125, %add3A_122, %mul3A_128 : vector<16xi1>, vector<16xf32>
        %sub3A_130 = arith.subf %select_n3A_121, %select_n3A_129 : vector<16xf32>
        %exp3A_131 = math.exp %sub3A_130 : vector<16xf32>
        %swap3A_132 = arith.index_cast %scan3A_23 : i32 to index
        %swap3A_133 = arith.constant 48 : index
        %swap3A_134 = tpu.vector_load %arg10[%swap3A_132, %swap3A_133] {strides = array<i32>} : memref<16x128xf32, #tpu.memory_space<vmem>>, vector<16xf32>,
        tpu.vector_store %arg10[%swap3A_132, %swap3A_133], %exp3A_131 {strides = array<i32>} : memref<16x128xf32, #tpu.memory_space<vmem>>, vector<16xf32>,
        %get3A_135 = arith.index_cast %scan3A_23 : i32 to index
        %get3A_136 = arith.constant 64 : index
        %get3A_137 = tpu.vector_load %arg8[%get3A_135, %get3A_136] {strides = array<i32>} : memref<16x128xi32, #tpu.memory_space<vmem>>, vector<16xi32>,
        %get3A_138 = arith.index_cast %scan3A_23 : i32 to index
        %get3A_139 = arith.constant 64 : index
        %get3A_140 = tpu.vector_load %arg9[%get3A_138, %get3A_139] {strides = array<i32>} : memref<16x128xi32, #tpu.memory_space<vmem>>, vector<16xi32>,
        %gather3A_141 = tpu.vector_load_idx %arg11[%get3A_137] : memref<10112xf32, #tpu.memory_space<vmem>>[vector<16xi32>], vector<16xf32>,
        %gather3A_142 = tpu.vector_load_idx %arg12[%get3A_140] : memref<10112xf32, #tpu.memory_space<vmem>>[vector<16xi32>], vector<16xf32>,
        %add3A_143 = arith.addf %gather3A_141, %gather3A_142 : vector<16xf32>
        %ge3A_144 = arith.constant 0.000000e+00 : f32
        %ge3A_145 = vector.broadcast %ge3A_144 : f32 to vector<16xf32>
        %ge3A_146 = arith.cmpf oge, %add3A_143, %ge3A_145 : vector<16xf32>
        %mul3A_147 = arith.constant 2.000000e-01 : f32
        %mul3A_148 = vector.broadcast %mul3A_147 : f32 to vector<16xf32>
        %mul3A_149 = arith.mulf %mul3A_148, %add3A_143 : vector<16xf32>
        %select_n3A_150 = arith.select %ge3A_146, %add3A_143, %mul3A_149 : vector<16xi1>, vector<16xf32>
        %add3A_151 = arith.addf %gather3A_141, %get3A_1 : vector<16xf32>
        %ge3A_152 = arith.constant 0.000000e+00 : f32
        %ge3A_153 = vector.broadcast %ge3A_152 : f32 to vector<16xf32>
        %ge3A_154 = arith.cmpf oge, %add3A_151, %ge3A_153 : vector<16xf32>
        %mul3A_155 = arith.constant 2.000000e-01 : f32
        %mul3A_156 = vector.broadcast %mul3A_155 : f32 to vector<16xf32>
        %mul3A_157 = arith.mulf %mul3A_156, %add3A_151 : vector<16xf32>
        %select_n3A_158 = arith.select %ge3A_154, %add3A_151, %mul3A_157 : vector<16xi1>, vector<16xf32>
        %sub3A_159 = arith.subf %select_n3A_150, %select_n3A_158 : vector<16xf32>
        %exp3A_160 = math.exp %sub3A_159 : vector<16xf32>
        %swap3A_161 = arith.index_cast %scan3A_23 : i32 to index
        %swap3A_162 = arith.constant 64 : index
        %swap3A_163 = tpu.vector_load %arg10[%swap3A_161, %swap3A_162] {strides = array<i32>} : memref<16x128xf32, #tpu.memory_space<vmem>>, vector<16xf32>,
        tpu.vector_store %arg10[%swap3A_161, %swap3A_162], %exp3A_160 {strides = array<i32>} : memref<16x128xf32, #tpu.memory_space<vmem>>, vector<16xf32>,
        %get3A_164 = arith.index_cast %scan3A_23 : i32 to index
        %get3A_165 = arith.constant 80 : index
        %get3A_166 = tpu.vector_load %arg8[%get3A_164, %get3A_165] {strides = array<i32>} : memref<16x128xi32, #tpu.memory_space<vmem>>, vector<16xi32>,
        %get3A_167 = arith.index_cast %scan3A_23 : i32 to index
        %get3A_168 = arith.constant 80 : index
        %get3A_169 = tpu.vector_load %arg9[%get3A_167, %get3A_168] {strides = array<i32>} : memref<16x128xi32, #tpu.memory_space<vmem>>, vector<16xi32>,
        %gather3A_170 = tpu.vector_load_idx %arg11[%get3A_166] : memref<10112xf32, #tpu.memory_space<vmem>>[vector<16xi32>], vector<16xf32>,
        %gather3A_171 = tpu.vector_load_idx %arg12[%get3A_169] : memref<10112xf32, #tpu.memory_space<vmem>>[vector<16xi32>], vector<16xf32>,
        %add3A_172 = arith.addf %gather3A_170, %gather3A_171 : vector<16xf32>
        %ge3A_173 = arith.constant 0.000000e+00 : f32
        %ge3A_174 = vector.broadcast %ge3A_173 : f32 to vector<16xf32>
        %ge3A_175 = arith.cmpf oge, %add3A_172, %ge3A_174 : vector<16xf32>
        %mul3A_176 = arith.constant 2.000000e-01 : f32
        %mul3A_177 = vector.broadcast %mul3A_176 : f32 to vector<16xf32>
        %mul3A_178 = arith.mulf %mul3A_177, %add3A_172 : vector<16xf32>
        %select_n3A_179 = arith.select %ge3A_175, %add3A_172, %mul3A_178 : vector<16xi1>, vector<16xf32>
        %add3A_180 = arith.addf %gather3A_170, %get3A_1 : vector<16xf32>
        %ge3A_181 = arith.constant 0.000000e+00 : f32
        %ge3A_182 = vector.broadcast %ge3A_181 : f32 to vector<16xf32>
        %ge3A_183 = arith.cmpf oge, %add3A_180, %ge3A_182 : vector<16xf32>
        %mul3A_184 = arith.constant 2.000000e-01 : f32
        %mul3A_185 = vector.broadcast %mul3A_184 : f32 to vector<16xf32>
        %mul3A_186 = arith.mulf %mul3A_185, %add3A_180 : vector<16xf32>
        %select_n3A_187 = arith.select %ge3A_183, %add3A_180, %mul3A_186 : vector<16xi1>, vector<16xf32>
        %sub3A_188 = arith.subf %select_n3A_179, %select_n3A_187 : vector<16xf32>
        %exp3A_189 = math.exp %sub3A_188 : vector<16xf32>
        %swap3A_190 = arith.index_cast %scan3A_23 : i32 to index
        %swap3A_191 = arith.constant 80 : index
        %swap3A_192 = tpu.vector_load %arg10[%swap3A_190, %swap3A_191] {strides = array<i32>} : memref<16x128xf32, #tpu.memory_space<vmem>>, vector<16xf32>,
        tpu.vector_store %arg10[%swap3A_190, %swap3A_191], %exp3A_189 {strides = array<i32>} : memref<16x128xf32, #tpu.memory_space<vmem>>, vector<16xf32>,
        %get3A_193 = arith.index_cast %scan3A_23 : i32 to index
        %get3A_194 = arith.constant 96 : index
        %get3A_195 = tpu.vector_load %arg8[%get3A_193, %get3A_194] {strides = array<i32>} : memref<16x128xi32, #tpu.memory_space<vmem>>, vector<16xi32>,
        %get3A_196 = arith.index_cast %scan3A_23 : i32 to index
        %get3A_197 = arith.constant 96 : index
        %get3A_198 = tpu.vector_load %arg9[%get3A_196, %get3A_197] {strides = array<i32>} : memref<16x128xi32, #tpu.memory_space<vmem>>, vector<16xi32>,
        %gather3A_199 = tpu.vector_load_idx %arg11[%get3A_195] : memref<10112xf32, #tpu.memory_space<vmem>>[vector<16xi32>], vector<16xf32>,
        %gather3A_200 = tpu.vector_load_idx %arg12[%get3A_198] : memref<10112xf32, #tpu.memory_space<vmem>>[vector<16xi32>], vector<16xf32>,
        %add3A_201 = arith.addf %gather3A_199, %gather3A_200 : vector<16xf32>
        %ge3A_202 = arith.constant 0.000000e+00 : f32
        %ge3A_203 = vector.broadcast %ge3A_202 : f32 to vector<16xf32>
        %ge3A_204 = arith.cmpf oge, %add3A_201, %ge3A_203 : vector<16xf32>
        %mul3A_205 = arith.constant 2.000000e-01 : f32
        %mul3A_206 = vector.broadcast %mul3A_205 : f32 to vector<16xf32>
        %mul3A_207 = arith.mulf %mul3A_206, %add3A_201 : vector<16xf32>
        %select_n3A_208 = arith.select %ge3A_204, %add3A_201, %mul3A_207 : vector<16xi1>, vector<16xf32>
        %add3A_209 = arith.addf %gather3A_199, %get3A_1 : vector<16xf32>
        %ge3A_210 = arith.constant 0.000000e+00 : f32
        %ge3A_211 = vector.broadcast %ge3A_210 : f32 to vector<16xf32>
        %ge3A_212 = arith.cmpf oge, %add3A_209, %ge3A_211 : vector<16xf32>
        %mul3A_213 = arith.constant 2.000000e-01 : f32
        %mul3A_214 = vector.broadcast %mul3A_213 : f32 to vector<16xf32>
        %mul3A_215 = arith.mulf %mul3A_214, %add3A_209 : vector<16xf32>
        %select_n3A_216 = arith.select %ge3A_212, %add3A_209, %mul3A_215 : vector<16xi1>, vector<16xf32>
        %sub3A_217 = arith.subf %select_n3A_208, %select_n3A_216 : vector<16xf32>
        %exp3A_218 = math.exp %sub3A_217 : vector<16xf32>
        %swap3A_219 = arith.index_cast %scan3A_23 : i32 to index
        %swap3A_220 = arith.constant 96 : index
        %swap3A_221 = tpu.vector_load %arg10[%swap3A_219, %swap3A_220] {strides = array<i32>} : memref<16x128xf32, #tpu.memory_space<vmem>>, vector<16xf32>,
        tpu.vector_store %arg10[%swap3A_219, %swap3A_220], %exp3A_218 {strides = array<i32>} : memref<16x128xf32, #tpu.memory_space<vmem>>, vector<16xf32>,
        %get3A_222 = arith.index_cast %scan3A_23 : i32 to index
        %get3A_223 = arith.constant 112 : index
        %get3A_224 = tpu.vector_load %arg8[%get3A_222, %get3A_223] {strides = array<i32>} : memref<16x128xi32, #tpu.memory_space<vmem>>, vector<16xi32>,
        %get3A_225 = arith.index_cast %scan3A_23 : i32 to index
        %get3A_226 = arith.constant 112 : index
        %get3A_227 = tpu.vector_load %arg9[%get3A_225, %get3A_226] {strides = array<i32>} : memref<16x128xi32, #tpu.memory_space<vmem>>, vector<16xi32>,
        %gather3A_228 = tpu.vector_load_idx %arg11[%get3A_224] : memref<10112xf32, #tpu.memory_space<vmem>>[vector<16xi32>], vector<16xf32>,
        %gather3A_229 = tpu.vector_load_idx %arg12[%get3A_227] : memref<10112xf32, #tpu.memory_space<vmem>>[vector<16xi32>], vector<16xf32>,
        %add3A_230 = arith.addf %gather3A_228, %gather3A_229 : vector<16xf32>
        %ge3A_231 = arith.constant 0.000000e+00 : f32
        %ge3A_232 = vector.broadcast %ge3A_231 : f32 to vector<16xf32>
        %ge3A_233 = arith.cmpf oge, %add3A_230, %ge3A_232 : vector<16xf32>
        %mul3A_234 = arith.constant 2.000000e-01 : f32
        %mul3A_235 = vector.broadcast %mul3A_234 : f32 to vector<16xf32>
        %mul3A_236 = arith.mulf %mul3A_235, %add3A_230 : vector<16xf32>
        %select_n3A_237 = arith.select %ge3A_233, %add3A_230, %mul3A_236 : vector<16xi1>, vector<16xf32>
        %add3A_238 = arith.addf %gather3A_228, %get3A_1 : vector<16xf32>
        %ge3A_239 = arith.constant 0.000000e+00 : f32
        %ge3A_240 = vector.broadcast %ge3A_239 : f32 to vector<16xf32>
        %ge3A_241 = arith.cmpf oge, %add3A_238, %ge3A_240 : vector<16xf32>
        %mul3A_242 = arith.constant 2.000000e-01 : f32
        %mul3A_243 = vector.broadcast %mul3A_242 : f32 to vector<16xf32>
        %mul3A_244 = arith.mulf %mul3A_243, %add3A_238 : vector<16xf32>
        %select_n3A_245 = arith.select %ge3A_241, %add3A_238, %mul3A_244 : vector<16xi1>, vector<16xf32>
        %sub3A_246 = arith.subf %select_n3A_237, %select_n3A_245 : vector<16xf32>
        %exp3A_247 = math.exp %sub3A_246 : vector<16xf32>
        %swap3A_248 = arith.index_cast %scan3A_23 : i32 to index
        %swap3A_249 = arith.constant 112 : index
        %swap3A_250 = tpu.vector_load %arg10[%swap3A_248, %swap3A_249] {strides = array<i32>} : memref<16x128xf32, #tpu.memory_space<vmem>>, vector<16xf32>,
        tpu.vector_store %arg10[%swap3A_248, %swap3A_249], %exp3A_247 {strides = array<i32>} : memref<16x128xf32, #tpu.memory_space<vmem>>, vector<16xf32>,
        %scan3A_251 = arith.constant 0 : i32
        scf.yield %scan3A_251 : i32
      }
      %scan3A_21 = arith.constant 16 : i32
      "tpu.region"() ({
        %run_scoped3A = tpu.sem_alloc : memref<!tpu.dma_semaphore, #tpu.memory_space<semaphore_mem>>
        %dma_start3A = arith.constant 0 : i32
        %dma_start3A_23 = tpu.memref_slice %arg7[%add3A_14, %dma_start3A] : memref<2560x128xf32, #tpu.memory_space<hbm>> -> memref<16x128xf32, #tpu.memory_space<hbm>>
        %dma_start3A_24 = arith.constant 0 : i32
        %dma_start3A_25 = tpu.memref_slice %arg7[%add3A_14, %dma_start3A_24] : memref<2560x128xf32, #tpu.memory_space<hbm>> -> memref<16x128xf32, #tpu.memory_space<hbm>>
        tpu.enqueue_dma source(%arg10 : memref<16x128xf32, #tpu.memory_space<vmem>>) target(%dma_start3A_25 : memref<16x128xf32, #tpu.memory_space<hbm>>) target_semaphore(%run_scoped3A : memref<!tpu.dma_semaphore, #tpu.memory_space<semaphore_mem>>)
        %dma_wait3A = arith.constant 0 : i32
        %dma_wait3A_26 = tpu.memref_slice %arg7[%add3A_14, %dma_wait3A] : memref<2560x128xf32, #tpu.memory_space<hbm>> -> memref<16x128xf32, #tpu.memory_space<hbm>>
        %dma_wait3A_27 = arith.constant 0 : i32
        %dma_wait3A_28 = tpu.memref_slice %arg7[%add3A_14, %dma_wait3A_27] : memref<2560x128xf32, #tpu.memory_space<hbm>> -> memref<16x128xf32, #tpu.memory_space<hbm>>
        tpu.wait_dma2 semaphore(%run_scoped3A : memref<!tpu.dma_semaphore, #tpu.memory_space<semaphore_mem>>) src(%arg10 : memref<16x128xf32, #tpu.memory_space<vmem>>) dst(%dma_wait3A_28 : memref<16x128xf32, #tpu.memory_space<hbm>>)
        tpu.yield
      }) : () -> ()
      %scan3A_22 = arith.constant 0 : i32
      scf.yield %scan3A_22 : i32
    }
    %scan3A_7 = arith.constant 5 : i32
    return
  }
}

module attributes {stable_mosaic.version = 14 : i64} {
  func.func @_tc1_body(%arg0: i32, %arg1: memref<1000x128xf32, #tpu.memory_space<vmem>>, %arg2: memref<128x128xf32, #tpu.memory_space<vmem>>, %arg3: memref<128x1xf32, #tpu.memory_space<vmem>>, %arg4: memref<128x1xf32, #tpu.memory_space<vmem>>, %arg5: memref<1000x128xf32, #tpu.memory_space<vmem>>, %arg6: memref<1000x1xf32, #tpu.memory_space<vmem>>, %arg7: memref<1000x1xf32, #tpu.memory_space<vmem>>, %arg8: memref<1x128xf32, #tpu.memory_space<vmem>>) attributes {dimension_semantics = [#tpu.dimension_semantics<arbitrary>], iteration_bounds = array<i64: 10>, scalar_prefetch = 0 : i64, scratch_operands = 0 : i64, tpu.core_type = #tpu.core_type<tc>, window_params = [{transform_indices = @transform_0, window_bounds = array<i64: 1000, 128>}, {pipeline_mode = #tpu.pipeline_mode<synchronous>, transform_indices = @transform_1, window_bounds = array<i64: 128, 128>}, {pipeline_mode = #tpu.pipeline_mode<synchronous>, transform_indices = @transform_2, window_bounds = array<i64: 128, 1>}, {pipeline_mode = #tpu.pipeline_mode<synchronous>, transform_indices = @transform_3, window_bounds = array<i64: 128, 1>}, {transform_indices = @transform_4, window_bounds = array<i64: 1000, 128>}, {transform_indices = @transform_5, window_bounds = array<i64: 1000, 1>}, {transform_indices = @transform_6, window_bounds = array<i64: 1000, 1>}, {pipeline_mode = #tpu.pipeline_mode<synchronous>, transform_indices = @transform_7, window_bounds = array<i64: 1, 128>}]} {
    %get3A = arith.constant 0 : index
    %get3A_0 = arith.constant 0 : index
    %get3A_1 = vector.load %arg1[%get3A, %get3A_0] : memref<1000x128xf32, #tpu.memory_space<vmem>>, vector<1000x128xf32>
    %get3A_2 = arith.constant 0 : index
    %get3A_3 = arith.constant 0 : index
    %get3A_4 = vector.load %arg2[%get3A_2, %get3A_3] : memref<128x128xf32, #tpu.memory_space<vmem>>, vector<128x128xf32>
    %dot_general3A = arith.constant dense<0.000000e+00> : vector<1000x128xf32>
    %dot_general3A_5 = tpu.matmul %get3A_1, %get3A_4, %dot_general3A {dimension_numbers = #tpu.dot_dimension_numbers<[1], [0], [0], [1], [0, 0, 1, 1], [], []>, transpose_lhs_hint = false} : vector<1000x128xf32>, vector<128x128xf32>, vector<1000x128xf32> -> vector<1000x128xf32>
    %swap3A = arith.constant 0 : index
    %swap3A_6 = arith.constant 0 : index
    %swap3A_7 = vector.load %arg5[%swap3A, %swap3A_6] : memref<1000x128xf32, #tpu.memory_space<vmem>>, vector<1000x128xf32>
    tpu.vector_store %arg5[%swap3A, %swap3A_6], %dot_general3A_5 {strides = array<i32>} : memref<1000x128xf32, #tpu.memory_space<vmem>>, vector<1000x128xf32>,
    %get3A_8 = arith.constant 0 : index
    %get3A_9 = arith.constant 0 : index
    %get3A_10 = vector.load %arg3[%get3A_8, %get3A_9] : memref<128x1xf32, #tpu.memory_space<vmem>>, vector<128x1xf32>
    %dot_general3A_11 = arith.constant dense<0.000000e+00> : vector<1000x1xf32>
    %dot_general3A_12 = tpu.matmul %dot_general3A_5, %get3A_10, %dot_general3A_11 {dimension_numbers = #tpu.dot_dimension_numbers<[1], [0], [0], [1], [0, 0, 1, 1], [], []>, transpose_lhs_hint = false} : vector<1000x128xf32>, vector<128x1xf32>, vector<1000x1xf32> -> vector<1000x1xf32>
    %swap3A_13 = arith.constant 0 : index
    %swap3A_14 = arith.constant 0 : index
    %swap3A_15 = vector.load %arg6[%swap3A_13, %swap3A_14] : memref<1000x1xf32, #tpu.memory_space<vmem>>, vector<1000x1xf32>
    tpu.vector_store %arg6[%swap3A_13, %swap3A_14], %dot_general3A_12 {strides = array<i32>} : memref<1000x1xf32, #tpu.memory_space<vmem>>, vector<1000x1xf32>,
    %get3A_16 = arith.constant 0 : index
    %get3A_17 = arith.constant 0 : index
    %get3A_18 = vector.load %arg4[%get3A_16, %get3A_17] : memref<128x1xf32, #tpu.memory_space<vmem>>, vector<128x1xf32>
    %dot_general3A_19 = arith.constant dense<0.000000e+00> : vector<1000x1xf32>
    %dot_general3A_20 = tpu.matmul %dot_general3A_5, %get3A_18, %dot_general3A_19 {dimension_numbers = #tpu.dot_dimension_numbers<[1], [0], [0], [1], [0, 0, 1, 1], [], []>, transpose_lhs_hint = false} : vector<1000x128xf32>, vector<128x1xf32>, vector<1000x1xf32> -> vector<1000x1xf32>
    %swap3A_21 = arith.constant 0 : index
    %swap3A_22 = arith.constant 0 : index
    %swap3A_23 = vector.load %arg7[%swap3A_21, %swap3A_22] : memref<1000x1xf32, #tpu.memory_space<vmem>>, vector<1000x1xf32>
    tpu.vector_store %arg7[%swap3A_21, %swap3A_22], %dot_general3A_20 {strides = array<i32>} : memref<1000x1xf32, #tpu.memory_space<vmem>>, vector<1000x1xf32>,
    %eq3A = arith.constant 0 : i32
    %eq3A_24 = arith.cmpi eq, %arg0, %eq3A : i32
    %convert_element_type3A = arith.extui %eq3A_24 : i1 to i32
    %cond3A = arith.constant 0 : i32
    %cond3A_25 = arith.cmpi ne, %convert_element_type3A, %cond3A : i32
    scf.if %cond3A_25 {
      %broadcast_in_dim3A = arith.constant 0xFF800000 : f32
      %broadcast_in_dim3A_37 = vector.broadcast %broadcast_in_dim3A : f32 to vector<1x128xf32>
      %swap3A_38 = arith.constant 0 : index
      %swap3A_39 = arith.constant 0 : index
      %swap3A_40 = vector.load %arg8[%swap3A_38, %swap3A_39] : memref<1x128xf32, #tpu.memory_space<vmem>>, vector<1x128xf32>
      tpu.vector_store %arg8[%swap3A_38, %swap3A_39], %broadcast_in_dim3A_37 {strides = array<i32>} : memref<1x128xf32, #tpu.memory_space<vmem>>, vector<1x128xf32>,
    } else {
    }
    %get3A_26 = arith.constant 0 : index
    %get3A_27 = arith.constant 0 : index
    %get3A_28 = vector.load %arg8[%get3A_26, %get3A_27] : memref<1x128xf32, #tpu.memory_space<vmem>>, vector<1x128xf32>
    %reduce_max3A = vector.shape_cast %dot_general3A_20 : vector<1000x1xf32> to vector<1x1000x1xf32>
    %reduce_max3A_29 = arith.constant dense<0xFF800000> : vector<1xf32>
    %reduce_max3A_30 = vector.multi_reduction <maximumf>, %reduce_max3A, %reduce_max3A_29 [1, 2] : vector<1x1000x1xf32> to vector<1xf32>
    %reduce_max3A_31 = vector.shape_cast %reduce_max3A_30 : vector<1xf32> to vector<1x1x1xf32>
    %reduce_max3A_32 = vector.extract %reduce_max3A_31[0, 0, 0] : f32 from vector<1x1x1xf32>
    %max3A = vector.broadcast %reduce_max3A_32 : f32 to vector<1x128xf32>
    %max3A_33 = arith.maximumf %get3A_28, %max3A : vector<1x128xf32>
    %swap3A_34 = arith.constant 0 : index
    %swap3A_35 = arith.constant 0 : index
    %swap3A_36 = vector.load %arg8[%swap3A_34, %swap3A_35] : memref<1x128xf32, #tpu.memory_space<vmem>>, vector<1x128xf32>
    tpu.vector_store %arg8[%swap3A_34, %swap3A_35], %max3A_33 {strides = array<i32>} : memref<1x128xf32, #tpu.memory_space<vmem>>, vector<1x128xf32>,
    return
  }
  func.func @transform_0(%arg0: i32) -> (i32, i32) {
    %c0_i32 = arith.constant 0 : i32
    %c0_i32_0 = arith.constant 0 : i32
    return %arg0, %c0_i32 : i32, i32
  }
  func.func @transform_1(%arg0: i32) -> (i32, i32) {
    %c0_i32 = arith.constant 0 : i32
    %c0_i32_0 = arith.constant 0 : i32
    %c0_i32_1 = arith.constant 0 : i32
    return %c0_i32, %c0_i32_0 : i32, i32
  }
  func.func @transform_2(%arg0: i32) -> (i32, i32) {
    %c0_i32 = arith.constant 0 : i32
    %c0_i32_0 = arith.constant 0 : i32
    %c0_i32_1 = arith.constant 0 : i32
    return %c0_i32, %c0_i32_0 : i32, i32
  }
  func.func @transform_3(%arg0: i32) -> (i32, i32) {
    %c0_i32 = arith.constant 0 : i32
    %c0_i32_0 = arith.constant 0 : i32
    %c0_i32_1 = arith.constant 0 : i32
    return %c0_i32, %c0_i32_0 : i32, i32
  }
  func.func @transform_4(%arg0: i32) -> (i32, i32) {
    %c0_i32 = arith.constant 0 : i32
    %c0_i32_0 = arith.constant 0 : i32
    return %arg0, %c0_i32 : i32, i32
  }
  func.func @transform_5(%arg0: i32) -> (i32, i32) {
    %c0_i32 = arith.constant 0 : i32
    %c0_i32_0 = arith.constant 0 : i32
    return %arg0, %c0_i32 : i32, i32
  }
  func.func @transform_6(%arg0: i32) -> (i32, i32) {
    %c0_i32 = arith.constant 0 : i32
    %c0_i32_0 = arith.constant 0 : i32
    return %arg0, %c0_i32 : i32, i32
  }
  func.func @transform_7(%arg0: i32) -> (i32, i32) {
    %c0_i32 = arith.constant 0 : i32
    %c0_i32_0 = arith.constant 0 : i32
    %c0_i32_1 = arith.constant 0 : i32
    return %c0_i32, %c0_i32_0 : i32, i32
  }
}

module attributes {stable_mosaic.version = 14 : i64} {
  func.func @_tc2_body(%arg0: i32, %arg1: memref<2x1000x144xf32, #tpu.memory_space<vmem>>, %arg2: memref<128x128xf32, #tpu.memory_space<vmem>>, %arg3: memref<128x1xf32, #tpu.memory_space<vmem>>, %arg4: memref<128x1xf32, #tpu.memory_space<vmem>>, %arg5: memref<1000x128xf32, #tpu.memory_space<vmem>>, %arg6: memref<1000x1xf32, #tpu.memory_space<vmem>>, %arg7: memref<1000x1xf32, #tpu.memory_space<vmem>>, %arg8: memref<1x128xf32, #tpu.memory_space<vmem>>) attributes {dimension_semantics = [#tpu.dimension_semantics<arbitrary>], iteration_bounds = array<i64: 10>, scalar_prefetch = 0 : i64, scratch_operands = 0 : i64, tpu.core_type = #tpu.core_type<tc>, window_params = [{transform_indices = @transform_0, window_bounds = array<i64: 2, 1000, 144>}, {pipeline_mode = #tpu.pipeline_mode<synchronous>, transform_indices = @transform_1, window_bounds = array<i64: 128, 128>}, {pipeline_mode = #tpu.pipeline_mode<synchronous>, transform_indices = @transform_2, window_bounds = array<i64: 128, 1>}, {pipeline_mode = #tpu.pipeline_mode<synchronous>, transform_indices = @transform_3, window_bounds = array<i64: 128, 1>}, {transform_indices = @transform_4, window_bounds = array<i64: 1000, 128>}, {transform_indices = @transform_5, window_bounds = array<i64: 1000, 1>}, {transform_indices = @transform_6, window_bounds = array<i64: 1000, 1>}, {pipeline_mode = #tpu.pipeline_mode<synchronous>, transform_indices = @transform_7, window_bounds = array<i64: 1, 128>}]} {
    %get3A = arith.constant 0 : index
    %get3A_0 = arith.constant 0 : index
    %get3A_1 = arith.constant 0 : index
    %get3A_2 = vector.load %arg1[%get3A, %get3A_0, %get3A_1] : memref<2x1000x144xf32, #tpu.memory_space<vmem>>, vector<1x1000x144xf32>
    %get3A_3 = vector.shape_cast %get3A_2 : vector<1x1000x144xf32> to vector<1000x144xf32>
    %get3A_4 = arith.constant 1 : index
    %get3A_5 = arith.constant 0 : index
    %get3A_6 = arith.constant 0 : index
    %get3A_7 = vector.load %arg1[%get3A_4, %get3A_5, %get3A_6] : memref<2x1000x144xf32, #tpu.memory_space<vmem>>, vector<1x1000x144xf32>
    %get3A_8 = vector.shape_cast %get3A_7 : vector<1x1000x144xf32> to vector<1000x144xf32>
    %add3A = arith.addf %get3A_3, %get3A_8 : vector<1000x144xf32>
    %slice3A = vector.extract_strided_slice %add3A {offsets = [0, 0], sizes = [1000, 128], strides = [1, 1]} : vector<1000x144xf32> to vector<1000x128xf32>
    %slice3A_9 = vector.extract_strided_slice %add3A {offsets = [0, 128], sizes = [1000, 1], strides = [1, 1]} : vector<1000x144xf32> to vector<1000x1xf32>
    %gt3A = arith.constant 0.000000e+00 : f32
    %gt3A_10 = vector.broadcast %gt3A : f32 to vector<1000x1xf32>
    %gt3A_11 = arith.cmpf ogt, %slice3A_9, %gt3A_10 : vector<1000x1xf32>
    %div3A = vector.broadcast %slice3A_9 : vector<1000x1xf32> to vector<1000x128xf32>
    %div3A_12 = arith.divf %slice3A, %div3A : vector<1000x128xf32>
    %jit3A = arith.constant 0.000000e+00 : f32
    %broadcast_in_dim3A = vector.shape_cast %gt3A_11 : vector<1000x1xi1> to vector<1000x1xi1>
    %broadcast_in_dim3A_13 = vector.broadcast %broadcast_in_dim3A : vector<1000x1xi1> to vector<1000x128xi1>
    %broadcast_in_dim3A_14 = vector.broadcast %jit3A : f32 to vector<1000x128xf32>
    %select_n3A = arith.select %broadcast_in_dim3A_13, %div3A_12, %broadcast_in_dim3A_14 : vector<1000x128xi1>, vector<1000x128xf32>
    %gt3A_15 = arith.constant 0.000000e+00 : f32
    %gt3A_16 = vector.broadcast %gt3A_15 : f32 to vector<1000x128xf32>
    %gt3A_17 = arith.cmpf ogt, %select_n3A, %gt3A_16 : vector<1000x128xf32>
    %exp3A = math.exp %select_n3A : vector<1000x128xf32>
    %sub3A = arith.constant 1.000000e+00 : f32
    %sub3A_18 = vector.broadcast %sub3A : f32 to vector<1000x128xf32>
    %sub3A_19 = arith.subf %exp3A, %sub3A_18 : vector<1000x128xf32>
    %select_n3A_20 = arith.select %gt3A_17, %select_n3A, %sub3A_19 : vector<1000x128xi1>, vector<1000x128xf32>
    %get3A_21 = arith.constant 0 : index
    %get3A_22 = arith.constant 0 : index
    %get3A_23 = vector.load %arg2[%get3A_21, %get3A_22] : memref<128x128xf32, #tpu.memory_space<vmem>>, vector<128x128xf32>
    %dot_general3A = arith.constant dense<0.000000e+00> : vector<1000x128xf32>
    %dot_general3A_24 = tpu.matmul %select_n3A_20, %get3A_23, %dot_general3A {dimension_numbers = #tpu.dot_dimension_numbers<[1], [0], [0], [1], [0, 0, 1, 1], [], []>, transpose_lhs_hint = false} : vector<1000x128xf32>, vector<128x128xf32>, vector<1000x128xf32> -> vector<1000x128xf32>
    %swap3A = arith.constant 0 : index
    %swap3A_25 = arith.constant 0 : index
    %swap3A_26 = vector.load %arg5[%swap3A, %swap3A_25] : memref<1000x128xf32, #tpu.memory_space<vmem>>, vector<1000x128xf32>
    tpu.vector_store %arg5[%swap3A, %swap3A_25], %dot_general3A_24 {strides = array<i32>} : memref<1000x128xf32, #tpu.memory_space<vmem>>, vector<1000x128xf32>,
    %get3A_27 = arith.constant 0 : index
    %get3A_28 = arith.constant 0 : index
    %get3A_29 = vector.load %arg3[%get3A_27, %get3A_28] : memref<128x1xf32, #tpu.memory_space<vmem>>, vector<128x1xf32>
    %dot_general3A_30 = arith.constant dense<0.000000e+00> : vector<1000x1xf32>
    %dot_general3A_31 = tpu.matmul %dot_general3A_24, %get3A_29, %dot_general3A_30 {dimension_numbers = #tpu.dot_dimension_numbers<[1], [0], [0], [1], [0, 0, 1, 1], [], []>, transpose_lhs_hint = false} : vector<1000x128xf32>, vector<128x1xf32>, vector<1000x1xf32> -> vector<1000x1xf32>
    %swap3A_32 = arith.constant 0 : index
    %swap3A_33 = arith.constant 0 : index
    %swap3A_34 = vector.load %arg6[%swap3A_32, %swap3A_33] : memref<1000x1xf32, #tpu.memory_space<vmem>>, vector<1000x1xf32>
    tpu.vector_store %arg6[%swap3A_32, %swap3A_33], %dot_general3A_31 {strides = array<i32>} : memref<1000x1xf32, #tpu.memory_space<vmem>>, vector<1000x1xf32>,
    %get3A_35 = arith.constant 0 : index
    %get3A_36 = arith.constant 0 : index
    %get3A_37 = vector.load %arg4[%get3A_35, %get3A_36] : memref<128x1xf32, #tpu.memory_space<vmem>>, vector<128x1xf32>
    %dot_general3A_38 = arith.constant dense<0.000000e+00> : vector<1000x1xf32>
    %dot_general3A_39 = tpu.matmul %dot_general3A_24, %get3A_37, %dot_general3A_38 {dimension_numbers = #tpu.dot_dimension_numbers<[1], [0], [0], [1], [0, 0, 1, 1], [], []>, transpose_lhs_hint = false} : vector<1000x128xf32>, vector<128x1xf32>, vector<1000x1xf32> -> vector<1000x1xf32>
    %swap3A_40 = arith.constant 0 : index
    %swap3A_41 = arith.constant 0 : index
    %swap3A_42 = vector.load %arg7[%swap3A_40, %swap3A_41] : memref<1000x1xf32, #tpu.memory_space<vmem>>, vector<1000x1xf32>
    tpu.vector_store %arg7[%swap3A_40, %swap3A_41], %dot_general3A_39 {strides = array<i32>} : memref<1000x1xf32, #tpu.memory_space<vmem>>, vector<1000x1xf32>,
    %eq3A = arith.constant 0 : i32
    %eq3A_43 = arith.cmpi eq, %arg0, %eq3A : i32
    %convert_element_type3A = arith.extui %eq3A_43 : i1 to i32
    %cond3A = arith.constant 0 : i32
    %cond3A_44 = arith.cmpi ne, %convert_element_type3A, %cond3A : i32
    scf.if %cond3A_44 {
      %broadcast_in_dim3A_56 = arith.constant 0xFF800000 : f32
      %broadcast_in_dim3A_57 = vector.broadcast %broadcast_in_dim3A_56 : f32 to vector<1x128xf32>
      %swap3A_58 = arith.constant 0 : index
      %swap3A_59 = arith.constant 0 : index
      %swap3A_60 = vector.load %arg8[%swap3A_58, %swap3A_59] : memref<1x128xf32, #tpu.memory_space<vmem>>, vector<1x128xf32>
      tpu.vector_store %arg8[%swap3A_58, %swap3A_59], %broadcast_in_dim3A_57 {strides = array<i32>} : memref<1x128xf32, #tpu.memory_space<vmem>>, vector<1x128xf32>,
    } else {
    }
    %get3A_45 = arith.constant 0 : index
    %get3A_46 = arith.constant 0 : index
    %get3A_47 = vector.load %arg8[%get3A_45, %get3A_46] : memref<1x128xf32, #tpu.memory_space<vmem>>, vector<1x128xf32>
    %reduce_max3A = vector.shape_cast %dot_general3A_39 : vector<1000x1xf32> to vector<1x1000x1xf32>
    %reduce_max3A_48 = arith.constant dense<0xFF800000> : vector<1xf32>
    %reduce_max3A_49 = vector.multi_reduction <maximumf>, %reduce_max3A, %reduce_max3A_48 [1, 2] : vector<1x1000x1xf32> to vector<1xf32>
    %reduce_max3A_50 = vector.shape_cast %reduce_max3A_49 : vector<1xf32> to vector<1x1x1xf32>
    %reduce_max3A_51 = vector.extract %reduce_max3A_50[0, 0, 0] : f32 from vector<1x1x1xf32>
    %max3A = vector.broadcast %reduce_max3A_51 : f32 to vector<1x128xf32>
    %max3A_52 = arith.maximumf %get3A_47, %max3A : vector<1x128xf32>
    %swap3A_53 = arith.constant 0 : index
    %swap3A_54 = arith.constant 0 : index
    %swap3A_55 = vector.load %arg8[%swap3A_53, %swap3A_54] : memref<1x128xf32, #tpu.memory_space<vmem>>, vector<1x128xf32>
    tpu.vector_store %arg8[%swap3A_53, %swap3A_54], %max3A_52 {strides = array<i32>} : memref<1x128xf32, #tpu.memory_space<vmem>>, vector<1x128xf32>,
    return
  }
  func.func @transform_0(%arg0: i32) -> (i32, i32, i32) {
    %c0_i32 = arith.constant 0 : i32
    %c0_i32_0 = arith.constant 0 : i32
    %c0_i32_1 = arith.constant 0 : i32
    return %c0_i32, %arg0, %c0_i32_0 : i32, i32, i32
  }
  func.func @transform_1(%arg0: i32) -> (i32, i32) {
    %c0_i32 = arith.constant 0 : i32
    %c0_i32_0 = arith.constant 0 : i32
    %c0_i32_1 = arith.constant 0 : i32
    return %c0_i32, %c0_i32_0 : i32, i32
  }
  func.func @transform_2(%arg0: i32) -> (i32, i32) {
    %c0_i32 = arith.constant 0 : i32
    %c0_i32_0 = arith.constant 0 : i32
    %c0_i32_1 = arith.constant 0 : i32
    return %c0_i32, %c0_i32_0 : i32, i32
  }
  func.func @transform_3(%arg0: i32) -> (i32, i32) {
    %c0_i32 = arith.constant 0 : i32
    %c0_i32_0 = arith.constant 0 : i32
    %c0_i32_1 = arith.constant 0 : i32
    return %c0_i32, %c0_i32_0 : i32, i32
  }
  func.func @transform_4(%arg0: i32) -> (i32, i32) {
    %c0_i32 = arith.constant 0 : i32
    %c0_i32_0 = arith.constant 0 : i32
    return %arg0, %c0_i32 : i32, i32
  }
  func.func @transform_5(%arg0: i32) -> (i32, i32) {
    %c0_i32 = arith.constant 0 : i32
    %c0_i32_0 = arith.constant 0 : i32
    return %arg0, %c0_i32 : i32, i32
  }
  func.func @transform_6(%arg0: i32) -> (i32, i32) {
    %c0_i32 = arith.constant 0 : i32
    %c0_i32_0 = arith.constant 0 : i32
    return %arg0, %c0_i32 : i32, i32
  }
  func.func @transform_7(%arg0: i32) -> (i32, i32) {
    %c0_i32 = arith.constant 0 : i32
    %c0_i32_0 = arith.constant 0 : i32
    %c0_i32_1 = arith.constant 0 : i32
    return %c0_i32, %c0_i32_0 : i32, i32
  }
}

module attributes {stable_mosaic.version = 14 : i64} {
  func.func @_tc3_body(%arg0: i32, %arg1: memref<2x1000x144xf32, #tpu.memory_space<vmem>>, %arg2: memref<1000x128xf32, #tpu.memory_space<vmem>>) attributes {dimension_semantics = [#tpu.dimension_semantics<arbitrary>], iteration_bounds = array<i64: 10>, scalar_prefetch = 0 : i64, scratch_operands = 0 : i64, tpu.core_type = #tpu.core_type<tc>, window_params = [{transform_indices = @transform_0, window_bounds = array<i64: 2, 1000, 144>}, {transform_indices = @transform_1, window_bounds = array<i64: 1000, 128>}]} {
    %get3A = arith.constant 0 : index
    %get3A_0 = arith.constant 0 : index
    %get3A_1 = arith.constant 0 : index
    %get3A_2 = vector.load %arg1[%get3A, %get3A_0, %get3A_1] : memref<2x1000x144xf32, #tpu.memory_space<vmem>>, vector<1x1000x144xf32>
    %get3A_3 = vector.shape_cast %get3A_2 : vector<1x1000x144xf32> to vector<1000x144xf32>
    %get3A_4 = arith.constant 1 : index
    %get3A_5 = arith.constant 0 : index
    %get3A_6 = arith.constant 0 : index
    %get3A_7 = vector.load %arg1[%get3A_4, %get3A_5, %get3A_6] : memref<2x1000x144xf32, #tpu.memory_space<vmem>>, vector<1x1000x144xf32>
    %get3A_8 = vector.shape_cast %get3A_7 : vector<1x1000x144xf32> to vector<1000x144xf32>
    %add3A = arith.addf %get3A_3, %get3A_8 : vector<1000x144xf32>
    %slice3A = vector.extract_strided_slice %add3A {offsets = [0, 0], sizes = [1000, 128], strides = [1, 1]} : vector<1000x144xf32> to vector<1000x128xf32>
    %slice3A_9 = vector.extract_strided_slice %add3A {offsets = [0, 128], sizes = [1000, 1], strides = [1, 1]} : vector<1000x144xf32> to vector<1000x1xf32>
    %gt3A = arith.constant 0.000000e+00 : f32
    %gt3A_10 = vector.broadcast %gt3A : f32 to vector<1000x1xf32>
    %gt3A_11 = arith.cmpf ogt, %slice3A_9, %gt3A_10 : vector<1000x1xf32>
    %div3A = vector.broadcast %slice3A_9 : vector<1000x1xf32> to vector<1000x128xf32>
    %div3A_12 = arith.divf %slice3A, %div3A : vector<1000x128xf32>
    %jit3A = arith.constant 0.000000e+00 : f32
    %broadcast_in_dim3A = vector.shape_cast %gt3A_11 : vector<1000x1xi1> to vector<1000x1xi1>
    %broadcast_in_dim3A_13 = vector.broadcast %broadcast_in_dim3A : vector<1000x1xi1> to vector<1000x128xi1>
    %broadcast_in_dim3A_14 = vector.broadcast %jit3A : f32 to vector<1000x128xf32>
    %select_n3A = arith.select %broadcast_in_dim3A_13, %div3A_12, %broadcast_in_dim3A_14 : vector<1000x128xi1>, vector<1000x128xf32>
    %swap3A = arith.constant 0 : index
    %swap3A_15 = arith.constant 0 : index
    %swap3A_16 = vector.load %arg2[%swap3A, %swap3A_15] : memref<1000x128xf32, #tpu.memory_space<vmem>>, vector<1000x128xf32>
    tpu.vector_store %arg2[%swap3A, %swap3A_15], %select_n3A {strides = array<i32>} : memref<1000x128xf32, #tpu.memory_space<vmem>>, vector<1000x128xf32>,
    return
  }
  func.func @transform_0(%arg0: i32) -> (i32, i32, i32) {
    %c0_i32 = arith.constant 0 : i32
    %c0_i32_0 = arith.constant 0 : i32
    %c0_i32_1 = arith.constant 0 : i32
    return %c0_i32, %arg0, %c0_i32_0 : i32, i32, i32
  }
  func.func @transform_1(%arg0: i32) -> (i32, i32) {
    %c0_i32 = arith.constant 0 : i32
    %c0_i32_0 = arith.constant 0 : i32
    return %arg0, %c0_i32 : i32, i32
  }
}

</mosaic_0001>

<sc_bundles>
// kernel: kernel.10.cloned.1.call-start
scs
__scs_entry_jumppad:
0x0: {  	(pc) =	sbr.rel $0x88, $3  }
0x1: {  	(tag) =	ssettag $0x0;
	lr =	simm.s32 $0x1  }
0x2: {  	[smem:$0x3F99] =	sst lr;
	_ =	strace $0xD0000000  }
0x3: {  	_ = 	snop  }
0x4: {  	_ = 	snop  }
0x5: {  	_ = 	snop  }
0x6: {  	_ = 	snop  }
0x7: {  	_ = 	snop  }
__scs_overlays_trampoline_lowered:
0x8: {  	[smem:$0x3FA8] =	sst s0  }
0x9: {  	[smem:$0x3FA9] =	sst s1  }
0xa: {  	[smem:$0x3FAA] =	sst s2  }
0xb: {  	[smem:$0x3FAB] =	sst s3  }
0xc: {  	[smem:$0x3FAC] =	sst s4  }
0xd: {  	[smem:$0x3FAD] =	sst s5  }
0xe: {  	[smem:$0x3FAE] =	sst s6  }
0xf: {  	[smem:$0x3FAF] =	sst s7  }
0x10: {  	[smem:$0x3FB0] =	sst s8  }
0x11: {  	[smem:$0x3FB1] =	sst s9;
	s0 =	simm.s32 @!p0 $0x0  }
0x12: {  	s1 =	sld [smem:$0x3F97];
	s0 =	simm.s32 @p0 $0x1  }
0x13: {  	[smem:$0x3FB2] =	sst s0;
	s0 =	simm.s32 @!p1 $0x0  }
0x14: {  	s2 =	sld [smem:$0x3F96];
	s0 =	simm.s32 @p1 $0x1  }
0x15: {  	[smem:$0x3FB3] =	sst s0;
	s0 =	simm.s32 @!p2 $0x0  }
0x16: {  	s3 =	sld [smem:$0x3FDB];
	s0 =	simm.s32 @p2 $0x1  }
0x17: {  	s4 =	simm.s32 $0x1BF5;
	[smem:$0x3FB5] =	sst s0  }
0x18: {  	s0 =	sld [smem:$0x3F98];
	_ =	swait.ge [sflag:s4], $0x0  }
0x19: {  	s7 =	sld [smem:$0x3F99]  }
0x1a: {  	s8 =	sadd.s32 $0xFFFFE003, lr  }
0x1b: {  	s9 =	sadd.s32 $0xFFFFFEF7, lr;
	s5 =	simm.s32 $0xFFFFFFFF;
	p2 =	slt.u32 s8, $0xFFFFF086  }
0x1c: {  	p1 =	slt.u32 s9, $0xF7A;
	s5 =	simm.s32 @!p2 $0x0  }
0x1d: {  	s5 =	simm.s32 @p1 $0x1;
	p0 =	seq.s32 s7, s2  }
0x1e: {  	s7 =	smul.u32 @!p0 $0xF7A, s2;
	p2 =	seq.s32 @!p0 s5, $0x0  }
0x1f: {  	s9 =	smul.u32 $0xF7A, s1;
	s8 =	simm.s32 @!p0 $0x1BF5;
	p2 =	por !p2, p0  }
0x20: {  	[sflag:s8] =	ssyncset.s32 @!p0 $0xFFFFF086;
	s6 =	sadd.s32 @!p0 s3, s7;
	s7 =	simm.s32 @!p0 $0x108  }
0x21: {  	s3 =	sadd.s32 s3, s9;
	s6 =	sadd.s32 @!p0 $0x88, s6;
	s7 =	simm.s32 @p2 $0x1082  }
0x22: {  	[simem:s7], [sflag:s8] =	dma.local @!p0 [hbm:s6], $0xF7A  }
0x23: {  	s9 =	sor.u32 $0xD0000000, s2;
	s6 =	simm.s32 $0x108;
	_ =	swait.ge @!p0 [sflag:s8], $0x0  }
0x24: {  	s3 =	sadd.s32 $0x88, s3;
	s6 =	simm.s32 @!p1 $0x1082;
	[sflag:s4] =	ssyncset.s32 $0xFFFFF086  }
0x25: {  	[simem:s6], [sflag:s4] =	dma.local [hbm:s3], $0xF7A  }
0x26: {  	[smem:$0x3F99] =	sst s1;
	(tag) =	ssettag s2;
	_ =	strace s9  }
0x27: {  	s1 =	sld [smem:$0x3FA9]  }
0x28: {  	s2 =	sld [smem:$0x3FAA]  }
0x29: {  	s4 =	sld [smem:$0x3FAC]  }
0x2a: {  	p0 =	seq.s32 s5, $0x0;
	s5 =	sld [smem:$0x3FAD]  }
0x2b: {  	s6 =	sld [smem:$0x3FAE]  }
0x2c: {  	s7 =	sld [smem:$0x3FAF]  }
0x2d: {  	s3 =	simm.s32 $0x108;
	s8 =	sld [smem:$0x3FB0]  }
0x2e: {  	s3 =	simm.s32 @!p0 $0x1082;
	s9 =	sld [smem:$0x3FB1]  }
0x2f: {  	lr =	sadd.s32 s0, s3;
	s0 =	sld [smem:$0x3FA8]  }
0x30: {  	s3 =	sld [smem:$0x3FAB]  }
0x31: {  	[smem:$0x3FB4] =	sst s10  }
0x32: {  	s10 =	sld [smem:$0x3FB2];
	_ =	sdelay $0x3  }
0x33: {  	p0 =	seq.s32 s10, $0x1;
	s10 =	sld [smem:$0x3FB4];
	_ =	sdelay $0x3  }
0x34: {  	[smem:$0x3FB4] =	sst s10  }
0x35: {  	s10 =	sld [smem:$0x3FB3];
	_ =	sdelay $0x3  }
0x36: {  	p1 =	seq.s32 s10, $0x1;
	s10 =	sld [smem:$0x3FB4];
	_ =	sdelay $0x3  }
0x37: {  	[smem:$0x3FB4] =	sst s10  }
0x38: {  	s10 =	sld [smem:$0x3FB5]  }
0x39: {  	_ = 	snop;
	(pc) =	sbr.ind lr, $3  }
0x3a: {  	_ = 	snop  }
0x3b: {  	_ = 	snop  }
0x3c: {  	p2 =	seq.s32 s10, $0x1;
	s10 =	sld [smem:$0x3FB4]  }
0x3d: {  	_ =	shalt  }
0x3e: {  	_ =	shalt  }
0x3f: {  	_ =	shalt  }
0x40: {  	_ =	shalt  }
0x41: {  	_ =	shalt  }
0x42: {  	_ =	shalt  }
0x43: {  	_ =	shalt  }
0x44: {  	_ =	shalt  }
0x45: {  	_ =	shalt  }
0x46: {  	_ =	shalt  }
0x47: {  	_ =	shalt  }
0x48: {  	_ =	shalt  }
0x49: {  	_ =	shalt  }
0x4a: {  	_ =	shalt  }
0x4b: {  	_ =	shalt  }
0x4c: {  	_ =	shalt  }
0x4d: {  	_ =	shalt  }
0x4e: {  	_ =	shalt  }
0x4f: {  	_ =	shalt  }
0x50: {  	_ =	shalt  }
0x51: {  	_ =	shalt  }
0x52: {  	_ =	shalt  }
0x53: {  	_ =	shalt  }
0x54: {  	_ =	shalt  }
0x55: {  	_ =	shalt  }
0x56: {  	_ =	shalt  }
0x57: {  	_ =	shalt  }
0x58: {  	_ =	shalt  }
0x59: {  	_ =	shalt  }
0x5a: {  	_ =	shalt  }
0x5b: {  	_ =	shalt  }
0x5c: {  	_ =	shalt  }
0x5d: {  	_ =	shalt  }
0x5e: {  	_ =	shalt  }
0x5f: {  	_ =	shalt  }
0x60: {  	_ =	shalt  }
0x61: {  	_ =	shalt  }
0x62: {  	_ =	shalt  }
0x63: {  	_ =	shalt  }
0x64: {  	_ =	shalt  }
0x65: {  	_ =	shalt  }
0x66: {  	_ =	shalt  }
0x67: {  	_ =	shalt  }
0x68: {  	_ =	shalt  }
0x69: {  	_ =	shalt  }
0x6a: {  	_ =	shalt  }
0x6b: {  	_ =	shalt  }
0x6c: {  	_ =	shalt  }
0x6d: {  	_ =	shalt  }
0x6e: {  	_ =	shalt  }
0x6f: {  	_ =	shalt  }
0x70: {  	_ =	shalt  }
0x71: {  	_ =	shalt  }
0x72: {  	_ =	shalt  }
0x73: {  	_ =	shalt  }
0x74: {  	_ =	shalt  }
0x75: {  	_ =	shalt  }
0x76: {  	_ =	shalt  }
0x77: {  	_ =	shalt  }
0x78: {  	_ =	shalt  }
0x79: {  	_ =	shalt  }
0x7a: {  	_ =	shalt  }
0x7b: {  	_ =	shalt  }
0x7c: {  	_ =	shalt  }
0x7d: {  	_ =	shalt  }
0x7e: {  	_ =	shalt  }
0x7f: {  	_ =	shalt  }
0x80: {  	_ =	shalt  }
0x81: {  	_ =	shalt  }
0x82: {  	_ =	shalt  }
0x83: {  	_ =	shalt  }
0x84: {  	_ =	shalt  }
0x85: {  	_ =	shalt  }
0x86: {  	_ =	shalt  }
0x87: {  	_ =	shalt  }
.Lfunc_end0:
.L_simem_size_0:
called_computation.5_lowered:
.L_overlay_start_0:
0x88: {  	s2 =	sld [smem:$0x3FD9]  }
0x89: {  	s3 =	sld [smem:$0x3FFE];
	_ =	sdelay $0x1  }
0x8a: {  	s1 =	srdreg.scid  }
0x8b: {  	s0 =	sand.u32 $0x1, s1  }
0x8c: {  	s17 =	sshll.u32 s0, $0xA;
	s2 =	sadd.s32 s3, s2  }
0x8d: {  	s2 =	sadd.s32 s2, s17  }
0x8e: {  	[smem:$0x3FC0] =	sst s2  }
0x8f: {  	_ = 	snop  }
0x90: {  	s2 =	sld [smem:$0x3FD0];
	(tm) =	ssettm $0x1  }
0x91: {  	s18 =	sld [smem:$0x3FFB];
	_ =	sdelay $0x3  }
0x92: {  	_ =	strace s18  }
0x93: {  	s3 =	sld [smem:$0x3FFC];
	_ =	sdelay $0x3  }
0x94: {  	_ =	strace s3  }
0x95: {  	s3 =	sld [smem:$0x3FFD];
	_ =	sdelay $0x3  }
0x96: {  	_ =	strace s3  }
0x97: {  	_ =	strace $0x8FFFFFFF  }
0x98: {  	s19 =	sld [smem:$0x3FDB];
	_ =	sdelay $0x1  }
0x99: {  	s4 =	simm.s32 $_scs_section_size  }
0x9a: {  	s5 =	simm.s32 $_size__tile_overlayer_lowered;
	s6 =	simm.s32 $_tile_overlayer_lowered  }
0x9b: {  	s22 =	simm.s32 $0x1BFF;
	s21 =	sshll.u32 s6, $0x1;
	s3 =	sadd.s32 s4, s19  }
0x9c: {  	s7 =	simm.s32 $0x0;
	s20 =	sshll.u32 s5, $0x1;
	s5 =	sadd.s32 s21, s3  }
0x9d: {  	[timem:s7], [sflag:s22] =	dma.local [hbm:s5], s20  }
0x9e: {  	_ =	swait.ge [sflag:s22], s20  }
0x9f: {  	s4 =	ssub.s32 $0x0, s20;
	[sflag:s22] =	ssyncset.done $0x0  }
0xa0: {  	[sflag:s22] =	ssyncadd.s32 s4;
	_ =	sdelay $0x1  }
0xa1: {  	s23 =	simm.s32 $0x1B8B  }
0xa2: {  	_ =	swait.ge [sflag:s23], $0x1  }
0xa3: {  	[sflag:s23] =	ssyncset.done $0x0  }
0xa4: {  	s25 =	simm.s32 $0x1B8E;
	s24 =	sld [smem:$0x3FFE];
	[sflag:s23] =	ssyncadd.s32 $0xFFFFFFFF  }
0xa5: {  	s26 =	simm.s32 $execute0_lowered;
	[smem:$0x3FD2] =	sst s25  }
0xa6: {  	s5 =	sshll.u32 s26, $0x1;
	_ =	strace $0x80000055;
	[dreg:$0x1] =	wrdreg $0xFFFFFFFF  }
0xa7: {  	s28 =	simm.s32 $_size_execute0_lowered;
	s3 =	sadd.s32 s3, s5;
	[dreg:$0x0] =	wrdreg $0x0  }
0xa8: {  	s5 =	sshll.u32 s28, $0x1;
	[dreg:$0x2] =	wrdreg s3  }
0xa9: {  	[dreg:$0x3] =	wrdreg s5  }
0xaa: {  	[dreg:$0x4] =	wrdreg $0xC0  }
0xab: {  	_ =	task [dreg:s7], $0x5FFFF  }
0xac: {  	[dreg:$0x1] =	wrdreg $0xFFFFFFFF  }
0xad: {  	[dreg:$0x0] =	wrdreg $0x60  }
0xae: {  	[dreg:$0x2] =	wrdreg s24  }
0xaf: {  	[dreg:$0x3] =	wrdreg s2  }
0xb0: {  	[dreg:$0x4] =	wrdreg $0x9  }
0xb1: {  	_ =	task.clear_ibuf [dreg:s7], $0x5FFFF;
	_ =	strace $0x90000055  }
0xb2: {  	s29 =	simm.s32 $0x9;
	_ =	strace $0x80000057  }
0xb3: {  	_ =	swait.ge [sflag:s29], $0x1  }
0xb4: {  	[sflag:s29] =	ssyncadd.s32 $0xFFFFFFFF  }
0xb5: {  	_ =	strace $0x90000057  }
0xb6: {  	_ =	sfence  }
0xb7: {  	s30 =	sld [smem:$0x0];
	_ =	sdelay $0x2  }
0xb8: {  	s31 =	sshll.u32 s1, $0xD;
	s1 =	sshrl.u32 s1, $0x2  }
0xb9: {  	s3 =	sand.u32 $0x4000, s31;
	s1 =	sadd.s32 s1, s30  }
0xba: {  	s0 =	sor.u32 s3, s0;
	s1 =	sshll.u32 s1, $0x11  }
0xbb: {  	s0 =	sor.u32 s1, s0  }
0xbc: {  	s0 =	sadd.s32 $0x8F2B, s0  }
0xbd: {  	[sflag:s0] =	ssyncadd.remote.s32 $0x1  }
0xbe: {  	_ =	sfence.sel $0xFFFF  }
0xbf: {  	[dreg:$0x0] =	wrdreg $0xFFFFFFFF;
	(pc) =	sbr.abs _section_cstart, $3  }
0xc0: {  	[dreg:$0x1] =	wrdreg $0xFFFFFFFF  }
0xc1: {  	_ =	task.clear_ibuf [dreg:s7], $0x2FFFF;
	_ =	strace $0x9FFFFFFF  }
0xc2: {  	(tm) =	ssettm $0x7FFFFFFF  }
0xc3: {  	_ =	shalt  }
tec
execute0_lowered:
.L_overlay_start_1:
0x0: {  	(tag) =	ssettag $0x1  }
0x1: {  	s8 =	rddreg [dreg:$0x0]  }
0x2: {  	s1 =	rddreg [dreg:$0x1]  }
0x3: {  	s0 =	rddreg [dreg:$0x2];
	s2 =	simm.s32 $0x0  }
0x4: {  	s5 =	srdreg.scid;
	s12 =	simm.s32 $0x1;
	s13 =	simm.s32 $0x3F80  }
0x5: {  	s14 =	simm.s32 $0x6700;
	s15 =	simm.s32 $0x800;
	s16 =	simm.s32 $0x1000  }
0x6: {  	s17 =	simm.s32 $0x0;
	[smem:$0x7FF] =	sst s2;
	s3 =	sadd.s32 $0x600, s8  }
0x7: {  	s4 =	sadd.s32 $0x53CE00, s8;
	s9 =	sand.u32 $0x1, s5;
	s6 =	sadd.s32 $0x53D400, s8  }
0x8: {  	s7 =	sadd.s32 $0xC00, s8;
	s5 =	stileid.u32;
	s10 =	ssub.s32 $0x2, s9  }
0x9: {  	s8 =	sadd.s32 $0x53D600, s8;
	s9 =	sshll.u32 s9, $0x4;
	s11 =	sshrl.u32 s10, $0x1  }
0xa: {  	_ =	strace $0x80000056;
	s9 =	sor.u32 s5, s9;
	s10 =	ssub.s32 s10, s11  }
0xb: {  	s9 =	smul.u32 $0x2800, s9;
	s11 =	simm.s32 $0x1800;
	s10 =	smax.u32 s10, $0x1  }
.LBB2_1:
0xc: {  	[tilespmem:s11], [sflag:$0x1] =	stream.linear.gather [hbm4b:s3+s2], $0x2780, $0x38;
	[tilespmem:$0x6780] =	vst v63  }
0xd: {  	_ =	swait.ge [sflag:s12], $0x2780  }
0xe: {  	[sflag:s12] =	ssyncset.done $0x0  }
0xf: {  	[sflag:s12] =	ssyncadd.s32 $0xFFFFD880  }
0x10: {  	[tilespmem:s13], [sflag:$0x1] =	stream.linear.gather [hbm4b:s4+s2], $0x2780, $0x38;
	[tilespmem:$0x6780] =	vst v63  }
0x11: {  	_ =	swait.ge [sflag:s12], $0x2780  }
0x12: {  	[sflag:s12] =	ssyncset.done $0x0  }
0x13: {  	[sflag:s12] =	ssyncadd.s32 $0xFFFFD880  }
0x14: {  	[tilespmem:s14], [sflag:$0x1] =	stream.linear.gather [hbm4b:s6+s2], $0x80, $0x38;
	[tilespmem:$0x6780] =	vst v63  }
0x15: {  	_ =	swait.ge [sflag:s12], $0x80  }
0x16: {  	[sflag:s12] =	ssyncset.done $0x0  }
0x17: {  	[sflag:s12] =	ssyncadd.s32 $0xFFFFFF80  }
0x18: {  	s18 =	simm.s32 $0x0;
	v0 =	vld [tilespmem:$0x6700]  }
.LBB2_2:
0x19: {  	s19 =	sshll.u32 s18, $0xB  }
0x1a: {  	s19 =	sadd.s32 s9, s19  }
0x1b: {  	s19 =	sshrl.u32 s19, $0x3  }
0x1c: {  	s21 =	simm.s32 $0x0;
	s20 =	sadd.s32 s7, s19  }
0x1d: {  	[tilespmem:s21], [sflag:$0x1] =	stream.linear.gather [hbm4b:s20+s21], $0x800, $0x38;
	[tilespmem:$0x6780] =	vst v63  }
0x1e: {  	_ =	swait.ge [sflag:s12], $0x800  }
0x1f: {  	[sflag:s12] =	ssyncset.done $0x0  }
0x20: {  	s31 =	sadd.s32 s1, s19;
	[sflag:s12] =	ssyncadd.s32 $0xFFFFF800  }
0x21: {  	[tilespmem:s15], [sflag:$0x1] =	stream.linear.gather [hbm4b:s31+s21], $0x800, $0x38;
	[tilespmem:$0x6780] =	vst v63  }
0x22: {  	_ =	swait.ge [sflag:s12], $0x800  }
0x23: {  	[sflag:s12] =	ssyncset.done $0x0  }
0x24: {  	s20 =	simm.s32 $0x0;
	[sflag:s12] =	ssyncadd.s32 $0xFFFFF800  }
0x25: {  	v1 =	vld [tilespmem:s20+$0x0]  }
0x26: {  	v2 =	vld [tilespmem:s20+$0x800];
	_ =	sdelay $0x6  }
0x27: {  	v1 =	vld.idx.msk [tilespmem:v1+s11+$0x0], $0xffff  }
0x28: {  	v2 =	vld.idx.msk [tilespmem:v2+s13+$0x0], $0xffff;
	_ =	sdelay $0x4  }
0x29: {  	v3 =	vadd.f32 v1, v0;
	v1 =	vadd.f32 v2, v1;
	_ =	sdelay $0x1  }
0x2a: {  	v2 =	vmul.f32 $2.000000030e-01, v3;
	v4 =	vmul.f32 $2.000000030e-01, v1  }
0x2b: {  	vm0 =	vge.f32 v1, $0.0e+00;
	vm1 =	vge.f32 v3, $0.0e+00  }
0x2c: {  	v2 =	vsel vm1, v3, v2;
	v1 =	vsel vm0, v1, v4  }
0x2d: {  	v1 =	vsub.f32 v1, v2;
	_ =	sdelay $0x1  }
0x2e: {  	v1 =	vmul.f32 $1.442695020e+00, v1;
	_ =	sdelay $0x1  }
0x2f: {  	(erf) = vpow2.f32 v1;
	_ =	sdelay $0x2  }
0x30: {  	v1 =	vld [tilespmem:s20+$0x10]  }
0x31: {  	v2 =	vld [tilespmem:s20+$0x810];
	_ =	sdelay $0x4  }
0x32: {  	v3 =	vpop (erf)  }
0x33: {  	[tilespmem:s20+$0x1000] =	vst v3  }
0x34: {  	v1 =	vld.idx.msk [tilespmem:v1+s11+$0x0], $0xffff  }
0x35: {  	v2 =	vld.idx.msk [tilespmem:v2+s13+$0x0], $0xffff;
	_ =	sdelay $0x4  }
0x36: {  	v3 =	vadd.f32 v1, v0;
	v1 =	vadd.f32 v2, v1;
	_ =	sdelay $0x1  }
0x37: {  	v2 =	vmul.f32 $2.000000030e-01, v3;
	v57 =	vmul.f32 $2.000000030e-01, v1  }
0x38: {  	vm14 =	vge.f32 v3, $0.0e+00;
	vm15 =	vge.f32 v1, $0.0e+00  }
0x39: {  	v2 =	vsel vm14, v3, v2;
	v1 =	vsel vm15, v1, v57  }
0x3a: {  	v1 =	vsub.f32 v1, v2;
	_ =	sdelay $0x1  }
0x3b: {  	v1 =	vmul.f32 $1.442695020e+00, v1;
	_ =	sdelay $0x1  }
0x3c: {  	(erf) = vpow2.f32 v1;
	_ =	sdelay $0x2  }
0x3d: {  	v1 =	vld [tilespmem:s20+$0x20]  }
0x3e: {  	v2 =	vld [tilespmem:s20+$0x820];
	_ =	sdelay $0x4  }
0x3f: {  	v3 =	vpop (erf)  }
0x40: {  	[tilespmem:s20+$0x1010] =	vst v3  }
0x41: {  	v1 =	vld.idx.msk [tilespmem:v1+s11+$0x0], $0xffff  }
0x42: {  	v2 =	vld.idx.msk [tilespmem:v2+s13+$0x0], $0xffff;
	_ =	sdelay $0x4  }
0x43: {  	v3 =	vadd.f32 v1, v0;
	v1 =	vadd.f32 v2, v1;
	_ =	sdelay $0x1  }
0x44: {  	v2 =	vmul.f32 $2.000000030e-01, v3;
	v58 =	vmul.f32 $2.000000030e-01, v1  }
0x45: {  	vm4 =	vge.f32 v3, $0.0e+00;
	vm5 =	vge.f32 v1, $0.0e+00  }
0x46: {  	v2 =	vsel vm4, v3, v2;
	v1 =	vsel vm5, v1, v58  }
0x47: {  	v1 =	vsub.f32 v1, v2;
	_ =	sdelay $0x1  }
0x48: {  	v1 =	vmul.f32 $1.442695020e+00, v1;
	_ =	sdelay $0x1  }
0x49: {  	(erf) = vpow2.f32 v1;
	_ =	sdelay $0x2  }
0x4a: {  	v1 =	vld [tilespmem:s20+$0x30]  }
0x4b: {  	v2 =	vld [tilespmem:s20+$0x830];
	_ =	sdelay $0x4  }
0x4c: {  	v3 =	vpop (erf)  }
0x4d: {  	[tilespmem:s20+$0x1020] =	vst v3  }
0x4e: {  	v1 =	vld.idx.msk [tilespmem:v1+s11+$0x0], $0xffff  }
0x4f: {  	v2 =	vld.idx.msk [tilespmem:v2+s13+$0x0], $0xffff;
	_ =	sdelay $0x4  }
0x50: {  	v3 =	vadd.f32 v1, v0;
	v1 =	vadd.f32 v2, v1;
	_ =	sdelay $0x1  }
0x51: {  	v2 =	vmul.f32 $2.000000030e-01, v3;
	v59 =	vmul.f32 $2.000000030e-01, v1  }
0x52: {  	vm6 =	vge.f32 v3, $0.0e+00;
	vm7 =	vge.f32 v1, $0.0e+00  }
0x53: {  	v2 =	vsel vm6, v3, v2;
	v1 =	vsel vm7, v1, v59  }
0x54: {  	v1 =	vsub.f32 v1, v2;
	_ =	sdelay $0x1  }
0x55: {  	v1 =	vmul.f32 $1.442695020e+00, v1;
	_ =	sdelay $0x1  }
0x56: {  	(erf) = vpow2.f32 v1;
	_ =	sdelay $0x2  }
0x57: {  	v1 =	vld [tilespmem:s20+$0x40]  }
0x58: {  	v2 =	vld [tilespmem:s20+$0x840];
	_ =	sdelay $0x4  }
0x59: {  	v3 =	vpop (erf)  }
0x5a: {  	[tilespmem:s20+$0x1030] =	vst v3  }
0x5b: {  	v1 =	vld.idx.msk [tilespmem:v1+s11+$0x0], $0xffff  }
0x5c: {  	v2 =	vld.idx.msk [tilespmem:v2+s13+$0x0], $0xffff;
	_ =	sdelay $0x4  }
0x5d: {  	v3 =	vadd.f32 v1, v0;
	v1 =	vadd.f32 v2, v1;
	_ =	sdelay $0x1  }
0x5e: {  	v2 =	vmul.f32 $2.000000030e-01, v3;
	v60 =	vmul.f32 $2.000000030e-01, v1  }
0x5f: {  	vm8 =	vge.f32 v3, $0.0e+00;
	vm9 =	vge.f32 v1, $0.0e+00  }
0x60: {  	v2 =	vsel vm8, v3, v2;
	v1 =	vsel vm9, v1, v60  }
0x61: {  	v1 =	vsub.f32 v1, v2;
	_ =	sdelay $0x1  }
0x62: {  	v1 =	vmul.f32 $1.442695020e+00, v1;
	_ =	sdelay $0x1  }
0x63: {  	(erf) = vpow2.f32 v1;
	_ =	sdelay $0x2  }
0x64: {  	v1 =	vld [tilespmem:s20+$0x50]  }
0x65: {  	v2 =	vld [tilespmem:s20+$0x850];
	_ =	sdelay $0x4  }
0x66: {  	v3 =	vpop (erf)  }
0x67: {  	[tilespmem:s20+$0x1040] =	vst v3  }
0x68: {  	v1 =	vld.idx.msk [tilespmem:v1+s11+$0x0], $0xffff  }
0x69: {  	v2 =	vld.idx.msk [tilespmem:v2+s13+$0x0], $0xffff;
	_ =	sdelay $0x4  }
0x6a: {  	v3 =	vadd.f32 v1, v0;
	v1 =	vadd.f32 v2, v1;
	_ =	sdelay $0x1  }
0x6b: {  	v2 =	vmul.f32 $2.000000030e-01, v3;
	v61 =	vmul.f32 $2.000000030e-01, v1  }
0x6c: {  	vm10 =	vge.f32 v3, $0.0e+00;
	vm11 =	vge.f32 v1, $0.0e+00  }
0x6d: {  	v2 =	vsel vm10, v3, v2;
	v1 =	vsel vm11, v1, v61  }
0x6e: {  	v1 =	vsub.f32 v1, v2;
	_ =	sdelay $0x1  }
0x6f: {  	v1 =	vmul.f32 $1.442695020e+00, v1;
	_ =	sdelay $0x1  }
0x70: {  	(erf) = vpow2.f32 v1;
	_ =	sdelay $0x2  }
0x71: {  	v1 =	vld [tilespmem:s20+$0x60]  }
0x72: {  	v2 =	vld [tilespmem:s20+$0x860];
	_ =	sdelay $0x4  }
0x73: {  	v3 =	vpop (erf)  }
0x74: {  	[tilespmem:s20+$0x1050] =	vst v3  }
0x75: {  	v1 =	vld.idx.msk [tilespmem:v1+s11+$0x0], $0xffff  }
0x76: {  	v2 =	vld.idx.msk [tilespmem:v2+s13+$0x0], $0xffff;
	_ =	sdelay $0x4  }
0x77: {  	v3 =	vadd.f32 v1, v0;
	v1 =	vadd.f32 v2, v1;
	_ =	sdelay $0x1  }
0x78: {  	v2 =	vmul.f32 $2.000000030e-01, v3;
	v62 =	vmul.f32 $2.000000030e-01, v1  }
0x79: {  	vm12 =	vge.f32 v3, $0.0e+00;
	vm13 =	vge.f32 v1, $0.0e+00  }
0x7a: {  	v2 =	vsel vm12, v3, v2;
	v1 =	vsel vm13, v1, v62  }
0x7b: {  	v1 =	vsub.f32 v1, v2;
	_ =	sdelay $0x1  }
0x7c: {  	v1 =	vmul.f32 $1.442695020e+00, v1;
	_ =	sdelay $0x1  }
0x7d: {  	(erf) = vpow2.f32 v1;
	_ =	sdelay $0x2  }
0x7e: {  	v1 =	vld [tilespmem:s20+$0x70]  }
0x7f: {  	v2 =	vld [tilespmem:s20+$0x870];
	_ =	sdelay $0x4  }
0x80: {  	v3 =	vpop (erf)  }
0x81: {  	[tilespmem:s20+$0x1060] =	vst v3  }
0x82: {  	v1 =	vld.idx.msk [tilespmem:v1+s11+$0x0], $0xffff  }
0x83: {  	v2 =	vld.idx.msk [tilespmem:v2+s13+$0x0], $0xffff;
	_ =	sdelay $0x4  }
0x84: {  	v3 =	vadd.f32 v1, v0;
	v1 =	vadd.f32 v2, v1;
	_ =	sdelay $0x1  }
0x85: {  	v2 =	vmul.f32 $2.000000030e-01, v3;
	v63 =	vmul.f32 $2.000000030e-01, v1  }
0x86: {  	vm14 =	vge.f32 v3, $0.0e+00;
	vm15 =	vge.f32 v1, $0.0e+00  }
0x87: {  	v2 =	vsel vm14, v3, v2;
	v1 =	vsel vm15, v1, v63  }
0x88: {  	v1 =	vsub.f32 v1, v2;
	_ =	sdelay $0x1  }
0x89: {  	v1 =	vmul.f32 $1.442695020e+00, v1;
	_ =	sdelay $0x1  }
0x8a: {  	s22 =	simm.s32 $0x400;
	s21 =	simm.s32 $0x200;
	(erf) = vpow2.f32 v1  }
.LBB2_3:
0x8b: {  	p0 =	sne.s32 s22, $0x1E00  }
0x8c: {  	s23 =	sshra.s32 s21, $0x2;
	s21 =	smov.u32 s22;
	s22 =	sadd.s32 $0x200, s22  }
0x8d: {  	v1 =	vld [tilespmem:s23+$0x0]  }
0x8e: {  	v2 =	vld [tilespmem:s23+$0x800];
	_ =	sdelay $0x4  }
0x8f: {  	v3 =	vpop (erf)  }
0x90: {  	[tilespmem:s20+$0x1070] =	vst v3;
	s20 =	smov.u32 s23  }
0x91: {  	v1 =	vld.idx.msk [tilespmem:v1+s11+$0x0], $0xffff  }
0x92: {  	v2 =	vld.idx.msk [tilespmem:v2+s13+$0x0], $0xffff;
	_ =	sdelay $0x4  }
0x93: {  	v3 =	vadd.f32 v1, v0  }
0x94: {  	v1 =	vadd.f32 v2, v1  }
0x95: {  	v2 =	vmul.f32 $2.000000030e-01, v3  }
0x96: {  	vm1 =	vge.f32 v3, $0.0e+00;
	vm0 =	vge.f32 v1, $0.0e+00;
	v4 =	vmul.f32 $2.000000030e-01, v1  }
0x97: {  	v2 =	vsel vm1, v3, v2  }
0x98: {  	v1 =	vsel vm0, v1, v4  }
0x99: {  	v1 =	vsub.f32 v1, v2;
	_ =	sdelay $0x1  }
0x9a: {  	v1 =	vmul.f32 $1.442695020e+00, v1;
	_ =	sdelay $0x1  }
0x9b: {  	(erf) = vpow2.f32 v1;
	_ =	sdelay $0x1  }
0x9c: {  	v1 =	vld [tilespmem:s20+$0x810]  }
0x9d: {  	v2 =	vld [tilespmem:s20+$0x10];
	_ =	sdelay $0x5  }
0x9e: {  	v3 =	vpop (erf)  }
0x9f: {  	[tilespmem:s20+$0x1000] =	vst v3  }
0xa0: {  	v2 =	vld.idx.msk [tilespmem:v2+s11+$0x0], $0xffff  }
0xa1: {  	v1 =	vld.idx.msk [tilespmem:v1+s13+$0x0], $0xffff;
	_ =	sdelay $0x4  }
0xa2: {  	v3 =	vadd.f32 v2, v0  }
0xa3: {  	v1 =	vadd.f32 v1, v2  }
0xa4: {  	vm0 =	vge.f32 v3, $0.0e+00;
	v2 =	vmul.f32 $2.000000030e-01, v3  }
0xa5: {  	vm1 =	vge.f32 v1, $0.0e+00;
	v4 =	vmul.f32 $2.000000030e-01, v1  }
0xa6: {  	v2 =	vsel vm0, v3, v2  }
0xa7: {  	v1 =	vsel vm1, v1, v4  }
0xa8: {  	v1 =	vsub.f32 v1, v2;
	_ =	sdelay $0x1  }
0xa9: {  	v1 =	vmul.f32 $1.442695020e+00, v1;
	_ =	sdelay $0x1  }
0xaa: {  	(erf) = vpow2.f32 v1;
	_ =	sdelay $0x1  }
0xab: {  	v1 =	vld [tilespmem:s20+$0x820]  }
0xac: {  	v2 =	vld [tilespmem:s20+$0x20];
	_ =	sdelay $0x5  }
0xad: {  	v3 =	vpop (erf)  }
0xae: {  	[tilespmem:s20+$0x1010] =	vst v3  }
0xaf: {  	v2 =	vld.idx.msk [tilespmem:v2+s11+$0x0], $0xffff  }
0xb0: {  	v1 =	vld.idx.msk [tilespmem:v1+s13+$0x0], $0xffff;
	_ =	sdelay $0x4  }
0xb1: {  	v3 =	vadd.f32 v2, v0  }
0xb2: {  	v1 =	vadd.f32 v1, v2  }
0xb3: {  	vm0 =	vge.f32 v3, $0.0e+00;
	v2 =	vmul.f32 $2.000000030e-01, v3  }
0xb4: {  	vm1 =	vge.f32 v1, $0.0e+00;
	v4 =	vmul.f32 $2.000000030e-01, v1  }
0xb5: {  	v2 =	vsel vm0, v3, v2  }
0xb6: {  	v1 =	vsel vm1, v1, v4  }
0xb7: {  	v1 =	vsub.f32 v1, v2;
	_ =	sdelay $0x1  }
0xb8: {  	v1 =	vmul.f32 $1.442695020e+00, v1;
	_ =	sdelay $0x1  }
0xb9: {  	(erf) = vpow2.f32 v1;
	_ =	sdelay $0x1  }
0xba: {  	v1 =	vld [tilespmem:s20+$0x830]  }
0xbb: {  	v2 =	vld [tilespmem:s20+$0x30];
	_ =	sdelay $0x5  }
0xbc: {  	v3 =	vpop (erf)  }
0xbd: {  	[tilespmem:s20+$0x1020] =	vst v3  }
0xbe: {  	v2 =	vld.idx.msk [tilespmem:v2+s11+$0x0], $0xffff  }
0xbf: {  	v1 =	vld.idx.msk [tilespmem:v1+s13+$0x0], $0xffff;
	_ =	sdelay $0x4  }
0xc0: {  	v3 =	vadd.f32 v2, v0  }
0xc1: {  	v1 =	vadd.f32 v1, v2  }
0xc2: {  	vm0 =	vge.f32 v3, $0.0e+00;
	v2 =	vmul.f32 $2.000000030e-01, v3  }
0xc3: {  	vm1 =	vge.f32 v1, $0.0e+00;
	v4 =	vmul.f32 $2.000000030e-01, v1  }
0xc4: {  	v2 =	vsel vm0, v3, v2  }
0xc5: {  	v1 =	vsel vm1, v1, v4  }
0xc6: {  	v1 =	vsub.f32 v1, v2;
	_ =	sdelay $0x1  }
0xc7: {  	v1 =	vmul.f32 $1.442695020e+00, v1;
	_ =	sdelay $0x1  }
0xc8: {  	(erf) = vpow2.f32 v1;
	_ =	sdelay $0x1  }
0xc9: {  	v1 =	vld [tilespmem:s20+$0x840]  }
0xca: {  	v2 =	vld [tilespmem:s20+$0x40];
	_ =	sdelay $0x5  }
0xcb: {  	v3 =	vpop (erf)  }
0xcc: {  	[tilespmem:s20+$0x1030] =	vst v3  }
0xcd: {  	v2 =	vld.idx.msk [tilespmem:v2+s11+$0x0], $0xffff  }
0xce: {  	v1 =	vld.idx.msk [tilespmem:v1+s13+$0x0], $0xffff;
	_ =	sdelay $0x4  }
0xcf: {  	v3 =	vadd.f32 v2, v0  }
0xd0: {  	v1 =	vadd.f32 v1, v2  }
0xd1: {  	vm0 =	vge.f32 v3, $0.0e+00;
	v2 =	vmul.f32 $2.000000030e-01, v3  }
0xd2: {  	vm1 =	vge.f32 v1, $0.0e+00;
	v4 =	vmul.f32 $2.000000030e-01, v1  }
0xd3: {  	v2 =	vsel vm0, v3, v2  }
0xd4: {  	v1 =	vsel vm1, v1, v4  }
0xd5: {  	v1 =	vsub.f32 v1, v2;
	_ =	sdelay $0x1  }
0xd6: {  	v1 =	vmul.f32 $1.442695020e+00, v1;
	_ =	sdelay $0x1  }
0xd7: {  	(erf) = vpow2.f32 v1;
	_ =	sdelay $0x1  }
0xd8: {  	v1 =	vld [tilespmem:s20+$0x850]  }
0xd9: {  	v2 =	vld [tilespmem:s20+$0x50];
	_ =	sdelay $0x5  }
0xda: {  	v3 =	vpop (erf)  }
0xdb: {  	[tilespmem:s20+$0x1040] =	vst v3  }
0xdc: {  	v2 =	vld.idx.msk [tilespmem:v2+s11+$0x0], $0xffff  }
0xdd: {  	v1 =	vld.idx.msk [tilespmem:v1+s13+$0x0], $0xffff;
	_ =	sdelay $0x4  }
0xde: {  	v3 =	vadd.f32 v2, v0  }
0xdf: {  	v1 =	vadd.f32 v1, v2  }
0xe0: {  	vm0 =	vge.f32 v3, $0.0e+00;
	v2 =	vmul.f32 $2.000000030e-01, v3  }
0xe1: {  	vm1 =	vge.f32 v1, $0.0e+00;
	v4 =	vmul.f32 $2.000000030e-01, v1  }
0xe2: {  	v2 =	vsel vm0, v3, v2  }
0xe3: {  	v1 =	vsel vm1, v1, v4  }
0xe4: {  	v1 =	vsub.f32 v1, v2;
	_ =	sdelay $0x1  }
0xe5: {  	v1 =	vmul.f32 $1.442695020e+00, v1;
	_ =	sdelay $0x1  }
0xe6: {  	(erf) = vpow2.f32 v1;
	_ =	sdelay $0x1  }
0xe7: {  	v1 =	vld [tilespmem:s20+$0x860]  }
0xe8: {  	v2 =	vld [tilespmem:s20+$0x60];
	_ =	sdelay $0x5  }
0xe9: {  	v3 =	vpop (erf)  }
0xea: {  	[tilespmem:s20+$0x1050] =	vst v3  }
0xeb: {  	v2 =	vld.idx.msk [tilespmem:v2+s11+$0x0], $0xffff  }
0xec: {  	v1 =	vld.idx.msk [tilespmem:v1+s13+$0x0], $0xffff;
	_ =	sdelay $0x4  }
0xed: {  	v3 =	vadd.f32 v2, v0  }
0xee: {  	v1 =	vadd.f32 v1, v2  }
0xef: {  	vm0 =	vge.f32 v3, $0.0e+00;
	v2 =	vmul.f32 $2.000000030e-01, v3  }
0xf0: {  	vm1 =	vge.f32 v1, $0.0e+00;
	v4 =	vmul.f32 $2.000000030e-01, v1  }
0xf1: {  	v2 =	vsel vm0, v3, v2  }
0xf2: {  	v1 =	vsel vm1, v1, v4  }
0xf3: {  	v1 =	vsub.f32 v1, v2;
	_ =	sdelay $0x1  }
0xf4: {  	v1 =	vmul.f32 $1.442695020e+00, v1;
	_ =	sdelay $0x1  }
0xf5: {  	(erf) = vpow2.f32 v1;
	_ =	sdelay $0x1  }
0xf6: {  	v1 =	vld [tilespmem:s20+$0x870]  }
0xf7: {  	v2 =	vld [tilespmem:s20+$0x70];
	_ =	sdelay $0x5  }
0xf8: {  	v3 =	vpop (erf)  }
0xf9: {  	[tilespmem:s20+$0x1060] =	vst v3  }
0xfa: {  	v2 =	vld.idx.msk [tilespmem:v2+s11+$0x0], $0xffff  }
0xfb: {  	v1 =	vld.idx.msk [tilespmem:v1+s13+$0x0], $0xffff;
	_ =	sdelay $0x4  }
0xfc: {  	v3 =	vadd.f32 v2, v0  }
0xfd: {  	v1 =	vadd.f32 v1, v2  }
0xfe: {  	vm0 =	vge.f32 v3, $0.0e+00;
	v2 =	vmul.f32 $2.000000030e-01, v3  }
0xff: {  	vm1 =	vge.f32 v1, $0.0e+00;
	v4 =	vmul.f32 $2.000000030e-01, v1  }
0x100: {  	v2 =	vsel vm0, v3, v2  }
0x101: {  	v1 =	vsel vm1, v1, v4  }
.Ltmp0:
0x102: {  	v1 =	vsub.f32 v1, v2;
	(pc) =	sbr.rel @p0 .LBB2_3-.Ltmp0, $3  }
0x103: {  	_ = 	snop  }
0x104: {  	v1 =	vmul.f32 $1.442695020e+00, v1;
	_ =	sdelay $0x1  }
0x105: {  	(erf) = vpow2.f32 v1  }
0x106: {  	_ = 	snop  }
0x107: {  	s21 =	sshra.s32 s21, $0x2  }
0x108: {  	v1 =	vld [tilespmem:s21+$0x0]  }
0x109: {  	v2 =	vld [tilespmem:s21+$0x800];
	_ =	sdelay $0x4  }
0x10a: {  	v3 =	vpop (erf)  }
0x10b: {  	[tilespmem:s20+$0x1070] =	vst v3  }
0x10c: {  	v1 =	vld.idx.msk [tilespmem:v1+s11+$0x0], $0xffff  }
0x10d: {  	v2 =	vld.idx.msk [tilespmem:v2+s13+$0x0], $0xffff;
	_ =	sdelay $0x4  }
0x10e: {  	v3 =	vadd.f32 v1, v0;
	v1 =	vadd.f32 v2, v1;
	_ =	sdelay $0x1  }
0x10f: {  	v2 =	vmul.f32 $2.000000030e-01, v3;
	v4 =	vmul.f32 $2.000000030e-01, v1  }
0x110: {  	vm0 =	vge.f32 v1, $0.0e+00;
	vm1 =	vge.f32 v3, $0.0e+00  }
0x111: {  	v2 =	vsel vm1, v3, v2;
	v1 =	vsel vm0, v1, v4  }
0x112: {  	v1 =	vsub.f32 v1, v2;
	_ =	sdelay $0x1  }
0x113: {  	v1 =	vmul.f32 $1.442695020e+00, v1;
	_ =	sdelay $0x1  }
0x114: {  	(erf) = vpow2.f32 v1;
	_ =	sdelay $0x2  }
0x115: {  	v1 =	vld [tilespmem:s21+$0x10]  }
0x116: {  	v2 =	vld [tilespmem:s21+$0x810];
	_ =	sdelay $0x4  }
0x117: {  	v3 =	vpop (erf)  }
0x118: {  	[tilespmem:s21+$0x1000] =	vst v3  }
0x119: {  	v1 =	vld.idx.msk [tilespmem:v1+s11+$0x0], $0xffff  }
0x11a: {  	v2 =	vld.idx.msk [tilespmem:v2+s13+$0x0], $0xffff;
	_ =	sdelay $0x4  }
0x11b: {  	v3 =	vadd.f32 v1, v0;
	v1 =	vadd.f32 v2, v1;
	_ =	sdelay $0x1  }
0x11c: {  	v2 =	vmul.f32 $2.000000030e-01, v3;
	v57 =	vmul.f32 $2.000000030e-01, v1  }
0x11d: {  	vm14 =	vge.f32 v3, $0.0e+00;
	vm15 =	vge.f32 v1, $0.0e+00  }
0x11e: {  	v2 =	vsel vm14, v3, v2;
	v1 =	vsel vm15, v1, v57  }
0x11f: {  	v1 =	vsub.f32 v1, v2;
	_ =	sdelay $0x1  }
0x120: {  	v1 =	vmul.f32 $1.442695020e+00, v1;
	_ =	sdelay $0x1  }
0x121: {  	(erf) = vpow2.f32 v1;
	_ =	sdelay $0x2  }
0x122: {  	v1 =	vld [tilespmem:s21+$0x20]  }
0x123: {  	v2 =	vld [tilespmem:s21+$0x820];
	_ =	sdelay $0x4  }
0x124: {  	v3 =	vpop (erf)  }
0x125: {  	[tilespmem:s21+$0x1010] =	vst v3  }
0x126: {  	v1 =	vld.idx.msk [tilespmem:v1+s11+$0x0], $0xffff  }
0x127: {  	v2 =	vld.idx.msk [tilespmem:v2+s13+$0x0], $0xffff;
	_ =	sdelay $0x4  }
0x128: {  	v3 =	vadd.f32 v1, v0;
	v1 =	vadd.f32 v2, v1;
	_ =	sdelay $0x1  }
0x129: {  	v2 =	vmul.f32 $2.000000030e-01, v3;
	v58 =	vmul.f32 $2.000000030e-01, v1  }
0x12a: {  	vm4 =	vge.f32 v3, $0.0e+00;
	vm5 =	vge.f32 v1, $0.0e+00  }
0x12b: {  	v2 =	vsel vm4, v3, v2;
	v1 =	vsel vm5, v1, v58  }
0x12c: {  	v1 =	vsub.f32 v1, v2;
	_ =	sdelay $0x1  }
0x12d: {  	v1 =	vmul.f32 $1.442695020e+00, v1;
	_ =	sdelay $0x1  }
0x12e: {  	(erf) = vpow2.f32 v1;
	_ =	sdelay $0x2  }
0x12f: {  	v1 =	vld [tilespmem:s21+$0x30]  }
0x130: {  	v2 =	vld [tilespmem:s21+$0x830];
	_ =	sdelay $0x4  }
0x131: {  	v3 =	vpop (erf)  }
0x132: {  	[tilespmem:s21+$0x1020] =	vst v3  }
0x133: {  	v1 =	vld.idx.msk [tilespmem:v1+s11+$0x0], $0xffff  }
0x134: {  	v2 =	vld.idx.msk [tilespmem:v2+s13+$0x0], $0xffff;
	_ =	sdelay $0x4  }
0x135: {  	v3 =	vadd.f32 v1, v0;
	v1 =	vadd.f32 v2, v1;
	_ =	sdelay $0x1  }
0x136: {  	v2 =	vmul.f32 $2.000000030e-01, v3;
	v59 =	vmul.f32 $2.000000030e-01, v1  }
0x137: {  	vm6 =	vge.f32 v3, $0.0e+00;
	vm7 =	vge.f32 v1, $0.0e+00  }
0x138: {  	v2 =	vsel vm6, v3, v2;
	v1 =	vsel vm7, v1, v59  }
0x139: {  	v1 =	vsub.f32 v1, v2;
	_ =	sdelay $0x1  }
0x13a: {  	v1 =	vmul.f32 $1.442695020e+00, v1;
	_ =	sdelay $0x1  }
0x13b: {  	(erf) = vpow2.f32 v1;
	_ =	sdelay $0x2  }
0x13c: {  	v1 =	vld [tilespmem:s21+$0x40]  }
0x13d: {  	v2 =	vld [tilespmem:s21+$0x840];
	_ =	sdelay $0x4  }
0x13e: {  	v3 =	vpop (erf)  }
0x13f: {  	[tilespmem:s21+$0x1030] =	vst v3  }
0x140: {  	v1 =	vld.idx.msk [tilespmem:v1+s11+$0x0], $0xffff  }
0x141: {  	v2 =	vld.idx.msk [tilespmem:v2+s13+$0x0], $0xffff;
	_ =	sdelay $0x4  }
0x142: {  	v3 =	vadd.f32 v1, v0;
	v1 =	vadd.f32 v2, v1;
	_ =	sdelay $0x1  }
0x143: {  	v2 =	vmul.f32 $2.000000030e-01, v3;
	v60 =	vmul.f32 $2.000000030e-01, v1  }
0x144: {  	vm8 =	vge.f32 v3, $0.0e+00;
	vm9 =	vge.f32 v1, $0.0e+00  }
0x145: {  	v2 =	vsel vm8, v3, v2;
	v1 =	vsel vm9, v1, v60  }
0x146: {  	v1 =	vsub.f32 v1, v2;
	_ =	sdelay $0x1  }
0x147: {  	v1 =	vmul.f32 $1.442695020e+00, v1;
	_ =	sdelay $0x1  }
0x148: {  	(erf) = vpow2.f32 v1;
	_ =	sdelay $0x2  }
0x149: {  	v1 =	vld [tilespmem:s21+$0x50]  }
0x14a: {  	v2 =	vld [tilespmem:s21+$0x850];
	_ =	sdelay $0x4  }
0x14b: {  	v3 =	vpop (erf)  }
0x14c: {  	[tilespmem:s21+$0x1040] =	vst v3  }
0x14d: {  	v1 =	vld.idx.msk [tilespmem:v1+s11+$0x0], $0xffff  }
0x14e: {  	v2 =	vld.idx.msk [tilespmem:v2+s13+$0x0], $0xffff;
	_ =	sdelay $0x4  }
0x14f: {  	v3 =	vadd.f32 v1, v0;
	v1 =	vadd.f32 v2, v1;
	_ =	sdelay $0x1  }
0x150: {  	v2 =	vmul.f32 $2.000000030e-01, v3;
	v61 =	vmul.f32 $2.000000030e-01, v1  }
0x151: {  	vm10 =	vge.f32 v3, $0.0e+00;
	vm11 =	vge.f32 v1, $0.0e+00  }
0x152: {  	v2 =	vsel vm10, v3, v2;
	v1 =	vsel vm11, v1, v61  }
0x153: {  	v1 =	vsub.f32 v1, v2;
	_ =	sdelay $0x1  }
0x154: {  	v1 =	vmul.f32 $1.442695020e+00, v1;
	_ =	sdelay $0x1  }
0x155: {  	(erf) = vpow2.f32 v1;
	_ =	sdelay $0x2  }
0x156: {  	v1 =	vld [tilespmem:s21+$0x60]  }
0x157: {  	v2 =	vld [tilespmem:s21+$0x860];
	_ =	sdelay $0x4  }
0x158: {  	v3 =	vpop (erf)  }
0x159: {  	[tilespmem:s21+$0x1050] =	vst v3  }
0x15a: {  	v1 =	vld.idx.msk [tilespmem:v1+s11+$0x0], $0xffff  }
0x15b: {  	v2 =	vld.idx.msk [tilespmem:v2+s13+$0x0], $0xffff;
	_ =	sdelay $0x4  }
0x15c: {  	v3 =	vadd.f32 v1, v0;
	v1 =	vadd.f32 v2, v1;
	_ =	sdelay $0x1  }
0x15d: {  	v2 =	vmul.f32 $2.000000030e-01, v3;
	v62 =	vmul.f32 $2.000000030e-01, v1  }
0x15e: {  	vm12 =	vge.f32 v3, $0.0e+00;
	vm13 =	vge.f32 v1, $0.0e+00  }
0x15f: {  	v2 =	vsel vm12, v3, v2;
	v1 =	vsel vm13, v1, v62  }
0x160: {  	v1 =	vsub.f32 v1, v2;
	_ =	sdelay $0x1  }
0x161: {  	v1 =	vmul.f32 $1.442695020e+00, v1;
	_ =	sdelay $0x1  }
0x162: {  	(erf) = vpow2.f32 v1;
	_ =	sdelay $0x2  }
0x163: {  	v1 =	vld [tilespmem:s21+$0x70]  }
0x164: {  	v2 =	vld [tilespmem:s21+$0x870];
	_ =	sdelay $0x4  }
0x165: {  	v3 =	vpop (erf)  }
0x166: {  	[tilespmem:s21+$0x1060] =	vst v3  }
0x167: {  	v1 =	vld.idx.msk [tilespmem:v1+s11+$0x0], $0xffff  }
0x168: {  	v2 =	vld.idx.msk [tilespmem:v2+s13+$0x0], $0xffff;
	_ =	sdelay $0x4  }
0x169: {  	v3 =	vadd.f32 v1, v0;
	v1 =	vadd.f32 v2, v1;
	_ =	sdelay $0x1  }
0x16a: {  	v2 =	vmul.f32 $2.000000030e-01, v3;
	v63 =	vmul.f32 $2.000000030e-01, v1  }
0x16b: {  	vm14 =	vge.f32 v3, $0.0e+00;
	vm15 =	vge.f32 v1, $0.0e+00  }
0x16c: {  	v2 =	vsel vm14, v3, v2;
	v1 =	vsel vm15, v1, v63  }
0x16d: {  	v1 =	vsub.f32 v1, v2;
	_ =	sdelay $0x1  }
0x16e: {  	v1 =	vmul.f32 $1.442695020e+00, v1;
	_ =	sdelay $0x1  }
0x16f: {  	(erf) = vpow2.f32 v1;
	_ =	sdelay $0x7  }
0x170: {  	s18 =	sadd.s32 $0x1, s18  }
0x171: {  	p0 =	sne.s32 s18, $0x5;
	v1 =	vpop (erf)  }
.Ltmp1:
0x172: {  	s19 =	sadd.s32 s8, s19;
	[tilespmem:s21+$0x1070] =	vst v1;
	(pc) =	sbr.rel @p0 .LBB2_2-.Ltmp1, $4  }
0x173: {  	[hbm4b:s19+s2] =	stream.linear.scatter [tilespmem:s16], [sflag:$0x1], $0x800, $0x38;
	[tilespmem:$0x6780] =	vst v63  }
0x174: {  	_ =	swait.ge [sflag:s12], $0x800  }
0x175: {  	[sflag:s12] =	ssyncset.done $0x0  }
0x176: {  	[sflag:s12] =	ssyncadd.s32 $0xFFFFF800  }
0x177: {  	s17 =	sadd.s32 $0x1, s17  }
0x178: {  	p0 =	sne.s32 s17, s10  }
.Ltmp2:
0x179: {  	_ = 	snop;
	(pc) =	sbr.rel @p0 .LBB2_1-.Ltmp2, $1  }
0x17a: {  	_ =	sdelay $0x3  }
0x17b: {  	_ =	sfence.sel $0x180000  }
0x17c: {  	[bflag:$0x0] =	sbarrier.arrive $0xFFFF  }
0x17d: {  	p0 =	sne.s32 s5, $0x0;
	_ =	strace $0x90000056  }
0x17e: {  	s0 =	sadd.s32 @!p0 $0x100000, s0;
	[bflag:$0x2] =	sbarrier.arrive $0xFFFF  }
0x17f: {  	[sflag:s0] =	ssyncadd.tile.s32 @!p0 $0x1;
	_ =	shalt  }
.Lfunc_end2:
_tile_overlayer_lowered:
.L_overlay_start_2:
0x180: {  	(tag) =	ssettag $0x2  }
0x181: {  	s0 =	rddreg [dreg:$0x0];
	s2 =	stileid.u32  }
0x182: {  	s1 =	rddreg [dreg:$0x1];
	p0 =	sne.s32 s2, $0x0  }
0x183: {  	s3 =	rddreg [dreg:$0x2];
	[bflag:$0x3] =	sbarrier.arrive $0xFFFF;
	s2 =	simm.s32 @!p0 $0x1C01  }
0x184: {  	[timem:s3], [sflag:s2] =	dma.local @!p0 [hbm:s0], s1  }
0x185: {  	s0 =	simm.s32 @!p0 $0x1  }
0x186: {  	_ =	swait.ge @!p0 [sflag:s0], s1  }
0x187: {  	s1 =	ssub.s32 @!p0 $0x0, s1;
	[sflag:s0] =	ssyncset.done @!p0 $0x0  }
0x188: {  	[sflag:s0] =	ssyncadd.s32 @!p0 s1  }
0x189: {  	[bflag:$0x3] =	sbarrier.arrive $0xFFFF  }
0x18a: {  	_ =	shalt  }

// kernel: kernel.7.cloned.1.call-start
scs
__scs_entry_jumppad:
0x0: {  	(pc) =	sbr.rel $0x88, $3  }
0x1: {  	(tag) =	ssettag $0x0;
	lr =	simm.s32 $0x1  }
0x2: {  	[smem:$0x3F99] =	sst lr;
	_ =	strace $0xD0000000  }
0x3: {  	_ = 	snop  }
0x4: {  	_ = 	snop  }
0x5: {  	_ = 	snop  }
0x6: {  	_ = 	snop  }
0x7: {  	_ = 	snop  }
__scs_overlays_trampoline_lowered:
0x8: {  	[smem:$0x3FA8] =	sst s0  }
0x9: {  	[smem:$0x3FA9] =	sst s1  }
0xa: {  	[smem:$0x3FAA] =	sst s2  }
0xb: {  	[smem:$0x3FAB] =	sst s3  }
0xc: {  	[smem:$0x3FAC] =	sst s4  }
0xd: {  	[smem:$0x3FAD] =	sst s5  }
0xe: {  	[smem:$0x3FAE] =	sst s6  }
0xf: {  	[smem:$0x3FAF] =	sst s7  }
0x10: {  	[smem:$0x3FB0] =	sst s8  }
0x11: {  	[smem:$0x3FB1] =	sst s9;
	s0 =	simm.s32 @!p0 $0x0  }
0x12: {  	s1 =	sld [smem:$0x3F97];
	s0 =	simm.s32 @p0 $0x1  }
0x13: {  	[smem:$0x3FB2] =	sst s0;
	s0 =	simm.s32 @!p1 $0x0  }
0x14: {  	s2 =	sld [smem:$0x3F96];
	s0 =	simm.s32 @p1 $0x1  }
0x15: {  	[smem:$0x3FB3] =	sst s0;
	s0 =	simm.s32 @!p2 $0x0  }
0x16: {  	s3 =	sld [smem:$0x3FDB];
	s0 =	simm.s32 @p2 $0x1  }
0x17: {  	s4 =	simm.s32 $0x1BF5;
	[smem:$0x3FB5] =	sst s0  }
0x18: {  	s0 =	sld [smem:$0x3F98];
	_ =	swait.ge [sflag:s4], $0x0  }
0x19: {  	s7 =	sld [smem:$0x3F99]  }
0x1a: {  	s8 =	sadd.s32 $0xFFFFE003, lr  }
0x1b: {  	s9 =	sadd.s32 $0xFFFFFEF7, lr;
	s5 =	simm.s32 $0xFFFFFFFF;
	p2 =	slt.u32 s8, $0xFFFFF086  }
0x1c: {  	p1 =	slt.u32 s9, $0xF7A;
	s5 =	simm.s32 @!p2 $0x0  }
0x1d: {  	s5 =	simm.s32 @p1 $0x1;
	p0 =	seq.s32 s7, s2  }
0x1e: {  	s7 =	smul.u32 @!p0 $0xF7A, s2;
	p2 =	seq.s32 @!p0 s5, $0x0  }
0x1f: {  	s9 =	smul.u32 $0xF7A, s1;
	s8 =	simm.s32 @!p0 $0x1BF5;
	p2 =	por !p2, p0  }
0x20: {  	[sflag:s8] =	ssyncset.s32 @!p0 $0xFFFFF086;
	s6 =	sadd.s32 @!p0 s3, s7;
	s7 =	simm.s32 @!p0 $0x108  }
0x21: {  	s3 =	sadd.s32 s3, s9;
	s6 =	sadd.s32 @!p0 $0x88, s6;
	s7 =	simm.s32 @p2 $0x1082  }
0x22: {  	[simem:s7], [sflag:s8] =	dma.local @!p0 [hbm:s6], $0xF7A  }
0x23: {  	s9 =	sor.u32 $0xD0000000, s2;
	s6 =	simm.s32 $0x108;
	_ =	swait.ge @!p0 [sflag:s8], $0x0  }
0x24: {  	s3 =	sadd.s32 $0x88, s3;
	s6 =	simm.s32 @!p1 $0x1082;
	[sflag:s4] =	ssyncset.s32 $0xFFFFF086  }
0x25: {  	[simem:s6], [sflag:s4] =	dma.local [hbm:s3], $0xF7A  }
0x26: {  	[smem:$0x3F99] =	sst s1;
	(tag) =	ssettag s2;
	_ =	strace s9  }
0x27: {  	s1 =	sld [smem:$0x3FA9]  }
0x28: {  	s2 =	sld [smem:$0x3FAA]  }
0x29: {  	s4 =	sld [smem:$0x3FAC]  }
0x2a: {  	p0 =	seq.s32 s5, $0x0;
	s5 =	sld [smem:$0x3FAD]  }
0x2b: {  	s6 =	sld [smem:$0x3FAE]  }
0x2c: {  	s7 =	sld [smem:$0x3FAF]  }
0x2d: {  	s3 =	simm.s32 $0x108;
	s8 =	sld [smem:$0x3FB0]  }
0x2e: {  	s3 =	simm.s32 @!p0 $0x1082;
	s9 =	sld [smem:$0x3FB1]  }
0x2f: {  	lr =	sadd.s32 s0, s3;
	s0 =	sld [smem:$0x3FA8]  }
0x30: {  	s3 =	sld [smem:$0x3FAB]  }
0x31: {  	[smem:$0x3FB4] =	sst s10  }
0x32: {  	s10 =	sld [smem:$0x3FB2];
	_ =	sdelay $0x3  }
0x33: {  	p0 =	seq.s32 s10, $0x1;
	s10 =	sld [smem:$0x3FB4];
	_ =	sdelay $0x3  }
0x34: {  	[smem:$0x3FB4] =	sst s10  }
0x35: {  	s10 =	sld [smem:$0x3FB3];
	_ =	sdelay $0x3  }
0x36: {  	p1 =	seq.s32 s10, $0x1;
	s10 =	sld [smem:$0x3FB4];
	_ =	sdelay $0x3  }
0x37: {  	[smem:$0x3FB4] =	sst s10  }
0x38: {  	s10 =	sld [smem:$0x3FB5]  }
0x39: {  	_ = 	snop;
	(pc) =	sbr.ind lr, $3  }
0x3a: {  	_ = 	snop  }
0x3b: {  	_ = 	snop  }
0x3c: {  	p2 =	seq.s32 s10, $0x1;
	s10 =	sld [smem:$0x3FB4]  }
0x3d: {  	_ =	shalt  }
0x3e: {  	_ =	shalt  }
0x3f: {  	_ =	shalt  }
0x40: {  	_ =	shalt  }
0x41: {  	_ =	shalt  }
0x42: {  	_ =	shalt  }
0x43: {  	_ =	shalt  }
0x44: {  	_ =	shalt  }
0x45: {  	_ =	shalt  }
0x46: {  	_ =	shalt  }
0x47: {  	_ =	shalt  }
0x48: {  	_ =	shalt  }
0x49: {  	_ =	shalt  }
0x4a: {  	_ =	shalt  }
0x4b: {  	_ =	shalt  }
0x4c: {  	_ =	shalt  }
0x4d: {  	_ =	shalt  }
0x4e: {  	_ =	shalt  }
0x4f: {  	_ =	shalt  }
0x50: {  	_ =	shalt  }
0x51: {  	_ =	shalt  }
0x52: {  	_ =	shalt  }
0x53: {  	_ =	shalt  }
0x54: {  	_ =	shalt  }
0x55: {  	_ =	shalt  }
0x56: {  	_ =	shalt  }
0x57: {  	_ =	shalt  }
0x58: {  	_ =	shalt  }
0x59: {  	_ =	shalt  }
0x5a: {  	_ =	shalt  }
0x5b: {  	_ =	shalt  }
0x5c: {  	_ =	shalt  }
0x5d: {  	_ =	shalt  }
0x5e: {  	_ =	shalt  }
0x5f: {  	_ =	shalt  }
0x60: {  	_ =	shalt  }
0x61: {  	_ =	shalt  }
0x62: {  	_ =	shalt  }
0x63: {  	_ =	shalt  }
0x64: {  	_ =	shalt  }
0x65: {  	_ =	shalt  }
0x66: {  	_ =	shalt  }
0x67: {  	_ =	shalt  }
0x68: {  	_ =	shalt  }
0x69: {  	_ =	shalt  }
0x6a: {  	_ =	shalt  }
0x6b: {  	_ =	shalt  }
0x6c: {  	_ =	shalt  }
0x6d: {  	_ =	shalt  }
0x6e: {  	_ =	shalt  }
0x6f: {  	_ =	shalt  }
0x70: {  	_ =	shalt  }
0x71: {  	_ =	shalt  }
0x72: {  	_ =	shalt  }
0x73: {  	_ =	shalt  }
0x74: {  	_ =	shalt  }
0x75: {  	_ =	shalt  }
0x76: {  	_ =	shalt  }
0x77: {  	_ =	shalt  }
0x78: {  	_ =	shalt  }
0x79: {  	_ =	shalt  }
0x7a: {  	_ =	shalt  }
0x7b: {  	_ =	shalt  }
0x7c: {  	_ =	shalt  }
0x7d: {  	_ =	shalt  }
0x7e: {  	_ =	shalt  }
0x7f: {  	_ =	shalt  }
0x80: {  	_ =	shalt  }
0x81: {  	_ =	shalt  }
0x82: {  	_ =	shalt  }
0x83: {  	_ =	shalt  }
0x84: {  	_ =	shalt  }
0x85: {  	_ =	shalt  }
0x86: {  	_ =	shalt  }
0x87: {  	_ =	shalt  }
.Lfunc_end0:
.L_simem_size_0:
called_computation.4_lowered:
.L_overlay_start_0:
0x88: {  	s2 =	sld [smem:$0x3FD9]  }
0x89: {  	s3 =	sld [smem:$0x3FFE];
	_ =	sdelay $0x1  }
0x8a: {  	s1 =	srdreg.scid  }
0x8b: {  	s0 =	sand.u32 $0x1, s1  }
0x8c: {  	s17 =	sshll.u32 s0, $0xA;
	s2 =	sadd.s32 s3, s2  }
0x8d: {  	s2 =	sadd.s32 s2, s17  }
0x8e: {  	[smem:$0x3FC0] =	sst s2  }
0x8f: {  	_ = 	snop  }
0x90: {  	s2 =	sld [smem:$0x3FD0];
	(tm) =	ssettm $0x1  }
0x91: {  	s18 =	sld [smem:$0x3FFB];
	_ =	sdelay $0x3  }
0x92: {  	_ =	strace s18  }
0x93: {  	s3 =	sld [smem:$0x3FFC];
	_ =	sdelay $0x3  }
0x94: {  	_ =	strace s3  }
0x95: {  	s3 =	sld [smem:$0x3FFD];
	_ =	sdelay $0x3  }
0x96: {  	_ =	strace s3  }
0x97: {  	_ =	strace $0x8FFFFFFF  }
0x98: {  	s19 =	sld [smem:$0x3FDB];
	_ =	sdelay $0x1  }
0x99: {  	s4 =	simm.s32 $_scs_section_size  }
0x9a: {  	s5 =	simm.s32 $_size__tile_overlayer_lowered;
	s6 =	simm.s32 $_tile_overlayer_lowered  }
0x9b: {  	s22 =	simm.s32 $0x1BFF;
	s21 =	sshll.u32 s6, $0x1;
	s3 =	sadd.s32 s4, s19  }
0x9c: {  	s7 =	simm.s32 $0x0;
	s20 =	sshll.u32 s5, $0x1;
	s5 =	sadd.s32 s21, s3  }
0x9d: {  	[timem:s7], [sflag:s22] =	dma.local [hbm:s5], s20  }
0x9e: {  	_ =	swait.ge [sflag:s22], s20  }
0x9f: {  	s4 =	ssub.s32 $0x0, s20;
	[sflag:s22] =	ssyncset.done $0x0  }
0xa0: {  	[sflag:s22] =	ssyncadd.s32 s4;
	_ =	sdelay $0x1  }
0xa1: {  	s23 =	simm.s32 $0x1B8B  }
0xa2: {  	_ =	swait.ge [sflag:s23], $0x1  }
0xa3: {  	[sflag:s23] =	ssyncset.done $0x0  }
0xa4: {  	s25 =	simm.s32 $0x1B8E;
	s24 =	sld [smem:$0x3FFE];
	[sflag:s23] =	ssyncadd.s32 $0xFFFFFFFF  }
0xa5: {  	s26 =	simm.s32 $execute0_lowered;
	[smem:$0x3FD2] =	sst s25  }
0xa6: {  	s5 =	sshll.u32 s26, $0x1;
	_ =	strace $0x80000046;
	[dreg:$0x1] =	wrdreg $0xFFFFFFFF  }
0xa7: {  	s28 =	simm.s32 $_size_execute0_lowered;
	s3 =	sadd.s32 s3, s5;
	[dreg:$0x0] =	wrdreg $0x0  }
0xa8: {  	s5 =	sshll.u32 s28, $0x1;
	[dreg:$0x2] =	wrdreg s3  }
0xa9: {  	[dreg:$0x3] =	wrdreg s5  }
0xaa: {  	[dreg:$0x4] =	wrdreg $0xC0  }
0xab: {  	_ =	task [dreg:s7], $0x5FFFF  }
0xac: {  	[dreg:$0x1] =	wrdreg $0xFFFFFFFF  }
0xad: {  	[dreg:$0x0] =	wrdreg $0x60  }
0xae: {  	[dreg:$0x2] =	wrdreg s24  }
0xaf: {  	[dreg:$0x3] =	wrdreg s2  }
0xb0: {  	[dreg:$0x4] =	wrdreg $0x9  }
0xb1: {  	_ =	task.clear_ibuf [dreg:s7], $0x5FFFF;
	_ =	strace $0x90000046  }
0xb2: {  	s29 =	simm.s32 $0x9;
	_ =	strace $0x80000048  }
0xb3: {  	_ =	swait.ge [sflag:s29], $0x1  }
0xb4: {  	[sflag:s29] =	ssyncadd.s32 $0xFFFFFFFF  }
0xb5: {  	_ =	strace $0x90000048  }
0xb6: {  	_ =	sfence  }
0xb7: {  	s30 =	sld [smem:$0x0];
	_ =	sdelay $0x2  }
0xb8: {  	s31 =	sshll.u32 s1, $0xD;
	s1 =	sshrl.u32 s1, $0x2  }
0xb9: {  	s3 =	sand.u32 $0x4000, s31;
	s1 =	sadd.s32 s1, s30  }
0xba: {  	s0 =	sor.u32 s3, s0;
	s1 =	sshll.u32 s1, $0x11  }
0xbb: {  	s0 =	sor.u32 s1, s0  }
0xbc: {  	s0 =	sadd.s32 $0x8F2B, s0  }
0xbd: {  	[sflag:s0] =	ssyncadd.remote.s32 $0x1  }
0xbe: {  	_ =	sfence.sel $0xFFFF  }
0xbf: {  	[dreg:$0x0] =	wrdreg $0xFFFFFFFF;
	(pc) =	sbr.abs _section_cstart, $3  }
0xc0: {  	[dreg:$0x1] =	wrdreg $0xFFFFFFFF  }
0xc1: {  	_ =	task.clear_ibuf [dreg:s7], $0x2FFFF;
	_ =	strace $0x9FFFFFFF  }
0xc2: {  	(tm) =	ssettm $0x7FFFFFFF  }
0xc3: {  	_ =	shalt  }
tec
execute0_lowered:
.L_overlay_start_1:
0x0: {  	(tag) =	ssettag $0x1  }
0x1: {  	s1 =	rddreg [dreg:$0x0]  }
0x2: {  	s2 =	rddreg [dreg:$0x1]  }
0x3: {  	s0 =	rddreg [dreg:$0x2]  }
0x4: {  	s3 =	simm.s32 $0x0;
	s5 =	srdreg.scid;
	s12 =	simm.s32 $0x1  }
0x5: {  	s13 =	simm.s32 $0x3F80;
	s14 =	simm.s32 $0x6700;
	s15 =	simm.s32 $0x800  }
0x6: {  	s16 =	simm.s32 $0x1000;
	s17 =	simm.s32 $0x0;
	[smem:$0x7FF] =	sst s3  }
0x7: {  	s4 =	sadd.s32 $0x600, s1;
	s8 =	sand.u32 $0x1, s5;
	s6 =	sadd.s32 $0x1EC00, s1  }
0x8: {  	s7 =	sadd.s32 $0xC00, s1;
	s5 =	stileid.u32;
	s9 =	ssub.s32 $0x2, s8  }
0x9: {  	_ =	strace $0x80000047;
	s11 =	sshll.u32 s8, $0x4;
	s10 =	sshrl.u32 s9, $0x1  }
0xa: {  	s8 =	sadd.s32 $0x1EE00, s1;
	s31 =	sor.u32 s5, s11;
	s10 =	ssub.s32 s9, s10  }
0xb: {  	s11 =	simm.s32 $0x1800;
	s9 =	smul.u32 $0x2800, s31;
	s10 =	smax.u32 s10, $0x1  }
.LBB2_1:
0xc: {  	[tilespmem:s11], [sflag:$0x1] =	stream.linear.gather [hbm4b:s1+s3], $0x2780, $0x38;
	[tilespmem:$0x6780] =	vst v63  }
0xd: {  	_ =	swait.ge [sflag:s12], $0x2780  }
0xe: {  	[sflag:s12] =	ssyncset.done $0x0  }
0xf: {  	[sflag:s12] =	ssyncadd.s32 $0xFFFFD880  }
0x10: {  	[tilespmem:s13], [sflag:$0x1] =	stream.linear.gather [hbm4b:s4+s3], $0x2780, $0x38;
	[tilespmem:$0x6780] =	vst v63  }
0x11: {  	_ =	swait.ge [sflag:s12], $0x2780  }
0x12: {  	[sflag:s12] =	ssyncset.done $0x0  }
0x13: {  	[sflag:s12] =	ssyncadd.s32 $0xFFFFD880  }
0x14: {  	[tilespmem:s14], [sflag:$0x1] =	stream.linear.gather [hbm4b:s6+s3], $0x80, $0x38;
	[tilespmem:$0x6780] =	vst v63  }
0x15: {  	_ =	swait.ge [sflag:s12], $0x80  }
0x16: {  	[sflag:s12] =	ssyncset.done $0x0  }
0x17: {  	[sflag:s12] =	ssyncadd.s32 $0xFFFFFF80  }
0x18: {  	s18 =	simm.s32 $0x0;
	v0 =	vld [tilespmem:$0x6700]  }
.LBB2_2:
0x19: {  	s19 =	sshll.u32 s18, $0xB  }
0x1a: {  	s19 =	sadd.s32 s9, s19  }
0x1b: {  	s19 =	sshrl.u32 s19, $0x3  }
0x1c: {  	s21 =	simm.s32 $0x0;
	s20 =	sadd.s32 s7, s19  }
0x1d: {  	[tilespmem:s21], [sflag:$0x1] =	stream.linear.gather [hbm4b:s20+s21], $0x800, $0x38;
	[tilespmem:$0x6780] =	vst v63  }
0x1e: {  	_ =	swait.ge [sflag:s12], $0x800  }
0x1f: {  	[sflag:s12] =	ssyncset.done $0x0  }
0x20: {  	s31 =	sadd.s32 s2, s19;
	[sflag:s12] =	ssyncadd.s32 $0xFFFFF800  }
0x21: {  	[tilespmem:s15], [sflag:$0x1] =	stream.linear.gather [hbm4b:s31+s21], $0x800, $0x38;
	[tilespmem:$0x6780] =	vst v63  }
0x22: {  	_ =	swait.ge [sflag:s12], $0x800  }
0x23: {  	[sflag:s12] =	ssyncset.done $0x0  }
0x24: {  	s20 =	simm.s32 $0x0;
	[sflag:s12] =	ssyncadd.s32 $0xFFFFF800  }
0x25: {  	v1 =	vld [tilespmem:s20+$0x0]  }
0x26: {  	v2 =	vld [tilespmem:s20+$0x800];
	_ =	sdelay $0x6  }
0x27: {  	v1 =	vld.idx.msk [tilespmem:v1+s11+$0x0], $0xffff  }
0x28: {  	v2 =	vld.idx.msk [tilespmem:v2+s13+$0x0], $0xffff;
	_ =	sdelay $0x4  }
0x29: {  	v3 =	vadd.f32 v1, v0;
	v1 =	vadd.f32 v2, v1;
	_ =	sdelay $0x1  }
0x2a: {  	v2 =	vmul.f32 $2.000000030e-01, v3;
	v4 =	vmul.f32 $2.000000030e-01, v1  }
0x2b: {  	vm0 =	vge.f32 v1, $0.0e+00;
	vm1 =	vge.f32 v3, $0.0e+00  }
0x2c: {  	v2 =	vsel vm1, v3, v2;
	v1 =	vsel vm0, v1, v4  }
0x2d: {  	v1 =	vsub.f32 v1, v2;
	_ =	sdelay $0x1  }
0x2e: {  	v1 =	vmul.f32 $1.442695020e+00, v1;
	_ =	sdelay $0x1  }
0x2f: {  	(erf) = vpow2.f32 v1;
	_ =	sdelay $0x2  }
0x30: {  	v1 =	vld [tilespmem:s20+$0x10]  }
0x31: {  	v2 =	vld [tilespmem:s20+$0x810];
	_ =	sdelay $0x4  }
0x32: {  	v3 =	vpop (erf)  }
0x33: {  	[tilespmem:s20+$0x1000] =	vst v3  }
0x34: {  	v1 =	vld.idx.msk [tilespmem:v1+s11+$0x0], $0xffff  }
0x35: {  	v2 =	vld.idx.msk [tilespmem:v2+s13+$0x0], $0xffff;
	_ =	sdelay $0x4  }
0x36: {  	v3 =	vadd.f32 v1, v0;
	v1 =	vadd.f32 v2, v1;
	_ =	sdelay $0x1  }
0x37: {  	v2 =	vmul.f32 $2.000000030e-01, v3;
	v57 =	vmul.f32 $2.000000030e-01, v1  }
0x38: {  	vm14 =	vge.f32 v3, $0.0e+00;
	vm15 =	vge.f32 v1, $0.0e+00  }
0x39: {  	v2 =	vsel vm14, v3, v2;
	v1 =	vsel vm15, v1, v57  }
0x3a: {  	v1 =	vsub.f32 v1, v2;
	_ =	sdelay $0x1  }
0x3b: {  	v1 =	vmul.f32 $1.442695020e+00, v1;
	_ =	sdelay $0x1  }
0x3c: {  	(erf) = vpow2.f32 v1;
	_ =	sdelay $0x2  }
0x3d: {  	v1 =	vld [tilespmem:s20+$0x20]  }
0x3e: {  	v2 =	vld [tilespmem:s20+$0x820];
	_ =	sdelay $0x4  }
0x3f: {  	v3 =	vpop (erf)  }
0x40: {  	[tilespmem:s20+$0x1010] =	vst v3  }
0x41: {  	v1 =	vld.idx.msk [tilespmem:v1+s11+$0x0], $0xffff  }
0x42: {  	v2 =	vld.idx.msk [tilespmem:v2+s13+$0x0], $0xffff;
	_ =	sdelay $0x4  }
0x43: {  	v3 =	vadd.f32 v1, v0;
	v1 =	vadd.f32 v2, v1;
	_ =	sdelay $0x1  }
0x44: {  	v2 =	vmul.f32 $2.000000030e-01, v3;
	v58 =	vmul.f32 $2.000000030e-01, v1  }
0x45: {  	vm4 =	vge.f32 v3, $0.0e+00;
	vm5 =	vge.f32 v1, $0.0e+00  }
0x46: {  	v2 =	vsel vm4, v3, v2;
	v1 =	vsel vm5, v1, v58  }
0x47: {  	v1 =	vsub.f32 v1, v2;
	_ =	sdelay $0x1  }
0x48: {  	v1 =	vmul.f32 $1.442695020e+00, v1;
	_ =	sdelay $0x1  }
0x49: {  	(erf) = vpow2.f32 v1;
	_ =	sdelay $0x2  }
0x4a: {  	v1 =	vld [tilespmem:s20+$0x30]  }
0x4b: {  	v2 =	vld [tilespmem:s20+$0x830];
	_ =	sdelay $0x4  }
0x4c: {  	v3 =	vpop (erf)  }
0x4d: {  	[tilespmem:s20+$0x1020] =	vst v3  }
0x4e: {  	v1 =	vld.idx.msk [tilespmem:v1+s11+$0x0], $0xffff  }
0x4f: {  	v2 =	vld.idx.msk [tilespmem:v2+s13+$0x0], $0xffff;
	_ =	sdelay $0x4  }
0x50: {  	v3 =	vadd.f32 v1, v0;
	v1 =	vadd.f32 v2, v1;
	_ =	sdelay $0x1  }
0x51: {  	v2 =	vmul.f32 $2.000000030e-01, v3;
	v59 =	vmul.f32 $2.000000030e-01, v1  }
0x52: {  	vm6 =	vge.f32 v3, $0.0e+00;
	vm7 =	vge.f32 v1, $0.0e+00  }
0x53: {  	v2 =	vsel vm6, v3, v2;
	v1 =	vsel vm7, v1, v59  }
0x54: {  	v1 =	vsub.f32 v1, v2;
	_ =	sdelay $0x1  }
0x55: {  	v1 =	vmul.f32 $1.442695020e+00, v1;
	_ =	sdelay $0x1  }
0x56: {  	(erf) = vpow2.f32 v1;
	_ =	sdelay $0x2  }
0x57: {  	v1 =	vld [tilespmem:s20+$0x40]  }
0x58: {  	v2 =	vld [tilespmem:s20+$0x840];
	_ =	sdelay $0x4  }
0x59: {  	v3 =	vpop (erf)  }
0x5a: {  	[tilespmem:s20+$0x1030] =	vst v3  }
0x5b: {  	v1 =	vld.idx.msk [tilespmem:v1+s11+$0x0], $0xffff  }
0x5c: {  	v2 =	vld.idx.msk [tilespmem:v2+s13+$0x0], $0xffff;
	_ =	sdelay $0x4  }
0x5d: {  	v3 =	vadd.f32 v1, v0;
	v1 =	vadd.f32 v2, v1;
	_ =	sdelay $0x1  }
0x5e: {  	v2 =	vmul.f32 $2.000000030e-01, v3;
	v60 =	vmul.f32 $2.000000030e-01, v1  }
0x5f: {  	vm8 =	vge.f32 v3, $0.0e+00;
	vm9 =	vge.f32 v1, $0.0e+00  }
0x60: {  	v2 =	vsel vm8, v3, v2;
	v1 =	vsel vm9, v1, v60  }
0x61: {  	v1 =	vsub.f32 v1, v2;
	_ =	sdelay $0x1  }
0x62: {  	v1 =	vmul.f32 $1.442695020e+00, v1;
	_ =	sdelay $0x1  }
0x63: {  	(erf) = vpow2.f32 v1;
	_ =	sdelay $0x2  }
0x64: {  	v1 =	vld [tilespmem:s20+$0x50]  }
0x65: {  	v2 =	vld [tilespmem:s20+$0x850];
	_ =	sdelay $0x4  }
0x66: {  	v3 =	vpop (erf)  }
0x67: {  	[tilespmem:s20+$0x1040] =	vst v3  }
0x68: {  	v1 =	vld.idx.msk [tilespmem:v1+s11+$0x0], $0xffff  }
0x69: {  	v2 =	vld.idx.msk [tilespmem:v2+s13+$0x0], $0xffff;
	_ =	sdelay $0x4  }
0x6a: {  	v3 =	vadd.f32 v1, v0;
	v1 =	vadd.f32 v2, v1;
	_ =	sdelay $0x1  }
0x6b: {  	v2 =	vmul.f32 $2.000000030e-01, v3;
	v61 =	vmul.f32 $2.000000030e-01, v1  }
0x6c: {  	vm10 =	vge.f32 v3, $0.0e+00;
	vm11 =	vge.f32 v1, $0.0e+00  }
0x6d: {  	v2 =	vsel vm10, v3, v2;
	v1 =	vsel vm11, v1, v61  }
0x6e: {  	v1 =	vsub.f32 v1, v2;
	_ =	sdelay $0x1  }
0x6f: {  	v1 =	vmul.f32 $1.442695020e+00, v1;
	_ =	sdelay $0x1  }
0x70: {  	(erf) = vpow2.f32 v1;
	_ =	sdelay $0x2  }
0x71: {  	v1 =	vld [tilespmem:s20+$0x60]  }
0x72: {  	v2 =	vld [tilespmem:s20+$0x860];
	_ =	sdelay $0x4  }
0x73: {  	v3 =	vpop (erf)  }
0x74: {  	[tilespmem:s20+$0x1050] =	vst v3  }
0x75: {  	v1 =	vld.idx.msk [tilespmem:v1+s11+$0x0], $0xffff  }
0x76: {  	v2 =	vld.idx.msk [tilespmem:v2+s13+$0x0], $0xffff;
	_ =	sdelay $0x4  }
0x77: {  	v3 =	vadd.f32 v1, v0;
	v1 =	vadd.f32 v2, v1;
	_ =	sdelay $0x1  }
0x78: {  	v2 =	vmul.f32 $2.000000030e-01, v3;
	v62 =	vmul.f32 $2.000000030e-01, v1  }
0x79: {  	vm12 =	vge.f32 v3, $0.0e+00;
	vm13 =	vge.f32 v1, $0.0e+00  }
0x7a: {  	v2 =	vsel vm12, v3, v2;
	v1 =	vsel vm13, v1, v62  }
0x7b: {  	v1 =	vsub.f32 v1, v2;
	_ =	sdelay $0x1  }
0x7c: {  	v1 =	vmul.f32 $1.442695020e+00, v1;
	_ =	sdelay $0x1  }
0x7d: {  	(erf) = vpow2.f32 v1;
	_ =	sdelay $0x2  }
0x7e: {  	v1 =	vld [tilespmem:s20+$0x70]  }
0x7f: {  	v2 =	vld [tilespmem:s20+$0x870];
	_ =	sdelay $0x4  }
0x80: {  	v3 =	vpop (erf)  }
0x81: {  	[tilespmem:s20+$0x1060] =	vst v3  }
0x82: {  	v1 =	vld.idx.msk [tilespmem:v1+s11+$0x0], $0xffff  }
0x83: {  	v2 =	vld.idx.msk [tilespmem:v2+s13+$0x0], $0xffff;
	_ =	sdelay $0x4  }
0x84: {  	v3 =	vadd.f32 v1, v0;
	v1 =	vadd.f32 v2, v1;
	_ =	sdelay $0x1  }
0x85: {  	v2 =	vmul.f32 $2.000000030e-01, v3;
	v63 =	vmul.f32 $2.000000030e-01, v1  }
0x86: {  	vm14 =	vge.f32 v3, $0.0e+00;
	vm15 =	vge.f32 v1, $0.0e+00  }
0x87: {  	v2 =	vsel vm14, v3, v2;
	v1 =	vsel vm15, v1, v63  }
0x88: {  	v1 =	vsub.f32 v1, v2;
	_ =	sdelay $0x1  }
0x89: {  	v1 =	vmul.f32 $1.442695020e+00, v1;
	_ =	sdelay $0x1  }
0x8a: {  	s22 =	simm.s32 $0x400;
	s21 =	simm.s32 $0x200;
	(erf) = vpow2.f32 v1  }
.LBB2_3:
0x8b: {  	p0 =	sne.s32 s22, $0x1E00  }
0x8c: {  	s23 =	sshra.s32 s21, $0x2;
	s21 =	smov.u32 s22;
	s22 =	sadd.s32 $0x200, s22  }
0x8d: {  	v1 =	vld [tilespmem:s23+$0x0]  }
0x8e: {  	v2 =	vld [tilespmem:s23+$0x800];
	_ =	sdelay $0x4  }
0x8f: {  	v3 =	vpop (erf)  }
0x90: {  	[tilespmem:s20+$0x1070] =	vst v3;
	s20 =	smov.u32 s23  }
0x91: {  	v1 =	vld.idx.msk [tilespmem:v1+s11+$0x0], $0xffff  }
0x92: {  	v2 =	vld.idx.msk [tilespmem:v2+s13+$0x0], $0xffff;
	_ =	sdelay $0x4  }
0x93: {  	v3 =	vadd.f32 v1, v0  }
0x94: {  	v1 =	vadd.f32 v2, v1  }
0x95: {  	v2 =	vmul.f32 $2.000000030e-01, v3  }
0x96: {  	vm1 =	vge.f32 v3, $0.0e+00;
	vm0 =	vge.f32 v1, $0.0e+00;
	v4 =	vmul.f32 $2.000000030e-01, v1  }
0x97: {  	v2 =	vsel vm1, v3, v2  }
0x98: {  	v1 =	vsel vm0, v1, v4  }
0x99: {  	v1 =	vsub.f32 v1, v2;
	_ =	sdelay $0x1  }
0x9a: {  	v1 =	vmul.f32 $1.442695020e+00, v1;
	_ =	sdelay $0x1  }
0x9b: {  	(erf) = vpow2.f32 v1;
	_ =	sdelay $0x1  }
0x9c: {  	v1 =	vld [tilespmem:s20+$0x810]  }
0x9d: {  	v2 =	vld [tilespmem:s20+$0x10];
	_ =	sdelay $0x5  }
0x9e: {  	v3 =	vpop (erf)  }
0x9f: {  	[tilespmem:s20+$0x1000] =	vst v3  }
0xa0: {  	v2 =	vld.idx.msk [tilespmem:v2+s11+$0x0], $0xffff  }
0xa1: {  	v1 =	vld.idx.msk [tilespmem:v1+s13+$0x0], $0xffff;
	_ =	sdelay $0x4  }
0xa2: {  	v3 =	vadd.f32 v2, v0  }
0xa3: {  	v1 =	vadd.f32 v1, v2  }
0xa4: {  	vm0 =	vge.f32 v3, $0.0e+00;
	v2 =	vmul.f32 $2.000000030e-01, v3  }
0xa5: {  	vm1 =	vge.f32 v1, $0.0e+00;
	v4 =	vmul.f32 $2.000000030e-01, v1  }
0xa6: {  	v2 =	vsel vm0, v3, v2  }
0xa7: {  	v1 =	vsel vm1, v1, v4  }
0xa8: {  	v1 =	vsub.f32 v1, v2;
	_ =	sdelay $0x1  }
0xa9: {  	v1 =	vmul.f32 $1.442695020e+00, v1;
	_ =	sdelay $0x1  }
0xaa: {  	(erf) = vpow2.f32 v1;
	_ =	sdelay $0x1  }
0xab: {  	v1 =	vld [tilespmem:s20+$0x820]  }
0xac: {  	v2 =	vld [tilespmem:s20+$0x20];
	_ =	sdelay $0x5  }
0xad: {  	v3 =	vpop (erf)  }
0xae: {  	[tilespmem:s20+$0x1010] =	vst v3  }
0xaf: {  	v2 =	vld.idx.msk [tilespmem:v2+s11+$0x0], $0xffff  }
0xb0: {  	v1 =	vld.idx.msk [tilespmem:v1+s13+$0x0], $0xffff;
	_ =	sdelay $0x4  }
0xb1: {  	v3 =	vadd.f32 v2, v0  }
0xb2: {  	v1 =	vadd.f32 v1, v2  }
0xb3: {  	vm0 =	vge.f32 v3, $0.0e+00;
	v2 =	vmul.f32 $2.000000030e-01, v3  }
0xb4: {  	vm1 =	vge.f32 v1, $0.0e+00;
	v4 =	vmul.f32 $2.000000030e-01, v1  }
0xb5: {  	v2 =	vsel vm0, v3, v2  }
0xb6: {  	v1 =	vsel vm1, v1, v4  }
0xb7: {  	v1 =	vsub.f32 v1, v2;
	_ =	sdelay $0x1  }
0xb8: {  	v1 =	vmul.f32 $1.442695020e+00, v1;
	_ =	sdelay $0x1  }
0xb9: {  	(erf) = vpow2.f32 v1;
	_ =	sdelay $0x1  }
0xba: {  	v1 =	vld [tilespmem:s20+$0x830]  }
0xbb: {  	v2 =	vld [tilespmem:s20+$0x30];
	_ =	sdelay $0x5  }
0xbc: {  	v3 =	vpop (erf)  }
0xbd: {  	[tilespmem:s20+$0x1020] =	vst v3  }
0xbe: {  	v2 =	vld.idx.msk [tilespmem:v2+s11+$0x0], $0xffff  }
0xbf: {  	v1 =	vld.idx.msk [tilespmem:v1+s13+$0x0], $0xffff;
	_ =	sdelay $0x4  }
0xc0: {  	v3 =	vadd.f32 v2, v0  }
0xc1: {  	v1 =	vadd.f32 v1, v2  }
0xc2: {  	vm0 =	vge.f32 v3, $0.0e+00;
	v2 =	vmul.f32 $2.000000030e-01, v3  }
0xc3: {  	vm1 =	vge.f32 v1, $0.0e+00;
	v4 =	vmul.f32 $2.000000030e-01, v1  }
0xc4: {  	v2 =	vsel vm0, v3, v2  }
0xc5: {  	v1 =	vsel vm1, v1, v4  }
0xc6: {  	v1 =	vsub.f32 v1, v2;
	_ =	sdelay $0x1  }
0xc7: {  	v1 =	vmul.f32 $1.442695020e+00, v1;
	_ =	sdelay $0x1  }
0xc8: {  	(erf) = vpow2.f32 v1;
	_ =	sdelay $0x1  }
0xc9: {  	v1 =	vld [tilespmem:s20+$0x840]  }
0xca: {  	v2 =	vld [tilespmem:s20+$0x40];
	_ =	sdelay $0x5  }
0xcb: {  	v3 =	vpop (erf)  }
0xcc: {  	[tilespmem:s20+$0x1030] =	vst v3  }
0xcd: {  	v2 =	vld.idx.msk [tilespmem:v2+s11+$0x0], $0xffff  }
0xce: {  	v1 =	vld.idx.msk [tilespmem:v1+s13+$0x0], $0xffff;
	_ =	sdelay $0x4  }
0xcf: {  	v3 =	vadd.f32 v2, v0  }
0xd0: {  	v1 =	vadd.f32 v1, v2  }
0xd1: {  	vm0 =	vge.f32 v3, $0.0e+00;
	v2 =	vmul.f32 $2.000000030e-01, v3  }
0xd2: {  	vm1 =	vge.f32 v1, $0.0e+00;
	v4 =	vmul.f32 $2.000000030e-01, v1  }
0xd3: {  	v2 =	vsel vm0, v3, v2  }
0xd4: {  	v1 =	vsel vm1, v1, v4  }
0xd5: {  	v1 =	vsub.f32 v1, v2;
	_ =	sdelay $0x1  }
0xd6: {  	v1 =	vmul.f32 $1.442695020e+00, v1;
	_ =	sdelay $0x1  }
0xd7: {  	(erf) = vpow2.f32 v1;
	_ =	sdelay $0x1  }
0xd8: {  	v1 =	vld [tilespmem:s20+$0x850]  }
0xd9: {  	v2 =	vld [tilespmem:s20+$0x50];
	_ =	sdelay $0x5  }
0xda: {  	v3 =	vpop (erf)  }
0xdb: {  	[tilespmem:s20+$0x1040] =	vst v3  }
0xdc: {  	v2 =	vld.idx.msk [tilespmem:v2+s11+$0x0], $0xffff  }
0xdd: {  	v1 =	vld.idx.msk [tilespmem:v1+s13+$0x0], $0xffff;
	_ =	sdelay $0x4  }
0xde: {  	v3 =	vadd.f32 v2, v0  }
0xdf: {  	v1 =	vadd.f32 v1, v2  }
0xe0: {  	vm0 =	vge.f32 v3, $0.0e+00;
	v2 =	vmul.f32 $2.000000030e-01, v3  }
0xe1: {  	vm1 =	vge.f32 v1, $0.0e+00;
	v4 =	vmul.f32 $2.000000030e-01, v1  }
0xe2: {  	v2 =	vsel vm0, v3, v2  }
0xe3: {  	v1 =	vsel vm1, v1, v4  }
0xe4: {  	v1 =	vsub.f32 v1, v2;
	_ =	sdelay $0x1  }
0xe5: {  	v1 =	vmul.f32 $1.442695020e+00, v1;
	_ =	sdelay $0x1  }
0xe6: {  	(erf) = vpow2.f32 v1;
	_ =	sdelay $0x1  }
0xe7: {  	v1 =	vld [tilespmem:s20+$0x860]  }
0xe8: {  	v2 =	vld [tilespmem:s20+$0x60];
	_ =	sdelay $0x5  }
0xe9: {  	v3 =	vpop (erf)  }
0xea: {  	[tilespmem:s20+$0x1050] =	vst v3  }
0xeb: {  	v2 =	vld.idx.msk [tilespmem:v2+s11+$0x0], $0xffff  }
0xec: {  	v1 =	vld.idx.msk [tilespmem:v1+s13+$0x0], $0xffff;
	_ =	sdelay $0x4  }
0xed: {  	v3 =	vadd.f32 v2, v0  }
0xee: {  	v1 =	vadd.f32 v1, v2  }
0xef: {  	vm0 =	vge.f32 v3, $0.0e+00;
	v2 =	vmul.f32 $2.000000030e-01, v3  }
0xf0: {  	vm1 =	vge.f32 v1, $0.0e+00;
	v4 =	vmul.f32 $2.000000030e-01, v1  }
0xf1: {  	v2 =	vsel vm0, v3, v2  }
0xf2: {  	v1 =	vsel vm1, v1, v4  }
0xf3: {  	v1 =	vsub.f32 v1, v2;
	_ =	sdelay $0x1  }
0xf4: {  	v1 =	vmul.f32 $1.442695020e+00, v1;
	_ =	sdelay $0x1  }
0xf5: {  	(erf) = vpow2.f32 v1;
	_ =	sdelay $0x1  }
0xf6: {  	v1 =	vld [tilespmem:s20+$0x870]  }
0xf7: {  	v2 =	vld [tilespmem:s20+$0x70];
	_ =	sdelay $0x5  }
0xf8: {  	v3 =	vpop (erf)  }
0xf9: {  	[tilespmem:s20+$0x1060] =	vst v3  }
0xfa: {  	v2 =	vld.idx.msk [tilespmem:v2+s11+$0x0], $0xffff  }
0xfb: {  	v1 =	vld.idx.msk [tilespmem:v1+s13+$0x0], $0xffff;
	_ =	sdelay $0x4  }
0xfc: {  	v3 =	vadd.f32 v2, v0  }
0xfd: {  	v1 =	vadd.f32 v1, v2  }
0xfe: {  	vm0 =	vge.f32 v3, $0.0e+00;
	v2 =	vmul.f32 $2.000000030e-01, v3  }
0xff: {  	vm1 =	vge.f32 v1, $0.0e+00;
	v4 =	vmul.f32 $2.000000030e-01, v1  }
0x100: {  	v2 =	vsel vm0, v3, v2  }
0x101: {  	v1 =	vsel vm1, v1, v4  }
.Ltmp0:
0x102: {  	v1 =	vsub.f32 v1, v2;
	(pc) =	sbr.rel @p0 .LBB2_3-.Ltmp0, $3  }
0x103: {  	_ = 	snop  }
0x104: {  	v1 =	vmul.f32 $1.442695020e+00, v1;
	_ =	sdelay $0x1  }
0x105: {  	(erf) = vpow2.f32 v1  }
0x106: {  	_ = 	snop  }
0x107: {  	s21 =	sshra.s32 s21, $0x2  }
0x108: {  	v1 =	vld [tilespmem:s21+$0x0]  }
0x109: {  	v2 =	vld [tilespmem:s21+$0x800];
	_ =	sdelay $0x4  }
0x10a: {  	v3 =	vpop (erf)  }
0x10b: {  	[tilespmem:s20+$0x1070] =	vst v3  }
0x10c: {  	v1 =	vld.idx.msk [tilespmem:v1+s11+$0x0], $0xffff  }
0x10d: {  	v2 =	vld.idx.msk [tilespmem:v2+s13+$0x0], $0xffff;
	_ =	sdelay $0x4  }
0x10e: {  	v3 =	vadd.f32 v1, v0;
	v1 =	vadd.f32 v2, v1;
	_ =	sdelay $0x1  }
0x10f: {  	v2 =	vmul.f32 $2.000000030e-01, v3;
	v4 =	vmul.f32 $2.000000030e-01, v1  }
0x110: {  	vm0 =	vge.f32 v1, $0.0e+00;
	vm1 =	vge.f32 v3, $0.0e+00  }
0x111: {  	v2 =	vsel vm1, v3, v2;
	v1 =	vsel vm0, v1, v4  }
0x112: {  	v1 =	vsub.f32 v1, v2;
	_ =	sdelay $0x1  }
0x113: {  	v1 =	vmul.f32 $1.442695020e+00, v1;
	_ =	sdelay $0x1  }
0x114: {  	(erf) = vpow2.f32 v1;
	_ =	sdelay $0x2  }
0x115: {  	v1 =	vld [tilespmem:s21+$0x10]  }
0x116: {  	v2 =	vld [tilespmem:s21+$0x810];
	_ =	sdelay $0x4  }
0x117: {  	v3 =	vpop (erf)  }
0x118: {  	[tilespmem:s21+$0x1000] =	vst v3  }
0x119: {  	v1 =	vld.idx.msk [tilespmem:v1+s11+$0x0], $0xffff  }
0x11a: {  	v2 =	vld.idx.msk [tilespmem:v2+s13+$0x0], $0xffff;
	_ =	sdelay $0x4  }
0x11b: {  	v3 =	vadd.f32 v1, v0;
	v1 =	vadd.f32 v2, v1;
	_ =	sdelay $0x1  }
0x11c: {  	v2 =	vmul.f32 $2.000000030e-01, v3;
	v57 =	vmul.f32 $2.000000030e-01, v1  }
0x11d: {  	vm14 =	vge.f32 v3, $0.0e+00;
	vm15 =	vge.f32 v1, $0.0e+00  }
0x11e: {  	v2 =	vsel vm14, v3, v2;
	v1 =	vsel vm15, v1, v57  }
0x11f: {  	v1 =	vsub.f32 v1, v2;
	_ =	sdelay $0x1  }
0x120: {  	v1 =	vmul.f32 $1.442695020e+00, v1;
	_ =	sdelay $0x1  }
0x121: {  	(erf) = vpow2.f32 v1;
	_ =	sdelay $0x2  }
0x122: {  	v1 =	vld [tilespmem:s21+$0x20]  }
0x123: {  	v2 =	vld [tilespmem:s21+$0x820];
	_ =	sdelay $0x4  }
0x124: {  	v3 =	vpop (erf)  }
0x125: {  	[tilespmem:s21+$0x1010] =	vst v3  }
0x126: {  	v1 =	vld.idx.msk [tilespmem:v1+s11+$0x0], $0xffff  }
0x127: {  	v2 =	vld.idx.msk [tilespmem:v2+s13+$0x0], $0xffff;
	_ =	sdelay $0x4  }
0x128: {  	v3 =	vadd.f32 v1, v0;
	v1 =	vadd.f32 v2, v1;
	_ =	sdelay $0x1  }
0x129: {  	v2 =	vmul.f32 $2.000000030e-01, v3;
	v58 =	vmul.f32 $2.000000030e-01, v1  }
0x12a: {  	vm4 =	vge.f32 v3, $0.0e+00;
	vm5 =	vge.f32 v1, $0.0e+00  }
0x12b: {  	v2 =	vsel vm4, v3, v2;
	v1 =	vsel vm5, v1, v58  }
0x12c: {  	v1 =	vsub.f32 v1, v2;
	_ =	sdelay $0x1  }
0x12d: {  	v1 =	vmul.f32 $1.442695020e+00, v1;
	_ =	sdelay $0x1  }
0x12e: {  	(erf) = vpow2.f32 v1;
	_ =	sdelay $0x2  }
0x12f: {  	v1 =	vld [tilespmem:s21+$0x30]  }
0x130: {  	v2 =	vld [tilespmem:s21+$0x830];
	_ =	sdelay $0x4  }
0x131: {  	v3 =	vpop (erf)  }
0x132: {  	[tilespmem:s21+$0x1020] =	vst v3  }
0x133: {  	v1 =	vld.idx.msk [tilespmem:v1+s11+$0x0], $0xffff  }
0x134: {  	v2 =	vld.idx.msk [tilespmem:v2+s13+$0x0], $0xffff;
	_ =	sdelay $0x4  }
0x135: {  	v3 =	vadd.f32 v1, v0;
	v1 =	vadd.f32 v2, v1;
	_ =	sdelay $0x1  }
0x136: {  	v2 =	vmul.f32 $2.000000030e-01, v3;
	v59 =	vmul.f32 $2.000000030e-01, v1  }
0x137: {  	vm6 =	vge.f32 v3, $0.0e+00;
	vm7 =	vge.f32 v1, $0.0e+00  }
0x138: {  	v2 =	vsel vm6, v3, v2;
	v1 =	vsel vm7, v1, v59  }
0x139: {  	v1 =	vsub.f32 v1, v2;
	_ =	sdelay $0x1  }
0x13a: {  	v1 =	vmul.f32 $1.442695020e+00, v1;
	_ =	sdelay $0x1  }
0x13b: {  	(erf) = vpow2.f32 v1;
	_ =	sdelay $0x2  }
0x13c: {  	v1 =	vld [tilespmem:s21+$0x40]  }
0x13d: {  	v2 =	vld [tilespmem:s21+$0x840];
	_ =	sdelay $0x4  }
0x13e: {  	v3 =	vpop (erf)  }
0x13f: {  	[tilespmem:s21+$0x1030] =	vst v3  }
0x140: {  	v1 =	vld.idx.msk [tilespmem:v1+s11+$0x0], $0xffff  }
0x141: {  	v2 =	vld.idx.msk [tilespmem:v2+s13+$0x0], $0xffff;
	_ =	sdelay $0x4  }
0x142: {  	v3 =	vadd.f32 v1, v0;
	v1 =	vadd.f32 v2, v1;
	_ =	sdelay $0x1  }
0x143: {  	v2 =	vmul.f32 $2.000000030e-01, v3;
	v60 =	vmul.f32 $2.000000030e-01, v1  }
0x144: {  	vm8 =	vge.f32 v3, $0.0e+00;
	vm9 =	vge.f32 v1, $0.0e+00  }
0x145: {  	v2 =	vsel vm8, v3, v2;
	v1 =	vsel vm9, v1, v60  }
0x146: {  	v1 =	vsub.f32 v1, v2;
	_ =	sdelay $0x1  }
0x147: {  	v1 =	vmul.f32 $1.442695020e+00, v1;
	_ =	sdelay $0x1  }
0x148: {  	(erf) = vpow2.f32 v1;
	_ =	sdelay $0x2  }
0x149: {  	v1 =	vld [tilespmem:s21+$0x50]  }
0x14a: {  	v2 =	vld [tilespmem:s21+$0x850];
	_ =	sdelay $0x4  }
0x14b: {  	v3 =	vpop (erf)  }
0x14c: {  	[tilespmem:s21+$0x1040] =	vst v3  }
0x14d: {  	v1 =	vld.idx.msk [tilespmem:v1+s11+$0x0], $0xffff  }
0x14e: {  	v2 =	vld.idx.msk [tilespmem:v2+s13+$0x0], $0xffff;
	_ =	sdelay $0x4  }
0x14f: {  	v3 =	vadd.f32 v1, v0;
	v1 =	vadd.f32 v2, v1;
	_ =	sdelay $0x1  }
0x150: {  	v2 =	vmul.f32 $2.000000030e-01, v3;
	v61 =	vmul.f32 $2.000000030e-01, v1  }
0x151: {  	vm10 =	vge.f32 v3, $0.0e+00;
	vm11 =	vge.f32 v1, $0.0e+00  }
0x152: {  	v2 =	vsel vm10, v3, v2;
	v1 =	vsel vm11, v1, v61  }
0x153: {  	v1 =	vsub.f32 v1, v2;
	_ =	sdelay $0x1  }
0x154: {  	v1 =	vmul.f32 $1.442695020e+00, v1;
	_ =	sdelay $0x1  }
0x155: {  	(erf) = vpow2.f32 v1;
	_ =	sdelay $0x2  }
0x156: {  	v1 =	vld [tilespmem:s21+$0x60]  }
0x157: {  	v2 =	vld [tilespmem:s21+$0x860];
	_ =	sdelay $0x4  }
0x158: {  	v3 =	vpop (erf)  }
0x159: {  	[tilespmem:s21+$0x1050] =	vst v3  }
0x15a: {  	v1 =	vld.idx.msk [tilespmem:v1+s11+$0x0], $0xffff  }
0x15b: {  	v2 =	vld.idx.msk [tilespmem:v2+s13+$0x0], $0xffff;
	_ =	sdelay $0x4  }
0x15c: {  	v3 =	vadd.f32 v1, v0;
	v1 =	vadd.f32 v2, v1;
	_ =	sdelay $0x1  }
0x15d: {  	v2 =	vmul.f32 $2.000000030e-01, v3;
	v62 =	vmul.f32 $2.000000030e-01, v1  }
0x15e: {  	vm12 =	vge.f32 v3, $0.0e+00;
	vm13 =	vge.f32 v1, $0.0e+00  }
0x15f: {  	v2 =	vsel vm12, v3, v2;
	v1 =	vsel vm13, v1, v62  }
0x160: {  	v1 =	vsub.f32 v1, v2;
	_ =	sdelay $0x1  }
0x161: {  	v1 =	vmul.f32 $1.442695020e+00, v1;
	_ =	sdelay $0x1  }
0x162: {  	(erf) = vpow2.f32 v1;
	_ =	sdelay $0x2  }
0x163: {  	v1 =	vld [tilespmem:s21+$0x70]  }
0x164: {  	v2 =	vld [tilespmem:s21+$0x870];
	_ =	sdelay $0x4  }
0x165: {  	v3 =	vpop (erf)  }
0x166: {  	[tilespmem:s21+$0x1060] =	vst v3  }
0x167: {  	v1 =	vld.idx.msk [tilespmem:v1+s11+$0x0], $0xffff  }
0x168: {  	v2 =	vld.idx.msk [tilespmem:v2+s13+$0x0], $0xffff;
	_ =	sdelay $0x4  }
0x169: {  	v3 =	vadd.f32 v1, v0;
	v1 =	vadd.f32 v2, v1;
	_ =	sdelay $0x1  }
0x16a: {  	v2 =	vmul.f32 $2.000000030e-01, v3;
	v63 =	vmul.f32 $2.000000030e-01, v1  }
0x16b: {  	vm14 =	vge.f32 v3, $0.0e+00;
	vm15 =	vge.f32 v1, $0.0e+00  }
0x16c: {  	v2 =	vsel vm14, v3, v2;
	v1 =	vsel vm15, v1, v63  }
0x16d: {  	v1 =	vsub.f32 v1, v2;
	_ =	sdelay $0x1  }
0x16e: {  	v1 =	vmul.f32 $1.442695020e+00, v1;
	_ =	sdelay $0x1  }
0x16f: {  	(erf) = vpow2.f32 v1;
	_ =	sdelay $0x7  }
0x170: {  	s18 =	sadd.s32 $0x1, s18  }
0x171: {  	p0 =	sne.s32 s18, $0x5;
	v1 =	vpop (erf)  }
.Ltmp1:
0x172: {  	s19 =	sadd.s32 s8, s19;
	[tilespmem:s21+$0x1070] =	vst v1;
	(pc) =	sbr.rel @p0 .LBB2_2-.Ltmp1, $4  }
0x173: {  	[hbm4b:s19+s3] =	stream.linear.scatter [tilespmem:s16], [sflag:$0x1], $0x800, $0x38;
	[tilespmem:$0x6780] =	vst v63  }
0x174: {  	_ =	swait.ge [sflag:s12], $0x800  }
0x175: {  	[sflag:s12] =	ssyncset.done $0x0  }
0x176: {  	[sflag:s12] =	ssyncadd.s32 $0xFFFFF800  }
0x177: {  	s17 =	sadd.s32 $0x1, s17  }
0x178: {  	p0 =	sne.s32 s17, s10  }
.Ltmp2:
0x179: {  	_ = 	snop;
	(pc) =	sbr.rel @p0 .LBB2_1-.Ltmp2, $1  }
0x17a: {  	_ =	sdelay $0x3  }
0x17b: {  	_ =	sfence.sel $0x180000  }
0x17c: {  	[bflag:$0x0] =	sbarrier.arrive $0xFFFF  }
0x17d: {  	p0 =	sne.s32 s5, $0x0;
	_ =	strace $0x90000047  }
0x17e: {  	s0 =	sadd.s32 @!p0 $0x100000, s0;
	[bflag:$0x2] =	sbarrier.arrive $0xFFFF  }
0x17f: {  	[sflag:s0] =	ssyncadd.tile.s32 @!p0 $0x1;
	_ =	shalt  }
.Lfunc_end2:
_tile_overlayer_lowered:
.L_overlay_start_2:
0x180: {  	(tag) =	ssettag $0x2  }
0x181: {  	s0 =	rddreg [dreg:$0x0];
	s2 =	stileid.u32  }
0x182: {  	s1 =	rddreg [dreg:$0x1];
	p0 =	sne.s32 s2, $0x0  }
0x183: {  	s3 =	rddreg [dreg:$0x2];
	[bflag:$0x3] =	sbarrier.arrive $0xFFFF;
	s2 =	simm.s32 @!p0 $0x1C01  }
0x184: {  	[timem:s3], [sflag:s2] =	dma.local @!p0 [hbm:s0], s1  }
0x185: {  	s0 =	simm.s32 @!p0 $0x1  }
0x186: {  	_ =	swait.ge @!p0 [sflag:s0], s1  }
0x187: {  	s1 =	ssub.s32 @!p0 $0x0, s1;
	[sflag:s0] =	ssyncset.done @!p0 $0x0  }
0x188: {  	[sflag:s0] =	ssyncadd.s32 @!p0 s1  }
0x189: {  	[bflag:$0x3] =	sbarrier.arrive $0xFFFF  }
0x18a: {  	_ =	shalt  }

// kernel: scatter_offload_async_start.1
scs
__scs_entry_jumppad:
0x0: {  	(pc) =	sbr.rel $0x88, $3  }
0x1: {  	(tag) =	ssettag $0x0;
	lr =	simm.s32 $0x1  }
0x2: {  	[smem:$0x3F99] =	sst lr;
	_ =	strace $0xD0000000  }
0x3: {  	_ = 	snop  }
0x4: {  	_ = 	snop  }
0x5: {  	_ = 	snop  }
0x6: {  	_ = 	snop  }
0x7: {  	_ = 	snop  }
__scs_overlays_trampoline_lowered:
0x8: {  	[smem:$0x3FA8] =	sst s0  }
0x9: {  	[smem:$0x3FA9] =	sst s1  }
0xa: {  	[smem:$0x3FAA] =	sst s2  }
0xb: {  	[smem:$0x3FAB] =	sst s3  }
0xc: {  	[smem:$0x3FAC] =	sst s4  }
0xd: {  	[smem:$0x3FAD] =	sst s5  }
0xe: {  	[smem:$0x3FAE] =	sst s6  }
0xf: {  	[smem:$0x3FAF] =	sst s7  }
0x10: {  	[smem:$0x3FB0] =	sst s8  }
0x11: {  	[smem:$0x3FB1] =	sst s9;
	s0 =	simm.s32 @!p0 $0x0  }
0x12: {  	s1 =	sld [smem:$0x3F97];
	s0 =	simm.s32 @p0 $0x1  }
0x13: {  	[smem:$0x3FB2] =	sst s0;
	s0 =	simm.s32 @!p1 $0x0  }
0x14: {  	s2 =	sld [smem:$0x3F96];
	s0 =	simm.s32 @p1 $0x1  }
0x15: {  	[smem:$0x3FB3] =	sst s0;
	s0 =	simm.s32 @!p2 $0x0  }
0x16: {  	s3 =	sld [smem:$0x3FDB];
	s0 =	simm.s32 @p2 $0x1  }
0x17: {  	s4 =	simm.s32 $0x1BF5;
	[smem:$0x3FB5] =	sst s0  }
0x18: {  	s0 =	sld [smem:$0x3F98];
	_ =	swait.ge [sflag:s4], $0x0  }
0x19: {  	s7 =	sld [smem:$0x3F99]  }
0x1a: {  	s8 =	sadd.s32 $0xFFFFE003, lr  }
0x1b: {  	s9 =	sadd.s32 $0xFFFFFEF7, lr;
	s5 =	simm.s32 $0xFFFFFFFF;
	p2 =	slt.u32 s8, $0xFFFFF086  }
0x1c: {  	p1 =	slt.u32 s9, $0xF7A;
	s5 =	simm.s32 @!p2 $0x0  }
0x1d: {  	s5 =	simm.s32 @p1 $0x1;
	p0 =	seq.s32 s7, s2  }
0x1e: {  	s7 =	smul.u32 @!p0 $0xF7A, s2;
	p2 =	seq.s32 @!p0 s5, $0x0  }
0x1f: {  	s9 =	smul.u32 $0xF7A, s1;
	s8 =	simm.s32 @!p0 $0x1BF5;
	p2 =	por !p2, p0  }
0x20: {  	[sflag:s8] =	ssyncset.s32 @!p0 $0xFFFFF086;
	s6 =	sadd.s32 @!p0 s3, s7;
	s7 =	simm.s32 @!p0 $0x108  }
0x21: {  	s3 =	sadd.s32 s3, s9;
	s6 =	sadd.s32 @!p0 $0x88, s6;
	s7 =	simm.s32 @p2 $0x1082  }
0x22: {  	[simem:s7], [sflag:s8] =	dma.local @!p0 [hbm:s6], $0xF7A  }
0x23: {  	s9 =	sor.u32 $0xD0000000, s2;
	s6 =	simm.s32 $0x108;
	_ =	swait.ge @!p0 [sflag:s8], $0x0  }
0x24: {  	s3 =	sadd.s32 $0x88, s3;
	s6 =	simm.s32 @!p1 $0x1082;
	[sflag:s4] =	ssyncset.s32 $0xFFFFF086  }
0x25: {  	[simem:s6], [sflag:s4] =	dma.local [hbm:s3], $0xF7A  }
0x26: {  	[smem:$0x3F99] =	sst s1;
	(tag) =	ssettag s2;
	_ =	strace s9  }
0x27: {  	s1 =	sld [smem:$0x3FA9]  }
0x28: {  	s2 =	sld [smem:$0x3FAA]  }
0x29: {  	s4 =	sld [smem:$0x3FAC]  }
0x2a: {  	p0 =	seq.s32 s5, $0x0;
	s5 =	sld [smem:$0x3FAD]  }
0x2b: {  	s6 =	sld [smem:$0x3FAE]  }
0x2c: {  	s7 =	sld [smem:$0x3FAF]  }
0x2d: {  	s3 =	simm.s32 $0x108;
	s8 =	sld [smem:$0x3FB0]  }
0x2e: {  	s3 =	simm.s32 @!p0 $0x1082;
	s9 =	sld [smem:$0x3FB1]  }
0x2f: {  	lr =	sadd.s32 s0, s3;
	s0 =	sld [smem:$0x3FA8]  }
0x30: {  	s3 =	sld [smem:$0x3FAB]  }
0x31: {  	[smem:$0x3FB4] =	sst s10  }
0x32: {  	s10 =	sld [smem:$0x3FB2];
	_ =	sdelay $0x3  }
0x33: {  	p0 =	seq.s32 s10, $0x1;
	s10 =	sld [smem:$0x3FB4];
	_ =	sdelay $0x3  }
0x34: {  	[smem:$0x3FB4] =	sst s10  }
0x35: {  	s10 =	sld [smem:$0x3FB3];
	_ =	sdelay $0x3  }
0x36: {  	p1 =	seq.s32 s10, $0x1;
	s10 =	sld [smem:$0x3FB4];
	_ =	sdelay $0x3  }
0x37: {  	[smem:$0x3FB4] =	sst s10  }
0x38: {  	s10 =	sld [smem:$0x3FB5]  }
0x39: {  	_ = 	snop;
	(pc) =	sbr.ind lr, $3  }
0x3a: {  	_ = 	snop  }
0x3b: {  	_ = 	snop  }
0x3c: {  	p2 =	seq.s32 s10, $0x1;
	s10 =	sld [smem:$0x3FB4]  }
0x3d: {  	_ =	shalt  }
0x3e: {  	_ =	shalt  }
0x3f: {  	_ =	shalt  }
0x40: {  	_ =	shalt  }
0x41: {  	_ =	shalt  }
0x42: {  	_ =	shalt  }
0x43: {  	_ =	shalt  }
0x44: {  	_ =	shalt  }
0x45: {  	_ =	shalt  }
0x46: {  	_ =	shalt  }
0x47: {  	_ =	shalt  }
0x48: {  	_ =	shalt  }
0x49: {  	_ =	shalt  }
0x4a: {  	_ =	shalt  }
0x4b: {  	_ =	shalt  }
0x4c: {  	_ =	shalt  }
0x4d: {  	_ =	shalt  }
0x4e: {  	_ =	shalt  }
0x4f: {  	_ =	shalt  }
0x50: {  	_ =	shalt  }
0x51: {  	_ =	shalt  }
0x52: {  	_ =	shalt  }
0x53: {  	_ =	shalt  }
0x54: {  	_ =	shalt  }
0x55: {  	_ =	shalt  }
0x56: {  	_ =	shalt  }
0x57: {  	_ =	shalt  }
0x58: {  	_ =	shalt  }
0x59: {  	_ =	shalt  }
0x5a: {  	_ =	shalt  }
0x5b: {  	_ =	shalt  }
0x5c: {  	_ =	shalt  }
0x5d: {  	_ =	shalt  }
0x5e: {  	_ =	shalt  }
0x5f: {  	_ =	shalt  }
0x60: {  	_ =	shalt  }
0x61: {  	_ =	shalt  }
0x62: {  	_ =	shalt  }
0x63: {  	_ =	shalt  }
0x64: {  	_ =	shalt  }
0x65: {  	_ =	shalt  }
0x66: {  	_ =	shalt  }
0x67: {  	_ =	shalt  }
0x68: {  	_ =	shalt  }
0x69: {  	_ =	shalt  }
0x6a: {  	_ =	shalt  }
0x6b: {  	_ =	shalt  }
0x6c: {  	_ =	shalt  }
0x6d: {  	_ =	shalt  }
0x6e: {  	_ =	shalt  }
0x6f: {  	_ =	shalt  }
0x70: {  	_ =	shalt  }
0x71: {  	_ =	shalt  }
0x72: {  	_ =	shalt  }
0x73: {  	_ =	shalt  }
0x74: {  	_ =	shalt  }
0x75: {  	_ =	shalt  }
0x76: {  	_ =	shalt  }
0x77: {  	_ =	shalt  }
0x78: {  	_ =	shalt  }
0x79: {  	_ =	shalt  }
0x7a: {  	_ =	shalt  }
0x7b: {  	_ =	shalt  }
0x7c: {  	_ =	shalt  }
0x7d: {  	_ =	shalt  }
0x7e: {  	_ =	shalt  }
0x7f: {  	_ =	shalt  }
0x80: {  	_ =	shalt  }
0x81: {  	_ =	shalt  }
0x82: {  	_ =	shalt  }
0x83: {  	_ =	shalt  }
0x84: {  	_ =	shalt  }
0x85: {  	_ =	shalt  }
0x86: {  	_ =	shalt  }
0x87: {  	_ =	shalt  }
.Lfunc_end0:
.L_simem_size_0:
called_computation.1_lowered:
.L_overlay_start_0:
0x88: {  	s0 =	sld [smem:$0x3FD9]  }
0x89: {  	s1 =	sld [smem:$0x3FFE];
	_ =	sdelay $0x3  }
0x8a: {  	s0 =	sadd.s32 s1, s0  }
0x8b: {  	[smem:$0x3FC0] =	sst s0  }
0x8c: {  	_ = 	snop  }
0x8d: {  	(tm) =	ssettm $0x1  }
0x8e: {  	s14 =	sld [smem:$0x3FFB];
	_ =	sdelay $0x3  }
0x8f: {  	_ =	strace s14  }
0x90: {  	s0 =	sld [smem:$0x3FFC];
	_ =	sdelay $0x3  }
0x91: {  	_ =	strace s0  }
0x92: {  	s0 =	sld [smem:$0x3FFD];
	_ =	sdelay $0x3  }
0x93: {  	_ =	strace s0  }
0x94: {  	_ =	strace $0x8FFFFFFF  }
0x95: {  	s15 =	sld [smem:$0x3FDB];
	_ =	sdelay $0x1  }
0x96: {  	s16 =	simm.s32 $_scs_section_size  }
0x97: {  	s2 =	simm.s32 $_size__tile_overlayer_lowered;
	s3 =	simm.s32 $_tile_overlayer_lowered  }
0x98: {  	s4 =	simm.s32 $0x1BFF;
	s17 =	sshll.u32 s3, $0x1;
	s1 =	sadd.s32 s16, s15  }
0x99: {  	s18 =	simm.s32 $0x0;
	s2 =	sshll.u32 s2, $0x1;
	s3 =	sadd.s32 s17, s1  }
0x9a: {  	[timem:s18], [sflag:s4] =	dma.local [hbm:s3], s2  }
0x9b: {  	_ =	swait.ge [sflag:s4], s2  }
0x9c: {  	s2 =	ssub.s32 $0x0, s2;
	[sflag:s4] =	ssyncset.done $0x0  }
0x9d: {  	[sflag:s4] =	ssyncadd.s32 s2;
	_ =	sdelay $0x1  }
0x9e: {  	s19 =	simm.s32 $0x1B8B  }
0x9f: {  	_ =	swait.ge [sflag:s19], $0x1  }
0xa0: {  	[sflag:s19] =	ssyncset.done $0x0  }
0xa1: {  	s21 =	simm.s32 $0x1B8E;
	s20 =	sld [smem:$0x3FFE];
	[sflag:s19] =	ssyncadd.s32 $0xFFFFFFFF  }
0xa2: {  	s22 =	simm.s32 $execute0_lowered;
	[smem:$0x3FD2] =	sst s21  }
0xa3: {  	s3 =	sshll.u32 s22, $0x1;
	_ =	strace $0x80000049;
	[dreg:$0x1] =	wrdreg $0xFFFFFFFF  }
0xa4: {  	s23 =	simm.s32 $_size_execute0_lowered;
	s3 =	sadd.s32 s1, s3;
	[dreg:$0x0] =	wrdreg $0x0  }
0xa5: {  	s4 =	sshll.u32 s23, $0x1;
	[dreg:$0x2] =	wrdreg s3  }
0xa6: {  	[dreg:$0x3] =	wrdreg s4  }
0xa7: {  	[dreg:$0x4] =	wrdreg $0xC0  }
0xa8: {  	s24 =	simm.s32 $execute1_lowered;
	_ =	task [dreg:s18], $0x5FFFF  }
0xa9: {  	s3 =	sshll.u32 s24, $0x1;
	[dreg:$0x1] =	wrdreg $0xFFFFFFFF  }
0xaa: {  	s1 =	sadd.s32 s1, s3;
	[dreg:$0x0] =	wrdreg $0x60  }
0xab: {  	[dreg:$0x2] =	wrdreg s1  }
0xac: {  	[dreg:$0x3] =	wrdreg s20  }
0xad: {  	[dreg:$0x4] =	wrdreg $0xB  }
0xae: {  	_ =	task.clear_ibuf [dreg:s18], $0x5FFFF;
	_ =	strace $0x90000049  }
0xaf: {  	s25 =	simm.s32 $0xB;
	_ =	strace $0x8000004B  }
0xb0: {  	_ =	swait.ge [sflag:s25], $0x1  }
0xb1: {  	[sflag:s25] =	ssyncadd.s32 $0xFFFFFFFF  }
0xb2: {  	_ =	strace $0x9000004B  }
0xb3: {  	_ =	strace $0x8000004C;
	[dreg:$0x1] =	wrdreg $0xFFFFFFFF  }
0xb4: {  	[dreg:$0x0] =	wrdreg $0x2030  }
0xb5: {  	[dreg:$0x2] =	wrdreg s20  }
0xb6: {  	[dreg:$0x3] =	wrdreg $0xC  }
0xb7: {  	_ =	task.clear_ibuf [dreg:s18], $0x4FFFF;
	_ =	strace $0x9000004C  }
0xb8: {  	s26 =	simm.s32 $0xC;
	_ =	strace $0x8000004E  }
0xb9: {  	_ =	swait.ge [sflag:s26], $0x1  }
0xba: {  	[sflag:s26] =	ssyncadd.s32 $0xFFFFFFFF  }
0xbb: {  	_ =	strace $0x9000004E  }
0xbc: {  	_ =	sfence  }
0xbd: {  	s28 =	sld [smem:$0x0];
	_ =	sdelay $0x1  }
0xbe: {  	s29 =	srdreg.scid  }
0xbf: {  	s30 =	sshll.u32 s29, $0xD;
	s31 =	sshrl.u32 s29, $0x2  }
0xc0: {  	s2 =	sand.u32 $0x1, s29;
	s3 =	sand.u32 $0x4000, s30;
	s1 =	sadd.s32 s31, s28  }
0xc1: {  	s2 =	sor.u32 s3, s2;
	s1 =	sshll.u32 s1, $0x11  }
0xc2: {  	s1 =	sor.u32 s1, s2  }
0xc3: {  	s1 =	sadd.s32 $0x8F2B, s1  }
0xc4: {  	[sflag:s1] =	ssyncadd.remote.s32 $0x1  }
0xc5: {  	_ =	sfence.sel $0xFFFF  }
0xc6: {  	[dreg:$0x0] =	wrdreg $0xFFFFFFFF;
	(pc) =	sbr.abs _section_cstart, $3  }
0xc7: {  	[dreg:$0x1] =	wrdreg $0xFFFFFFFF  }
0xc8: {  	_ =	task.clear_ibuf [dreg:s18], $0x2FFFF;
	_ =	strace $0x9FFFFFFF  }
0xc9: {  	(tm) =	ssettm $0x7FFFFFFF  }
tec
execute0_lowered:
.L_overlay_start_1:
0x0: {  	(tag) =	ssettag $0x1  }
0x1: {  	s2 =	rddreg [dreg:$0x0]  }
0x2: {  	s5 =	rddreg [dreg:$0x1]  }
0x3: {  	s0 =	rddreg [dreg:$0x2];
	s3 =	stileid.u32  }
0x4: {  	[bflag:$0x3] =	sbarrier.arrive $0xFFFF;
	s1 =	simm.s32 $_size_execute1_lowered;
	p0 =	sne.s32 s3, $0x0  }
0x5: {  	s1 =	sshll.u32 s1, $0x1;
	s4 =	simm.s32 @!p0 $0x1C3F;
	s6 =	simm.s32 @!p0 $0x4060  }
0x6: {  	[timem:s6], [sflag:s4] =	dma.local @!p0 [hbm:s2], s1  }
.Ltmp0:
0x7: {  	s30 =	simm.s32 $0x2;
	s7 =	simm.s32 $0x280;
	(pc) =	sbr.rel .LBB2_1-.Ltmp0, $4  }
0x8: {  	s8 =	simm.s32 $0x780;
	s10 =	simm.s32 $0x0;
	s2 =	smul.u32 $0x280, s3  }
0x9: {  	s9 =	simm.s32 $0x0;
	s3 =	simm.s32 $0x1;
	_ =	strace $0x8000004A  }
0xa: {  	s4 =	sadd.s32 $0x600, s5;
	[sflag:s3] =	ssyncpa.u1 $0x0;
	s31 =	sshrl.u32 s2, $0x3  }
0xb: {  	s6 =	simm.s32 $0x0;
	[sflag:s30] =	ssyncpa.u1 $0x0;
	s5 =	sadd.s32 s31, s5  }
.LBB2_8:
0xc: {  	p1 =	seq.s32 s9, $0x2  }
.Ltmp1:
0xd: {  	_ = 	snop;
	(pc) =	sbr.rel @p1 .LBB2_10-.Ltmp1, $1  }
0xe: {  	_ =	sdelay $0x3  }
.LBB2_9:
0xf: {  	s9 =	sadd.s32 $0x1, s9;
	s10 =	smov.u32 s2  }
.LBB2_1:
0x10: {  	p1 =	sne.s32 s9, $0x0  }
.Ltmp2:
0x11: {  	_ = 	snop;
	(pc) =	sbr.rel @!p1 .LBB2_2-.Ltmp2, $1  }
0x12: {  	_ =	sdelay $0x3  }
0x13: {  	s11 =	sand.u32 $0x1, s9  }
0x14: {  	p1 =	seq.s32 s11, $0x0  }
.Ltmp3:
0x15: {  	_ = 	snop;
	(pc) =	sbr.rel @p1 .LBB2_8-.Ltmp3, $1  }
0x16: {  	_ =	sdelay $0x3  }
0x17: {  	_ =	swait.ge [sflag:s3], $0x280  }
0x18: {  	[sflag:s3] =	ssyncset.done $0x0  }
0x19: {  	s11 =	simm.s32 $0x0;
	p1 =	por $0x1, $0x1;
	[sflag:s3] =	ssyncadd.s32 $0xFFFFFD80  }
.LBB2_5:
0x1a: {  	v0 =	vld [tilespmem:s11+$0x280]  }
0x1b: {  	v1 =	vld [tilespmem:s11+$0x290]  }
0x1c: {  	v2 =	vld [tilespmem:s11+$0x2A0]  }
0x1d: {  	v3 =	vld [tilespmem:s11+$0x2B0]  }
0x1e: {  	v4 =	vld [tilespmem:s11+$0x2C0]  }
0x1f: {  	v53 =	vld [tilespmem:s11+$0x2D0];
	[tilespmem:s11+$0x780] =	vst v0  }
0x20: {  	v54 =	vld [tilespmem:s11+$0x2E0];
	[tilespmem:s11+$0x790] =	vst v1  }
0x21: {  	v55 =	vld [tilespmem:s11+$0x2F0];
	[tilespmem:s11+$0x7A0] =	vst v2  }
0x22: {  	v56 =	vld [tilespmem:s11+$0x300];
	[tilespmem:s11+$0x7B0] =	vst v3  }
0x23: {  	v57 =	vld [tilespmem:s11+$0x310];
	[tilespmem:s11+$0x7C0] =	vst v4  }
0x24: {  	v58 =	vld [tilespmem:s11+$0x320];
	[tilespmem:s11+$0x7D0] =	vst v53  }
0x25: {  	v59 =	vld [tilespmem:s11+$0x330];
	[tilespmem:s11+$0x7E0] =	vst v54  }
0x26: {  	v60 =	vld [tilespmem:s11+$0x340];
	[tilespmem:s11+$0x7F0] =	vst v55  }
0x27: {  	v61 =	vld [tilespmem:s11+$0x350];
	[tilespmem:s11+$0x800] =	vst v56  }
0x28: {  	v62 =	vld [tilespmem:s11+$0x360];
	[tilespmem:s11+$0x810] =	vst v57  }
0x29: {  	v63 =	vld [tilespmem:s11+$0x370];
	p2 =	por p1, p1;
	[tilespmem:s11+$0x820] =	vst v58  }
.Ltmp4:
0x2a: {  	[tilespmem:s11+$0x830] =	vst v59;
	(pc) =	sbr.rel @p2 .LBB2_5-.Ltmp4, $4  }
0x2b: {  	[tilespmem:s11+$0x840] =	vst v60  }
0x2c: {  	[tilespmem:s11+$0x850] =	vst v61  }
0x2d: {  	s12 =	simm.s32 $0x1F0;
	s13 =	simm.s32 $0x980;
	[tilespmem:s11+$0x860] =	vst v62  }
0x2e: {  	s14 =	simm.s32 $0x480;
	p1 =	por $0x0, $0x0;
	[tilespmem:s11+$0x870] =	vst v63;
	s11 =	simm.s32 $0x100  }
.LBB2_6:
0x2f: {  	s12 =	sadd.s32 $0x10, s12  }
0x30: {  	v0 =	vld [tilespmem:s14+$0x0];
	p1 =	slt.u32 s12, $0x270  }
.Ltmp5:
0x31: {  	_ = 	snop;
	(pc) =	sbr.rel @p1 .LBB2_6-.Ltmp5, $2  }
0x32: {  	_ =	sdelay $0x2  }
0x33: {  	s14 =	sadd.s32 $0x10, s14;
	[tilespmem:s13+$0x0] =	vst v0;
	s13 =	sadd.s32 $0x10, s13  }
.Ltmp6:
0x34: {  	(pc) =	sbr.rel .LBB2_8-.Ltmp6, $4  }
0x35: {  	_ = 	snop  }
0x36: {  	s10 =	sshrl.u32 s10, $0x3  }
0x37: {  	s10 =	sadd.s32 s4, s10  }
0x38: {  	[hbm4b:s10+s6] =	stream.linear.scatter [tilespmem:s8], [sflag:$0x2], $0x280, $0x38;
	[tilespmem:$0xA00] =	vst v63  }
.LBB2_2:
.Ltmp7:
0x39: {  	(pc) =	sbr.rel .LBB2_9-.Ltmp7, $2  }
0x3a: {  	_ =	sdelay $0x2  }
0x3b: {  	[tilespmem:s7], [sflag:$0x1] =	stream.linear.gather [hbm4b:s5+s6], $0x280, $0x38;
	[tilespmem:$0xA00] =	vst v63  }
.LBB2_10:
0x3c: {  	s2 =	simm.s32 $0x2  }
0x3d: {  	_ =	swait.ge [sflag:s2], $0x280  }
0x3e: {  	[sflag:s2] =	ssyncset.done $0x0  }
0x3f: {  	[sflag:s2] =	ssyncadd.s32 $0xFFFFFD80  }
0x40: {  	_ =	sfence.sel $0x180000  }
0x41: {  	s3 =	simm.s32 $0x1;
	[bflag:$0x0] =	sbarrier.arrive $0xFFFF  }
0x42: {  	[sflag:s3] =	ssyncpa.u1 $0x1  }
0x43: {  	[sflag:s2] =	ssyncpa.u1 $0x1  }
0x44: {  	_ =	strace $0x9000004A  }
0x45: {  	s0 =	sadd.s32 @!p0 $0x100000, s0;
	[bflag:$0x2] =	sbarrier.arrive $0xFFFF  }
0x46: {  	[sflag:s0] =	ssyncadd.tile.s32 @!p0 $0x1;
	s0 =	simm.s32 @!p0 $0x3F  }
0x47: {  	_ =	swait.ge @!p0 [sflag:s0], s1  }
0x48: {  	s1 =	ssub.s32 @!p0 $0x0, s1;
	[sflag:s0] =	ssyncset.done @!p0 $0x0  }
0x49: {  	[sflag:s0] =	ssyncadd.s32 @!p0 s1  }
0x4a: {  	[bflag:$0x3] =	sbarrier.arrive $0xFFFF  }
0x4b: {  	_ =	shalt  }
.Lfunc_end2:
execute1_lowered:
.L_overlay_start_2:
0x4c: {  	(tag) =	ssettag $0x2  }
0x4d: {  	s0 =	rddreg [dreg:$0x0];
	_ =	strace $0x8000004D;
	s1 =	simm.s32 $0x1  }
0x4e: {  	v1 =	vimm.s32 $0xFFFFFFFF;
	[sflag:s1] =	ssyncpa.u1 $0x0  }
0x4f: {  	s10 =	stileid.u32;
	s2 =	simm.s32 $0x6000;
	[tilespmem:$0x10] =	vst v1  }
0x50: {  	v0 =	vimm.f32 $0.0e+00;
	s29 =	simm.s32 $0x2;
	s7 =	simm.s32 $0x7;
	s8 =	simm.s32 $0x8;
	[tilespmem:$0x20] =	vst v1  }
0x51: {  	s30 =	simm.s32 $0x9;
	s16 =	simm.s32 $0x0;
	s17 =	simm.s32 $0xFFFFE000;
	[tilespmem:$0x30] =	vst v0  }
0x52: {  	s18 =	simm.s32 $0xF0;
	s19 =	simm.s32 $0xFFFFFFFF;
	s20 =	simm.s32 $0xFFFFC100;
	[tilespmem:$0x40] =	vst v0  }
0x53: {  	s21 =	simm.s32 $0xFFFFFFFE;
	s28 =	smin.u32 s10, $0x8;
	s3 =	sshll.u32 s10, $0x1;
	[tilespmem:$0x50] =	vst v0  }
0x54: {  	s22 =	simm.s32 $0xF;
	p0 =	slt.u32 s10, $0x8;
	[tilespmem:$0x60] =	vst v1;
	s1 =	sadd.s32 s28, s3  }
0x55: {  	s26 =	simm.s32 $0x0;
	[tilespmem:$0x70] =	vst v1;
	s2 =	simm.s32 @!p0 $0x4000;
	s4 =	sshll.u32 s1, $0xD  }
0x56: {  	s25 =	simm.s32 $0x0;
	s6 =	sadd.s32 $0x53CE00, s0;
	[tilespmem:$0x80] =	vst v1;
	s2 =	sadd.s32 s2, s4  }
0x57: {  	s15 =	sshllo.u32 s10, $0x1;
	v1 =	vimm.s32 $0x0;
	[tilespmem:$0xB0] =	vst v0;
	s13 =	sor.u32 $0x80, s3;
	s5 =	smin.u32 s2, $0x50000  }
0x58: {  	s14 =	sor.u32 $0x81, s3;
	[tilespmem:$0x90] =	vst v1;
	s1 =	sadd.s32 $0x600, s0;
	s9 =	ssub.s32 s5, s4  }
.Ltmp8:
0x59: {  	[tilespmem:$0xA0] =	vst v1;
	[sflag:s29] =	ssyncpa.u1 $0x0;
	p0 =	sgt.s32 s9, $0x0;
	(pc) =	sbr.rel .LBB3_1-.Ltmp8, $4  }
0x5a: {  	s0 =	sadd.s32 $0x546E00, s0;
	[sflag:s7] =	ssyncpa.u1 $0x0;
	s9 =	simm.s32 @!p0 $0x0  }
0x5b: {  	[dreg:$0x2] =	wrdreg s0;
	[sflag:s8] =	ssyncpa.u1 $0x0;
	s9 =	sshrl.u32 s9, $0xD  }
0x5c: {  	vm0 =	vmmov $0xffff;
	v2 =	vlaneseq.u32;
	s24 =	smov.u32 s4;
	[sflag:s30] =	ssyncpa.u1 $0x0;
	s31 =	sadd.s32 $0x1, s9  }
0x5d: {  	vm1 =	vmxor vm1, vm1;
	vm2 =	vmmov $0x1;
	vm3 =	vcmask $0x3F3C;
	p0 =	por $0x0, $0x0;
	s12 =	sadd.s32 $0x2, s9;
	[dreg:$0x3] =	wrdreg s31  }
.LBB3_9:
0x5e: {  	p1 =	slt.u32 s25, $0x3  }
0x5f: {  	s0 =	simm.s32 @!p1 $0x2  }
0x60: {  	_ =	swait.ge @!p1 [sflag:s0], $0x2000  }
0x61: {  	[sflag:s0] =	ssyncset.done @!p1 $0x0  }
0x62: {  	[sflag:s0] =	ssyncadd.s32 @!p1 $0xFFFFE000;
	s0 =	simm.s32 @!p1 $0x9  }
0x63: {  	_ =	swait.ge @!p1 [sflag:s0], $0x10  }
0x64: {  	s2 =	sadd.s32 $0x2000, s24;
	[sflag:s0] =	ssyncset.done @!p1 $0x0  }
0x65: {  	[sflag:s0] =	ssyncadd.s32 @!p1 $0xFFFFFFF0;
	p1 =	slt.s32 s2, s5;
	s0 =	smov.u32 s4  }
0x66: {  	s0 =	smov.u32 @p1 s2;
	p1 =	sne.s32 s25, s12  }
.Ltmp9:
0x67: {  	_ = 	snop;
	(pc) =	sbr.rel @!p1 .LBB3_10-.Ltmp9, $4  }
0x68: {  	s31 =	sadd.s32 $0x1, s25  }
0x69: {  	s17 =	sadd.s32 $0x2000, s17;
	s18 =	sadd.s32 $0x2000, s18;
	s19 =	sadd.s32 $0x1, s19  }
0x6a: {  	s26 =	smov.u32 s24;
	p0 =	por !p0, !p0;
	s20 =	sadd.s32 $0x2000, s20  }
0x6b: {  	s21 =	sadd.s32 $0x1, s21;
	s25 =	smov.u32 s31;
	s24 =	smov.u32 s0  }
.LBB3_1:
0x6c: {  	p1 =	sge.u32 s25, s9  }
0x6d: {  	s0 =	smulhi.u32 @!p1 $0xAAAAAAAB, s25;
	_ =	sdelay $0x1  }
0x6e: {  	s0 =	sshrl.u32 @!p1 s0, $0x1  }
0x6f: {  	s0 =	smul.u32 @!p1 $0x3, s0;
	_ =	sdelay $0x1  }
0x70: {  	s0 =	ssub.s32 @!p1 s25, s0  }
0x71: {  	s2 =	sshrl.u32 @!p1 s24, $0x3;
	s0 =	sshll.u32 @!p1 s0, $0xD  }
0x72: {  	s10 =	sand.u32 @!p1 $0x7, s24;
	s2 =	sadd.s32 @!p1 s6, s2;
	s0 =	sor.u32 @!p1 $0x100, s0  }
0x73: {  	[tilespmem:s0], [sflag:$0x7] =	stream.linear.gather @!p1 [hbm4b:s2+s10], $0x2000, $0x38;
	[tilespmem:$0x12120] =	vst v63  }
0x74: {  	s2 =	sadd.s32 $0xFFFFFFFF, s25  }
0x75: {  	p1 =	sge.u32 s2, s9  }
.Ltmp10:
0x76: {  	_ = 	snop;
	(pc) =	sbr.rel @p1 .LBB3_5-.Ltmp10, $1  }
0x77: {  	_ =	sdelay $0x3  }
0x78: {  	s0 =	smulhi.u32 $0xAAAAAAAB, s2;
	_ =	sdelay $0x1  }
0x79: {  	s0 =	sshrl.u32 s0, $0x1  }
0x7a: {  	s0 =	smul.u32 $0x3, s0;
	_ =	sdelay $0x1  }
0x7b: {  	s0 =	ssub.s32 s2, s0  }
0x7c: {  	_ =	swait.ge [sflag:s7], $0x2000;
	s0 =	sshll.u32 s0, $0xD  }
0x7d: {  	[sflag:s7] =	ssyncset.done $0x0;
	s0 =	sor.u32 $0x100, s0  }
0x7e: {  	[sflag:s7] =	ssyncadd.s32 $0xFFFFE000;
	(ifvalue) =	ssetifvalue $0xFFFFFFFF;
	v3 =	vld.msk [tilespmem:s0+$0x0 ss:$0x1], $0xffff;
	_ =	sdelay $0x2  }
0x7f: {  	s29 =	smulhi.u32 $0xAAAAAAAB, s19;
	p1 =	sne.s32 s25, $0x1  }
0x80: {  	v4 =	vimm.s32 @!p1 $0x0  }
0x81: {  	s0 =	sshrl.u32 s29, $0x1;
	v4 =	vperm.xlane @!p1 v3, v4  }
0x82: {  	s10 =	sshll.u32 s25, $0x4;
	s0 =	smul.u32 $0xFFFE8000, s0;
	vm4 =	vlt.u32 v3, $0x2800  }
0x83: {  	s10 =	sand.u32 $0x10, s10;
	v3 =	vnsel vm4, $0xFFFFFFFE, v3;
	vm4 =	vlt.u32 @!p1 v4, $0x2800  }
0x84: {  	s0 =	sshra.s32 s0, $0x2;
	[tilespmem:s10+$0x60] =	vst v3;
	v3 =	vnsel @!p1 vm4, $0xFFFFFFFE, v4  }
0x85: {  	s28 =	sadd.s32 s0, s18;
	[tilespmem:$0x80] =	vst @!p1 v3  }
0x86: {  	v3 =	vld.msk [tilespmem:s28+$0x0 ss:$0x1], $0xffff;
	_ =	sdelay $0x4  }
0x87: {  	(xrf1) =	vunique.msk.u32 $0xffff, v3;
	_ =	sdelay $0xd  }
0x88: {  	v4 =	vimm.s32 $0xFFFFFFFF;
	v5, _, _ =	vpop (xrf1)  }
0x89: {  	vm5 =	vne.s32 v3, v4;
	vm4 =	veq.s32 v5, v2  }
0x8a: {  	vm6 =	vlt.u32 v3, $0x2800;
	vm4 =	vmand vm5, vm4  }
0x8b: {  	vm4 =	vmand vm6, vm4  }
0x8c: {  	v4 =	vnsel vm4, $0xFFFFFFFF, v3;
	_ =	sdelay $0x2  }
0x8d: {  	s30 =	sand.u32 $0x2000, s17  }
0x8e: {  	s31 =	sshll.u32 s2, $0xD;
	s0 =	sor.u32 $0x80F0, s30;
	(ifvalue) =	ssetifvalue $0xFFFFFFFF  }
0x8f: {  	v3 =	vperm.xlane v3, v1;
	[tilespmem:s0], [sflag:$0x8] =	stream.indirect_vreg.gather [hbm4b:s1+s16], $0x1, v4, vm0, $0x4038;
	v4 =	vnsel vm6, $0xFFFFFFFE, v4;
	[tilespmem:$0x12120] =	vst v63  }
0x90: {  	s23 =	simm.s32 $0x0;
	s2 =	sand.u32 $0x2000, s31;
	s10 =	sadd.s32 $0xFFFFFFF0, s28;
	[tilespmem:s28+$0x0] =	vst v4  }
.LBB3_3:
0x91: {  	v4 =	vld.msk [tilespmem:s10+$0x0 ss:$0x1], $0xffff;
	s23 =	sadd.s32 $0x10, s23;
	v5 =	vmov v3;
	s28 =	smov.u32 s10  }
0x92: {  	p1 =	slt.u32 s23, $0x1FF0;
	_ =	sdelay $0x4  }
0x93: {  	v3 =	vperm.xlane v4, v1;
	(xrf1) =	vunique.msk.u32 $0xffff, v4;
	_ =	sdelay $0xd  }
0x94: {  	v6, _, _ =	vpop (xrf1)  }
0x95: {  	vm5 =	vne.s32 v4, v5;
	vm4 =	veq.s32 v6, v2  }
0x96: {  	vm6 =	vlt.u32 v4, $0x2800;
	vm4 =	vmand vm5, vm4  }
0x97: {  	vm4 =	vmand vm6, vm4  }
0x98: {  	v4 =	vnsel vm4, $0xFFFFFFFF, v4  }
.Ltmp11:
0x99: {  	v5 =	vnsel vm6, $0xFFFFFFFE, v4;
	(pc) =	sbr.rel @p1 .LBB3_3-.Ltmp11, $3  }
0x9a: {  	_ =	sdelay $0x1  }
0x9b: {  	s10 =	sadd.s32 $0xFFFFFFF0, s10;
	s0 =	sadd.s32 $0xFFFFFFF0, s0;
	(ifvalue) =	ssetifvalue $0xFFFFFFFF  }
0x9c: {  	[tilespmem:s0], [sflag:$0x8] =	stream.indirect_vreg.gather [hbm4b:s1+s16], $0x1, v4, vm0, $0x4038;
	[tilespmem:s28+$0x0] =	vst v5  }
0x9d: {  	s0 =	sshrl.u32 s26, $0x3;
	s10 =	rddreg [dreg:$0x2]  }
0x9e: {  	s2 =	sadd.s32 $0xA100, s2;
	s0 =	sadd.s32 s10, s0  }
0x9f: {  	[tilespmem:s2], [sflag:$0x8] =	stream.linear.gather [hbm:s0], $0x2000, $0x38;
	[tilespmem:$0x12120] =	vst v63  }
.LBB3_5:
0xa0: {  	p1 =	slt.u32 s25, $0x2  }
0xa1: {  	p2 =	sge.u32 @!p1 s25, s12  }
0xa2: {  	p1 =	por p1, p2  }
.Ltmp12:
0xa3: {  	_ = 	snop;
	(pc) =	sbr.rel @p1 .LBB3_9-.Ltmp12, $1  }
0xa4: {  	_ =	sdelay $0x3  }
0xa5: {  	s0 =	sadd.s32 $0xFFFFFFFE, s25  }
0xa6: {  	s2 =	smulhi.u32 $0xAAAAAAAB, s0;
	_ =	sdelay $0x1  }
0xa7: {  	s2 =	sshrl.u32 s2, $0x1  }
0xa8: {  	s2 =	smul.u32 $0x3, s2  }
0xa9: {  	_ =	swait.ge [sflag:s8], $0x4000  }
0xaa: {  	s10 =	rddreg [dreg:$0x3];
	s0 =	ssub.s32 s0, s2  }
0xab: {  	[sflag:s8] =	ssyncset.done $0x0;
	p1 =	sne.s32 s25, s10;
	s0 =	sshll.u32 s0, $0xD  }
0xac: {  	[sflag:s8] =	ssyncadd.s32 $0xFFFFC000;
	s2 =	sadd.s32 @!p1 $0x20FF, s0  }
0xad: {  	[spmem:s14] =	stream.linear.scatter @!p1 [tilespmem:s2], [sflag:$0x1], $0x1, $0x38;
	[tilespmem:$0x12120] =	vst v63  }
0xae: {  	s2 =	simm.s32 @!p1 $0x1  }
0xaf: {  	_ =	swait.ge @!p1 [sflag:s2], $0x1  }
0xb0: {  	s10 =	sshll.u32 s25, $0x4;
	[sflag:s2] =	ssyncset.done @!p1 $0x0  }
0xb1: {  	s26 =	sand.u32 $0x10, s10;
	[sflag:s2] =	ssyncadd.s32 @!p1 $0xFFFFFFFF  }
0xb2: {  	s2 =	sxor.u32 $0x10, s26;
	v4 =	vld [tilespmem:s26+$0x10]  }
0xb3: {  	v5 =	vld [tilespmem:s2+$0x60]  }
0xb4: {  	v3 =	vld [tilespmem:$0x80];
	_ =	sdelay $0x2  }
0xb5: {  	(v2sf) =	vpush v4, $0x0  }
0xb6: {  	(v2sf) =	vpush v5, $0x0  }
0xb7: {  	(v2sf) =	vpush v3, $0x0;
	_ =	sdelay $0xc  }
0xb8: {  	s11 =	spop (v2sf)  }
0xb9: {  	s23 =	spop (v2sf)  }
0xba: {  	s29 =	spop (v2sf)  }
0xbb: {  	p2 =	seq.s32 s11, s23;
	p3 =	seq.s32 s29, s11  }
0xbc: {  	p3 =	por p2, p3  }
0xbd: {  	v4 =	vpsel p3, $0xFFFFFFFF, v4  }
0xbe: {  	s23 =	sand.u32 $0x1, s25;
	[tilespmem:s26+$0x10] =	vst.msk $0x1, v4  }
0xbf: {  	s30 =	sshll.u32 s23, $0xD;
	v4 =	vld [tilespmem:$0x30]  }
0xc0: {  	v5 =	vld [tilespmem:s30+$0xA100]  }
0xc1: {  	v6 =	vld [tilespmem:s26+$0x40];
	_ =	sdelay $0x3  }
0xc2: {  	vm4 =	vmmov vm1;
	v5 =	vadd.f32 v5, v4  }
0xc3: {  	vm5 =	vmmov vm2;
	vm4 =	vmmov @p2 vm2;
	s10 =	sshll.u32 s23, $0x4;
	v4 =	vadd.f32 v6, v4  }
0xc4: {  	s28 =	sor.u32 $0x12100, s10;
	vm5 =	vmmov @p3 vm1;
	[tilespmem:s30+$0xA100] =	vst.msk vm4, v5  }
0xc5: {  	[tilespmem:s28+$0x0] =	vst.msk vm5, v4  }
0xc6: {  	v4 =	vld [tilespmem:s30+$0x80F0];
	_ =	sdelay $0x3  }
0xc7: {  	v5 =	vimm.f32 $0.0e+00  }
0xc8: {  	v4 =	vshift.insert v4, v5, s22  }
0xc9: {  	s11 =	sor.u32 $0x40, s2  }
0xca: {  	[tilespmem:s11+$0x0] =	vst.msk $0x1, v4  }
0xcb: {  	[tilespmem:s30+$0x80FF] =	vst.msk $0x1, v5  }
0xcc: {  	v4 =	vld [tilespmem:s0+$0x20F0];
	_ =	sdelay $0x1  }
0xcd: {  	s23 =	smulhi.u32 $0xAAAAAAAB, s21;
	_ =	sdelay $0x1  }
0xce: {  	s10 =	simm.s32 $0x1;
	s0 =	sshrl.u32 s23, $0x1  }
0xcf: {  	s10 =	simm.s32 @!p0 $0x0;
	s0 =	smul.u32 $0xFFFE8000, s0;
	v4 =	vshift.insert v4, v1, s22  }
0xd0: {  	s10 =	sshll.u32 s10, $0xD  }
0xd1: {  	s31 =	sadd.s32 $0xA100, s10;
	s0 =	sshra.s32 s0, $0x2;
	[tilespmem:s2+$0x10] =	vst.msk $0x1, v4  }
0xd2: {  	s11 =	sadd.s32 s0, s20;
	v6 =	vld [tilespmem:s31+$0x0]  }
0xd3: {  	v7 =	vld [tilespmem:s11+$0x0];
	_ =	sdelay $0x3  }
0xd4: {  	v5 =	vadd.f32 v6, v5  }
0xd5: {  	vm4 =	vne.s32 v7, $0xFFFFFFFF  }
0xd6: {  	(xrf2) =	vadd.seg.scan.f32 vm4, v5;
	_ =	sdelay $0x3  }
0xd7: {  	s0 =	sadd.s32 $0x6100, s10;
	v5 =	vperm.xlane v4, v1  }
0xd8: {  	v6 =	vld [tilespmem:s0+$0x0]  }
0xd9: {  	vm5 =	veq.s32 v7, v3;
	vm6 =	veq.s32 v7, v5  }
0xda: {  	vm7 =	vgt.u32 v7, $0xFFFFFFFD;
	vm6 =	vmor vm6, vm5  }
0xdb: {  	vm6 =	vmor vm6, vm7  }
0xdc: {  	v9 =	vld [tilespmem:$0xA0];
	v7 =	vsel vm6, $0xFFFFFFFF, v7  }
0xdd: {  	v10 =	vld [tilespmem:$0x90];
	v6 =	vsel vm5, $0x0, v6;
	v8, _, _ =	vpop (xrf2)  }
0xde: {  	v6 =	vadd.f32 v8, v6  }
0xdf: {  	s2 =	sadd.s32 $0xE100, s10  }
0xe0: {  	vm4 =	vmand vm4, vm3;
	[tilespmem:s2+$0x0] =	vst v6;
	(ifvalue) =	ssetifvalue $0xFFFFFFFF  }
0xe1: {  	vm6 =	veq.s32 v9, $0x1;
	[hbm4b:s1+s16] =	stream.indirect_vreg.scatter [tilespmem:s2], [sflag:$0x2], $0x1, v7, vm0, $0x4038;
	v7 =	vsel vm4, $0x0, v8;
	[tilespmem:$0x12120] =	vst v63  }
0xe2: {  	s23 =	simm.s32 $0x0;
	s10 =	sadd.s32 $0x10, s11;
	vm4 =	vmor vm6, vm5;
	v6 =	vsel vm5, v8, v10;
	v7 =	vshift.insert v7, v0, s22  }
.LBB3_7:
0xe3: {  	v8 =	vld [tilespmem:s10+$0x0];
	s31 =	sadd.s32 $0x10, s31  }
0xe4: {  	s0 =	sadd.s32 $0x10, s0;
	v9 =	vld [tilespmem:s31+$0x0]  }
0xe5: {  	s23 =	sadd.s32 $0x10, s23;
	v10 =	vld [tilespmem:s0+$0x0]  }
0xe6: {  	p2 =	slt.u32 s23, $0x1FF0;
	_ =	sdelay $0x2  }
0xe7: {  	v7 =	vadd.f32 v9, v7  }
0xe8: {  	vm5 =	vne.s32 v8, $0xFFFFFFFF  }
0xe9: {  	vm6 =	vmand vm5, vm3;
	(xrf2) =	vadd.seg.scan.f32 vm5, v7;
	_ =	sdelay $0x5  }
0xea: {  	vm7 =	veq.s32 v8, v5;
	vm5 =	veq.s32 v8, v3  }
0xeb: {  	vm8 =	vgt.u32 v8, $0xFFFFFFFD;
	vm4 =	vmor vm4, vm5;
	vm7 =	vmor vm7, vm5  }
0xec: {  	vm7 =	vmor vm7, vm8  }
0xed: {  	v8 =	vsel vm7, $0xFFFFFFFF, v8  }
.Ltmp13:
0xee: {  	v7 =	vsel vm5, $0x0, v10;
	v9, _, _ =	vpop (xrf2);
	(pc) =	sbr.rel @p2 .LBB3_7-.Ltmp13, $4  }
0xef: {  	v6 =	vsel vm5, v9, v6;
	v10 =	vadd.f32 v9, v7;
	v7 =	vsel vm6, $0x0, v9  }
0xf0: {  	s2 =	sadd.s32 $0x10, s2;
	v7 =	vshift.insert v7, v0, s22  }
0xf1: {  	s10 =	sadd.s32 $0x10, s10;
	[tilespmem:s2+$0x0] =	vst v10;
	(ifvalue) =	ssetifvalue $0xFFFFFFFF  }
0xf2: {  	[hbm4b:s1+s16] =	stream.indirect_vreg.scatter [tilespmem:s2], [sflag:$0x2], $0x1, v8, vm0, $0x4038;
	[tilespmem:$0x12120] =	vst v63  }
0xf3: {  	v3 =	vld [tilespmem:s30+$0x100F0];
	_ =	sdelay $0x4  }
0xf4: {  	v3 =	vshift.insert v3, v0, s22  }
0xf5: {  	s0 =	simm.s32 $0x30  }
0xf6: {  	[tilespmem:s0+$0x0] =	vst.msk $0x1, v3  }
0xf7: {  	v3 =	vsel vm4, $0x1, v1;
	[tilespmem:$0x90] =	vst v6  }
0xf8: {  	s0 =	sadd.s32 @!p1 $0x100FF, s30;
	[tilespmem:$0xA0] =	vst v3  }
0xf9: {  	[spmem:s15] =	stream.linear.scatter @!p1 [tilespmem:s0], [sflag:$0x1], $0x1, $0x38;
	[tilespmem:$0x12120] =	vst v63  }
0xfa: {  	s0 =	simm.s32 @!p1 $0x1  }
0xfb: {  	v3 =	vmctz.xlane @!p1 vm4;
	_ =	swait.ge @!p1 [sflag:s0], $0x1  }
0xfc: {  	(v2sf) =	vpush @!p1 v4, $0x0  }
0xfd: {  	(v2sf) =	vpush @!p1 v3, $0x0;
	_ =	sdelay $0xd  }
0xfe: {  	s2 =	spop @!p1 (v2sf)  }
0xff: {  	s10 =	spop @!p1 (v2sf)  }
0x100: {  	p2 =	sne.s32 @!p1 s29, s2;
	p3 =	slt.s32 @!p1 s10, $0xF  }
0x101: {  	[sflag:s0] =	ssyncset.done @!p1 $0x0;
	p2 =	por p2, p1;
	p3 =	por !p3, p1  }
0x102: {  	[sflag:s0] =	ssyncadd.s32 @!p1 $0xFFFFFFFF;
	v3 =	vimm.s32 @!p2 $0xFFFFFFFF;
	s10 =	simm.s32 @p3 $0xF  }
0x103: {  	[tilespmem:$0x80] =	vst @!p2 v3;
	s2 =	sadd.s32 @!p1 $0x90, s10  }
0x104: {  	[spmem:s3] =	stream.linear.scatter @!p1 [tilespmem:s2], [sflag:$0x1], $0x1, $0x38;
	[tilespmem:$0x12120] =	vst v63  }
0x105: {  	_ =	swait.ge @!p1 [sflag:s0], $0x1  }
0x106: {  	[sflag:s0] =	ssyncset.done @!p1 $0x0  }
0x107: {  	s2 =	simm.s32 @!p1 $0x80;
	[sflag:s0] =	ssyncadd.s32 @!p1 $0xFFFFFFFF  }
0x108: {  	[spmem:s13] =	stream.linear.scatter @!p1 [tilespmem:s2], [sflag:$0x1], $0x1, $0x38;
	[tilespmem:$0x12120] =	vst v63  }
0x109: {  	_ =	swait.ge @!p1 [sflag:s0], $0x1  }
0x10a: {  	[sflag:s0] =	ssyncset.done @!p1 $0x0  }
0x10b: {  	[sflag:s0] =	ssyncadd.s32 @!p1 $0xFFFFFFFF;
	(ifvalue) =	ssetifvalue $0xFFFFFFFF;
	v3 =	vld [tilespmem:s26+$0x10];
	_ =	sdelay $0x3  }
.Ltmp14:
0x10c: {  	_ = 	snop;
	(pc) =	sbr.rel .LBB3_9-.Ltmp14, $3  }
0x10d: {  	_ =	sdelay $0x1  }
0x10e: {  	(ifvalue) =	ssetifvalue $0xFFFFFFFF  }
0x10f: {  	[hbm4b:s1+s16] =	stream.indirect_vreg.scatter [tilespmem:s28], [sflag:$0x9], $0x1, v3, vm0, $0x4038;
	[tilespmem:$0x12120] =	vst v63  }
.LBB3_10:
0x110: {  	_ =	sfence.sel $0x180000  }
0x111: {  	s0 =	simm.s32 $0x7;
	[bflag:$0x0] =	sbarrier.arrive $0xFFFF  }
0x112: {  	s26 =	simm.s32 $0x8;
	[sflag:s0] =	ssyncpa.u1 $0x1  }
0x113: {  	s28 =	simm.s32 $0x9;
	[sflag:s26] =	ssyncpa.u1 $0x1  }
0x114: {  	[sflag:s28] =	ssyncpa.u1 $0x1  }
0x115: {  	_ =	sfence.stream.spmem  }
0x116: {  	s29 =	simm.s32 $0x3;
	[bflag:$0x0] =	sbarrier.arrive $0xFFFF  }
0x117: {  	s30 =	simm.s32 $0x4;
	[sflag:s29] =	ssyncpa.u1 $0x1  }
0x118: {  	s31 =	simm.s32 $0x3C;
	s2 =	stileid.u32;
	[sflag:s30] =	ssyncpa.u1 $0x1  }
0x119: {  	p0 =	sne.s32 s2, $0x0;
	[sflag:s31] =	ssyncpa.u1 $0x1  }
0x11a: {  	s0 =	simm.s32 @p0 $0x1;
	_ =	sfence @p0  }
0x11b: {  	[sflag:s0] =	ssyncpa.u1 @p0 $0x1;
	s0 =	simm.s32 @p0 $0x2  }
0x11c: {  	[sflag:s0] =	ssyncpa.u1 @p0 $0x1  }
0x11d: {  	_ =	strace @p0 $0x9000004D  }
0x11e: {  	[bflag:$0x2] =	sbarrier.arrive @p0 $0xFFFF  }
0x11f: {  	_ =	shalt @p0  }
.LBB3_11:
0x120: {  	_ =	sfence.stream.spmem;
	s0 =	simm.s32 $0x5  }
0x121: {  	s2 =	simm.s32 $0x80;
	s3 =	simm.s32 $0xC0;
	[sflag:s0] =	ssyncpa.u1 $0x0  }
0x122: {  	[tilespmem:s3], [sflag:$0x5] =	stream.linear.gather [spmem:s2], $0x20, $0x38;
	[tilespmem:$0x12120] =	vst v63  }
0x123: {  	s2 =	simm.s32 $0x0;
	s3 =	simm.s32 $0xE0  }
0x124: {  	[tilespmem:s3], [sflag:$0x5] =	stream.linear.gather [spmem:s2], $0x20, $0x38;
	[tilespmem:$0x12120] =	vst v63  }
.Ltmp15:
0x125: {  	_ = 	snop;
	(pc) =	sbr.rel .LBB3_12-.Ltmp15, $4  }
0x126: {  	_ =	swait.ge [sflag:s0], $0x40  }
0x127: {  	[sflag:s0] =	ssyncset.done $0x0  }
0x128: {  	s31 =	simm.s32 $0x6;
	[sflag:s0] =	ssyncadd.s32 $0xFFFFFFC0  }
0x129: {  	s4 =	simm.s32 $0x0;
	[sflag:s31] =	ssyncpa.u1 $0x0  }
.LBB3_17:
0x12a: {  	p0 =	sgt.u32 s0, $0x27FF  }
0x12b: {  	s5 =	sshrl.u32 @!p0 s0, $0x3  }
0x12c: {  	s0 =	sand.u32 @!p0 $0x7, s0;
	s6 =	simm.s32 @!p0 $0xB0;
	s5 =	sadd.s32 @!p0 s1, s5  }
0x12d: {  	[tilespmem:s6], [sflag:$0x6] =	stream.linear.gather @!p0 [hbm4b:s5+s0], $0x1, $0x38;
	[tilespmem:$0x12120] =	vst v63  }
0x12e: {  	s0 =	simm.s32 @!p0 $0x6  }
0x12f: {  	_ =	swait.ge @!p0 [sflag:s0], $0x1  }
0x130: {  	[sflag:s0] =	ssyncset.done @!p0 $0x0  }
0x131: {  	[sflag:s0] =	ssyncadd.s32 @!p0 $0xFFFFFFFF  }
0x132: {  	v2 =	vmov @!p0 s4;
	v1 =	vld.msk @!p0 [tilespmem:$0xB0], $0x1;
	_ =	sdelay $0x3  }
0x133: {  	s0 =	simm.s32 @!p0 $0xE0  }
0x134: {  	[tilespmem:v2+s0+$0x0], v1 =	vst.idx.ret.add.f32.msk @!p0 $0x1, v1  }
0x135: {  	[tilespmem:s2+$0xC0] =	vst.msk $0x1, v0  }
0x136: {  	v0 =	vld.msk [tilespmem:s4+$0xE0], $0x1;
	_ =	sdelay $0x4  }
0x137: {  	[tilespmem:s2+$0xE0] =	vst.msk $0x1, v0;
	s2 =	sadd.s32 $0x1, s2  }
.LBB3_19:
0x138: {  	s4 =	sadd.s32 $0x1, s4  }
0x139: {  	p0 =	sne.s32 s4, $0x20  }
.Ltmp16:
0x13a: {  	_ = 	snop;
	(pc) =	sbr.rel @!p0 .LBB3_20-.Ltmp16, $1  }
0x13b: {  	_ =	sdelay $0x3  }
.LBB3_12:
0x13c: {  	v0 =	vld.msk [tilespmem:s4+$0xC0], $0x1;
	_ =	sdelay $0x4  }
0x13d: {  	(v2sf) =	vpush v0, $0x0;
	_ =	sdelay $0xe  }
0x13e: {  	s0 =	spop (v2sf)  }
0x13f: {  	p0 =	seq.s32 s0, $0xFFFFFFFF  }
.Ltmp17:
0x140: {  	_ = 	snop;
	(pc) =	sbr.rel @p0 .LBB3_19-.Ltmp17, $1  }
0x141: {  	_ =	sdelay $0x3  }
0x142: {  	p0 =	slt.s32 s2, $0x1  }
.Ltmp18:
0x143: {  	_ = 	snop;
	(pc) =	sbr.rel @p0 .LBB3_17-.Ltmp18, $1  }
0x144: {  	_ =	sdelay $0x3  }
0x145: {  	s5 =	simm.s32 $0xC0;
	p0 =	por $0x0, $0x0  }
0x146: {  	v1 =	vld.msk @!p0 [tilespmem:s5+$0x0], $0x1;
	_ =	sdelay $0x4  }
0x147: {  	(v2sf) =	vpush @!p0 v1, $0x0;
	_ =	sdelay $0xd  }
0x148: {  	p2 =	sne.s32 s2, $0x1  }
.Ltmp19:
0x149: {  	s6 =	spop @!p0 (v2sf);
	(pc) =	sbr.rel @!p2 .LBB3_16-.Ltmp19, $4  }
0x14a: {  	p1 =	seq.s32 @!p0 s0, s6  }
0x14b: {  	s6 =	simm.s32 $0x0;
	p1 =	por !p1, p0  }
0x14c: {  	s8 =	simm.s32 $0xFFFFFFFF;
	s6 =	simm.s32 @p1 $0xFFFFFFFF  }
0x14d: {  	s7 =	simm.s32 $0x1;
	s6 =	smov.u32 @p0 s8  }
.LBB3_15:
0x14e: {  	s8 =	smov.u32 s6;
	p0 =	sne.s32 s6, $0xFFFFFFFF  }
0x14f: {  	s5 =	sadd.s32 $0x1, s5;
	s6 =	smov.u32 s7;
	s7 =	sadd.s32 $0x1, s7  }
0x150: {  	p1 =	sne.s32 s2, s7;
	v1 =	vld.msk @!p0 [tilespmem:s5+$0x0], $0x1;
	_ =	sdelay $0x4  }
0x151: {  	(v2sf) =	vpush @!p0 v1, $0x0;
	_ =	sdelay $0xe  }
.Ltmp20:
0x152: {  	s9 =	spop @!p0 (v2sf);
	(pc) =	sbr.rel @p1 .LBB3_15-.Ltmp20, $4  }
0x153: {  	p2 =	seq.s32 @!p0 s0, s9  }
0x154: {  	p2 =	por !p2, p0  }
0x155: {  	s6 =	simm.s32 @p2 $0xFFFFFFFF  }
0x156: {  	s6 =	smov.u32 @p0 s8  }
.LBB3_16:
0x157: {  	p0 =	sne.s32 s6, $0xFFFFFFFF  }
.Ltmp21:
0x158: {  	_ = 	snop;
	(pc) =	sbr.rel @!p0 .LBB3_17-.Ltmp21, $1  }
0x159: {  	_ =	sdelay $0x3  }
0x15a: {  	v0 =	vld.msk [tilespmem:s4+$0xE0], $0x1;
	v1 =	vmov s6  }
.Ltmp22:
0x15b: {  	_ = 	snop;
	(pc) =	sbr.rel .LBB3_19-.Ltmp22, $2  }
0x15c: {  	_ =	sdelay $0x2  }
0x15d: {  	[tilespmem:v1+s3+$0x0], v0 =	vst.idx.ret.add.f32.msk $0x1, v0  }
.LBB3_20:
0x15e: {  	p0 =	slt.s32 s2, $0x1  }
.Ltmp23:
0x15f: {  	_ = 	snop;
	(pc) =	sbr.rel @p0 .LBB3_24-.Ltmp23, $3  }
0x160: {  	_ =	sdelay $0x1  }
0x161: {  	s0 =	simm.s32 $0x6  }
0x162: {  	[sflag:s0] =	ssyncpa.u1 $0x1;
	s0 =	simm.s32 $0x0  }
0x163: {  	s3 =	simm.s32 $0xC0  }
0x164: {  	v0 =	vld.msk [tilespmem:s3+$0x0], $0x1;
	_ =	sdelay $0x4  }
0x165: {  	(v2sf) =	vpush v0, $0x0;
	_ =	sdelay $0xe  }
0x166: {  	s2 =	sadd.s32 $0xFFFFFFFF, s2;
	s4 =	spop (v2sf)  }
0x167: {  	p1 =	sne.s32 s2, $0x0;
	p0 =	sgt.u32 s4, $0x27FF  }
.Ltmp24:
0x168: {  	s5 =	sshrl.u32 @!p0 s4, $0x3;
	(pc) =	sbr.rel @!p1 .LBB3_23-.Ltmp24, $4  }
0x169: {  	s3 =	simm.s32 $0xE0;
	s4 =	sand.u32 @!p0 $0x7, s4;
	s5 =	sadd.s32 @!p0 s1, s5  }
0x16a: {  	[hbm4b:s5+s4] =	stream.linear.scatter @!p0 [tilespmem:s3], [sflag:$0x5], $0x1, $0x38;
	[tilespmem:$0x12120] =	vst v63  }
0x16b: {  	s5 =	simm.s32 $0x0  }
0x16c: {  	s4 =	simm.s32 $0xC1;
	s5 =	simm.s32 @!p0 $0x4  }
.LBB3_22:
0x16d: {  	v0 =	vld.msk [tilespmem:s4+$0x0], $0x1;
	s2 =	sadd.s32 $0xFFFFFFFF, s2;
	s0 =	sadd.s32 s0, s5  }
0x16e: {  	p0 =	sne.s32 s2, $0x0;
	_ =	sdelay $0x3  }
0x16f: {  	(v2sf) =	vpush v0, $0x0;
	_ =	sdelay $0xe  }
.Ltmp25:
0x170: {  	s6 =	spop (v2sf);
	(pc) =	sbr.rel @p0 .LBB3_22-.Ltmp25, $4  }
0x171: {  	s5 =	simm.s32 $0x0;
	p1 =	sgt.u32 s6, $0x27FF  }
0x172: {  	s3 =	sadd.s32 $0x1, s3;
	s5 =	simm.s32 @!p1 $0x4;
	s7 =	sshrl.u32 @!p1 s6, $0x3  }
0x173: {  	s4 =	sadd.s32 $0x1, s4;
	s6 =	sand.u32 @!p1 $0x7, s6;
	s7 =	sadd.s32 @!p1 s1, s7  }
0x174: {  	[hbm4b:s7+s6] =	stream.linear.scatter @!p1 [tilespmem:s3], [sflag:$0x5], $0x1, $0x38;
	[tilespmem:$0x12120] =	vst v63  }
.LBB3_23:
0x175: {  	s0 =	sadd.s32 s0, s5  }
0x176: {  	s0 =	sshrl.u32 s0, $0x2  }
.LBB3_24:
0x177: {  	s1 =	simm.s32 $0x5  }
0x178: {  	_ =	swait.ge [sflag:s1], s0  }
0x179: {  	s28 =	ssub.s32 $0x0, s0;
	[sflag:s1] =	ssyncset.done $0x0  }
0x17a: {  	[sflag:s1] =	ssyncadd.s32 s28  }
0x17b: {  	[sflag:s1] =	ssyncpa.u1 $0x1  }
0x17c: {  	s29 =	simm.s32 $0x1;
	_ =	sfence  }
0x17d: {  	s30 =	simm.s32 $0x2;
	[sflag:s29] =	ssyncpa.u1 $0x1  }
0x17e: {  	[sflag:s30] =	ssyncpa.u1 $0x1  }
0x17f: {  	_ =	strace $0x9000004D  }
0x180: {  	[bflag:$0x2] =	sbarrier.arrive $0xFFFF  }
0x181: {  	s31 =	rddreg [dreg:$0x1]  }
0x182: {  	s0 =	sadd.s32 $0x100000, s31  }
0x183: {  	[sflag:s0] =	ssyncadd.tile.s32 $0x1;
	_ =	shalt  }
.Lfunc_end3:
_tile_overlayer_lowered:
.L_overlay_start_3:
0x184: {  	(tag) =	ssettag $0x3  }
0x185: {  	s0 =	rddreg [dreg:$0x0];
	s2 =	stileid.u32  }
0x186: {  	s1 =	rddreg [dreg:$0x1];
	p0 =	sne.s32 s2, $0x0  }
0x187: {  	s3 =	rddreg [dreg:$0x2];
	[bflag:$0x3] =	sbarrier.arrive $0xFFFF;
	s2 =	simm.s32 @!p0 $0x1C01  }
0x188: {  	[timem:s3], [sflag:s2] =	dma.local @!p0 [hbm:s0], s1  }
0x189: {  	s0 =	simm.s32 @!p0 $0x1  }
0x18a: {  	_ =	swait.ge @!p0 [sflag:s0], s1  }
0x18b: {  	s1 =	ssub.s32 @!p0 $0x0, s1;
	[sflag:s0] =	ssyncset.done @!p0 $0x0  }
0x18c: {  	[sflag:s0] =	ssyncadd.s32 @!p0 s1  }
0x18d: {  	[bflag:$0x3] =	sbarrier.arrive $0xFFFF  }
0x18e: {  	_ =	shalt  }

// kernel: scatter_offload_async_start.2
scs
__scs_entry_jumppad:
0x0: {  	(pc) =	sbr.rel $0x88, $3  }
0x1: {  	(tag) =	ssettag $0x0;
	lr =	simm.s32 $0x1  }
0x2: {  	[smem:$0x3F99] =	sst lr;
	_ =	strace $0xD0000000  }
0x3: {  	_ = 	snop  }
0x4: {  	_ = 	snop  }
0x5: {  	_ = 	snop  }
0x6: {  	_ = 	snop  }
0x7: {  	_ = 	snop  }
__scs_overlays_trampoline_lowered:
0x8: {  	[smem:$0x3FA8] =	sst s0  }
0x9: {  	[smem:$0x3FA9] =	sst s1  }
0xa: {  	[smem:$0x3FAA] =	sst s2  }
0xb: {  	[smem:$0x3FAB] =	sst s3  }
0xc: {  	[smem:$0x3FAC] =	sst s4  }
0xd: {  	[smem:$0x3FAD] =	sst s5  }
0xe: {  	[smem:$0x3FAE] =	sst s6  }
0xf: {  	[smem:$0x3FAF] =	sst s7  }
0x10: {  	[smem:$0x3FB0] =	sst s8  }
0x11: {  	[smem:$0x3FB1] =	sst s9;
	s0 =	simm.s32 @!p0 $0x0  }
0x12: {  	s1 =	sld [smem:$0x3F97];
	s0 =	simm.s32 @p0 $0x1  }
0x13: {  	[smem:$0x3FB2] =	sst s0;
	s0 =	simm.s32 @!p1 $0x0  }
0x14: {  	s2 =	sld [smem:$0x3F96];
	s0 =	simm.s32 @p1 $0x1  }
0x15: {  	[smem:$0x3FB3] =	sst s0;
	s0 =	simm.s32 @!p2 $0x0  }
0x16: {  	s3 =	sld [smem:$0x3FDB];
	s0 =	simm.s32 @p2 $0x1  }
0x17: {  	s4 =	simm.s32 $0x1BF5;
	[smem:$0x3FB5] =	sst s0  }
0x18: {  	s0 =	sld [smem:$0x3F98];
	_ =	swait.ge [sflag:s4], $0x0  }
0x19: {  	s7 =	sld [smem:$0x3F99]  }
0x1a: {  	s8 =	sadd.s32 $0xFFFFE003, lr  }
0x1b: {  	s9 =	sadd.s32 $0xFFFFFEF7, lr;
	s5 =	simm.s32 $0xFFFFFFFF;
	p2 =	slt.u32 s8, $0xFFFFF086  }
0x1c: {  	p1 =	slt.u32 s9, $0xF7A;
	s5 =	simm.s32 @!p2 $0x0  }
0x1d: {  	s5 =	simm.s32 @p1 $0x1;
	p0 =	seq.s32 s7, s2  }
0x1e: {  	s7 =	smul.u32 @!p0 $0xF7A, s2;
	p2 =	seq.s32 @!p0 s5, $0x0  }
0x1f: {  	s9 =	smul.u32 $0xF7A, s1;
	s8 =	simm.s32 @!p0 $0x1BF5;
	p2 =	por !p2, p0  }
0x20: {  	[sflag:s8] =	ssyncset.s32 @!p0 $0xFFFFF086;
	s6 =	sadd.s32 @!p0 s3, s7;
	s7 =	simm.s32 @!p0 $0x108  }
0x21: {  	s3 =	sadd.s32 s3, s9;
	s6 =	sadd.s32 @!p0 $0x88, s6;
	s7 =	simm.s32 @p2 $0x1082  }
0x22: {  	[simem:s7], [sflag:s8] =	dma.local @!p0 [hbm:s6], $0xF7A  }
0x23: {  	s9 =	sor.u32 $0xD0000000, s2;
	s6 =	simm.s32 $0x108;
	_ =	swait.ge @!p0 [sflag:s8], $0x0  }
0x24: {  	s3 =	sadd.s32 $0x88, s3;
	s6 =	simm.s32 @!p1 $0x1082;
	[sflag:s4] =	ssyncset.s32 $0xFFFFF086  }
0x25: {  	[simem:s6], [sflag:s4] =	dma.local [hbm:s3], $0xF7A  }
0x26: {  	[smem:$0x3F99] =	sst s1;
	(tag) =	ssettag s2;
	_ =	strace s9  }
0x27: {  	s1 =	sld [smem:$0x3FA9]  }
0x28: {  	s2 =	sld [smem:$0x3FAA]  }
0x29: {  	s4 =	sld [smem:$0x3FAC]  }
0x2a: {  	p0 =	seq.s32 s5, $0x0;
	s5 =	sld [smem:$0x3FAD]  }
0x2b: {  	s6 =	sld [smem:$0x3FAE]  }
0x2c: {  	s7 =	sld [smem:$0x3FAF]  }
0x2d: {  	s3 =	simm.s32 $0x108;
	s8 =	sld [smem:$0x3FB0]  }
0x2e: {  	s3 =	simm.s32 @!p0 $0x1082;
	s9 =	sld [smem:$0x3FB1]  }
0x2f: {  	lr =	sadd.s32 s0, s3;
	s0 =	sld [smem:$0x3FA8]  }
0x30: {  	s3 =	sld [smem:$0x3FAB]  }
0x31: {  	[smem:$0x3FB4] =	sst s10  }
0x32: {  	s10 =	sld [smem:$0x3FB2];
	_ =	sdelay $0x3  }
0x33: {  	p0 =	seq.s32 s10, $0x1;
	s10 =	sld [smem:$0x3FB4];
	_ =	sdelay $0x3  }
0x34: {  	[smem:$0x3FB4] =	sst s10  }
0x35: {  	s10 =	sld [smem:$0x3FB3];
	_ =	sdelay $0x3  }
0x36: {  	p1 =	seq.s32 s10, $0x1;
	s10 =	sld [smem:$0x3FB4];
	_ =	sdelay $0x3  }
0x37: {  	[smem:$0x3FB4] =	sst s10  }
0x38: {  	s10 =	sld [smem:$0x3FB5]  }
0x39: {  	_ = 	snop;
	(pc) =	sbr.ind lr, $3  }
0x3a: {  	_ = 	snop  }
0x3b: {  	_ = 	snop  }
0x3c: {  	p2 =	seq.s32 s10, $0x1;
	s10 =	sld [smem:$0x3FB4]  }
0x3d: {  	_ =	shalt  }
0x3e: {  	_ =	shalt  }
0x3f: {  	_ =	shalt  }
0x40: {  	_ =	shalt  }
0x41: {  	_ =	shalt  }
0x42: {  	_ =	shalt  }
0x43: {  	_ =	shalt  }
0x44: {  	_ =	shalt  }
0x45: {  	_ =	shalt  }
0x46: {  	_ =	shalt  }
0x47: {  	_ =	shalt  }
0x48: {  	_ =	shalt  }
0x49: {  	_ =	shalt  }
0x4a: {  	_ =	shalt  }
0x4b: {  	_ =	shalt  }
0x4c: {  	_ =	shalt  }
0x4d: {  	_ =	shalt  }
0x4e: {  	_ =	shalt  }
0x4f: {  	_ =	shalt  }
0x50: {  	_ =	shalt  }
0x51: {  	_ =	shalt  }
0x52: {  	_ =	shalt  }
0x53: {  	_ =	shalt  }
0x54: {  	_ =	shalt  }
0x55: {  	_ =	shalt  }
0x56: {  	_ =	shalt  }
0x57: {  	_ =	shalt  }
0x58: {  	_ =	shalt  }
0x59: {  	_ =	shalt  }
0x5a: {  	_ =	shalt  }
0x5b: {  	_ =	shalt  }
0x5c: {  	_ =	shalt  }
0x5d: {  	_ =	shalt  }
0x5e: {  	_ =	shalt  }
0x5f: {  	_ =	shalt  }
0x60: {  	_ =	shalt  }
0x61: {  	_ =	shalt  }
0x62: {  	_ =	shalt  }
0x63: {  	_ =	shalt  }
0x64: {  	_ =	shalt  }
0x65: {  	_ =	shalt  }
0x66: {  	_ =	shalt  }
0x67: {  	_ =	shalt  }
0x68: {  	_ =	shalt  }
0x69: {  	_ =	shalt  }
0x6a: {  	_ =	shalt  }
0x6b: {  	_ =	shalt  }
0x6c: {  	_ =	shalt  }
0x6d: {  	_ =	shalt  }
0x6e: {  	_ =	shalt  }
0x6f: {  	_ =	shalt  }
0x70: {  	_ =	shalt  }
0x71: {  	_ =	shalt  }
0x72: {  	_ =	shalt  }
0x73: {  	_ =	shalt  }
0x74: {  	_ =	shalt  }
0x75: {  	_ =	shalt  }
0x76: {  	_ =	shalt  }
0x77: {  	_ =	shalt  }
0x78: {  	_ =	shalt  }
0x79: {  	_ =	shalt  }
0x7a: {  	_ =	shalt  }
0x7b: {  	_ =	shalt  }
0x7c: {  	_ =	shalt  }
0x7d: {  	_ =	shalt  }
0x7e: {  	_ =	shalt  }
0x7f: {  	_ =	shalt  }
0x80: {  	_ =	shalt  }
0x81: {  	_ =	shalt  }
0x82: {  	_ =	shalt  }
0x83: {  	_ =	shalt  }
0x84: {  	_ =	shalt  }
0x85: {  	_ =	shalt  }
0x86: {  	_ =	shalt  }
0x87: {  	_ =	shalt  }
.Lfunc_end0:
.L_simem_size_0:
called_computation.2_lowered:
.L_overlay_start_0:
0x88: {  	s2 =	sld [smem:$0x3FD9]  }
0x89: {  	s3 =	sld [smem:$0x3FFE];
	_ =	sdelay $0x1  }
0x8a: {  	s1 =	srdreg.scid  }
0x8b: {  	s0 =	sand.u32 $0x1, s1  }
0x8c: {  	s17 =	sshll.u32 s0, $0xA;
	s2 =	sadd.s32 s3, s2  }
0x8d: {  	s2 =	sadd.s32 s2, s17  }
0x8e: {  	[smem:$0x3FC0] =	sst s2  }
0x8f: {  	_ = 	snop  }
0x90: {  	(tm) =	ssettm $0x1  }
0x91: {  	s18 =	sld [smem:$0x3FFB];
	_ =	sdelay $0x3  }
0x92: {  	_ =	strace s18  }
0x93: {  	s2 =	sld [smem:$0x3FFC];
	_ =	sdelay $0x3  }
0x94: {  	_ =	strace s2  }
0x95: {  	s2 =	sld [smem:$0x3FFD];
	_ =	sdelay $0x3  }
0x96: {  	_ =	strace s2  }
0x97: {  	_ =	strace $0x8FFFFFFF  }
0x98: {  	s19 =	sld [smem:$0x3FDB];
	_ =	sdelay $0x1  }
0x99: {  	s20 =	simm.s32 $_scs_section_size  }
0x9a: {  	s4 =	simm.s32 $_size__tile_overlayer_lowered;
	s5 =	simm.s32 $_tile_overlayer_lowered  }
0x9b: {  	s6 =	simm.s32 $0x1BFF;
	s21 =	sshll.u32 s5, $0x1;
	s3 =	sadd.s32 s20, s19  }
0x9c: {  	s22 =	simm.s32 $0x0;
	s4 =	sshll.u32 s4, $0x1;
	s5 =	sadd.s32 s21, s3  }
0x9d: {  	[timem:s22], [sflag:s6] =	dma.local [hbm:s5], s4  }
0x9e: {  	_ =	swait.ge [sflag:s6], s4  }
0x9f: {  	s4 =	ssub.s32 $0x0, s4;
	[sflag:s6] =	ssyncset.done $0x0  }
0xa0: {  	[sflag:s6] =	ssyncadd.s32 s4;
	_ =	sdelay $0x1  }
0xa1: {  	s23 =	simm.s32 $0x1B8B  }
0xa2: {  	_ =	swait.ge [sflag:s23], $0x1  }
0xa3: {  	[sflag:s23] =	ssyncset.done $0x0  }
0xa4: {  	[sflag:s23] =	ssyncadd.s32 $0xFFFFFFFF  }
0xa5: {  	s4 =	sld [smem:$0x0]  }
0xa6: {  	s5 =	sand.u32 $0xFFFFFFFE, s1  }
0xa7: {  	p0 =	sne.s32 s1, s5  }
0xa8: {  	s5 =	sshll.u32 @p0 s5, $0xE  }
0xa9: {  	s5 =	sadd.s32 @p0 $0x11B8D, s5;
	s6 =	sshll.u32 @p0 s4, $0x11  }
0xaa: {  	s5 =	sor.u32 @p0 s6, s5  }
0xab: {  	[sflag:s5] =	ssyncadd.remote.s32 @p0 $0x1;
	_ =	sdelay $0x1  }
0xac: {  	s5 =	simm.s32 @p0 $0x1B8D  }
0xad: {  	_ =	swait.eq @p0 [sflag:s5], $0x1  }
0xae: {  	[sflag:s5] =	ssyncadd.s32 @p0 $0xFFFFFFFF  }
0xaf: {  	s6 =	sshll.u32 @!p0 s1, $0xE  }
0xb0: {  	s6 =	sor.u32 @!p0 $0x4000, s6;
	s5 =	simm.s32 @!p0 $0x1B8D  }
0xb1: {  	s7 =	sshll.u32 @!p0 s4, $0x11;
	s6 =	sadd.s32 @!p0 $0x11B8D, s6;
	_ =	swait.eq @!p0 [sflag:s5], $0x1  }
0xb2: {  	[sflag:s5] =	ssyncadd.s32 @!p0 $0xFFFFFFFF;
	s5 =	sor.u32 @!p0 s7, s6  }
0xb3: {  	s25 =	simm.s32 $0x1B8E;
	s24 =	sld [smem:$0x3FFE];
	[sflag:s5] =	ssyncadd.remote.s32 @!p0 $0x1  }
0xb4: {  	s26 =	simm.s32 $execute0_lowered;
	[smem:$0x3FD2] =	sst s25  }
0xb5: {  	s6 =	sshll.u32 s26, $0x1;
	_ =	strace $0x8000005B;
	[dreg:$0x1] =	wrdreg $0xFFFFFFFF  }
0xb6: {  	s28 =	simm.s32 $_size_execute0_lowered;
	s3 =	sadd.s32 s3, s6;
	[dreg:$0x0] =	wrdreg $0x0  }
0xb7: {  	s6 =	sshll.u32 s28, $0x1;
	[dreg:$0x2] =	wrdreg s3  }
0xb8: {  	[dreg:$0x3] =	wrdreg s6  }
0xb9: {  	[dreg:$0x4] =	wrdreg $0xC0  }
0xba: {  	_ =	task [dreg:s22], $0x5FFFF  }
0xbb: {  	[dreg:$0x1] =	wrdreg $0xFFFFFFFF  }
0xbc: {  	[dreg:$0x0] =	wrdreg $0x60  }
0xbd: {  	[dreg:$0x2] =	wrdreg s24  }
0xbe: {  	[dreg:$0x3] =	wrdreg s1  }
0xbf: {  	[dreg:$0x4] =	wrdreg s4  }
0xc0: {  	[dreg:$0x5] =	wrdreg $0x9  }
0xc1: {  	_ =	task.clear_ibuf [dreg:s22], $0x6FFFF;
	_ =	strace $0x9000005B  }
0xc2: {  	s29 =	simm.s32 $0x9;
	_ =	strace $0x8000005D  }
0xc3: {  	_ =	swait.ge [sflag:s29], $0x1  }
0xc4: {  	[sflag:s29] =	ssyncadd.s32 $0xFFFFFFFF  }
0xc5: {  	_ =	strace $0x9000005D  }
0xc6: {  	_ =	sfence  }
0xc7: {  	s30 =	sld [smem:$0x0];
	_ =	sdelay $0x2  }
0xc8: {  	s31 =	sshll.u32 s1, $0xD;
	s1 =	sshrl.u32 s1, $0x2  }
0xc9: {  	s4 =	sand.u32 $0x4000, s31;
	s1 =	sadd.s32 s1, s30  }
0xca: {  	s0 =	sor.u32 s4, s0;
	s1 =	sshll.u32 s1, $0x11  }
0xcb: {  	s0 =	sor.u32 s1, s0  }
0xcc: {  	s0 =	sadd.s32 $0x8F2B, s0  }
0xcd: {  	[sflag:s0] =	ssyncadd.remote.s32 $0x1  }
0xce: {  	_ =	sfence.sel $0xFFFF  }
0xcf: {  	[dreg:$0x0] =	wrdreg $0xFFFFFFFF;
	(pc) =	sbr.abs _section_cstart, $3  }
0xd0: {  	[dreg:$0x1] =	wrdreg $0xFFFFFFFF  }
0xd1: {  	_ =	task.clear_ibuf [dreg:s22], $0x2FFFF;
	_ =	strace $0x9FFFFFFF  }
0xd2: {  	(tm) =	ssettm $0x7FFFFFFF  }
0xd3: {  	_ =	shalt  }
tec
execute0_lowered:
.L_overlay_start_1:
0x0: {  	(tag) =	ssettag $0x1  }
0x1: {  	s2 =	rddreg [dreg:$0x0]  }
0x2: {  	s3 =	rddreg [dreg:$0x1];
	_ =	strace $0x8000005C;
	s0 =	simm.s32 $0x1  }
0x3: {  	v0 =	vimm.s32 $0x0;
	[sflag:s0] =	ssyncpa.u1 $0x0;
	s0 =	simm.s32 $0x108  }
0x4: {  	[tilespmem:s0+$0x70] =	vst v0  }
0x5: {  	[tilespmem:s0+$0x60] =	vst v0  }
0x6: {  	[tilespmem:s0+$0x50] =	vst v0  }
0x7: {  	[tilespmem:s0+$0x40] =	vst v0  }
0x8: {  	s1 =	sadd.s32 $0x550E00, s2;
	[tilespmem:s0+$0x30] =	vst v0  }
0x9: {  	s15 =	sadd.s32 $0x528E00, s2;
	s6 =	sadd.s32 $0x1EE00, s2;
	[tilespmem:s0+$0x20] =	vst v0  }
0xa: {  	s14 =	sadd.s32 $0x532E00, s2;
	s5 =	sand.u32 $0x1, s3;
	s3 =	simm.s32 $0x40;
	[tilespmem:s0+$0x10] =	vst v0  }
.LBB2_1:
0xb: {  	s3 =	sadd.s32 $0x40, s3;
	[tilespmem:s0+$0x0] =	vst v0;
	s0 =	sadd.s32 $0x80, s0  }
0xc: {  	p0 =	slt.u32 s3, $0x3C40;
	[tilespmem:s0+$0x70] =	vst v0  }
0xd: {  	[tilespmem:s0+$0x60] =	vst v0  }
.Ltmp0:
0xe: {  	[tilespmem:s0+$0x50] =	vst v0;
	(pc) =	sbr.rel @p0 .LBB2_1-.Ltmp0, $4  }
0xf: {  	[tilespmem:s0+$0x40] =	vst v0  }
0x10: {  	[tilespmem:s0+$0x30] =	vst v0  }
0x11: {  	[tilespmem:s0+$0x20] =	vst v0  }
0x12: {  	[tilespmem:s0+$0x10] =	vst v0  }
0x13: {  	s9 =	stileid.u32  }
0x14: {  	s2 =	smul.u32 $0x2A, s9  }
0x15: {  	s3 =	smin.u32 s9, $0xB  }
0x16: {  	s2 =	sadd.s32 s3, s2  }
0x17: {  	p0 =	slt.u32 s9, $0xB;
	s7 =	smul.u32 $0xF0, s2;
	s2 =	simm.s32 $0x2850  }
0x18: {  	s2 =	simm.s32 @!p0 $0x2760  }
0x19: {  	s2 =	sadd.s32 s2, s7  }
0x1a: {  	s8 =	smin.u32 s2, $0x28000  }
0x1b: {  	s2 =	ssub.s32 s8, s7  }
0x1c: {  	p0 =	sgt.s32 s2, $0x0  }
0x1d: {  	s29 =	simm.s32 $0x2;
	s10 =	simm.s32 $0x9;
	s2 =	simm.s32 @!p0 $0x0  }
0x1e: {  	s4 =	simm.s32 $0xA;
	s11 =	simm.s32 $0xB;
	s28 =	smulhi.u32 $0x88888889, s2  }
0x1f: {  	[dreg:$0x4] =	wrdreg s5;
	s31 =	smul.u32 $0x5000, s5;
	s12 =	simm.s32 $0x1  }
0x20: {  	s22 =	simm.s32 $0x0;
	s18 =	simm.s32 $0xC;
	s30 =	sshrl.u32 s28, $0x7  }
0x21: {  	s20 =	simm.s32 $0x0;
	s21 =	simm.s32 $0x0;
	s3 =	smul.u32 $0xF0, s30  }
.Ltmp1:
0x22: {  	[tilespmem:s0+$0x0] =	vst v0;
	v0 =	vimm.s32 $0xFFFFFFFF;
	[sflag:s29] =	ssyncpa.u1 $0x0;
	s16 =	sshll.u32 s9, $0x8;
	(pc) =	sbr.rel .LBB2_3-.Ltmp1, $4  }
0x23: {  	[tilespmem:$0xF208] =	vst v0;
	[sflag:s10] =	ssyncpa.u1 $0x0;
	p0 =	sne.s32 s2, s3;
	s2 =	simm.s32 $0x1  }
0x24: {  	s14 =	sadd.s32 s31, s14;
	[sflag:s4] =	ssyncpa.u1 $0x0;
	s2 =	simm.s32 @!p0 $0x0  }
0x25: {  	s15 =	sadd.s32 s31, s15;
	[sflag:s11] =	ssyncpa.u1 $0x0;
	s13 =	sadd.s32 s2, s30  }
0x26: {  	v0 =	vlaneseq.u32;
	s19 =	smov.u32 s7;
	p0 =	por $0x0, $0x0;
	s17 =	sadd.s32 $0x1, s13  }
.LBB2_18:
0x27: {  	s0 =	sshrl.u32 s31, $0x2  }
.LBB2_20:
0x28: {  	_ =	swait.ge [sflag:s18], s0  }
0x29: {  	s31 =	ssub.s32 $0x0, s0;
	v1 =	vmov s24;
	vm0 =	veq.s32 v0, $0x0;
	[sflag:s18] =	ssyncset.done $0x0  }
0x2a: {  	vm15 =	veq.s32 v0, $0x2;
	v1 =	vsel vm0, s30, v1;
	[sflag:s18] =	ssyncadd.s32 s31  }
0x2b: {  	v1 =	vsel vm15, s22, v1;
	[sflag:s18] =	ssyncpa.u1 $0x1  }
0x2c: {  	[tilespmem:$0xF208] =	vst v1  }
.LBB2_21:
0x2d: {  	s0 =	sadd.s32 $0xF0, s19  }
0x2e: {  	s2 =	smov.u32 s7;
	p1 =	slt.s32 s0, s8  }
0x2f: {  	s2 =	smov.u32 @p1 s0;
	p1 =	sne.s32 s21, s17  }
.Ltmp2:
0x30: {  	_ = 	snop;
	(pc) =	sbr.rel @!p1 .LBB2_22-.Ltmp2, $3  }
0x31: {  	_ =	sdelay $0x1  }
0x32: {  	s22 =	smov.u32 s20;
	s31 =	sadd.s32 $0x1, s21;
	s20 =	smov.u32 s19  }
0x33: {  	p0 =	por !p0, !p0;
	s21 =	smov.u32 s31;
	s19 =	smov.u32 s2  }
.LBB2_3:
0x34: {  	p1 =	sge.u32 s21, s13  }
0x35: {  	s0 =	smulhi.u32 @!p1 $0xAAAAAAAB, s21  }
0x36: {  	s2 =	smov.u32 s19;
	p2 =	sgt.s32 @!p1 s19, $0x27F10  }
0x37: {  	s3 =	sshra.s32 @!p1 s19, $0x1F;
	p2 =	por !p2, p1;
	s0 =	sshrl.u32 @!p1 s0, $0x1  }
0x38: {  	s3 =	sand.u32 @!p1 s3, s19;
	s2 =	simm.s32 @p2 $0x27F10;
	s0 =	smul.u32 @!p1 $0x3, s0  }
0x39: {  	s2 =	ssub.s32 @!p1 s2, s3  }
0x3a: {  	s2 =	sadd.s32 @!p1 $0xFFFD80F0, s2;
	s0 =	ssub.s32 @!p1 s21, s0  }
0x3b: {  	s3 =	sshll.u32 @!p1 s2, $0x2;
	p2 =	sgt.s32 @!p1 s2, $0xEF;
	s0 =	smul.u32 @!p1 $0x3C0, s0  }
0x3c: {  	s4 =	sand.u32 @!p1 $0x7, s19;
	s2 =	ssub.s32 @!p1 $0x3C0, s3;
	p2 =	por !p2, p1  }
0x3d: {  	s3 =	sshrl.u32 @!p1 s19, $0x3;
	s2 =	sshrl.u32 @!p1 s2, $0x2;
	s0 =	sshrl.u32 @!p1 s0, $0x2  }
0x3e: {  	s3 =	sadd.s32 @!p1 s3, s14;
	s2 =	simm.s32 @!p2 $0x0;
	s0 =	sadd.s32 @!p1 $0x10248, s0  }
0x3f: {  	[tilespmem:s0], [sflag:$0xA] =	stream.linear.gather @!p1 [hbm4b:s3+s4], s2, $0x38;
	[tilespmem:$0x1F6F8] =	vst v63  }
0x40: {  	s0 =	sadd.s32 $0xFFFFFFFF, s21  }
0x41: {  	p1 =	sge.u32 s0, s13  }
0x42: {  	p2 =	sgt.s32 @!p1 s20, $0x27F10  }
0x43: {  	s2 =	smov.u32 s20;
	s3 =	sshra.s32 @!p1 s20, $0x1F;
	p2 =	por !p2, p1  }
0x44: {  	s3 =	sand.u32 @!p1 s3, s20;
	s2 =	simm.s32 @p2 $0x27F10  }
0x45: {  	s2 =	ssub.s32 @!p1 s2, s3  }
0x46: {  	s2 =	sadd.s32 @!p1 $0xFFFD80F0, s2  }
0x47: {  	s4 =	sand.u32 @!p1 $0x1, s0;
	s3 =	sshll.u32 @!p1 s2, $0x2  }
0x48: {  	p2 =	sgt.s32 @!p1 s2, $0xEF;
	s2 =	ssub.s32 @!p1 $0x3C0, s3;
	s3 =	smulhi.u32 @!p1 $0xAAAAAAAB, s0  }
0x49: {  	s23 =	smul.u32 @!p1 $0x3C0, s4;
	p2 =	por !p2, p1;
	s2 =	sshrl.u32 @!p1 s2, $0x2  }
0x4a: {  	s5 =	simm.s32 @!p1 $0xA;
	s2 =	simm.s32 @!p2 $0x0;
	s3 =	sshrl.u32 @!p1 s3, $0x1  }
0x4b: {  	s23 =	sshrl.u32 @!p1 s23, $0x2;
	_ =	swait.ge @!p1 [sflag:s5], s2;
	s3 =	smul.u32 @!p1 $0x3, s3  }
0x4c: {  	s23 =	sadd.s32 @!p1 $0x10518, s23;
	s24 =	ssub.s32 @!p1 $0x0, s2;
	[sflag:s5] =	ssyncset.done @!p1 $0x0  }
0x4d: {  	[sflag:s5] =	ssyncadd.s32 @!p1 s24;
	s5 =	sshrl.u32 @!p1 s20, $0x3;
	s0 =	ssub.s32 @!p1 s0, s3  }
0x4e: {  	s24 =	sand.u32 @!p1 $0x7, s20;
	s5 =	sadd.s32 @!p1 s5, s15;
	s0 =	smul.u32 @!p1 $0x3C0, s0  }
0x4f: {  	[tilespmem:s23], [sflag:$0xB] =	stream.linear.gather @!p1 [hbm4b:s5+s24], s2, $0x38;
	[tilespmem:$0x1F6F8] =	vst v63  }
0x50: {  	s3 =	ssub.s32 @!p1 $0x28000, s20;
	s2 =	smul.u32 @!p1 $0x1E000, s4  }
0x51: {  	p2 =	slt.s32 @!p1 s3, $0xF0  }
0x52: {  	p2 =	por !p2, p1;
	s0 =	sshrl.u32 @!p1 s0, $0x2;
	s2 =	sshrl.u32 @!p1 s2, $0x2  }
0x53: {  	s3 =	simm.s32 @p2 $0xF0;
	s0 =	sadd.s32 @!p1 $0x10248, s0;
	s2 =	sor.u32 @!p1 $0x106F8, s2  }
0x54: {  	[tilespmem:s2], [sflag:$0x9] =	stream.indirect.gather @!p1 [hbm4b:s6+s3], $0x80, s0, s3, $0xb8;
	[tilespmem:$0x1F6F8] =	vst v63  }
0x55: {  	p1 =	slt.u32 s21, $0x2  }
.Ltmp3:
0x56: {  	_ = 	snop;
	(pc) =	sbr.rel @p1 .LBB2_21-.Ltmp3, $1  }
0x57: {  	_ =	sdelay $0x3  }
0x58: {  	p1 =	sgt.s32 s22, $0x27F10  }
0x59: {  	s0 =	smov.u32 s22;
	s2 =	sshra.s32 s22, $0x1F;
	s3 =	ssub.s32 $0x28000, s22  }
0x5a: {  	s0 =	simm.s32 @!p1 $0x27F10;
	s2 =	sand.u32 s2, s22;
	p1 =	slt.s32 s3, $0xF0  }
0x5b: {  	s0 =	ssub.s32 s0, s2;
	s3 =	simm.s32 @!p1 $0xF0  }
0x5c: {  	s0 =	sadd.s32 $0xFFFD80F0, s0;
	s25 =	sshll.u32 s3, $0x7  }
0x5d: {  	s26 =	sshll.u32 s0, $0x2;
	s2 =	sand.u32 $0x3FFFFF80, s25  }
0x5e: {  	p1 =	sgt.s32 s0, $0xEF;
	s29 =	ssub.s32 $0x3C0, s26;
	_ =	swait.ge [sflag:s10], s2  }
0x5f: {  	s2 =	ssub.s32 $0x0, s2;
	[sflag:s10] =	ssyncset.done $0x0;
	s0 =	sshrl.u32 s29, $0x2  }
0x60: {  	[sflag:s10] =	ssyncadd.s32 s2;
	s0 =	simm.s32 @p1 $0x0  }
0x61: {  	_ =	swait.ge [sflag:s11], s0  }
0x62: {  	s0 =	ssub.s32 $0x0, s0;
	[sflag:s11] =	ssyncset.done $0x0  }
0x63: {  	[sflag:s11] =	ssyncadd.s32 s0  }
0x64: {  	v1 =	vld [tilespmem:$0xF208];
	_ =	sdelay $0x4  }
0x65: {  	(v2sf) =	vpush v1, $0x0  }
0x66: {  	(v2sf) =	vpush v1, $0x1  }
0x67: {  	(v2sf) =	vpush v1, $0x2;
	_ =	sdelay $0x3  }
0x68: {  	s0 =	sadd.s32 $0xF0, s22  }
0x69: {  	s2 =	ssub.s32 $0x50000, s22;
	p1 =	slt.s32 s8, s0  }
0x6a: {  	s0 =	smov.u32 @p1 s8;
	p1 =	sgt.s32 s2, $0x0  }
0x6b: {  	s26 =	ssub.s32 s0, s22;
	s2 =	simm.s32 @!p1 $0x0  }
0x6c: {  	p1 =	slt.s32 s2, s26  }
0x6d: {  	s26 =	smov.u32 @p1 s2  }
0x6e: {  	s25 =	simm.s32 $0x1;
	p1 =	slt.s32 s26, $0x1  }
.Ltmp4:
0x6f: {  	s25 =	simm.s32 @!p0 $0x0;
	(pc) =	sbr.rel @p1 .LBB2_8-.Ltmp4, $4  }
0x70: {  	s31 =	smul.u32 $0x3C0, s25  }
0x71: {  	s28 =	spop (v2sf)  }
0x72: {  	s0 =	sshrl.u32 s31, $0x2;
	s30 =	spop (v2sf)  }
0x73: {  	s23 =	sadd.s32 $0x10518, s0;
	s22 =	spop (v2sf)  }
0x74: {  	s0 =	smin.u32 s26, $0x10  }
0x75: {  	v1 =	vmov s0  }
0x76: {  	p2 =	sgt.s32 s26, $0x10;
	vm1 =	vgt.u32 v1, v0  }
.Ltmp5:
0x77: {  	_ = 	snop;
	(pc) =	sbr.rel @!p2 .LBB2_7-.Ltmp5, $2  }
0x78: {  	_ =	sdelay $0x2  }
0x79: {  	s4 =	simm.s32 $0x10;
	s24 =	sadd.s32 $0xFFFFFFF0, s26;
	s0 =	smov.u32 s23;
	vm0 =	vmmov vm1  }
.LBB2_6:
0x7a: {  	s2 =	smin.u32 s24, $0x10;
	s4 =	sadd.s32 $0x10, s4;
	v1 =	vld.msk [tilespmem:s0+$0x0 ss:$0x1], vm1  }
0x7b: {  	v2 =	vmov s2;
	p2 =	slt.s32 s4, s26  }
0x7c: {  	vm1 =	vgt.u32 v2, v0  }
.Ltmp6:
0x7d: {  	(pc) =	sbr.rel @p2 .LBB2_6-.Ltmp6, $3  }
0x7e: {  	_ =	sdelay $0x1  }
0x7f: {  	v1 =	vshll.u32 v1, $0x4  }
0x80: {  	s24 =	sadd.s32 $0xFFFFFFF0, s24;
	[tilespmem:s0+$0x0] =	vst.msk vm0, v1;
	s0 =	sadd.s32 $0x10, s0;
	vm0 =	vmmov vm1  }
.LBB2_7:
0x81: {  	_ =	sdelay $0x4  }
0x82: {  	v1 =	vld.msk [tilespmem:s0+$0x0 ss:$0x1], vm1;
	_ =	sdelay $0x4  }
0x83: {  	v1 =	vshll.u32 v1, $0x4  }
0x84: {  	[tilespmem:s0+$0x0] =	vst.msk vm0, v1  }
.LBB2_8:
0x85: {  	s0 =	sand.u32 $0x1, s21  }
0x86: {  	s0 =	smul.u32 $0xF0, s0  }
0x87: {  	p2 =	sne.s32 s30, $0xFFFFFFFF  }
0x88: {  	v1 =	vld.msk @!p2 [tilespmem:s0+$0x10518], $0x1;
	_ =	sdelay $0x4  }
0x89: {  	(v2sf) =	vpush @!p2 v1, $0x0;
	_ =	sdelay $0xc  }
.Ltmp7:
0x8a: {  	_ = 	snop;
	(pc) =	sbr.rel @p1 .LBB2_19-.Ltmp7, $4  }
0x8b: {  	_ = 	snop  }
0x8c: {  	s29 =	spop @!p2 (v2sf)  }
0x8d: {  	s22 =	simm.s32 @!p2 $0x0;
	s24 =	smov.u32 s29  }
0x8e: {  	[sflag:s18] =	ssyncpa.u1 $0x0;
	s29 =	smov.u32 @p2 s28;
	s24 =	smov.u32 @p2 s30  }
0x8f: {  	v1 =	vld.msk [tilespmem:s23+$0x0], $0x1;
	_ =	sdelay $0x4  }
0x90: {  	(v2sf) =	vpush v1, $0x0;
	_ =	sdelay $0xe  }
0x91: {  	s2 =	smul.u32 $0x1E000, s25;
	s0 =	spop (v2sf)  }
0x92: {  	s26 =	ssub.s32 $0x0, s26;
	p1 =	seq.s32 s29, s0  }
0x93: {  	s30 =	sadd.s32 $0x1, s26;
	s2 =	sshrl.u32 s2, $0x2;
	p2 =	sgt.s32 @!p1 s29, $0x0  }
0x94: {  	s25 =	sor.u32 $0x10738, s2;
	s2 =	smov.u32 s29;
	p2 =	por !p2, p1  }
0x95: {  	s2 =	simm.s32 @p2 $0x0;
	p2 =	seq.s32 s30, $0x0  }
.Ltmp8:
0x96: {  	_ = 	snop;
	(pc) =	sbr.rel @p2 .LBB2_11-.Ltmp8, $4  }
0x97: {  	_ = 	snop  }
0x98: {  	s28 =	simm.s32 $0x0;
	s31 =	sadd.s32 $0x1, s23;
	s2 =	smin.u32 @!p1 s2, $0x277F0  }
0x99: {  	s4 =	simm.s32 @!p1 $0x1;
	s5 =	simm.s32 @!p1 $0x7988;
	s3 =	sand.u32 @!p1 $0x3FFF8, s2  }
0x9a: {  	s4 =	smov.u32 @p1 s28;
	s2 =	sand.u32 @!p1 $0x7, s2;
	s3 =	sadd.s32 @!p1 s1, s3  }
.LBB2_10:
0x9b: {  	s9 =	smov.u32 s4  }
0x9c: {  	[tilespmem:s5], [sflag:$0x2] =	stream.linear.gather @!p1 [hbm4b:s3+s2], $0x80, $0x38;
	[tilespmem:$0x1F6F8] =	vst v63  }
0x9d: {  	s30 =	sadd.s32 $0x1, s30;
	s2 =	smov.u32 s0;
	v1 =	vld.msk [tilespmem:s31+$0x0], $0x1  }
0x9e: {  	p2 =	seq.s32 s30, $0x0;
	_ =	sdelay $0x3  }
0x9f: {  	(v2sf) =	vpush v1, $0x0;
	_ =	sdelay $0xe  }
0xa0: {  	s0 =	spop (v2sf)  }
0xa1: {  	p1 =	seq.s32 s2, s0  }
0xa2: {  	p3 =	sgt.s32 @!p1 s2, $0x0;
	s3 =	sshll.u32 @!p1 s4, $0x9;
	s4 =	sadd.s32 @!p1 $0x1, s4  }
.Ltmp9:
0xa3: {  	p3 =	por !p3, p1;
	s3 =	sshra.s32 @!p1 s3, $0x2;
	(pc) =	sbr.rel @!p2 .LBB2_10-.Ltmp9, $4  }
0xa4: {  	s4 =	smov.u32 @p1 s9;
	s2 =	simm.s32 @p3 $0x0;
	s5 =	sadd.s32 @!p1 $0x7988, s3  }
0xa5: {  	s2 =	smin.u32 @!p1 s2, $0x277F0  }
0xa6: {  	s3 =	sand.u32 @!p1 $0x3FFF8, s2;
	s2 =	sand.u32 @!p1 $0x7, s2  }
0xa7: {  	s31 =	sadd.s32 $0x1, s31;
	s3 =	sadd.s32 @!p1 s1, s3  }
.LBB2_11:
0xa8: {  	[tilespmem:s5], [sflag:$0x2] =	stream.linear.gather @!p1 [hbm4b:s3+s2], $0x80, $0x38;
	[tilespmem:$0x1F6F8] =	vst v63  }
.Ltmp10:
0xa9: {  	s0 =	sshll.u32 s4, $0x7;
	(pc) =	sbr.rel .LBB2_12-.Ltmp10, $4  }
0xaa: {  	s30 =	simm.s32 $0x2;
	s0 =	sand.u32 $0x3FFFFF80, s0  }
0xab: {  	_ =	swait.ge [sflag:s30], s0  }
0xac: {  	s0 =	ssub.s32 $0x0, s0;
	[sflag:s30] =	ssyncset.done $0x0  }
0xad: {  	s31 =	simm.s32 $0x0;
	[sflag:s30] =	ssyncadd.s32 s0  }
.LBB2_13:
0xae: {  	v1 =	vld [tilespmem:s25+$0xFFFFFFC0];
	_ =	sdelay $0x3  }
0xaf: {  	s0 =	sshra.s32 s0, $0x2  }
0xb0: {  	[tilespmem:s0+$0x108] =	vst.add.f32.msk $0xffff, v1  }
0xb1: {  	v1 =	vld [tilespmem:s25+$0xFFFFFFD0];
	_ =	sdelay $0x4  }
0xb2: {  	[tilespmem:s0+$0x118] =	vst.add.f32.msk $0xffff, v1  }
0xb3: {  	v1 =	vld [tilespmem:s25+$0xFFFFFFE0];
	_ =	sdelay $0x4  }
0xb4: {  	[tilespmem:s0+$0x128] =	vst.add.f32.msk $0xffff, v1  }
0xb5: {  	v1 =	vld [tilespmem:s25+$0xFFFFFFF0];
	_ =	sdelay $0x4  }
0xb6: {  	[tilespmem:s0+$0x138] =	vst.add.f32.msk $0xffff, v1  }
0xb7: {  	v1 =	vld [tilespmem:s25+$0x0];
	_ =	sdelay $0x4  }
0xb8: {  	[tilespmem:s0+$0x148] =	vst.add.f32.msk $0xffff, v1  }
0xb9: {  	v1 =	vld [tilespmem:s25+$0x10];
	_ =	sdelay $0x4  }
0xba: {  	[tilespmem:s0+$0x158] =	vst.add.f32.msk $0xffff, v1  }
0xbb: {  	v1 =	vld [tilespmem:s25+$0x20];
	_ =	sdelay $0x4  }
0xbc: {  	[tilespmem:s0+$0x168] =	vst.add.f32.msk $0xffff, v1  }
0xbd: {  	v1 =	vld [tilespmem:s25+$0x30];
	_ =	sdelay $0x4  }
0xbe: {  	[tilespmem:s0+$0x178] =	vst.add.f32.msk $0xffff, v1  }
.LBB2_17:
0xbf: {  	s26 =	sadd.s32 $0x1, s26  }
0xc0: {  	p1 =	seq.s32 s26, $0x0  }
.Ltmp11:
0xc1: {  	_ = 	snop;
	(pc) =	sbr.rel @p1 .LBB2_18-.Ltmp11, $2  }
0xc2: {  	_ =	sdelay $0x2  }
0xc3: {  	s23 =	sadd.s32 $0x1, s23;
	s25 =	sadd.s32 $0x80, s25;
	s29 =	smov.u32 s30  }
.LBB2_12:
0xc4: {  	v1 =	vld.msk [tilespmem:s23+$0x0], $0x1;
	_ =	sdelay $0x4  }
0xc5: {  	(v2sf) =	vpush v1, $0x0;
	_ =	sdelay $0xe  }
0xc6: {  	s30 =	spop (v2sf)  }
0xc7: {  	p1 =	sne.s32 s29, s30  }
.Ltmp12:
0xc8: {  	_ = 	snop;
	(pc) =	sbr.rel @!p1 .LBB2_13-.Ltmp12, $2  }
0xc9: {  	_ =	sdelay $0x2  }
0xca: {  	s0 =	sshll.u32 s22, $0x9  }
0xcb: {  	p1 =	seq.s32 s29, s24  }
.Ltmp13:
0xcc: {  	_ = 	snop;
	(pc) =	sbr.rel @!p1 .LBB2_15-.Ltmp13, $1  }
0xcd: {  	_ =	sdelay $0x3  }
0xce: {  	s0 =	sshra.s32 s0, $0x2  }
.Ltmp14:
0xcf: {  	s0 =	sadd.s32 $0x108, s0;
	(pc) =	sbr.rel .LBB2_16-.Ltmp14, $4  }
0xd0: {  	[spmem:s16] =	stream.linear.scatter [tilespmem:s0], [sflag:$0x1], $0x80, $0x38;
	[tilespmem:$0x1F6F8] =	vst v63  }
0xd1: {  	_ =	swait.ge [sflag:s12], $0x80  }
0xd2: {  	[sflag:s12] =	ssyncset.done $0x0  }
0xd3: {  	[sflag:s12] =	ssyncadd.s32 $0xFFFFFF80  }
.LBB2_15:
0xd4: {  	s2 =	sshll.u32 s28, $0x9  }
0xd5: {  	s2 =	sshra.s32 s2, $0x2  }
0xd6: {  	v1 =	vld [tilespmem:s2+$0x7988];
	_ =	sdelay $0x3  }
0xd7: {  	s0 =	sshra.s32 s0, $0x2  }
0xd8: {  	[tilespmem:s0+$0x108] =	vst.add.f32.msk $0xffff, v1  }
0xd9: {  	v1 =	vld [tilespmem:s2+$0x7998];
	_ =	sdelay $0x4  }
0xda: {  	[tilespmem:s0+$0x118] =	vst.add.f32.msk $0xffff, v1  }
0xdb: {  	v1 =	vld [tilespmem:s2+$0x79A8];
	_ =	sdelay $0x4  }
0xdc: {  	[tilespmem:s0+$0x128] =	vst.add.f32.msk $0xffff, v1  }
0xdd: {  	v1 =	vld [tilespmem:s2+$0x79B8];
	_ =	sdelay $0x4  }
0xde: {  	[tilespmem:s0+$0x138] =	vst.add.f32.msk $0xffff, v1  }
0xdf: {  	v1 =	vld [tilespmem:s2+$0x79C8];
	_ =	sdelay $0x4  }
0xe0: {  	[tilespmem:s0+$0x148] =	vst.add.f32.msk $0xffff, v1  }
0xe1: {  	v1 =	vld [tilespmem:s2+$0x79D8];
	_ =	sdelay $0x4  }
0xe2: {  	[tilespmem:s0+$0x158] =	vst.add.f32.msk $0xffff, v1  }
0xe3: {  	v1 =	vld [tilespmem:s2+$0x79E8];
	_ =	sdelay $0x4  }
0xe4: {  	[tilespmem:s0+$0x168] =	vst.add.f32.msk $0xffff, v1  }
0xe5: {  	v1 =	vld [tilespmem:s2+$0x79F8];
	_ =	sdelay $0x2  }
0xe6: {  	p1 =	sgt.u32 s29, $0x277F0  }
0xe7: {  	s2 =	sand.u32 @!p1 $0x3FFF8, s29  }
0xe8: {  	s3 =	sadd.s32 $0x108, s0;
	[tilespmem:s0+$0x178] =	vst.add.f32.msk $0xffff, v1;
	s0 =	sadd.s32 @!p1 s1, s2;
	s2 =	sand.u32 @!p1 $0x7, s29  }
0xe9: {  	[hbm4b:s0+s2] =	stream.linear.scatter @!p1 [tilespmem:s3], [sflag:$0xC], $0x80, $0x38;
	[tilespmem:$0x1F6F8] =	vst v63  }
0xea: {  	s0 =	simm.s32 $0x0  }
0xeb: {  	s0 =	simm.s32 @!p1 $0x200  }
0xec: {  	s31 =	sadd.s32 s0, s31  }
.LBB2_16:
0xed: {  	s0 =	sadd.s32 $0x1, s22  }
0xee: {  	s2 =	smulhi.u32 $0x88888889, s0;
	_ =	sdelay $0x1  }
0xef: {  	v1 =	vld [tilespmem:s25+$0xFFFFFFC0];
	s2 =	sshrl.u32 s2, $0x7  }
0xf0: {  	s2 =	smul.u32 $0xF0, s2;
	_ =	sdelay $0x1  }
0xf1: {  	s22 =	ssub.s32 s0, s2  }
0xf2: {  	s0 =	sshll.u32 s22, $0x7  }
0xf3: {  	[tilespmem:s0+$0x108] =	vst v1  }
0xf4: {  	v1 =	vld [tilespmem:s25+$0xFFFFFFD0];
	_ =	sdelay $0x4  }
0xf5: {  	[tilespmem:s0+$0x118] =	vst v1  }
0xf6: {  	v1 =	vld [tilespmem:s25+$0xFFFFFFE0];
	_ =	sdelay $0x4  }
0xf7: {  	[tilespmem:s0+$0x128] =	vst v1  }
0xf8: {  	v1 =	vld [tilespmem:s25+$0xFFFFFFF0];
	_ =	sdelay $0x4  }
0xf9: {  	[tilespmem:s0+$0x138] =	vst v1  }
0xfa: {  	v1 =	vld [tilespmem:s25+$0x0];
	_ =	sdelay $0x4  }
0xfb: {  	[tilespmem:s0+$0x148] =	vst v1  }
0xfc: {  	v1 =	vld [tilespmem:s25+$0x10];
	_ =	sdelay $0x4  }
0xfd: {  	[tilespmem:s0+$0x158] =	vst v1  }
0xfe: {  	v1 =	vld [tilespmem:s25+$0x20];
	_ =	sdelay $0x4  }
0xff: {  	[tilespmem:s0+$0x168] =	vst v1  }
0x100: {  	v1 =	vld [tilespmem:s25+$0x30]  }
.Ltmp15:
0x101: {  	_ = 	snop;
	(pc) =	sbr.rel .LBB2_17-.Ltmp15, $2  }
0x102: {  	_ =	sdelay $0x2  }
0x103: {  	s28 =	sadd.s32 $0x1, s28;
	[tilespmem:s0+$0x178] =	vst v1  }
.LBB2_19:
.Ltmp16:
0x104: {  	(pc) =	sbr.rel .LBB2_20-.Ltmp16, $4  }
0x105: {  	_ = 	snop  }
0x106: {  	s0 =	simm.s32 $0x2  }
0x107: {  	_ =	swait.ge [sflag:s0], $0x0  }
0x108: {  	s30 =	smov.u32 s29;
	[sflag:s0] =	ssyncset.done $0x0;
	s0 =	simm.s32 $0x0  }
.LBB2_22:
0x109: {  	_ =	sfence.sel $0x180000  }
0x10a: {  	s0 =	simm.s32 $0x9;
	[bflag:$0x0] =	sbarrier.arrive $0xFFFF  }
0x10b: {  	s24 =	simm.s32 $0xA;
	[sflag:s0] =	ssyncpa.u1 $0x1  }
0x10c: {  	s25 =	simm.s32 $0xB;
	[sflag:s24] =	ssyncpa.u1 $0x1  }
0x10d: {  	s26 =	simm.s32 $0x2;
	[sflag:s25] =	ssyncpa.u1 $0x1  }
0x10e: {  	[sflag:s26] =	ssyncpa.u1 $0x1  }
0x10f: {  	v0 =	vld [tilespmem:$0xF208];
	_ =	sdelay $0x4  }
0x110: {  	(v2sf) =	vpush v0, $0x0  }
0x111: {  	(v2sf) =	vpush v0, $0x1;
	_ =	sdelay $0x1  }
0x112: {  	(v2sf) =	vpush v0, $0x2;
	_ =	sdelay $0xb  }
0x113: {  	s0 =	spop (v2sf)  }
0x114: {  	s2 =	spop (v2sf)  }
0x115: {  	s3 =	smov.u32 s0;
	p0 =	sne.s32 s0, s2  }
0x116: {  	s4 =	spop (v2sf);
	s3 =	simm.s32 @!p0 $0xFFFFFFFF  }
0x117: {  	v2 =	vimm.s32 $0x1;
	v3 =	vlaneseq.u32;
	p0 =	seq.s32 s4, $0xFFFFFFFF;
	v1 =	vmov s3  }
0x118: {  	s16 =	stileid.u32;
	v0 =	vperm.xlane v0, v2;
	p1 =	sne.s32 @!p0 s0, s2;
	v1 =	vperm.xlane v1, v3  }
0x119: {  	vm0 =	vcmask $0x3F04;
	s6 =	simm.s32 $0xF208;
	s0 =	simm.s32 @!p0 $0x1;
	p1 =	por !p1, p0  }
0x11a: {  	s3 =	sshll.u32 s16, $0x1;
	s2 =	sshll.u32 @!p0 s4, $0x9;
	s0 =	simm.s32 @p1 $0x0;
	v0 =	vsel vm0, v1, v0  }
0x11b: {  	s5 =	sor.u32 $0x1000, s3;
	s2 =	sshra.s32 @!p0 s2, $0x2;
	s0 =	sor.u32 @!p0 s0, s3;
	[tilespmem:$0xF208] =	vst v0  }
0x11c: {  	[spmem:s5] =	stream.linear.scatter [tilespmem:s6], [sflag:$0x1], $0x2, $0x38;
	[tilespmem:$0x1F6F8] =	vst v63  }
0x11d: {  	s2 =	sadd.s32 @!p0 $0x108, s2;
	s0 =	sshll.u32 @!p0 s0, $0x7  }
0x11e: {  	[spmem:s0] =	stream.linear.scatter @!p0 [tilespmem:s2], [sflag:$0x1], $0x80, $0x38;
	[tilespmem:$0x1F6F8] =	vst v63  }
0x11f: {  	s0 =	simm.s32 @!p0 $0x82  }
0x120: {  	s28 =	simm.s32 $0x1;
	s0 =	simm.s32 @p0 $0x2  }
0x121: {  	_ =	swait.ge [sflag:s28], s0  }
0x122: {  	s0 =	ssub.s32 $0x0, s0;
	[sflag:s28] =	ssyncset.done $0x0  }
0x123: {  	p0 =	sne.s32 s16, $0x0;
	[sflag:s28] =	ssyncadd.s32 s0  }
.Ltmp17:
0x124: {  	_ =	sfence.stream.spmem;
	(pc) =	sbr.rel @p0 .LBB2_39-.Ltmp17, $4  }
0x125: {  	s29 =	simm.s32 $0x3;
	[bflag:$0x0] =	sbarrier.arrive $0xFFFF  }
0x126: {  	s30 =	simm.s32 $0x4;
	[sflag:s29] =	ssyncpa.u1 $0x1  }
0x127: {  	s31 =	simm.s32 $0x3C;
	[sflag:s30] =	ssyncpa.u1 $0x1  }
0x128: {  	s15 =	rddreg [dreg:$0x4];
	[sflag:s31] =	ssyncpa.u1 $0x1  }
0x129: {  	_ =	sfence.stream.spmem;
	s0 =	simm.s32 $0x5  }
0x12a: {  	s2 =	simm.s32 $0x1000;
	s3 =	simm.s32 $0xF218;
	[sflag:s0] =	ssyncpa.u1 $0x0  }
0x12b: {  	[tilespmem:s3], [sflag:$0x5] =	stream.linear.gather [spmem:s2], $0x20, $0x38;
	[tilespmem:$0x1F6F8] =	vst v63  }
0x12c: {  	s26 =	simm.s32 $0x0;
	s28 =	simm.s32 $0xF238  }
0x12d: {  	[tilespmem:s28], [sflag:$0x5] =	stream.linear.gather [spmem:s26], $0x1000, $0x38;
	[tilespmem:$0x1F6F8] =	vst v63  }
0x12e: {  	_ =	swait.ge [sflag:s0], $0x1020  }
0x12f: {  	[sflag:s0] =	ssyncset.done $0x0  }
0x130: {  	s29 =	simm.s32 $0x0;
	[sflag:s0] =	ssyncadd.s32 $0xFFFFEFE0  }
0x131: {  	v0 =	vld.msk [tilespmem:s29+$0xF218], $0x1;
	_ =	sdelay $0x1  }
0x132: {  	s30 =	simm.s32 $0x1  }
0x133: {  	v1 =	vld.msk [tilespmem:s30+$0xF218], $0x1;
	_ =	sdelay $0x1  }
0x134: {  	(v2sf) =	vpush v0, $0x0;
	_ =	sdelay $0x2  }
0x135: {  	(v2sf) =	vpush v1, $0x0;
	_ =	sdelay $0x2  }
0x136: {  	s31 =	simm.s32 $0x2  }
0x137: {  	v0 =	vld.msk [tilespmem:s31+$0xF218], $0x1;
	_ =	sdelay $0x2  }
0x138: {  	s4 =	simm.s32 $0xFFFFFFFF;
	s5 =	simm.s32 $0xFFFFFFFF;
	s0 =	simm.s32 $0xC  }
.LBB2_24:
0x139: {  	s2 =	smov.u32 s5;
	s3 =	smov.u32 s4  }
0x13a: {  	s4 =	sshra.s32 s0, $0x2;
	p1 =	sne.s32 s0, $0x7C;
	s0 =	sadd.s32 $0x4, s0;
	(v2sf) =	vpush v0, $0x0  }
0x13b: {  	v0 =	vld.msk [tilespmem:s4+$0xF218], $0x1  }
.Ltmp18:
0x13c: {  	(pc) =	sbr.rel @p1 .LBB2_24-.Ltmp18, $4  }
0x13d: {  	s5 =	spop (v2sf)  }
0x13e: {  	p2 =	sne.s32 s3, $0xFFFFFFFF;
	s4 =	smov.u32 s5  }
0x13f: {  	p3 =	seq.s32 s5, $0xFFFFFFFF;
	s4 =	smov.u32 @p2 s3  }
0x140: {  	s5 =	smov.u32 @p3 s2;
	s4 =	smov.u32 @p3 s3  }
0x141: {  	(v2sf) =	vpush v0, $0x0;
	_ =	sdelay $0x8  }
0x142: {  	s0 =	spop (v2sf)  }
0x143: {  	p1 =	sne.s32 s4, $0xFFFFFFFF;
	s2 =	smov.u32 s0  }
0x144: {  	s9 =	simm.s32 $0x6;
	p2 =	seq.s32 s0, $0xFFFFFFFF;
	s2 =	smov.u32 @p1 s4  }
0x145: {  	s6 =	simm.s32 $0x0;
	s2 =	smov.u32 @p2 s4;
	s3 =	spop (v2sf)  }
0x146: {  	s0 =	smov.u32 @p2 s5;
	p1 =	sne.s32 s2, $0xFFFFFFFF;
	s4 =	smov.u32 s3  }
.Ltmp19:
0x147: {  	p2 =	seq.s32 s3, $0xFFFFFFFF;
	s4 =	smov.u32 @p1 s2;
	(pc) =	sbr.rel .LBB2_26-.Ltmp19, $4  }
0x148: {  	s10 =	simm.s32 $0xF188;
	s4 =	smov.u32 @p2 s2;
	s7 =	spop (v2sf)  }
0x149: {  	s11 =	simm.s32 $0x0;
	p1 =	sne.s32 s4, $0xFFFFFFFF;
	s8 =	smov.u32 s7  }
0x14a: {  	s3 =	smov.u32 @p2 s0;
	p2 =	seq.s32 s7, $0xFFFFFFFF;
	s8 =	smov.u32 @p1 s4  }
0x14b: {  	[sflag:s9] =	ssyncpa.u1 $0x0;
	s7 =	smov.u32 @p2 s3;
	s8 =	smov.u32 @p2 s4  }
.LBB2_32:
0x14c: {  	p1 =	sgt.u32 s12, $0x277F0  }
0x14d: {  	p2 =	seq.s32 @!p1 s12, s8  }
0x14e: {  	p1 =	por p1, p2  }
0x14f: {  	p2 =	sne.s32 @!p1 s12, s7  }
0x150: {  	p1 =	por p1, !p2  }
0x151: {  	s0 =	sshll.u32 @p1 s11, $0x9  }
0x152: {  	s0 =	sand.u32 @!p1 $0x3FFF8, s12  }
0x153: {  	s2 =	sand.u32 @!p1 $0x7, s12;
	s0 =	sadd.s32 @!p1 s1, s0  }
0x154: {  	[tilespmem:s10], [sflag:$0x6] =	stream.linear.gather @!p1 [hbm4b:s0+s2], $0x80, $0x38;
	[tilespmem:$0x1F6F8] =	vst v63  }
0x155: {  	_ =	swait.ge @!p1 [sflag:s9], $0x80  }
0x156: {  	[sflag:s9] =	ssyncset.done @!p1 $0x0  }
0x157: {  	[sflag:s9] =	ssyncadd.s32 @!p1 $0xFFFFFF80  }
0x158: {  	v1 =	vld @!p1 [tilespmem:$0xF188];
	_ =	sdelay $0x2  }
0x159: {  	s0 =	sshll.u32 @!p1 s11, $0x9  }
0x15a: {  	s2 =	sshrl.u32 @!p1 s0, $0x2  }
0x15b: {  	[tilespmem:s2+$0xF238] =	vst.add.f32.msk @!p1 $0xffff, v1  }
0x15c: {  	v1 =	vld @!p1 [tilespmem:$0xF198];
	_ =	sdelay $0x4  }
0x15d: {  	[tilespmem:s2+$0xF248] =	vst.add.f32.msk @!p1 $0xffff, v1  }
0x15e: {  	v1 =	vld @!p1 [tilespmem:$0xF1A8];
	_ =	sdelay $0x4  }
0x15f: {  	[tilespmem:s2+$0xF258] =	vst.add.f32.msk @!p1 $0xffff, v1  }
0x160: {  	v1 =	vld @!p1 [tilespmem:$0xF1B8];
	_ =	sdelay $0x4  }
0x161: {  	[tilespmem:s2+$0xF268] =	vst.add.f32.msk @!p1 $0xffff, v1  }
0x162: {  	v1 =	vld @!p1 [tilespmem:$0xF1C8];
	_ =	sdelay $0x4  }
0x163: {  	[tilespmem:s2+$0xF278] =	vst.add.f32.msk @!p1 $0xffff, v1  }
0x164: {  	v1 =	vld @!p1 [tilespmem:$0xF1D8];
	_ =	sdelay $0x4  }
0x165: {  	[tilespmem:s2+$0xF288] =	vst.add.f32.msk @!p1 $0xffff, v1  }
0x166: {  	v1 =	vld @!p1 [tilespmem:$0xF1E8];
	_ =	sdelay $0x4  }
0x167: {  	[tilespmem:s2+$0xF298] =	vst.add.f32.msk @!p1 $0xffff, v1  }
0x168: {  	v1 =	vld @!p1 [tilespmem:$0xF1F8];
	_ =	sdelay $0x4  }
0x169: {  	[tilespmem:s2+$0xF2A8] =	vst.add.f32.msk @!p1 $0xffff, v1  }
0x16a: {  	s0 =	sshrl.u32 s0, $0x2;
	[tilespmem:s6+$0xF218] =	vst.msk $0x1, v0  }
0x16b: {  	v0 =	vld [tilespmem:s0+$0xF238];
	_ =	sdelay $0x2  }
0x16c: {  	s31 =	sshll.u32 s6, $0x9  }
0x16d: {  	s2 =	sshra.s32 s31, $0x2  }
0x16e: {  	[tilespmem:s2+$0xF238] =	vst v0  }
0x16f: {  	v0 =	vld [tilespmem:s0+$0xF248];
	_ =	sdelay $0x4  }
0x170: {  	[tilespmem:s2+$0xF248] =	vst v0  }
0x171: {  	v0 =	vld [tilespmem:s0+$0xF258];
	_ =	sdelay $0x4  }
0x172: {  	[tilespmem:s2+$0xF258] =	vst v0  }
0x173: {  	v0 =	vld [tilespmem:s0+$0xF268];
	_ =	sdelay $0x4  }
0x174: {  	[tilespmem:s2+$0xF268] =	vst v0  }
0x175: {  	v0 =	vld [tilespmem:s0+$0xF278];
	_ =	sdelay $0x4  }
0x176: {  	[tilespmem:s2+$0xF278] =	vst v0  }
0x177: {  	v0 =	vld [tilespmem:s0+$0xF288];
	_ =	sdelay $0x4  }
0x178: {  	[tilespmem:s2+$0xF288] =	vst v0  }
0x179: {  	v0 =	vld [tilespmem:s0+$0xF298];
	_ =	sdelay $0x4  }
0x17a: {  	[tilespmem:s2+$0xF298] =	vst v0  }
0x17b: {  	v0 =	vld [tilespmem:s0+$0xF2A8];
	_ =	sdelay $0x4  }
0x17c: {  	s6 =	sadd.s32 $0x1, s6;
	[tilespmem:s2+$0xF2A8] =	vst v0  }
.LBB2_33:
0x17d: {  	s11 =	sadd.s32 $0x1, s11  }
0x17e: {  	p1 =	sne.s32 s11, $0x20  }
.Ltmp20:
0x17f: {  	_ = 	snop;
	(pc) =	sbr.rel @!p1 .LBB2_34-.Ltmp20, $1  }
0x180: {  	_ =	sdelay $0x3  }
.LBB2_26:
0x181: {  	v0 =	vld.msk [tilespmem:s11+$0xF218], $0x1;
	_ =	sdelay $0x4  }
0x182: {  	(v2sf) =	vpush v0, $0x0;
	_ =	sdelay $0xe  }
0x183: {  	s12 =	spop (v2sf)  }
0x184: {  	p1 =	seq.s32 s12, $0xFFFFFFFF  }
.Ltmp21:
0x185: {  	_ = 	snop;
	(pc) =	sbr.rel @p1 .LBB2_33-.Ltmp21, $1  }
0x186: {  	_ =	sdelay $0x3  }
0x187: {  	p1 =	slt.s32 s6, $0x1  }
.Ltmp22:
0x188: {  	_ = 	snop;
	(pc) =	sbr.rel @p1 .LBB2_32-.Ltmp22, $1  }
0x189: {  	_ =	sdelay $0x3  }
0x18a: {  	s13 =	simm.s32 $0xF218;
	p1 =	por $0x0, $0x0  }
0x18b: {  	v1 =	vld.msk @!p1 [tilespmem:s13+$0x0], $0x1;
	_ =	sdelay $0x4  }
0x18c: {  	(v2sf) =	vpush @!p1 v1, $0x0;
	_ =	sdelay $0xd  }
0x18d: {  	p3 =	sne.s32 s6, $0x1  }
.Ltmp23:
0x18e: {  	s0 =	spop @!p1 (v2sf);
	(pc) =	sbr.rel @!p3 .LBB2_30-.Ltmp23, $4  }
0x18f: {  	p2 =	seq.s32 @!p1 s12, s0  }
0x190: {  	s14 =	simm.s32 $0x0;
	p2 =	por !p2, p1  }
0x191: {  	s2 =	simm.s32 $0xFFFFFFFF;
	s14 =	simm.s32 @p2 $0xFFFFFFFF  }
0x192: {  	s0 =	simm.s32 $0x1;
	s14 =	smov.u32 @p1 s2  }
.LBB2_29:
0x193: {  	s2 =	smov.u32 s14;
	p1 =	sne.s32 s14, $0xFFFFFFFF  }
0x194: {  	s13 =	sadd.s32 $0x1, s13;
	s14 =	smov.u32 s0;
	s0 =	sadd.s32 $0x1, s0  }
0x195: {  	p2 =	sne.s32 s6, s0;
	v1 =	vld.msk @!p1 [tilespmem:s13+$0x0], $0x1;
	_ =	sdelay $0x4  }
0x196: {  	(v2sf) =	vpush @!p1 v1, $0x0;
	_ =	sdelay $0xe  }
.Ltmp24:
0x197: {  	s3 =	spop @!p1 (v2sf);
	(pc) =	sbr.rel @p2 .LBB2_29-.Ltmp24, $4  }
0x198: {  	p3 =	seq.s32 @!p1 s12, s3  }
0x199: {  	p3 =	por !p3, p1  }
0x19a: {  	s14 =	simm.s32 @p3 $0xFFFFFFFF  }
0x19b: {  	s14 =	smov.u32 @p1 s2  }
.LBB2_30:
0x19c: {  	p1 =	seq.s32 s14, $0xFFFFFFFF  }
.Ltmp25:
0x19d: {  	_ = 	snop;
	(pc) =	sbr.rel @p1 .LBB2_32-.Ltmp25, $1  }
0x19e: {  	_ =	sdelay $0x3  }
0x19f: {  	s0 =	sshll.u32 s11, $0x7  }
0x1a0: {  	s0 =	sand.u32 $0x3FFFFF80, s0  }
0x1a1: {  	v0 =	vld [tilespmem:s0+$0xF238];
	_ =	sdelay $0x2  }
0x1a2: {  	s2 =	sshll.u32 s14, $0x9  }
0x1a3: {  	s2 =	sshra.s32 s2, $0x2  }
0x1a4: {  	[tilespmem:s2+$0xF238] =	vst.add.f32.msk $0xffff, v0  }
0x1a5: {  	v0 =	vld [tilespmem:s0+$0xF248];
	_ =	sdelay $0x4  }
0x1a6: {  	[tilespmem:s2+$0xF248] =	vst.add.f32.msk $0xffff, v0  }
0x1a7: {  	v0 =	vld [tilespmem:s0+$0xF258];
	_ =	sdelay $0x4  }
0x1a8: {  	[tilespmem:s2+$0xF258] =	vst.add.f32.msk $0xffff, v0  }
0x1a9: {  	v0 =	vld [tilespmem:s0+$0xF268];
	_ =	sdelay $0x4  }
0x1aa: {  	[tilespmem:s2+$0xF268] =	vst.add.f32.msk $0xffff, v0  }
0x1ab: {  	v0 =	vld [tilespmem:s0+$0xF278];
	_ =	sdelay $0x4  }
0x1ac: {  	[tilespmem:s2+$0xF278] =	vst.add.f32.msk $0xffff, v0  }
0x1ad: {  	v0 =	vld [tilespmem:s0+$0xF288];
	_ =	sdelay $0x4  }
0x1ae: {  	[tilespmem:s2+$0xF288] =	vst.add.f32.msk $0xffff, v0  }
0x1af: {  	v0 =	vld [tilespmem:s0+$0xF298];
	_ =	sdelay $0x4  }
0x1b0: {  	[tilespmem:s2+$0xF298] =	vst.add.f32.msk $0xffff, v0  }
0x1b1: {  	v0 =	vld [tilespmem:s0+$0xF2A8]  }
.Ltmp26:
0x1b2: {  	_ = 	snop;
	(pc) =	sbr.rel .LBB2_33-.Ltmp26, $2  }
0x1b3: {  	_ =	sdelay $0x2  }
0x1b4: {  	[tilespmem:s2+$0xF2A8] =	vst.add.f32.msk $0xffff, v0  }
.LBB2_34:
0x1b5: {  	s0 =	simm.s32 $0x6;
	p1 =	seq.s32 s6, $0x0  }
0x1b6: {  	[sflag:s0] =	ssyncpa.u1 $0x1;
	v0 =	vimm.s32 @p1 $0xFFFFFFFF  }
0x1b7: {  	s9 =	sadd.s32 $0xFFFFFFFF, s6;
	[tilespmem:$0x10238] =	vst @p1 v0  }
0x1b8: {  	v0 =	vld.msk @!p1 [tilespmem:s9+$0xF218], $0x1;
	_ =	sdelay $0x1  }
0x1b9: {  	v1 =	vld.msk @!p1 [tilespmem:$0xF218], $0x1;
	_ =	sdelay $0x2  }
0x1ba: {  	p2 =	seq.s32 @!p1 s9, $0x0;
	v0 =	vbroadcast @!p1 v0, $0x0  }
0x1bb: {  	vm0 =	vmmov @!p1 $0x1;
	p2 =	por !p2, p1  }
0x1bc: {  	v1 =	vnsel @!p1 vm0, $0xFFFFFFFF, v1;
	vm0 =	vcmask @!p1 $0x308;
	v0 =	vpsel !p2, $0xFFFFFFFF, v0  }
0x1bd: {  	p2 =	sne.s32 @!p1 s8, s7;
	v0 =	vsel @!p1 vm0, v1, v0  }
0x1be: {  	s0 =	simm.s32 @!p1 $0xF238;
	s2 =	simm.s32 @!p1 $0x0;
	p3 =	por !p2, p1;
	[tilespmem:$0x10238] =	vst @!p1 v0  }
0x1bf: {  	[spmem:s2] =	stream.linear.scatter @!p1 [tilespmem:s0], [sflag:$0x1], $0x80, $0x38;
	[tilespmem:$0x1F6F8] =	vst v63  }
0x1c0: {  	s0 =	sshll.u32 @!p3 s9, $0x9  }
0x1c1: {  	s0 =	sshra.s32 @!p3 s0, $0x2  }
0x1c2: {  	s2 =	simm.s32 @!p3 $0x80;
	s0 =	sadd.s32 @!p3 $0xF238, s0  }
0x1c3: {  	[spmem:s2] =	stream.linear.scatter @!p3 [tilespmem:s0], [sflag:$0x1], $0x80, $0x38;
	[tilespmem:$0x1F6F8] =	vst v63  }
0x1c4: {  	s0 =	simm.s32 @!p3 $0x1  }
0x1c5: {  	_ =	swait.ge @!p3 [sflag:s0], $0x100  }
0x1c6: {  	p1 =	por p2, p1;
	[sflag:s0] =	ssyncset.done @!p3 $0x0  }
0x1c7: {  	[sflag:s0] =	ssyncadd.s32 @!p3 $0xFFFFFF00;
	s0 =	simm.s32 @!p1 $0x1  }
0x1c8: {  	_ =	swait.ge @!p1 [sflag:s0], $0x80  }
0x1c9: {  	s29 =	simm.s32 $0x10238;
	[sflag:s0] =	ssyncset.done @!p1 $0x0  }
0x1ca: {  	s30 =	simm.s32 $0x1000;
	s31 =	simm.s32 $0x1;
	[sflag:s0] =	ssyncadd.s32 @!p1 $0xFFFFFF80  }
0x1cb: {  	[spmem:s30] =	stream.linear.scatter [tilespmem:s29], [sflag:$0x1], $0x10, $0x38;
	[tilespmem:$0x1F6F8] =	vst v63  }
0x1cc: {  	_ =	swait.ge [sflag:s31], $0x10  }
0x1cd: {  	[sflag:s31] =	ssyncset.done $0x0  }
0x1ce: {  	p1 =	seq.s32 s15, $0x0;
	s8 =	rddreg [dreg:$0x1];
	[sflag:s31] =	ssyncadd.s32 $0xFFFFFFF0  }
0x1cf: {  	s2 =	sshll.u32 @p1 s8, $0xE;
	s7 =	rddreg [dreg:$0x2]  }
0x1d0: {  	s0 =	sadd.s32 @p1 $0x15C3C, s2;
	s2 =	sshll.u32 @p1 s7, $0x11  }
0x1d1: {  	_ =	sfence.stream.spmem;
	s0 =	sor.u32 @p1 s2, s0  }
0x1d2: {  	[sflag:s0] =	ssyncadd.remote.s32 @p1 $0x1;
	s0 =	simm.s32 @p1 $0x4  }
0x1d3: {  	s3 =	simm.s32 @!p1 $0x3C;
	s2 =	sand.u32 $0xFFFFFFFE, s8;
	_ =	swait.ge @p1 [sflag:s0], $0x22  }
0x1d4: {  	s4 =	simm.s32 @!p1 $0x0;
	s2 =	sadd.s32 @!p1 $0x4, s2;
	[sflag:s0] =	ssyncset.done @p1 $0x0  }
0x1d5: {  	s5 =	simm.s32 @!p1 $0x100;
	[sflag:s0] =	ssyncadd.s32 @p1 $0xFFFFFFDE;
	s0 =	sshll.u32 @!p1 s2, $0x1A  }
0x1d6: {  	s2 =	sshll.u32 @!p1 s2, $0xD;
	s0 =	sor.u32 @!p1 s0, s7;
	_ =	swait.eq @!p1 [sflag:s3], $0x1  }
0x1d7: {  	s2 =	sor.u32 @!p1 $0x1C04, s2;
	s3 =	simm.s32 @!p1 $0x1C03;
	s0 =	sor.u32 @!p1 $0x80004000, s0  }
0x1d8: {  	[spmem:s5], [sflag:s2] =	dma.general @!p1 [spmem:s4], [sflag:s3], length:$0x20, [dreg:$0x0], stride_count:$0x0, ici_dest:s0, dma_misc:DstOpCode:WRITE  }
0x1d9: {  	p2 =	slt.s32 s9, $0x2;
	s4 =	simm.s32 @!p1 $0x200;
	s5 =	simm.s32 @!p1 $0x202  }
0x1da: {  	[spmem:s5], [sflag:s2] =	dma.general @!p1 [spmem:s4], [sflag:s3], length:$0x2, [dreg:$0x0], stride_count:$0x0, ici_dest:s0, dma_misc:DstOpCode:WRITE  }
.Ltmp27:
0x1db: {  	s0 =	simm.s32 @!p1 $0x3;
	(pc) =	sbr.rel @p2 .LBB2_38-.Ltmp27, $4  }
0x1dc: {  	s2 =	sshll.u32 @!p1 s8, $0xE;
	_ =	swait.ge @!p1 [sflag:s0], $0x22  }
0x1dd: {  	s3 =	sshll.u32 @!p1 s7, $0x11;
	s2 =	sadd.s32 @!p1 $0x11C3C, s2;
	[sflag:s0] =	ssyncset.done @!p1 $0x0  }
0x1de: {  	[sflag:s0] =	ssyncadd.s32 @!p1 $0xFFFFFFDE;
	s0 =	sor.u32 @!p1 s3, s2  }
0x1df: {  	[sflag:s0] =	ssyncadd.remote.s32 @!p1 $0xFFFFFFFF;
	s0 =	simm.s32 $0x0  }
0x1e0: {  	s0 =	simm.s32 $0xF219  }
0x1e1: {  	v0 =	vld.msk [tilespmem:s0+$0x0], $0x1;
	_ =	sdelay $0x4  }
0x1e2: {  	(v2sf) =	vpush v0, $0x0;
	_ =	sdelay $0xb  }
0x1e3: {  	s31 =	sadd.s32 $0xFFFFFFFE, s6  }
0x1e4: {  	s0 =	sadd.s32 $0xFFFFFFFF, s31  }
0x1e5: {  	p2 =	sne.s32 s0, $0x0  }
.Ltmp28:
0x1e6: {  	s2 =	spop (v2sf);
	(pc) =	sbr.rel @!p2 .LBB2_37-.Ltmp28, $4  }
0x1e7: {  	s4 =	simm.s32 $0xF2B8;
	s7 =	simm.s32 $0x0;
	p1 =	sgt.u32 s2, $0x277F0  }
0x1e8: {  	s5 =	simm.s32 $0x0;
	s6 =	simm.s32 $0xF21A;
	s3 =	sand.u32 @!p1 $0x3FFF8, s2  }
0x1e9: {  	s2 =	sand.u32 @!p1 $0x7, s2;
	s7 =	simm.s32 @!p1 $0x200;
	s3 =	sadd.s32 @!p1 s1, s3  }
0x1ea: {  	[hbm4b:s3+s2] =	stream.linear.scatter @!p1 [tilespmem:s4], [sflag:$0x5], $0x80, $0x38;
	[tilespmem:$0x1F6F8] =	vst v63  }
.LBB2_36:
0x1eb: {  	v0 =	vld.msk [tilespmem:s6+$0x0], $0x1;
	s0 =	sadd.s32 $0xFFFFFFFF, s0;
	s5 =	sadd.s32 s5, s7  }
0x1ec: {  	p1 =	sne.s32 s0, $0x0;
	_ =	sdelay $0x3  }
0x1ed: {  	(v2sf) =	vpush v0, $0x0;
	_ =	sdelay $0xe  }
.Ltmp29:
0x1ee: {  	s2 =	spop (v2sf);
	(pc) =	sbr.rel @p1 .LBB2_36-.Ltmp29, $4  }
0x1ef: {  	s7 =	simm.s32 $0x0;
	p2 =	sgt.u32 s2, $0x277F0  }
0x1f0: {  	s4 =	sadd.s32 $0x80, s4;
	s7 =	simm.s32 @!p2 $0x200;
	s3 =	sand.u32 @!p2 $0x3FFF8, s2  }
0x1f1: {  	s6 =	sadd.s32 $0x1, s6;
	s2 =	sand.u32 @!p2 $0x7, s2;
	s3 =	sadd.s32 @!p2 s1, s3  }
0x1f2: {  	[hbm4b:s3+s2] =	stream.linear.scatter @!p2 [tilespmem:s4], [sflag:$0x5], $0x80, $0x38;
	[tilespmem:$0x1F6F8] =	vst v63  }
.LBB2_37:
0x1f3: {  	s0 =	sadd.s32 s5, s7  }
0x1f4: {  	s0 =	sshrl.u32 s0, $0x2  }
.LBB2_38:
0x1f5: {  	s2 =	simm.s32 $0x5  }
0x1f6: {  	_ =	swait.ge [sflag:s2], s0  }
0x1f7: {  	s31 =	ssub.s32 $0x0, s0;
	[sflag:s2] =	ssyncset.done $0x0  }
0x1f8: {  	[sflag:s2] =	ssyncadd.s32 s31  }
0x1f9: {  	[sflag:s2] =	ssyncpa.u1 $0x1  }
.LBB2_39:
0x1fa: {  	s0 =	sor.u32 s15, s16  }
0x1fb: {  	p1 =	sne.s32 s0, $0x0  }
.Ltmp30:
0x1fc: {  	_ = 	snop;
	(pc) =	sbr.rel @p1 .LBB2_54-.Ltmp30, $3  }
0x1fd: {  	_ =	sdelay $0x1  }
0x1fe: {  	[bflag:$0x0] =	sbarrier.arrive $0xFFFF  }
0x1ff: {  	_ =	sfence  }
0x200: {  	s0 =	simm.s32 $0x7  }
0x201: {  	s2 =	simm.s32 $0x1000;
	s3 =	simm.s32 $0xF218;
	[sflag:s0] =	ssyncpa.u1 $0x0  }
0x202: {  	[tilespmem:s3], [sflag:$0x7] =	stream.linear.gather [spmem:s2], $0x20, $0x38;
	[tilespmem:$0x1F6F8] =	vst v63  }
0x203: {  	s30 =	simm.s32 $0xF238;
	s2 =	simm.s32 $0x0  }
0x204: {  	[tilespmem:s30], [sflag:$0x7] =	stream.linear.gather [spmem:s2], $0x1000, $0x38;
	[tilespmem:$0x1F6F8] =	vst v63  }
.Ltmp31:
0x205: {  	_ = 	snop;
	(pc) =	sbr.rel .LBB2_41-.Ltmp31, $4  }
0x206: {  	_ =	swait.ge [sflag:s0], $0x1020  }
0x207: {  	[sflag:s0] =	ssyncset.done $0x0  }
0x208: {  	s31 =	simm.s32 $0x8;
	[sflag:s0] =	ssyncadd.s32 $0xFFFFEFE0  }
0x209: {  	s3 =	simm.s32 $0x0;
	[sflag:s31] =	ssyncpa.u1 $0x0  }
.LBB2_47:
0x20a: {  	p1 =	slt.u32 s4, $0x277F1  }
0x20b: {  	s0 =	sand.u32 @p1 $0x3FFF8, s4  }
0x20c: {  	s4 =	sand.u32 @p1 $0x7, s4;
	s5 =	simm.s32 @p1 $0xF188;
	s0 =	sadd.s32 @p1 s1, s0  }
0x20d: {  	[tilespmem:s5], [sflag:$0x8] =	stream.linear.gather @p1 [hbm4b:s0+s4], $0x80, $0x38;
	[tilespmem:$0x1F6F8] =	vst v63  }
0x20e: {  	s0 =	simm.s32 @p1 $0x8  }
0x20f: {  	_ =	swait.ge @p1 [sflag:s0], $0x80  }
0x210: {  	[sflag:s0] =	ssyncset.done @p1 $0x0  }
0x211: {  	[sflag:s0] =	ssyncadd.s32 @p1 $0xFFFFFF80  }
0x212: {  	v1 =	vld @p1 [tilespmem:$0xF188];
	_ =	sdelay $0x2  }
0x213: {  	s0 =	sshll.u32 @p1 s3, $0x9  }
0x214: {  	s4 =	sshrl.u32 @p1 s0, $0x2  }
0x215: {  	[tilespmem:s4+$0xF238] =	vst.add.f32.msk @p1 $0xffff, v1  }
0x216: {  	v1 =	vld @p1 [tilespmem:$0xF198];
	_ =	sdelay $0x4  }
0x217: {  	[tilespmem:s4+$0xF248] =	vst.add.f32.msk @p1 $0xffff, v1  }
0x218: {  	v1 =	vld @p1 [tilespmem:$0xF1A8];
	_ =	sdelay $0x4  }
0x219: {  	[tilespmem:s4+$0xF258] =	vst.add.f32.msk @p1 $0xffff, v1  }
0x21a: {  	v1 =	vld @p1 [tilespmem:$0xF1B8];
	_ =	sdelay $0x4  }
0x21b: {  	[tilespmem:s4+$0xF268] =	vst.add.f32.msk @p1 $0xffff, v1  }
0x21c: {  	v1 =	vld @p1 [tilespmem:$0xF1C8];
	_ =	sdelay $0x4  }
0x21d: {  	[tilespmem:s4+$0xF278] =	vst.add.f32.msk @p1 $0xffff, v1  }
0x21e: {  	v1 =	vld @p1 [tilespmem:$0xF1D8];
	_ =	sdelay $0x4  }
0x21f: {  	[tilespmem:s4+$0xF288] =	vst.add.f32.msk @p1 $0xffff, v1  }
0x220: {  	v1 =	vld @p1 [tilespmem:$0xF1E8];
	_ =	sdelay $0x4  }
0x221: {  	[tilespmem:s4+$0xF298] =	vst.add.f32.msk @p1 $0xffff, v1  }
0x222: {  	v1 =	vld @p1 [tilespmem:$0xF1F8];
	_ =	sdelay $0x3  }
0x223: {  	s5 =	sshll.u32 @!p1 s3, $0x9  }
0x224: {  	s5 =	smov.u32 @p1 s0;
	[tilespmem:s4+$0xF2A8] =	vst.add.f32.msk @p1 $0xffff, v1  }
0x225: {  	s0 =	sshrl.u32 s5, $0x2;
	[tilespmem:s2+$0xF218] =	vst.msk $0x1, v0  }
0x226: {  	v0 =	vld [tilespmem:s0+$0xF238];
	_ =	sdelay $0x2  }
0x227: {  	s31 =	sshll.u32 s2, $0x9  }
0x228: {  	s4 =	sshra.s32 s31, $0x2  }
0x229: {  	[tilespmem:s4+$0xF238] =	vst v0  }
0x22a: {  	v0 =	vld [tilespmem:s0+$0xF248];
	_ =	sdelay $0x4  }
0x22b: {  	[tilespmem:s4+$0xF248] =	vst v0  }
0x22c: {  	v0 =	vld [tilespmem:s0+$0xF258];
	_ =	sdelay $0x4  }
0x22d: {  	[tilespmem:s4+$0xF258] =	vst v0  }
0x22e: {  	v0 =	vld [tilespmem:s0+$0xF268];
	_ =	sdelay $0x4  }
0x22f: {  	[tilespmem:s4+$0xF268] =	vst v0  }
0x230: {  	v0 =	vld [tilespmem:s0+$0xF278];
	_ =	sdelay $0x4  }
0x231: {  	[tilespmem:s4+$0xF278] =	vst v0  }
0x232: {  	v0 =	vld [tilespmem:s0+$0xF288];
	_ =	sdelay $0x4  }
0x233: {  	[tilespmem:s4+$0xF288] =	vst v0  }
0x234: {  	v0 =	vld [tilespmem:s0+$0xF298];
	_ =	sdelay $0x4  }
0x235: {  	[tilespmem:s4+$0xF298] =	vst v0  }
0x236: {  	v0 =	vld [tilespmem:s0+$0xF2A8];
	_ =	sdelay $0x4  }
0x237: {  	s2 =	sadd.s32 $0x1, s2;
	[tilespmem:s4+$0xF2A8] =	vst v0  }
.LBB2_48:
0x238: {  	s3 =	sadd.s32 $0x1, s3  }
0x239: {  	p1 =	sne.s32 s3, $0x20  }
.Ltmp32:
0x23a: {  	_ = 	snop;
	(pc) =	sbr.rel @!p1 .LBB2_49-.Ltmp32, $1  }
0x23b: {  	_ =	sdelay $0x3  }
.LBB2_41:
0x23c: {  	v0 =	vld.msk [tilespmem:s3+$0xF218], $0x1;
	_ =	sdelay $0x4  }
0x23d: {  	(v2sf) =	vpush v0, $0x0;
	_ =	sdelay $0xe  }
0x23e: {  	s4 =	spop (v2sf)  }
0x23f: {  	p1 =	seq.s32 s4, $0xFFFFFFFF  }
.Ltmp33:
0x240: {  	_ = 	snop;
	(pc) =	sbr.rel @p1 .LBB2_48-.Ltmp33, $1  }
0x241: {  	_ =	sdelay $0x3  }
0x242: {  	p1 =	slt.s32 s2, $0x1  }
.Ltmp34:
0x243: {  	_ = 	snop;
	(pc) =	sbr.rel @p1 .LBB2_47-.Ltmp34, $1  }
0x244: {  	_ =	sdelay $0x3  }
0x245: {  	s5 =	simm.s32 $0xF218;
	p1 =	por $0x0, $0x0  }
0x246: {  	v1 =	vld.msk @!p1 [tilespmem:s5+$0x0], $0x1;
	_ =	sdelay $0x4  }
0x247: {  	(v2sf) =	vpush @!p1 v1, $0x0;
	_ =	sdelay $0xd  }
0x248: {  	p3 =	sne.s32 s2, $0x1  }
.Ltmp35:
0x249: {  	s0 =	spop @!p1 (v2sf);
	(pc) =	sbr.rel @!p3 .LBB2_45-.Ltmp35, $4  }
0x24a: {  	p2 =	seq.s32 @!p1 s4, s0  }
0x24b: {  	s6 =	simm.s32 $0x0;
	p2 =	por !p2, p1  }
0x24c: {  	s7 =	simm.s32 $0xFFFFFFFF;
	s6 =	simm.s32 @p2 $0xFFFFFFFF  }
0x24d: {  	s0 =	simm.s32 $0x1;
	s6 =	smov.u32 @p1 s7  }
.LBB2_44:
0x24e: {  	s7 =	smov.u32 s6;
	p1 =	sne.s32 s6, $0xFFFFFFFF  }
0x24f: {  	s5 =	sadd.s32 $0x1, s5;
	s6 =	smov.u32 s0;
	s0 =	sadd.s32 $0x1, s0  }
0x250: {  	p2 =	sne.s32 s2, s0;
	v1 =	vld.msk @!p1 [tilespmem:s5+$0x0], $0x1;
	_ =	sdelay $0x4  }
0x251: {  	(v2sf) =	vpush @!p1 v1, $0x0;
	_ =	sdelay $0xe  }
.Ltmp36:
0x252: {  	s8 =	spop @!p1 (v2sf);
	(pc) =	sbr.rel @p2 .LBB2_44-.Ltmp36, $4  }
0x253: {  	p3 =	seq.s32 @!p1 s4, s8  }
0x254: {  	p3 =	por !p3, p1  }
0x255: {  	s6 =	simm.s32 @p3 $0xFFFFFFFF  }
0x256: {  	s6 =	smov.u32 @p1 s7  }
.LBB2_45:
0x257: {  	p1 =	seq.s32 s6, $0xFFFFFFFF  }
.Ltmp37:
0x258: {  	_ = 	snop;
	(pc) =	sbr.rel @p1 .LBB2_47-.Ltmp37, $1  }
0x259: {  	_ =	sdelay $0x3  }
0x25a: {  	s0 =	sshll.u32 s3, $0x7  }
0x25b: {  	s0 =	sand.u32 $0x3FFFFF80, s0  }
0x25c: {  	v0 =	vld [tilespmem:s0+$0xF238];
	_ =	sdelay $0x2  }
0x25d: {  	s4 =	sshll.u32 s6, $0x9  }
0x25e: {  	s4 =	sshra.s32 s4, $0x2  }
0x25f: {  	[tilespmem:s4+$0xF238] =	vst.add.f32.msk $0xffff, v0  }
0x260: {  	v0 =	vld [tilespmem:s0+$0xF248];
	_ =	sdelay $0x4  }
0x261: {  	[tilespmem:s4+$0xF248] =	vst.add.f32.msk $0xffff, v0  }
0x262: {  	v0 =	vld [tilespmem:s0+$0xF258];
	_ =	sdelay $0x4  }
0x263: {  	[tilespmem:s4+$0xF258] =	vst.add.f32.msk $0xffff, v0  }
0x264: {  	v0 =	vld [tilespmem:s0+$0xF268];
	_ =	sdelay $0x4  }
0x265: {  	[tilespmem:s4+$0xF268] =	vst.add.f32.msk $0xffff, v0  }
0x266: {  	v0 =	vld [tilespmem:s0+$0xF278];
	_ =	sdelay $0x4  }
0x267: {  	[tilespmem:s4+$0xF278] =	vst.add.f32.msk $0xffff, v0  }
0x268: {  	v0 =	vld [tilespmem:s0+$0xF288];
	_ =	sdelay $0x4  }
0x269: {  	[tilespmem:s4+$0xF288] =	vst.add.f32.msk $0xffff, v0  }
0x26a: {  	v0 =	vld [tilespmem:s0+$0xF298];
	_ =	sdelay $0x4  }
0x26b: {  	[tilespmem:s4+$0xF298] =	vst.add.f32.msk $0xffff, v0  }
0x26c: {  	v0 =	vld [tilespmem:s0+$0xF2A8]  }
.Ltmp38:
0x26d: {  	_ = 	snop;
	(pc) =	sbr.rel .LBB2_48-.Ltmp38, $2  }
0x26e: {  	_ =	sdelay $0x2  }
0x26f: {  	[tilespmem:s4+$0xF2A8] =	vst.add.f32.msk $0xffff, v0  }
.LBB2_49:
0x270: {  	p1 =	slt.s32 s2, $0x1  }
.Ltmp39:
0x271: {  	_ = 	snop;
	(pc) =	sbr.rel @p1 .LBB2_53-.Ltmp39, $3  }
0x272: {  	_ =	sdelay $0x1  }
0x273: {  	s0 =	simm.s32 $0x8  }
0x274: {  	s3 =	simm.s32 $0x0;
	[sflag:s0] =	ssyncpa.u1 $0x1  }
0x275: {  	s0 =	simm.s32 $0xF218  }
0x276: {  	v0 =	vld.msk [tilespmem:s0+$0x0], $0x1;
	_ =	sdelay $0x4  }
0x277: {  	(v2sf) =	vpush v0, $0x0;
	_ =	sdelay $0xe  }
0x278: {  	s0 =	sadd.s32 $0xFFFFFFFF, s2;
	s5 =	spop (v2sf)  }
0x279: {  	p2 =	sne.s32 s0, $0x0;
	p1 =	sgt.u32 s5, $0x277F0  }
.Ltmp40:
0x27a: {  	s6 =	sand.u32 @!p1 $0x3FFF8, s5;
	(pc) =	sbr.rel @!p2 .LBB2_52-.Ltmp40, $4  }
0x27b: {  	s4 =	simm.s32 $0xF238;
	s5 =	sand.u32 @!p1 $0x7, s5;
	s2 =	sadd.s32 @!p1 s1, s6  }
0x27c: {  	[hbm4b:s2+s5] =	stream.linear.scatter @!p1 [tilespmem:s4], [sflag:$0x7], $0x80, $0x38;
	[tilespmem:$0x1F6F8] =	vst v63  }
0x27d: {  	s5 =	simm.s32 $0x0  }
0x27e: {  	s2 =	simm.s32 $0xF219;
	s5 =	simm.s32 @!p1 $0x200  }
.LBB2_51:
0x27f: {  	v0 =	vld.msk [tilespmem:s2+$0x0], $0x1;
	s0 =	sadd.s32 $0xFFFFFFFF, s0;
	s3 =	sadd.s32 s3, s5  }
0x280: {  	p1 =	sne.s32 s0, $0x0;
	_ =	sdelay $0x3  }
0x281: {  	(v2sf) =	vpush v0, $0x0;
	_ =	sdelay $0xe  }
.Ltmp41:
0x282: {  	s6 =	spop (v2sf);
	(pc) =	sbr.rel @p1 .LBB2_51-.Ltmp41, $4  }
0x283: {  	s5 =	simm.s32 $0x0;
	p2 =	sgt.u32 s6, $0x277F0  }
0x284: {  	s4 =	sadd.s32 $0x80, s4;
	s5 =	simm.s32 @!p2 $0x200;
	s7 =	sand.u32 @!p2 $0x3FFF8, s6  }
0x285: {  	s2 =	sadd.s32 $0x1, s2;
	s6 =	sand.u32 @!p2 $0x7, s6;
	s7 =	sadd.s32 @!p2 s1, s7  }
0x286: {  	[hbm4b:s7+s6] =	stream.linear.scatter @!p2 [tilespmem:s4], [sflag:$0x7], $0x80, $0x38;
	[tilespmem:$0x1F6F8] =	vst v63  }
.LBB2_52:
0x287: {  	s0 =	sadd.s32 s3, s5  }
0x288: {  	s3 =	sshrl.u32 s0, $0x2  }
.LBB2_53:
0x289: {  	s0 =	simm.s32 $0x7  }
0x28a: {  	_ =	swait.ge [sflag:s0], s3  }
0x28b: {  	s1 =	ssub.s32 $0x0, s3;
	[sflag:s0] =	ssyncset.done $0x0  }
0x28c: {  	[sflag:s0] =	ssyncadd.s32 s1  }
0x28d: {  	[sflag:s0] =	ssyncpa.u1 $0x1  }
.LBB2_54:
0x28e: {  	_ =	sfence;
	s0 =	simm.s32 $0x1  }
0x28f: {  	[sflag:s0] =	ssyncpa.u1 $0x1  }
0x290: {  	_ =	strace $0x9000005C  }
0x291: {  	[bflag:$0x2] =	sbarrier.arrive $0xFFFF  }
0x292: {  	s0 =	rddreg [dreg:$0x3]  }
0x293: {  	s0 =	sadd.s32 @!p0 $0x100000, s0  }
0x294: {  	[sflag:s0] =	ssyncadd.tile.s32 @!p0 $0x1;
	_ =	shalt  }
.Lfunc_end2:
_tile_overlayer_lowered:
.L_overlay_start_2:
0x295: {  	(tag) =	ssettag $0x2  }
0x296: {  	s0 =	rddreg [dreg:$0x0];
	s2 =	stileid.u32  }
0x297: {  	s1 =	rddreg [dreg:$0x1];
	p0 =	sne.s32 s2, $0x0  }
0x298: {  	s3 =	rddreg [dreg:$0x2];
	[bflag:$0x3] =	sbarrier.arrive $0xFFFF;
	s2 =	simm.s32 @!p0 $0x1C01  }
0x299: {  	[timem:s3], [sflag:s2] =	dma.local @!p0 [hbm:s0], s1  }
0x29a: {  	s0 =	simm.s32 @!p0 $0x1  }
0x29b: {  	_ =	swait.ge @!p0 [sflag:s0], s1  }
0x29c: {  	s1 =	ssub.s32 @!p0 $0x0, s1;
	[sflag:s0] =	ssyncset.done @!p0 $0x0  }
0x29d: {  	[sflag:s0] =	ssyncadd.s32 @!p0 s1  }
0x29e: {  	[bflag:$0x3] =	sbarrier.arrive $0xFFFF  }
0x29f: {  	_ =	shalt  }

// kernel: scatter_offload_async_start.3
scs
__scs_entry_jumppad:
0x0: {  	(pc) =	sbr.rel $0x88, $3  }
0x1: {  	(tag) =	ssettag $0x0;
	lr =	simm.s32 $0x1  }
0x2: {  	[smem:$0x3F99] =	sst lr;
	_ =	strace $0xD0000000  }
0x3: {  	_ = 	snop  }
0x4: {  	_ = 	snop  }
0x5: {  	_ = 	snop  }
0x6: {  	_ = 	snop  }
0x7: {  	_ = 	snop  }
__scs_overlays_trampoline_lowered:
0x8: {  	[smem:$0x3FA8] =	sst s0  }
0x9: {  	[smem:$0x3FA9] =	sst s1  }
0xa: {  	[smem:$0x3FAA] =	sst s2  }
0xb: {  	[smem:$0x3FAB] =	sst s3  }
0xc: {  	[smem:$0x3FAC] =	sst s4  }
0xd: {  	[smem:$0x3FAD] =	sst s5  }
0xe: {  	[smem:$0x3FAE] =	sst s6  }
0xf: {  	[smem:$0x3FAF] =	sst s7  }
0x10: {  	[smem:$0x3FB0] =	sst s8  }
0x11: {  	[smem:$0x3FB1] =	sst s9;
	s0 =	simm.s32 @!p0 $0x0  }
0x12: {  	s1 =	sld [smem:$0x3F97];
	s0 =	simm.s32 @p0 $0x1  }
0x13: {  	[smem:$0x3FB2] =	sst s0;
	s0 =	simm.s32 @!p1 $0x0  }
0x14: {  	s2 =	sld [smem:$0x3F96];
	s0 =	simm.s32 @p1 $0x1  }
0x15: {  	[smem:$0x3FB3] =	sst s0;
	s0 =	simm.s32 @!p2 $0x0  }
0x16: {  	s3 =	sld [smem:$0x3FDB];
	s0 =	simm.s32 @p2 $0x1  }
0x17: {  	s4 =	simm.s32 $0x1BF5;
	[smem:$0x3FB5] =	sst s0  }
0x18: {  	s0 =	sld [smem:$0x3F98];
	_ =	swait.ge [sflag:s4], $0x0  }
0x19: {  	s7 =	sld [smem:$0x3F99]  }
0x1a: {  	s8 =	sadd.s32 $0xFFFFE003, lr  }
0x1b: {  	s9 =	sadd.s32 $0xFFFFFEF7, lr;
	s5 =	simm.s32 $0xFFFFFFFF;
	p2 =	slt.u32 s8, $0xFFFFF086  }
0x1c: {  	p1 =	slt.u32 s9, $0xF7A;
	s5 =	simm.s32 @!p2 $0x0  }
0x1d: {  	s5 =	simm.s32 @p1 $0x1;
	p0 =	seq.s32 s7, s2  }
0x1e: {  	s7 =	smul.u32 @!p0 $0xF7A, s2;
	p2 =	seq.s32 @!p0 s5, $0x0  }
0x1f: {  	s9 =	smul.u32 $0xF7A, s1;
	s8 =	simm.s32 @!p0 $0x1BF5;
	p2 =	por !p2, p0  }
0x20: {  	[sflag:s8] =	ssyncset.s32 @!p0 $0xFFFFF086;
	s6 =	sadd.s32 @!p0 s3, s7;
	s7 =	simm.s32 @!p0 $0x108  }
0x21: {  	s3 =	sadd.s32 s3, s9;
	s6 =	sadd.s32 @!p0 $0x88, s6;
	s7 =	simm.s32 @p2 $0x1082  }
0x22: {  	[simem:s7], [sflag:s8] =	dma.local @!p0 [hbm:s6], $0xF7A  }
0x23: {  	s9 =	sor.u32 $0xD0000000, s2;
	s6 =	simm.s32 $0x108;
	_ =	swait.ge @!p0 [sflag:s8], $0x0  }
0x24: {  	s3 =	sadd.s32 $0x88, s3;
	s6 =	simm.s32 @!p1 $0x1082;
	[sflag:s4] =	ssyncset.s32 $0xFFFFF086  }
0x25: {  	[simem:s6], [sflag:s4] =	dma.local [hbm:s3], $0xF7A  }
0x26: {  	[smem:$0x3F99] =	sst s1;
	(tag) =	ssettag s2;
	_ =	strace s9  }
0x27: {  	s1 =	sld [smem:$0x3FA9]  }
0x28: {  	s2 =	sld [smem:$0x3FAA]  }
0x29: {  	s4 =	sld [smem:$0x3FAC]  }
0x2a: {  	p0 =	seq.s32 s5, $0x0;
	s5 =	sld [smem:$0x3FAD]  }
0x2b: {  	s6 =	sld [smem:$0x3FAE]  }
0x2c: {  	s7 =	sld [smem:$0x3FAF]  }
0x2d: {  	s3 =	simm.s32 $0x108;
	s8 =	sld [smem:$0x3FB0]  }
0x2e: {  	s3 =	simm.s32 @!p0 $0x1082;
	s9 =	sld [smem:$0x3FB1]  }
0x2f: {  	lr =	sadd.s32 s0, s3;
	s0 =	sld [smem:$0x3FA8]  }
0x30: {  	s3 =	sld [smem:$0x3FAB]  }
0x31: {  	[smem:$0x3FB4] =	sst s10  }
0x32: {  	s10 =	sld [smem:$0x3FB2];
	_ =	sdelay $0x3  }
0x33: {  	p0 =	seq.s32 s10, $0x1;
	s10 =	sld [smem:$0x3FB4];
	_ =	sdelay $0x3  }
0x34: {  	[smem:$0x3FB4] =	sst s10  }
0x35: {  	s10 =	sld [smem:$0x3FB3];
	_ =	sdelay $0x3  }
0x36: {  	p1 =	seq.s32 s10, $0x1;
	s10 =	sld [smem:$0x3FB4];
	_ =	sdelay $0x3  }
0x37: {  	[smem:$0x3FB4] =	sst s10  }
0x38: {  	s10 =	sld [smem:$0x3FB5]  }
0x39: {  	_ = 	snop;
	(pc) =	sbr.ind lr, $3  }
0x3a: {  	_ = 	snop  }
0x3b: {  	_ = 	snop  }
0x3c: {  	p2 =	seq.s32 s10, $0x1;
	s10 =	sld [smem:$0x3FB4]  }
0x3d: {  	_ =	shalt  }
0x3e: {  	_ =	shalt  }
0x3f: {  	_ =	shalt  }
0x40: {  	_ =	shalt  }
0x41: {  	_ =	shalt  }
0x42: {  	_ =	shalt  }
0x43: {  	_ =	shalt  }
0x44: {  	_ =	shalt  }
0x45: {  	_ =	shalt  }
0x46: {  	_ =	shalt  }
0x47: {  	_ =	shalt  }
0x48: {  	_ =	shalt  }
0x49: {  	_ =	shalt  }
0x4a: {  	_ =	shalt  }
0x4b: {  	_ =	shalt  }
0x4c: {  	_ =	shalt  }
0x4d: {  	_ =	shalt  }
0x4e: {  	_ =	shalt  }
0x4f: {  	_ =	shalt  }
0x50: {  	_ =	shalt  }
0x51: {  	_ =	shalt  }
0x52: {  	_ =	shalt  }
0x53: {  	_ =	shalt  }
0x54: {  	_ =	shalt  }
0x55: {  	_ =	shalt  }
0x56: {  	_ =	shalt  }
0x57: {  	_ =	shalt  }
0x58: {  	_ =	shalt  }
0x59: {  	_ =	shalt  }
0x5a: {  	_ =	shalt  }
0x5b: {  	_ =	shalt  }
0x5c: {  	_ =	shalt  }
0x5d: {  	_ =	shalt  }
0x5e: {  	_ =	shalt  }
0x5f: {  	_ =	shalt  }
0x60: {  	_ =	shalt  }
0x61: {  	_ =	shalt  }
0x62: {  	_ =	shalt  }
0x63: {  	_ =	shalt  }
0x64: {  	_ =	shalt  }
0x65: {  	_ =	shalt  }
0x66: {  	_ =	shalt  }
0x67: {  	_ =	shalt  }
0x68: {  	_ =	shalt  }
0x69: {  	_ =	shalt  }
0x6a: {  	_ =	shalt  }
0x6b: {  	_ =	shalt  }
0x6c: {  	_ =	shalt  }
0x6d: {  	_ =	shalt  }
0x6e: {  	_ =	shalt  }
0x6f: {  	_ =	shalt  }
0x70: {  	_ =	shalt  }
0x71: {  	_ =	shalt  }
0x72: {  	_ =	shalt  }
0x73: {  	_ =	shalt  }
0x74: {  	_ =	shalt  }
0x75: {  	_ =	shalt  }
0x76: {  	_ =	shalt  }
0x77: {  	_ =	shalt  }
0x78: {  	_ =	shalt  }
0x79: {  	_ =	shalt  }
0x7a: {  	_ =	shalt  }
0x7b: {  	_ =	shalt  }
0x7c: {  	_ =	shalt  }
0x7d: {  	_ =	shalt  }
0x7e: {  	_ =	shalt  }
0x7f: {  	_ =	shalt  }
0x80: {  	_ =	shalt  }
0x81: {  	_ =	shalt  }
0x82: {  	_ =	shalt  }
0x83: {  	_ =	shalt  }
0x84: {  	_ =	shalt  }
0x85: {  	_ =	shalt  }
0x86: {  	_ =	shalt  }
0x87: {  	_ =	shalt  }
.Lfunc_end0:
.L_simem_size_0:
called_computation.3_lowered:
.L_overlay_start_0:
0x88: {  	s0 =	sld [smem:$0x3FD9]  }
0x89: {  	s1 =	sld [smem:$0x3FFE];
	_ =	sdelay $0x3  }
0x8a: {  	s0 =	sadd.s32 s1, s0  }
0x8b: {  	[smem:$0x3FC0] =	sst s0  }
0x8c: {  	_ = 	snop  }
0x8d: {  	s0 =	sld [smem:$0x3FD0];
	(tm) =	ssettm $0x1  }
0x8e: {  	s16 =	sld [smem:$0x3FFB];
	_ =	sdelay $0x3  }
0x8f: {  	_ =	strace s16  }
0x90: {  	s1 =	sld [smem:$0x3FFC];
	_ =	sdelay $0x3  }
0x91: {  	_ =	strace s1  }
0x92: {  	s1 =	sld [smem:$0x3FFD];
	_ =	sdelay $0x3  }
0x93: {  	_ =	strace s1  }
0x94: {  	_ =	strace $0x8FFFFFFF  }
0x95: {  	s17 =	sld [smem:$0x3FDB];
	_ =	sdelay $0x1  }
0x96: {  	s2 =	simm.s32 $_scs_section_size  }
0x97: {  	s3 =	simm.s32 $_size__tile_overlayer_lowered;
	s4 =	simm.s32 $_tile_overlayer_lowered  }
0x98: {  	s20 =	simm.s32 $0x1BFF;
	s19 =	sshll.u32 s4, $0x1;
	s1 =	sadd.s32 s2, s17  }
0x99: {  	s5 =	simm.s32 $0x0;
	s18 =	sshll.u32 s3, $0x1;
	s3 =	sadd.s32 s19, s1  }
0x9a: {  	[timem:s5], [sflag:s20] =	dma.local [hbm:s3], s18  }
0x9b: {  	_ =	swait.ge [sflag:s20], s18  }
0x9c: {  	s2 =	ssub.s32 $0x0, s18;
	[sflag:s20] =	ssyncset.done $0x0  }
0x9d: {  	[sflag:s20] =	ssyncadd.s32 s2;
	_ =	sdelay $0x1  }
0x9e: {  	s21 =	simm.s32 $0x1B8B  }
0x9f: {  	_ =	swait.ge [sflag:s21], $0x1  }
0xa0: {  	[sflag:s21] =	ssyncset.done $0x0  }
0xa1: {  	s23 =	simm.s32 $0x1B8E;
	s22 =	sld [smem:$0x3FFE];
	[sflag:s21] =	ssyncadd.s32 $0xFFFFFFFF  }
0xa2: {  	s24 =	simm.s32 $execute0_lowered;
	[smem:$0x3FD2] =	sst s23  }
0xa3: {  	s3 =	sshll.u32 s24, $0x1;
	_ =	strace $0x80000058;
	[dreg:$0x1] =	wrdreg $0xFFFFFFFF  }
0xa4: {  	s25 =	simm.s32 $_size_execute0_lowered;
	s1 =	sadd.s32 s1, s3;
	[dreg:$0x0] =	wrdreg $0x0  }
0xa5: {  	s3 =	sshll.u32 s25, $0x1;
	[dreg:$0x2] =	wrdreg s1  }
0xa6: {  	[dreg:$0x3] =	wrdreg s3  }
0xa7: {  	[dreg:$0x4] =	wrdreg $0xC0  }
0xa8: {  	_ =	task [dreg:s5], $0x5FFFF  }
0xa9: {  	[dreg:$0x1] =	wrdreg $0xFFFFFFFF  }
0xaa: {  	[dreg:$0x0] =	wrdreg $0x60  }
0xab: {  	[dreg:$0x2] =	wrdreg s22  }
0xac: {  	[dreg:$0x3] =	wrdreg s0  }
0xad: {  	[dreg:$0x4] =	wrdreg $0xA  }
0xae: {  	_ =	task.clear_ibuf [dreg:s5], $0x5FFFF;
	_ =	strace $0x90000058  }
0xaf: {  	s26 =	simm.s32 $0xA;
	_ =	strace $0x8000005A  }
0xb0: {  	_ =	swait.ge [sflag:s26], $0x1  }
0xb1: {  	[sflag:s26] =	ssyncadd.s32 $0xFFFFFFFF  }
0xb2: {  	_ =	strace $0x9000005A  }
0xb3: {  	_ =	sfence  }
0xb4: {  	s28 =	sld [smem:$0x0];
	_ =	sdelay $0x1  }
0xb5: {  	s29 =	srdreg.scid  }
0xb6: {  	s30 =	sshll.u32 s29, $0xD;
	s31 =	sshrl.u32 s29, $0x2  }
0xb7: {  	s2 =	sand.u32 $0x4000, s30;
	s1 =	sand.u32 $0x1, s29;
	s0 =	sadd.s32 s31, s28  }
0xb8: {  	s1 =	sor.u32 s2, s1;
	s0 =	sshll.u32 s0, $0x11  }
0xb9: {  	s0 =	sor.u32 s0, s1  }
0xba: {  	s0 =	sadd.s32 $0x8F2B, s0  }
0xbb: {  	[sflag:s0] =	ssyncadd.remote.s32 $0x1  }
0xbc: {  	_ =	sfence.sel $0xFFFF  }
0xbd: {  	[dreg:$0x0] =	wrdreg $0xFFFFFFFF;
	(pc) =	sbr.abs _section_cstart, $3  }
0xbe: {  	[dreg:$0x1] =	wrdreg $0xFFFFFFFF  }
0xbf: {  	_ =	task.clear_ibuf [dreg:s5], $0x2FFFF;
	_ =	strace $0x9FFFFFFF  }
0xc0: {  	(tm) =	ssettm $0x7FFFFFFF  }
0xc1: {  	_ =	shalt  }
tec
execute0_lowered:
.L_overlay_start_1:
0x0: {  	(tag) =	ssettag $0x1  }
0x1: {  	s1 =	rddreg [dreg:$0x0];
	_ =	strace $0x80000059;
	s0 =	simm.s32 $0x1  }
0x2: {  	v1 =	vimm.s32 $0xFFFFFFFF;
	[sflag:s0] =	ssyncpa.u1 $0x0  }
0x3: {  	[tilespmem:$0x10] =	vst v1  }
0x4: {  	v0 =	vimm.f32 $0.0e+00;
	s3 =	stileid.u32;
	s2 =	simm.s32 $0x6000;
	[tilespmem:$0x20] =	vst v1  }
0x5: {  	s29 =	simm.s32 $0x2;
	s7 =	simm.s32 $0x7;
	s8 =	simm.s32 $0x8;
	[tilespmem:$0x30] =	vst v0  }
0x6: {  	s30 =	simm.s32 $0x9;
	s16 =	simm.s32 $0x0;
	s17 =	simm.s32 $0xFFFFE000;
	[tilespmem:$0x40] =	vst v0  }
0x7: {  	s18 =	simm.s32 $0xF0;
	s19 =	simm.s32 $0xFFFFFFFF;
	s20 =	simm.s32 $0xFFFFC100;
	[tilespmem:$0x50] =	vst v0  }
0x8: {  	s21 =	simm.s32 $0xFFFFFFFE;
	s28 =	smin.u32 s3, $0x8;
	s4 =	sshll.u32 s3, $0x1;
	[tilespmem:$0x60] =	vst v1  }
0x9: {  	s22 =	simm.s32 $0xF;
	p0 =	slt.u32 s3, $0x8;
	[tilespmem:$0x70] =	vst v1;
	s0 =	sadd.s32 s28, s4  }
0xa: {  	s26 =	simm.s32 $0x0;
	[tilespmem:$0x80] =	vst v1;
	s2 =	simm.s32 @!p0 $0x4000;
	s5 =	sshll.u32 s0, $0xD  }
0xb: {  	s25 =	simm.s32 $0x0;
	s31 =	sadd.s32 $0x51EE00, s1;
	v1 =	vimm.s32 $0x0;
	[tilespmem:$0xB0] =	vst v0;
	s0 =	sadd.s32 s2, s5  }
0xc: {  	s15 =	sshllo.u32 s3, $0x1;
	[dreg:$0x3] =	wrdreg s31;
	[tilespmem:$0x90] =	vst v1;
	s6 =	smin.u32 s0, $0x50000  }
.Ltmp0:
0xd: {  	[tilespmem:$0xA0] =	vst v1;
	[sflag:s29] =	ssyncpa.u1 $0x0;
	s2 =	ssub.s32 s6, s5;
	(pc) =	sbr.rel .LBB2_1-.Ltmp0, $4  }
0xe: {  	s13 =	sor.u32 $0x80, s4;
	[sflag:s7] =	ssyncpa.u1 $0x0;
	p0 =	sgt.s32 s2, $0x0  }
0xf: {  	s14 =	sor.u32 $0x81, s4;
	[sflag:s8] =	ssyncpa.u1 $0x0;
	s2 =	simm.s32 @!p0 $0x0  }
0x10: {  	vm0 =	vmmov $0xffff;
	v2 =	vlaneseq.u32;
	s24 =	smov.u32 s5;
	[sflag:s30] =	ssyncpa.u1 $0x0;
	s9 =	sshrl.u32 s2, $0xD  }
0x11: {  	vm1 =	vmxor vm1, vm1;
	vm2 =	vmmov $0x1;
	vm3 =	vcmask $0x3F3C;
	p0 =	por $0x0, $0x0;
	s11 =	sadd.s32 $0x1, s9;
	s12 =	sadd.s32 $0x2, s9  }
.LBB2_9:
0x12: {  	p1 =	slt.u32 s25, $0x3  }
0x13: {  	s0 =	simm.s32 @!p1 $0x2  }
0x14: {  	_ =	swait.ge @!p1 [sflag:s0], $0x2000  }
0x15: {  	[sflag:s0] =	ssyncset.done @!p1 $0x0  }
0x16: {  	[sflag:s0] =	ssyncadd.s32 @!p1 $0xFFFFE000;
	s0 =	simm.s32 @!p1 $0x9  }
0x17: {  	_ =	swait.ge @!p1 [sflag:s0], $0x10  }
0x18: {  	s2 =	sadd.s32 $0x2000, s24;
	[sflag:s0] =	ssyncset.done @!p1 $0x0  }
0x19: {  	[sflag:s0] =	ssyncadd.s32 @!p1 $0xFFFFFFF0;
	p1 =	slt.s32 s2, s6;
	s0 =	smov.u32 s5  }
0x1a: {  	s0 =	smov.u32 @p1 s2;
	p1 =	sne.s32 s25, s12  }
.Ltmp1:
0x1b: {  	_ = 	snop;
	(pc) =	sbr.rel @!p1 .LBB2_10-.Ltmp1, $4  }
0x1c: {  	s31 =	sadd.s32 $0x1, s25  }
0x1d: {  	s17 =	sadd.s32 $0x2000, s17;
	s18 =	sadd.s32 $0x2000, s18;
	s19 =	sadd.s32 $0x1, s19  }
0x1e: {  	s26 =	smov.u32 s24;
	p0 =	por !p0, !p0;
	s20 =	sadd.s32 $0x2000, s20  }
0x1f: {  	s21 =	sadd.s32 $0x1, s21;
	s25 =	smov.u32 s31;
	s24 =	smov.u32 s0  }
.LBB2_1:
0x20: {  	p1 =	sge.u32 s25, s9  }
0x21: {  	s0 =	smulhi.u32 @!p1 $0xAAAAAAAB, s25;
	_ =	sdelay $0x1  }
0x22: {  	s0 =	sshrl.u32 @!p1 s0, $0x1  }
0x23: {  	s0 =	smul.u32 @!p1 $0x3, s0;
	_ =	sdelay $0x1  }
0x24: {  	s0 =	ssub.s32 @!p1 s25, s0  }
0x25: {  	s3 =	rddreg [dreg:$0x1];
	s2 =	sshrl.u32 @!p1 s24, $0x3;
	s0 =	sshll.u32 @!p1 s0, $0xD  }
0x26: {  	s2 =	sadd.s32 @!p1 s3, s2;
	s3 =	sand.u32 @!p1 $0x7, s24;
	s0 =	sor.u32 @!p1 $0x100, s0  }
0x27: {  	[tilespmem:s0], [sflag:$0x7] =	stream.linear.gather @!p1 [hbm4b:s2+s3], $0x2000, $0x38;
	[tilespmem:$0x12120] =	vst v63  }
0x28: {  	s2 =	sadd.s32 $0xFFFFFFFF, s25  }
0x29: {  	p1 =	sge.u32 s2, s9  }
.Ltmp2:
0x2a: {  	_ = 	snop;
	(pc) =	sbr.rel @p1 .LBB2_5-.Ltmp2, $1  }
0x2b: {  	_ =	sdelay $0x3  }
0x2c: {  	s0 =	smulhi.u32 $0xAAAAAAAB, s2;
	_ =	sdelay $0x1  }
0x2d: {  	s0 =	sshrl.u32 s0, $0x1  }
0x2e: {  	s0 =	smul.u32 $0x3, s0;
	_ =	sdelay $0x1  }
0x2f: {  	s0 =	ssub.s32 s2, s0  }
0x30: {  	_ =	swait.ge [sflag:s7], $0x2000;
	s0 =	sshll.u32 s0, $0xD  }
0x31: {  	[sflag:s7] =	ssyncset.done $0x0;
	s0 =	sor.u32 $0x100, s0  }
0x32: {  	[sflag:s7] =	ssyncadd.s32 $0xFFFFE000;
	(ifvalue) =	ssetifvalue $0xFFFFFFFF;
	v3 =	vld.msk [tilespmem:s0+$0x0 ss:$0x1], $0xffff;
	_ =	sdelay $0x2  }
0x33: {  	s29 =	smulhi.u32 $0xAAAAAAAB, s19;
	p1 =	sne.s32 s25, $0x1  }
0x34: {  	v4 =	vimm.s32 @!p1 $0x0  }
0x35: {  	s0 =	sshrl.u32 s29, $0x1;
	v4 =	vperm.xlane @!p1 v3, v4  }
0x36: {  	s3 =	sshll.u32 s25, $0x4;
	s0 =	smul.u32 $0xFFFE8000, s0;
	vm4 =	vlt.u32 v3, $0x2800  }
0x37: {  	s3 =	sand.u32 $0x10, s3;
	v3 =	vnsel vm4, $0xFFFFFFFE, v3;
	vm4 =	vlt.u32 @!p1 v4, $0x2800  }
0x38: {  	s0 =	sshra.s32 s0, $0x2;
	[tilespmem:s3+$0x60] =	vst v3;
	v3 =	vnsel @!p1 vm4, $0xFFFFFFFE, v4  }
0x39: {  	s28 =	sadd.s32 s0, s18;
	[tilespmem:$0x80] =	vst @!p1 v3  }
0x3a: {  	v3 =	vld.msk [tilespmem:s28+$0x0 ss:$0x1], $0xffff;
	_ =	sdelay $0x4  }
0x3b: {  	(xrf1) =	vunique.msk.u32 $0xffff, v3;
	_ =	sdelay $0xd  }
0x3c: {  	v4 =	vimm.s32 $0xFFFFFFFF;
	v5, _, _ =	vpop (xrf1)  }
0x3d: {  	vm5 =	vne.s32 v3, v4;
	vm4 =	veq.s32 v5, v2  }
0x3e: {  	vm6 =	vlt.u32 v3, $0x2800;
	vm4 =	vmand vm5, vm4  }
0x3f: {  	vm4 =	vmand vm6, vm4  }
0x40: {  	v4 =	vnsel vm4, $0xFFFFFFFF, v3;
	_ =	sdelay $0x2  }
0x41: {  	s30 =	sand.u32 $0x2000, s17  }
0x42: {  	s31 =	sshll.u32 s2, $0xD;
	s0 =	sor.u32 $0x80F0, s30;
	(ifvalue) =	ssetifvalue $0xFFFFFFFF  }
0x43: {  	v3 =	vperm.xlane v3, v1;
	[tilespmem:s0], [sflag:$0x8] =	stream.indirect_vreg.gather [hbm4b:s1+s16], $0x1, v4, vm0, $0x4038;
	v4 =	vnsel vm6, $0xFFFFFFFE, v4;
	[tilespmem:$0x12120] =	vst v63  }
0x44: {  	s23 =	simm.s32 $0x0;
	s2 =	sand.u32 $0x2000, s31;
	s3 =	sadd.s32 $0xFFFFFFF0, s28;
	[tilespmem:s28+$0x0] =	vst v4  }
.LBB2_3:
0x45: {  	v4 =	vld.msk [tilespmem:s3+$0x0 ss:$0x1], $0xffff;
	s23 =	sadd.s32 $0x10, s23;
	v5 =	vmov v3;
	s28 =	smov.u32 s3  }
0x46: {  	p1 =	slt.u32 s23, $0x1FF0;
	_ =	sdelay $0x4  }
0x47: {  	v3 =	vperm.xlane v4, v1;
	(xrf1) =	vunique.msk.u32 $0xffff, v4;
	_ =	sdelay $0xd  }
0x48: {  	v6, _, _ =	vpop (xrf1)  }
0x49: {  	vm5 =	vne.s32 v4, v5;
	vm4 =	veq.s32 v6, v2  }
0x4a: {  	vm6 =	vlt.u32 v4, $0x2800;
	vm4 =	vmand vm5, vm4  }
0x4b: {  	vm4 =	vmand vm6, vm4  }
0x4c: {  	v4 =	vnsel vm4, $0xFFFFFFFF, v4  }
.Ltmp3:
0x4d: {  	v5 =	vnsel vm6, $0xFFFFFFFE, v4;
	(pc) =	sbr.rel @p1 .LBB2_3-.Ltmp3, $3  }
0x4e: {  	_ =	sdelay $0x1  }
0x4f: {  	s3 =	sadd.s32 $0xFFFFFFF0, s3;
	s0 =	sadd.s32 $0xFFFFFFF0, s0;
	(ifvalue) =	ssetifvalue $0xFFFFFFFF  }
0x50: {  	[tilespmem:s0], [sflag:$0x8] =	stream.indirect_vreg.gather [hbm4b:s1+s16], $0x1, v4, vm0, $0x4038;
	[tilespmem:s28+$0x0] =	vst v5  }
0x51: {  	s0 =	sshrl.u32 s26, $0x3;
	s3 =	rddreg [dreg:$0x3]  }
0x52: {  	s2 =	sadd.s32 $0xA100, s2;
	s0 =	sadd.s32 s3, s0  }
0x53: {  	[tilespmem:s2], [sflag:$0x8] =	stream.linear.gather [hbm:s0], $0x2000, $0x38;
	[tilespmem:$0x12120] =	vst v63  }
.LBB2_5:
0x54: {  	p1 =	slt.u32 s25, $0x2  }
0x55: {  	p2 =	sge.u32 @!p1 s25, s12  }
0x56: {  	p1 =	por p1, p2  }
.Ltmp4:
0x57: {  	_ = 	snop;
	(pc) =	sbr.rel @p1 .LBB2_9-.Ltmp4, $1  }
0x58: {  	_ =	sdelay $0x3  }
0x59: {  	s0 =	sadd.s32 $0xFFFFFFFE, s25  }
0x5a: {  	s2 =	smulhi.u32 $0xAAAAAAAB, s0;
	_ =	sdelay $0x1  }
0x5b: {  	s2 =	sshrl.u32 s2, $0x1  }
0x5c: {  	s2 =	smul.u32 $0x3, s2;
	_ =	sdelay $0x1  }
0x5d: {  	_ =	swait.ge [sflag:s8], $0x4000;
	s0 =	ssub.s32 s0, s2  }
0x5e: {  	p1 =	sne.s32 s25, s11;
	[sflag:s8] =	ssyncset.done $0x0;
	s0 =	sshll.u32 s0, $0xD  }
0x5f: {  	[sflag:s8] =	ssyncadd.s32 $0xFFFFC000;
	s2 =	sadd.s32 @!p1 $0x20FF, s0  }
0x60: {  	[spmem:s14] =	stream.linear.scatter @!p1 [tilespmem:s2], [sflag:$0x1], $0x1, $0x38;
	[tilespmem:$0x12120] =	vst v63  }
0x61: {  	s2 =	simm.s32 @!p1 $0x1  }
0x62: {  	_ =	swait.ge @!p1 [sflag:s2], $0x1  }
0x63: {  	s3 =	sshll.u32 s25, $0x4;
	[sflag:s2] =	ssyncset.done @!p1 $0x0  }
0x64: {  	s26 =	sand.u32 $0x10, s3;
	[sflag:s2] =	ssyncadd.s32 @!p1 $0xFFFFFFFF  }
0x65: {  	s2 =	sxor.u32 $0x10, s26;
	v4 =	vld [tilespmem:s26+$0x10]  }
0x66: {  	v5 =	vld [tilespmem:s2+$0x60]  }
0x67: {  	v3 =	vld [tilespmem:$0x80];
	_ =	sdelay $0x2  }
0x68: {  	(v2sf) =	vpush v4, $0x0  }
0x69: {  	(v2sf) =	vpush v5, $0x0  }
0x6a: {  	(v2sf) =	vpush v3, $0x0;
	_ =	sdelay $0xc  }
0x6b: {  	s10 =	spop (v2sf)  }
0x6c: {  	s23 =	spop (v2sf)  }
0x6d: {  	s29 =	spop (v2sf)  }
0x6e: {  	p2 =	seq.s32 s10, s23;
	p3 =	seq.s32 s29, s10  }
0x6f: {  	p3 =	por p2, p3  }
0x70: {  	v4 =	vpsel p3, $0xFFFFFFFF, v4  }
0x71: {  	s23 =	sand.u32 $0x1, s25;
	[tilespmem:s26+$0x10] =	vst.msk $0x1, v4  }
0x72: {  	s30 =	sshll.u32 s23, $0xD;
	v4 =	vld [tilespmem:$0x30]  }
0x73: {  	v5 =	vld [tilespmem:s30+$0xA100]  }
0x74: {  	v6 =	vld [tilespmem:s26+$0x40];
	_ =	sdelay $0x3  }
0x75: {  	vm4 =	vmmov vm1;
	v5 =	vadd.f32 v5, v4  }
0x76: {  	vm5 =	vmmov vm2;
	vm4 =	vmmov @p2 vm2;
	s3 =	sshll.u32 s23, $0x4;
	v4 =	vadd.f32 v6, v4  }
0x77: {  	s28 =	sor.u32 $0x12100, s3;
	vm5 =	vmmov @p3 vm1;
	[tilespmem:s30+$0xA100] =	vst.msk vm4, v5  }
0x78: {  	[tilespmem:s28+$0x0] =	vst.msk vm5, v4  }
0x79: {  	v4 =	vld [tilespmem:s30+$0x80F0];
	_ =	sdelay $0x3  }
0x7a: {  	v5 =	vimm.f32 $0.0e+00  }
0x7b: {  	v4 =	vshift.insert v4, v5, s22  }
0x7c: {  	s10 =	sor.u32 $0x40, s2  }
0x7d: {  	[tilespmem:s10+$0x0] =	vst.msk $0x1, v4  }
0x7e: {  	[tilespmem:s30+$0x80FF] =	vst.msk $0x1, v5  }
0x7f: {  	v4 =	vld [tilespmem:s0+$0x20F0];
	_ =	sdelay $0x1  }
0x80: {  	s23 =	smulhi.u32 $0xAAAAAAAB, s21;
	_ =	sdelay $0x1  }
0x81: {  	s3 =	simm.s32 $0x1;
	s0 =	sshrl.u32 s23, $0x1  }
0x82: {  	s3 =	simm.s32 @!p0 $0x0;
	s0 =	smul.u32 $0xFFFE8000, s0;
	v4 =	vshift.insert v4, v1, s22  }
0x83: {  	s3 =	sshll.u32 s3, $0xD  }
0x84: {  	s31 =	sadd.s32 $0xA100, s3;
	s0 =	sshra.s32 s0, $0x2;
	[tilespmem:s2+$0x10] =	vst.msk $0x1, v4  }
0x85: {  	s10 =	sadd.s32 s0, s20;
	v6 =	vld [tilespmem:s31+$0x0]  }
0x86: {  	v7 =	vld [tilespmem:s10+$0x0];
	_ =	sdelay $0x3  }
0x87: {  	v5 =	vadd.f32 v6, v5  }
0x88: {  	vm4 =	vne.s32 v7, $0xFFFFFFFF  }
0x89: {  	(xrf2) =	vadd.seg.scan.f32 vm4, v5;
	_ =	sdelay $0x3  }
0x8a: {  	s0 =	sadd.s32 $0x6100, s3;
	v5 =	vperm.xlane v4, v1  }
0x8b: {  	v6 =	vld [tilespmem:s0+$0x0]  }
0x8c: {  	vm5 =	veq.s32 v7, v3;
	vm6 =	veq.s32 v7, v5  }
0x8d: {  	vm7 =	vgt.u32 v7, $0xFFFFFFFD;
	vm6 =	vmor vm6, vm5  }
0x8e: {  	vm6 =	vmor vm6, vm7  }
0x8f: {  	v9 =	vld [tilespmem:$0xA0];
	v7 =	vsel vm6, $0xFFFFFFFF, v7  }
0x90: {  	v10 =	vld [tilespmem:$0x90];
	v6 =	vsel vm5, $0x0, v6;
	v8, _, _ =	vpop (xrf2)  }
0x91: {  	v6 =	vadd.f32 v8, v6  }
0x92: {  	s2 =	sadd.s32 $0xE100, s3  }
0x93: {  	vm4 =	vmand vm4, vm3;
	[tilespmem:s2+$0x0] =	vst v6;
	(ifvalue) =	ssetifvalue $0xFFFFFFFF  }
0x94: {  	vm6 =	veq.s32 v9, $0x1;
	[hbm4b:s1+s16] =	stream.indirect_vreg.scatter [tilespmem:s2], [sflag:$0x2], $0x1, v7, vm0, $0x4038;
	v7 =	vsel vm4, $0x0, v8;
	[tilespmem:$0x12120] =	vst v63  }
0x95: {  	s23 =	simm.s32 $0x0;
	s3 =	sadd.s32 $0x10, s10;
	vm4 =	vmor vm6, vm5;
	v6 =	vsel vm5, v8, v10;
	v7 =	vshift.insert v7, v0, s22  }
.LBB2_7:
0x96: {  	v8 =	vld [tilespmem:s3+$0x0];
	s31 =	sadd.s32 $0x10, s31  }
0x97: {  	s0 =	sadd.s32 $0x10, s0;
	v9 =	vld [tilespmem:s31+$0x0]  }
0x98: {  	s23 =	sadd.s32 $0x10, s23;
	v10 =	vld [tilespmem:s0+$0x0]  }
0x99: {  	p2 =	slt.u32 s23, $0x1FF0;
	_ =	sdelay $0x2  }
0x9a: {  	v7 =	vadd.f32 v9, v7  }
0x9b: {  	vm5 =	vne.s32 v8, $0xFFFFFFFF  }
0x9c: {  	vm6 =	vmand vm5, vm3;
	(xrf2) =	vadd.seg.scan.f32 vm5, v7;
	_ =	sdelay $0x5  }
0x9d: {  	vm7 =	veq.s32 v8, v5;
	vm5 =	veq.s32 v8, v3  }
0x9e: {  	vm8 =	vgt.u32 v8, $0xFFFFFFFD;
	vm4 =	vmor vm4, vm5;
	vm7 =	vmor vm7, vm5  }
0x9f: {  	vm7 =	vmor vm7, vm8  }
0xa0: {  	v8 =	vsel vm7, $0xFFFFFFFF, v8  }
.Ltmp5:
0xa1: {  	v7 =	vsel vm5, $0x0, v10;
	v9, _, _ =	vpop (xrf2);
	(pc) =	sbr.rel @p2 .LBB2_7-.Ltmp5, $4  }
0xa2: {  	v6 =	vsel vm5, v9, v6;
	v10 =	vadd.f32 v9, v7;
	v7 =	vsel vm6, $0x0, v9  }
0xa3: {  	s2 =	sadd.s32 $0x10, s2;
	v7 =	vshift.insert v7, v0, s22  }
0xa4: {  	s3 =	sadd.s32 $0x10, s3;
	[tilespmem:s2+$0x0] =	vst v10;
	(ifvalue) =	ssetifvalue $0xFFFFFFFF  }
0xa5: {  	[hbm4b:s1+s16] =	stream.indirect_vreg.scatter [tilespmem:s2], [sflag:$0x2], $0x1, v8, vm0, $0x4038;
	[tilespmem:$0x12120] =	vst v63  }
0xa6: {  	v3 =	vld [tilespmem:s30+$0x100F0];
	_ =	sdelay $0x4  }
0xa7: {  	v3 =	vshift.insert v3, v0, s22  }
0xa8: {  	s0 =	simm.s32 $0x30  }
0xa9: {  	[tilespmem:s0+$0x0] =	vst.msk $0x1, v3  }
0xaa: {  	v3 =	vsel vm4, $0x1, v1;
	[tilespmem:$0x90] =	vst v6  }
0xab: {  	s0 =	sadd.s32 @!p1 $0x100FF, s30;
	[tilespmem:$0xA0] =	vst v3  }
0xac: {  	[spmem:s15] =	stream.linear.scatter @!p1 [tilespmem:s0], [sflag:$0x1], $0x1, $0x38;
	[tilespmem:$0x12120] =	vst v63  }
0xad: {  	s0 =	simm.s32 @!p1 $0x1  }
0xae: {  	v3 =	vmctz.xlane @!p1 vm4;
	_ =	swait.ge @!p1 [sflag:s0], $0x1  }
0xaf: {  	(v2sf) =	vpush @!p1 v4, $0x0  }
0xb0: {  	(v2sf) =	vpush @!p1 v3, $0x0;
	_ =	sdelay $0xd  }
0xb1: {  	s2 =	spop @!p1 (v2sf)  }
0xb2: {  	s3 =	spop @!p1 (v2sf)  }
0xb3: {  	p2 =	sne.s32 @!p1 s29, s2;
	p3 =	slt.s32 @!p1 s3, $0xF  }
0xb4: {  	[sflag:s0] =	ssyncset.done @!p1 $0x0;
	p2 =	por p2, p1;
	p3 =	por !p3, p1  }
0xb5: {  	[sflag:s0] =	ssyncadd.s32 @!p1 $0xFFFFFFFF;
	v3 =	vimm.s32 @!p2 $0xFFFFFFFF;
	s3 =	simm.s32 @p3 $0xF  }
0xb6: {  	[tilespmem:$0x80] =	vst @!p2 v3;
	s2 =	sadd.s32 @!p1 $0x90, s3  }
0xb7: {  	[spmem:s4] =	stream.linear.scatter @!p1 [tilespmem:s2], [sflag:$0x1], $0x1, $0x38;
	[tilespmem:$0x12120] =	vst v63  }
0xb8: {  	_ =	swait.ge @!p1 [sflag:s0], $0x1  }
0xb9: {  	[sflag:s0] =	ssyncset.done @!p1 $0x0  }
0xba: {  	s2 =	simm.s32 @!p1 $0x80;
	[sflag:s0] =	ssyncadd.s32 @!p1 $0xFFFFFFFF  }
0xbb: {  	[spmem:s13] =	stream.linear.scatter @!p1 [tilespmem:s2], [sflag:$0x1], $0x1, $0x38;
	[tilespmem:$0x12120] =	vst v63  }
0xbc: {  	_ =	swait.ge @!p1 [sflag:s0], $0x1  }
0xbd: {  	[sflag:s0] =	ssyncset.done @!p1 $0x0  }
0xbe: {  	[sflag:s0] =	ssyncadd.s32 @!p1 $0xFFFFFFFF;
	(ifvalue) =	ssetifvalue $0xFFFFFFFF;
	v3 =	vld [tilespmem:s26+$0x10];
	_ =	sdelay $0x3  }
.Ltmp6:
0xbf: {  	_ = 	snop;
	(pc) =	sbr.rel .LBB2_9-.Ltmp6, $3  }
0xc0: {  	_ =	sdelay $0x1  }
0xc1: {  	(ifvalue) =	ssetifvalue $0xFFFFFFFF  }
0xc2: {  	[hbm4b:s1+s16] =	stream.indirect_vreg.scatter [tilespmem:s28], [sflag:$0x9], $0x1, v3, vm0, $0x4038;
	[tilespmem:$0x12120] =	vst v63  }
.LBB2_10:
0xc3: {  	_ =	sfence.sel $0x180000  }
0xc4: {  	s0 =	simm.s32 $0x7;
	[bflag:$0x0] =	sbarrier.arrive $0xFFFF  }
0xc5: {  	s26 =	simm.s32 $0x8;
	[sflag:s0] =	ssyncpa.u1 $0x1  }
0xc6: {  	s28 =	simm.s32 $0x9;
	[sflag:s26] =	ssyncpa.u1 $0x1  }
0xc7: {  	[sflag:s28] =	ssyncpa.u1 $0x1  }
0xc8: {  	_ =	sfence.stream.spmem  }
0xc9: {  	s29 =	simm.s32 $0x3;
	[bflag:$0x0] =	sbarrier.arrive $0xFFFF  }
0xca: {  	s30 =	simm.s32 $0x4;
	[sflag:s29] =	ssyncpa.u1 $0x1  }
0xcb: {  	s31 =	simm.s32 $0x3C;
	s2 =	stileid.u32;
	[sflag:s30] =	ssyncpa.u1 $0x1  }
0xcc: {  	p0 =	sne.s32 s2, $0x0;
	[sflag:s31] =	ssyncpa.u1 $0x1  }
0xcd: {  	s0 =	simm.s32 @p0 $0x1;
	_ =	sfence @p0  }
0xce: {  	[sflag:s0] =	ssyncpa.u1 @p0 $0x1;
	s0 =	simm.s32 @p0 $0x2  }
0xcf: {  	[sflag:s0] =	ssyncpa.u1 @p0 $0x1  }
0xd0: {  	_ =	strace @p0 $0x90000059  }
0xd1: {  	[bflag:$0x2] =	sbarrier.arrive @p0 $0xFFFF  }
0xd2: {  	_ =	shalt @p0  }
.LBB2_11:
0xd3: {  	_ =	sfence.stream.spmem;
	s0 =	simm.s32 $0x5  }
0xd4: {  	s2 =	simm.s32 $0x80;
	s3 =	simm.s32 $0xC0;
	[sflag:s0] =	ssyncpa.u1 $0x0  }
0xd5: {  	[tilespmem:s3], [sflag:$0x5] =	stream.linear.gather [spmem:s2], $0x20, $0x38;
	[tilespmem:$0x12120] =	vst v63  }
0xd6: {  	s2 =	simm.s32 $0x0;
	s3 =	simm.s32 $0xE0  }
0xd7: {  	[tilespmem:s3], [sflag:$0x5] =	stream.linear.gather [spmem:s2], $0x20, $0x38;
	[tilespmem:$0x12120] =	vst v63  }
.Ltmp7:
0xd8: {  	_ = 	snop;
	(pc) =	sbr.rel .LBB2_12-.Ltmp7, $4  }
0xd9: {  	_ =	swait.ge [sflag:s0], $0x40  }
0xda: {  	[sflag:s0] =	ssyncset.done $0x0  }
0xdb: {  	s31 =	simm.s32 $0x6;
	[sflag:s0] =	ssyncadd.s32 $0xFFFFFFC0  }
0xdc: {  	s4 =	simm.s32 $0x0;
	[sflag:s31] =	ssyncpa.u1 $0x0  }
.LBB2_17:
0xdd: {  	p0 =	sgt.u32 s0, $0x27FF  }
0xde: {  	s5 =	sshrl.u32 @!p0 s0, $0x3  }
0xdf: {  	s0 =	sand.u32 @!p0 $0x7, s0;
	s6 =	simm.s32 @!p0 $0xB0;
	s5 =	sadd.s32 @!p0 s1, s5  }
0xe0: {  	[tilespmem:s6], [sflag:$0x6] =	stream.linear.gather @!p0 [hbm4b:s5+s0], $0x1, $0x38;
	[tilespmem:$0x12120] =	vst v63  }
0xe1: {  	s0 =	simm.s32 @!p0 $0x6  }
0xe2: {  	_ =	swait.ge @!p0 [sflag:s0], $0x1  }
0xe3: {  	[sflag:s0] =	ssyncset.done @!p0 $0x0  }
0xe4: {  	[sflag:s0] =	ssyncadd.s32 @!p0 $0xFFFFFFFF  }
0xe5: {  	v2 =	vmov @!p0 s4;
	v1 =	vld.msk @!p0 [tilespmem:$0xB0], $0x1;
	_ =	sdelay $0x3  }
0xe6: {  	s0 =	simm.s32 @!p0 $0xE0  }
0xe7: {  	[tilespmem:v2+s0+$0x0], v1 =	vst.idx.ret.add.f32.msk @!p0 $0x1, v1  }
0xe8: {  	[tilespmem:s2+$0xC0] =	vst.msk $0x1, v0  }
0xe9: {  	v0 =	vld.msk [tilespmem:s4+$0xE0], $0x1;
	_ =	sdelay $0x4  }
0xea: {  	[tilespmem:s2+$0xE0] =	vst.msk $0x1, v0;
	s2 =	sadd.s32 $0x1, s2  }
.LBB2_19:
0xeb: {  	s4 =	sadd.s32 $0x1, s4  }
0xec: {  	p0 =	sne.s32 s4, $0x20  }
.Ltmp8:
0xed: {  	_ = 	snop;
	(pc) =	sbr.rel @!p0 .LBB2_20-.Ltmp8, $1  }
0xee: {  	_ =	sdelay $0x3  }
.LBB2_12:
0xef: {  	v0 =	vld.msk [tilespmem:s4+$0xC0], $0x1;
	_ =	sdelay $0x4  }
0xf0: {  	(v2sf) =	vpush v0, $0x0;
	_ =	sdelay $0xe  }
0xf1: {  	s0 =	spop (v2sf)  }
0xf2: {  	p0 =	seq.s32 s0, $0xFFFFFFFF  }
.Ltmp9:
0xf3: {  	_ = 	snop;
	(pc) =	sbr.rel @p0 .LBB2_19-.Ltmp9, $1  }
0xf4: {  	_ =	sdelay $0x3  }
0xf5: {  	p0 =	slt.s32 s2, $0x1  }
.Ltmp10:
0xf6: {  	_ = 	snop;
	(pc) =	sbr.rel @p0 .LBB2_17-.Ltmp10, $1  }
0xf7: {  	_ =	sdelay $0x3  }
0xf8: {  	s5 =	simm.s32 $0xC0;
	p0 =	por $0x0, $0x0  }
0xf9: {  	v1 =	vld.msk @!p0 [tilespmem:s5+$0x0], $0x1;
	_ =	sdelay $0x4  }
0xfa: {  	(v2sf) =	vpush @!p0 v1, $0x0;
	_ =	sdelay $0xd  }
0xfb: {  	p2 =	sne.s32 s2, $0x1  }
.Ltmp11:
0xfc: {  	s6 =	spop @!p0 (v2sf);
	(pc) =	sbr.rel @!p2 .LBB2_16-.Ltmp11, $4  }
0xfd: {  	p1 =	seq.s32 @!p0 s0, s6  }
0xfe: {  	s6 =	simm.s32 $0x0;
	p1 =	por !p1, p0  }
0xff: {  	s8 =	simm.s32 $0xFFFFFFFF;
	s6 =	simm.s32 @p1 $0xFFFFFFFF  }
0x100: {  	s7 =	simm.s32 $0x1;
	s6 =	smov.u32 @p0 s8  }
.LBB2_15:
0x101: {  	s8 =	smov.u32 s6;
	p0 =	sne.s32 s6, $0xFFFFFFFF  }
0x102: {  	s5 =	sadd.s32 $0x1, s5;
	s6 =	smov.u32 s7;
	s7 =	sadd.s32 $0x1, s7  }
0x103: {  	p1 =	sne.s32 s2, s7;
	v1 =	vld.msk @!p0 [tilespmem:s5+$0x0], $0x1;
	_ =	sdelay $0x4  }
0x104: {  	(v2sf) =	vpush @!p0 v1, $0x0;
	_ =	sdelay $0xe  }
.Ltmp12:
0x105: {  	s9 =	spop @!p0 (v2sf);
	(pc) =	sbr.rel @p1 .LBB2_15-.Ltmp12, $4  }
0x106: {  	p2 =	seq.s32 @!p0 s0, s9  }
0x107: {  	p2 =	por !p2, p0  }
0x108: {  	s6 =	simm.s32 @p2 $0xFFFFFFFF  }
0x109: {  	s6 =	smov.u32 @p0 s8  }
.LBB2_16:
0x10a: {  	p0 =	sne.s32 s6, $0xFFFFFFFF  }
.Ltmp13:
0x10b: {  	_ = 	snop;
	(pc) =	sbr.rel @!p0 .LBB2_17-.Ltmp13, $1  }
0x10c: {  	_ =	sdelay $0x3  }
0x10d: {  	v0 =	vld.msk [tilespmem:s4+$0xE0], $0x1;
	v1 =	vmov s6  }
.Ltmp14:
0x10e: {  	_ = 	snop;
	(pc) =	sbr.rel .LBB2_19-.Ltmp14, $2  }
0x10f: {  	_ =	sdelay $0x2  }
0x110: {  	[tilespmem:v1+s3+$0x0], v0 =	vst.idx.ret.add.f32.msk $0x1, v0  }
.LBB2_20:
0x111: {  	p0 =	slt.s32 s2, $0x1  }
.Ltmp15:
0x112: {  	_ = 	snop;
	(pc) =	sbr.rel @p0 .LBB2_24-.Ltmp15, $3  }
0x113: {  	_ =	sdelay $0x1  }
0x114: {  	s0 =	simm.s32 $0x6  }
0x115: {  	[sflag:s0] =	ssyncpa.u1 $0x1;
	s0 =	simm.s32 $0x0  }
0x116: {  	s3 =	simm.s32 $0xC0  }
0x117: {  	v0 =	vld.msk [tilespmem:s3+$0x0], $0x1;
	_ =	sdelay $0x4  }
0x118: {  	(v2sf) =	vpush v0, $0x0;
	_ =	sdelay $0xe  }
0x119: {  	s2 =	sadd.s32 $0xFFFFFFFF, s2;
	s4 =	spop (v2sf)  }
0x11a: {  	p1 =	sne.s32 s2, $0x0;
	p0 =	sgt.u32 s4, $0x27FF  }
.Ltmp16:
0x11b: {  	s5 =	sshrl.u32 @!p0 s4, $0x3;
	(pc) =	sbr.rel @!p1 .LBB2_23-.Ltmp16, $4  }
0x11c: {  	s3 =	simm.s32 $0xE0;
	s4 =	sand.u32 @!p0 $0x7, s4;
	s5 =	sadd.s32 @!p0 s1, s5  }
0x11d: {  	[hbm4b:s5+s4] =	stream.linear.scatter @!p0 [tilespmem:s3], [sflag:$0x5], $0x1, $0x38;
	[tilespmem:$0x12120] =	vst v63  }
0x11e: {  	s5 =	simm.s32 $0x0  }
0x11f: {  	s4 =	simm.s32 $0xC1;
	s5 =	simm.s32 @!p0 $0x4  }
.LBB2_22:
0x120: {  	v0 =	vld.msk [tilespmem:s4+$0x0], $0x1;
	s2 =	sadd.s32 $0xFFFFFFFF, s2;
	s0 =	sadd.s32 s0, s5  }
0x121: {  	p0 =	sne.s32 s2, $0x0;
	_ =	sdelay $0x3  }
0x122: {  	(v2sf) =	vpush v0, $0x0;
	_ =	sdelay $0xe  }
.Ltmp17:
0x123: {  	s6 =	spop (v2sf);
	(pc) =	sbr.rel @p0 .LBB2_22-.Ltmp17, $4  }
0x124: {  	s5 =	simm.s32 $0x0;
	p1 =	sgt.u32 s6, $0x27FF  }
0x125: {  	s3 =	sadd.s32 $0x1, s3;
	s5 =	simm.s32 @!p1 $0x4;
	s7 =	sshrl.u32 @!p1 s6, $0x3  }
0x126: {  	s4 =	sadd.s32 $0x1, s4;
	s6 =	sand.u32 @!p1 $0x7, s6;
	s7 =	sadd.s32 @!p1 s1, s7  }
0x127: {  	[hbm4b:s7+s6] =	stream.linear.scatter @!p1 [tilespmem:s3], [sflag:$0x5], $0x1, $0x38;
	[tilespmem:$0x12120] =	vst v63  }
.LBB2_23:
0x128: {  	s0 =	sadd.s32 s0, s5  }
0x129: {  	s0 =	sshrl.u32 s0, $0x2  }
.LBB2_24:
0x12a: {  	s1 =	simm.s32 $0x5  }
0x12b: {  	_ =	swait.ge [sflag:s1], s0  }
0x12c: {  	s28 =	ssub.s32 $0x0, s0;
	[sflag:s1] =	ssyncset.done $0x0  }
0x12d: {  	[sflag:s1] =	ssyncadd.s32 s28  }
0x12e: {  	[sflag:s1] =	ssyncpa.u1 $0x1  }
0x12f: {  	s29 =	simm.s32 $0x1;
	_ =	sfence  }
0x130: {  	s30 =	simm.s32 $0x2;
	[sflag:s29] =	ssyncpa.u1 $0x1  }
0x131: {  	[sflag:s30] =	ssyncpa.u1 $0x1  }
0x132: {  	_ =	strace $0x90000059  }
0x133: {  	[bflag:$0x2] =	sbarrier.arrive $0xFFFF  }
0x134: {  	s31 =	rddreg [dreg:$0x2]  }
0x135: {  	s0 =	sadd.s32 $0x100000, s31  }
0x136: {  	[sflag:s0] =	ssyncadd.tile.s32 $0x1;
	_ =	shalt  }
.Lfunc_end2:
_tile_overlayer_lowered:
.L_overlay_start_2:
0x137: {  	(tag) =	ssettag $0x2  }
0x138: {  	s0 =	rddreg [dreg:$0x0];
	s2 =	stileid.u32  }
0x139: {  	s1 =	rddreg [dreg:$0x1];
	p0 =	sne.s32 s2, $0x0  }
0x13a: {  	s3 =	rddreg [dreg:$0x2];
	[bflag:$0x3] =	sbarrier.arrive $0xFFFF;
	s2 =	simm.s32 @!p0 $0x1C01  }
0x13b: {  	[timem:s3], [sflag:s2] =	dma.local @!p0 [hbm:s0], s1  }
0x13c: {  	s0 =	simm.s32 @!p0 $0x1  }
0x13d: {  	_ =	swait.ge @!p0 [sflag:s0], s1  }
0x13e: {  	s1 =	ssub.s32 @!p0 $0x0, s1;
	[sflag:s0] =	ssyncset.done @!p0 $0x0  }
0x13f: {  	[sflag:s0] =	ssyncadd.s32 @!p0 s1  }
0x140: {  	[bflag:$0x3] =	sbarrier.arrive $0xFFFF  }
0x141: {  	_ =	shalt  }

// kernel: scatter_offload_async_start
scs
__scs_entry_jumppad:
0x0: {  	(pc) =	sbr.rel $0x88, $3  }
0x1: {  	(tag) =	ssettag $0x0;
	lr =	simm.s32 $0x1  }
0x2: {  	[smem:$0x3F99] =	sst lr;
	_ =	strace $0xD0000000  }
0x3: {  	_ = 	snop  }
0x4: {  	_ = 	snop  }
0x5: {  	_ = 	snop  }
0x6: {  	_ = 	snop  }
0x7: {  	_ = 	snop  }
__scs_overlays_trampoline_lowered:
0x8: {  	[smem:$0x3FA8] =	sst s0  }
0x9: {  	[smem:$0x3FA9] =	sst s1  }
0xa: {  	[smem:$0x3FAA] =	sst s2  }
0xb: {  	[smem:$0x3FAB] =	sst s3  }
0xc: {  	[smem:$0x3FAC] =	sst s4  }
0xd: {  	[smem:$0x3FAD] =	sst s5  }
0xe: {  	[smem:$0x3FAE] =	sst s6  }
0xf: {  	[smem:$0x3FAF] =	sst s7  }
0x10: {  	[smem:$0x3FB0] =	sst s8  }
0x11: {  	[smem:$0x3FB1] =	sst s9;
	s0 =	simm.s32 @!p0 $0x0  }
0x12: {  	s1 =	sld [smem:$0x3F97];
	s0 =	simm.s32 @p0 $0x1  }
0x13: {  	[smem:$0x3FB2] =	sst s0;
	s0 =	simm.s32 @!p1 $0x0  }
0x14: {  	s2 =	sld [smem:$0x3F96];
	s0 =	simm.s32 @p1 $0x1  }
0x15: {  	[smem:$0x3FB3] =	sst s0;
	s0 =	simm.s32 @!p2 $0x0  }
0x16: {  	s3 =	sld [smem:$0x3FDB];
	s0 =	simm.s32 @p2 $0x1  }
0x17: {  	s4 =	simm.s32 $0x1BF5;
	[smem:$0x3FB5] =	sst s0  }
0x18: {  	s0 =	sld [smem:$0x3F98];
	_ =	swait.ge [sflag:s4], $0x0  }
0x19: {  	s7 =	sld [smem:$0x3F99]  }
0x1a: {  	s8 =	sadd.s32 $0xFFFFE003, lr  }
0x1b: {  	s9 =	sadd.s32 $0xFFFFFEF7, lr;
	s5 =	simm.s32 $0xFFFFFFFF;
	p2 =	slt.u32 s8, $0xFFFFF086  }
0x1c: {  	p1 =	slt.u32 s9, $0xF7A;
	s5 =	simm.s32 @!p2 $0x0  }
0x1d: {  	s5 =	simm.s32 @p1 $0x1;
	p0 =	seq.s32 s7, s2  }
0x1e: {  	s7 =	smul.u32 @!p0 $0xF7A, s2;
	p2 =	seq.s32 @!p0 s5, $0x0  }
0x1f: {  	s9 =	smul.u32 $0xF7A, s1;
	s8 =	simm.s32 @!p0 $0x1BF5;
	p2 =	por !p2, p0  }
0x20: {  	[sflag:s8] =	ssyncset.s32 @!p0 $0xFFFFF086;
	s6 =	sadd.s32 @!p0 s3, s7;
	s7 =	simm.s32 @!p0 $0x108  }
0x21: {  	s3 =	sadd.s32 s3, s9;
	s6 =	sadd.s32 @!p0 $0x88, s6;
	s7 =	simm.s32 @p2 $0x1082  }
0x22: {  	[simem:s7], [sflag:s8] =	dma.local @!p0 [hbm:s6], $0xF7A  }
0x23: {  	s9 =	sor.u32 $0xD0000000, s2;
	s6 =	simm.s32 $0x108;
	_ =	swait.ge @!p0 [sflag:s8], $0x0  }
0x24: {  	s3 =	sadd.s32 $0x88, s3;
	s6 =	simm.s32 @!p1 $0x1082;
	[sflag:s4] =	ssyncset.s32 $0xFFFFF086  }
0x25: {  	[simem:s6], [sflag:s4] =	dma.local [hbm:s3], $0xF7A  }
0x26: {  	[smem:$0x3F99] =	sst s1;
	(tag) =	ssettag s2;
	_ =	strace s9  }
0x27: {  	s1 =	sld [smem:$0x3FA9]  }
0x28: {  	s2 =	sld [smem:$0x3FAA]  }
0x29: {  	s4 =	sld [smem:$0x3FAC]  }
0x2a: {  	p0 =	seq.s32 s5, $0x0;
	s5 =	sld [smem:$0x3FAD]  }
0x2b: {  	s6 =	sld [smem:$0x3FAE]  }
0x2c: {  	s7 =	sld [smem:$0x3FAF]  }
0x2d: {  	s3 =	simm.s32 $0x108;
	s8 =	sld [smem:$0x3FB0]  }
0x2e: {  	s3 =	simm.s32 @!p0 $0x1082;
	s9 =	sld [smem:$0x3FB1]  }
0x2f: {  	lr =	sadd.s32 s0, s3;
	s0 =	sld [smem:$0x3FA8]  }
0x30: {  	s3 =	sld [smem:$0x3FAB]  }
0x31: {  	[smem:$0x3FB4] =	sst s10  }
0x32: {  	s10 =	sld [smem:$0x3FB2];
	_ =	sdelay $0x3  }
0x33: {  	p0 =	seq.s32 s10, $0x1;
	s10 =	sld [smem:$0x3FB4];
	_ =	sdelay $0x3  }
0x34: {  	[smem:$0x3FB4] =	sst s10  }
0x35: {  	s10 =	sld [smem:$0x3FB3];
	_ =	sdelay $0x3  }
0x36: {  	p1 =	seq.s32 s10, $0x1;
	s10 =	sld [smem:$0x3FB4];
	_ =	sdelay $0x3  }
0x37: {  	[smem:$0x3FB4] =	sst s10  }
0x38: {  	s10 =	sld [smem:$0x3FB5]  }
0x39: {  	_ = 	snop;
	(pc) =	sbr.ind lr, $3  }
0x3a: {  	_ = 	snop  }
0x3b: {  	_ = 	snop  }
0x3c: {  	p2 =	seq.s32 s10, $0x1;
	s10 =	sld [smem:$0x3FB4]  }
0x3d: {  	_ =	shalt  }
0x3e: {  	_ =	shalt  }
0x3f: {  	_ =	shalt  }
0x40: {  	_ =	shalt  }
0x41: {  	_ =	shalt  }
0x42: {  	_ =	shalt  }
0x43: {  	_ =	shalt  }
0x44: {  	_ =	shalt  }
0x45: {  	_ =	shalt  }
0x46: {  	_ =	shalt  }
0x47: {  	_ =	shalt  }
0x48: {  	_ =	shalt  }
0x49: {  	_ =	shalt  }
0x4a: {  	_ =	shalt  }
0x4b: {  	_ =	shalt  }
0x4c: {  	_ =	shalt  }
0x4d: {  	_ =	shalt  }
0x4e: {  	_ =	shalt  }
0x4f: {  	_ =	shalt  }
0x50: {  	_ =	shalt  }
0x51: {  	_ =	shalt  }
0x52: {  	_ =	shalt  }
0x53: {  	_ =	shalt  }
0x54: {  	_ =	shalt  }
0x55: {  	_ =	shalt  }
0x56: {  	_ =	shalt  }
0x57: {  	_ =	shalt  }
0x58: {  	_ =	shalt  }
0x59: {  	_ =	shalt  }
0x5a: {  	_ =	shalt  }
0x5b: {  	_ =	shalt  }
0x5c: {  	_ =	shalt  }
0x5d: {  	_ =	shalt  }
0x5e: {  	_ =	shalt  }
0x5f: {  	_ =	shalt  }
0x60: {  	_ =	shalt  }
0x61: {  	_ =	shalt  }
0x62: {  	_ =	shalt  }
0x63: {  	_ =	shalt  }
0x64: {  	_ =	shalt  }
0x65: {  	_ =	shalt  }
0x66: {  	_ =	shalt  }
0x67: {  	_ =	shalt  }
0x68: {  	_ =	shalt  }
0x69: {  	_ =	shalt  }
0x6a: {  	_ =	shalt  }
0x6b: {  	_ =	shalt  }
0x6c: {  	_ =	shalt  }
0x6d: {  	_ =	shalt  }
0x6e: {  	_ =	shalt  }
0x6f: {  	_ =	shalt  }
0x70: {  	_ =	shalt  }
0x71: {  	_ =	shalt  }
0x72: {  	_ =	shalt  }
0x73: {  	_ =	shalt  }
0x74: {  	_ =	shalt  }
0x75: {  	_ =	shalt  }
0x76: {  	_ =	shalt  }
0x77: {  	_ =	shalt  }
0x78: {  	_ =	shalt  }
0x79: {  	_ =	shalt  }
0x7a: {  	_ =	shalt  }
0x7b: {  	_ =	shalt  }
0x7c: {  	_ =	shalt  }
0x7d: {  	_ =	shalt  }
0x7e: {  	_ =	shalt  }
0x7f: {  	_ =	shalt  }
0x80: {  	_ =	shalt  }
0x81: {  	_ =	shalt  }
0x82: {  	_ =	shalt  }
0x83: {  	_ =	shalt  }
0x84: {  	_ =	shalt  }
0x85: {  	_ =	shalt  }
0x86: {  	_ =	shalt  }
0x87: {  	_ =	shalt  }
.Lfunc_end0:
.L_simem_size_0:
called_computation_lowered:
.L_overlay_start_0:
0x88: {  	s2 =	sld [smem:$0x3FD9]  }
0x89: {  	s3 =	sld [smem:$0x3FFE];
	_ =	sdelay $0x1  }
0x8a: {  	s1 =	srdreg.scid  }
0x8b: {  	s0 =	sand.u32 $0x1, s1  }
0x8c: {  	s12 =	sshll.u32 s0, $0xA;
	s2 =	sadd.s32 s3, s2  }
0x8d: {  	s2 =	sadd.s32 s2, s12  }
0x8e: {  	[smem:$0x3FC0] =	sst s2  }
0x8f: {  	_ = 	snop  }
0x90: {  	(tm) =	ssettm $0x1  }
0x91: {  	s13 =	sld [smem:$0x3FFB];
	_ =	sdelay $0x3  }
0x92: {  	_ =	strace s13  }
0x93: {  	s2 =	sld [smem:$0x3FFC];
	_ =	sdelay $0x3  }
0x94: {  	_ =	strace s2  }
0x95: {  	s2 =	sld [smem:$0x3FFD];
	_ =	sdelay $0x3  }
0x96: {  	_ =	strace s2  }
0x97: {  	_ =	strace $0x8FFFFFFF  }
0x98: {  	s14 =	sld [smem:$0x3FDB];
	_ =	sdelay $0x1  }
0x99: {  	s15 =	simm.s32 $_scs_section_size  }
0x9a: {  	s4 =	simm.s32 $_size__tile_overlayer_lowered;
	s5 =	simm.s32 $_tile_overlayer_lowered  }
0x9b: {  	s19 =	simm.s32 $0x1BFF;
	s17 =	sshll.u32 s5, $0x1;
	s6 =	sadd.s32 s15, s14  }
0x9c: {  	s20 =	simm.s32 $0x0;
	s16 =	sshll.u32 s4, $0x1;
	s18 =	sadd.s32 s17, s6  }
0x9d: {  	[timem:s20], [sflag:s19] =	dma.local [hbm:s18], s16  }
0x9e: {  	_ =	swait.ge [sflag:s19], s16  }
0x9f: {  	s3 =	ssub.s32 $0x0, s16;
	[sflag:s19] =	ssyncset.done $0x0  }
0xa0: {  	[sflag:s19] =	ssyncadd.s32 s3;
	_ =	sdelay $0x1  }
0xa1: {  	s21 =	simm.s32 $0x1B8B  }
0xa2: {  	_ =	swait.ge [sflag:s21], $0x1  }
0xa3: {  	[sflag:s21] =	ssyncset.done $0x0  }
0xa4: {  	[sflag:s21] =	ssyncadd.s32 $0xFFFFFFFF  }
0xa5: {  	s3 =	sld [smem:$0x0]  }
0xa6: {  	s4 =	sand.u32 $0xFFFFFFFE, s1  }
0xa7: {  	p0 =	sne.s32 s1, s4  }
0xa8: {  	s4 =	sshll.u32 @p0 s4, $0xE  }
0xa9: {  	s5 =	sadd.s32 @p0 $0x11B8D, s4;
	s7 =	sshll.u32 @p0 s3, $0x11  }
0xaa: {  	s5 =	sor.u32 @p0 s7, s5  }
0xab: {  	[sflag:s5] =	ssyncadd.remote.s32 @p0 $0x1;
	_ =	sdelay $0x1  }
0xac: {  	s5 =	simm.s32 @p0 $0x1B8D  }
0xad: {  	_ =	swait.eq @p0 [sflag:s5], $0x1  }
0xae: {  	[sflag:s5] =	ssyncadd.s32 @p0 $0xFFFFFFFF  }
0xaf: {  	s7 =	sshll.u32 @!p0 s1, $0xE  }
0xb0: {  	s7 =	sor.u32 @!p0 $0x4000, s7;
	s5 =	simm.s32 @!p0 $0x1B8D  }
0xb1: {  	s9 =	sshll.u32 @!p0 s3, $0x11;
	s8 =	sadd.s32 @!p0 $0x11B8D, s7;
	_ =	swait.eq @!p0 [sflag:s5], $0x1  }
0xb2: {  	[sflag:s5] =	ssyncadd.s32 @!p0 $0xFFFFFFFF;
	s5 =	sor.u32 @!p0 s9, s8  }
0xb3: {  	s23 =	simm.s32 $0x1B8E;
	s22 =	sld [smem:$0x3FFE];
	[sflag:s5] =	ssyncadd.remote.s32 @!p0 $0x1  }
0xb4: {  	s24 =	simm.s32 $execute0_lowered;
	[smem:$0x3FD2] =	sst s23  }
0xb5: {  	s8 =	sshll.u32 s24, $0x1;
	_ =	strace $0x8000004F;
	[dreg:$0x1] =	wrdreg $0xFFFFFFFF  }
0xb6: {  	s25 =	simm.s32 $_size_execute0_lowered;
	s8 =	sadd.s32 s6, s8;
	[dreg:$0x0] =	wrdreg $0x0  }
0xb7: {  	s9 =	sshll.u32 s25, $0x1;
	[dreg:$0x2] =	wrdreg s8  }
0xb8: {  	[dreg:$0x3] =	wrdreg s9  }
0xb9: {  	[dreg:$0x4] =	wrdreg $0xC0  }
0xba: {  	s26 =	simm.s32 $execute1_lowered;
	_ =	task [dreg:s20], $0x5FFFF  }
0xbb: {  	s8 =	sshll.u32 s26, $0x1;
	[dreg:$0x1] =	wrdreg $0xFFFFFFFF  }
0xbc: {  	s6 =	sadd.s32 s6, s8;
	[dreg:$0x0] =	wrdreg $0x60  }
0xbd: {  	[dreg:$0x2] =	wrdreg s6  }
0xbe: {  	[dreg:$0x3] =	wrdreg s22  }
0xbf: {  	[dreg:$0x4] =	wrdreg $0x9  }
0xc0: {  	_ =	task.clear_ibuf [dreg:s20], $0x5FFFF;
	_ =	strace $0x9000004F  }
0xc1: {  	s28 =	simm.s32 $0x9;
	_ =	strace $0x80000051  }
0xc2: {  	_ =	swait.ge [sflag:s28], $0x1  }
0xc3: {  	[sflag:s28] =	ssyncadd.s32 $0xFFFFFFFF  }
0xc4: {  	_ =	strace $0x90000051  }
0xc5: {  	s6 =	sld [smem:$0x0];
	_ =	sdelay $0x3  }
0xc6: {  	s4 =	sadd.s32 @p0 $0x11BF3, s4;
	s8 =	sshll.u32 @p0 s6, $0x11  }
0xc7: {  	s4 =	sor.u32 @p0 s8, s4  }
0xc8: {  	[sflag:s4] =	ssyncadd.remote.s32 @p0 $0x1;
	_ =	sdelay $0x1  }
0xc9: {  	s4 =	simm.s32 @p0 $0x1BF3  }
0xca: {  	_ =	swait.eq @p0 [sflag:s4], $0x1  }
0xcb: {  	[sflag:s4] =	ssyncadd.s32 @p0 $0xFFFFFFFF;
	_ =	sdelay $0x1  }
0xcc: {  	s4 =	simm.s32 @!p0 $0x1BF3  }
0xcd: {  	s7 =	sadd.s32 @!p0 $0x11BF3, s7;
	s6 =	sshll.u32 @!p0 s6, $0x11;
	_ =	swait.eq @!p0 [sflag:s4], $0x1  }
0xce: {  	[sflag:s4] =	ssyncadd.s32 @!p0 $0xFFFFFFFF;
	s4 =	sor.u32 @!p0 s6, s7  }
0xcf: {  	[sflag:s4] =	ssyncadd.remote.s32 @!p0 $0x1  }
0xd0: {  	_ =	strace $0x80000052;
	[dreg:$0x1] =	wrdreg $0xFFFFFFFF  }
0xd1: {  	[dreg:$0x0] =	wrdreg $0x2030  }
0xd2: {  	[dreg:$0x2] =	wrdreg s22  }
0xd3: {  	[dreg:$0x3] =	wrdreg s1  }
0xd4: {  	[dreg:$0x4] =	wrdreg s3  }
0xd5: {  	[dreg:$0x5] =	wrdreg $0xA  }
0xd6: {  	_ =	task.clear_ibuf [dreg:s20], $0x6FFFF;
	_ =	strace $0x90000052  }
0xd7: {  	s29 =	simm.s32 $0xA;
	_ =	strace $0x80000054  }
0xd8: {  	_ =	swait.ge [sflag:s29], $0x1  }
0xd9: {  	[sflag:s29] =	ssyncadd.s32 $0xFFFFFFFF  }
0xda: {  	_ =	strace $0x90000054  }
0xdb: {  	_ =	sfence  }
0xdc: {  	s30 =	sld [smem:$0x0];
	_ =	sdelay $0x2  }
0xdd: {  	s31 =	sshll.u32 s1, $0xD;
	s1 =	sshrl.u32 s1, $0x2  }
0xde: {  	s4 =	sand.u32 $0x4000, s31;
	s1 =	sadd.s32 s1, s30  }
0xdf: {  	s0 =	sor.u32 s4, s0;
	s1 =	sshll.u32 s1, $0x11  }
0xe0: {  	s0 =	sor.u32 s1, s0  }
0xe1: {  	s0 =	sadd.s32 $0x8F2B, s0  }
0xe2: {  	[sflag:s0] =	ssyncadd.remote.s32 $0x1  }
0xe3: {  	_ =	sfence.sel $0xFFFF  }
0xe4: {  	[dreg:$0x0] =	wrdreg $0xFFFFFFFF;
	(pc) =	sbr.abs _section_cstart, $3  }
0xe5: {  	[dreg:$0x1] =	wrdreg $0xFFFFFFFF  }
0xe6: {  	_ =	task.clear_ibuf [dreg:s20], $0x2FFFF;
	_ =	strace $0x9FFFFFFF  }
0xe7: {  	(tm) =	ssettm $0x7FFFFFFF  }
tec
execute0_lowered:
.L_overlay_start_1:
0x0: {  	(tag) =	ssettag $0x1  }
0x1: {  	s2 =	rddreg [dreg:$0x0]  }
0x2: {  	s4 =	rddreg [dreg:$0x1]  }
0x3: {  	s0 =	rddreg [dreg:$0x2];
	s3 =	stileid.u32;
	[bflag:$0x3] =	sbarrier.arrive $0xFFFF  }
0x4: {  	s1 =	simm.s32 $_size_execute1_lowered;
	s29 =	srdreg.scid;
	p0 =	sne.s32 s3, $0x0  }
0x5: {  	s1 =	sshll.u32 s1, $0x1;
	s5 =	simm.s32 @!p0 $0x1C3F;
	s6 =	simm.s32 @!p0 $0x4060  }
0x6: {  	[timem:s6], [sflag:s5] =	dma.local @!p0 [hbm:s2], s1  }
0x7: {  	s2 =	sshll.u32 s29, $0x7  }
0x8: {  	s7 =	simm.s32 $0x1;
	s3 =	sshll.u32 s3, $0x8;
	s2 =	sand.u32 $0x80, s2  }
0x9: {  	s8 =	simm.s32 $0x2;
	s9 =	simm.s32 $0x0;
	s2 =	sor.u32 s3, s2  }
0xa: {  	s12 =	simm.s32 $0x0;
	s11 =	simm.s32 $0x0;
	s30 =	ssub.s32 $0x2780, s2  }
.Ltmp0:
0xb: {  	s5 =	simm.s32 $0x1;
	s31 =	sand.u32 $0xF80, s30;
	(pc) =	sbr.rel .LBB2_1-.Ltmp0, $4  }
0xc: {  	_ =	strace $0x80000050;
	s3 =	sadd.s32 $0x550E00, s4;
	p1 =	sne.s32 s31, $0x0  }
0xd: {  	[sflag:s5] =	ssyncpa.u1 $0x0;
	s6 =	sshrl.u32 s30, $0xC;
	s7 =	simm.s32 @!p1 $0x0  }
0xe: {  	s4 =	sadd.s32 $0x578600, s4;
	[sflag:s8] =	ssyncpa.u1 $0x0;
	s6 =	sadd.s32 s7, s6  }
0xf: {  	s8 =	simm.s32 $0x0;
	s10 =	smov.u32 s2;
	s7 =	sadd.s32 $0x1, s6  }
.LBB2_4:
0x10: {  	_ =	sdelay $0x3  }
0x11: {  	[tilespmem:v0+s14+$0xFFFFFFA0 ss:$0x1] =	vst.idx.msk $0xffff, v6  }
0x12: {  	v56 =	vld.idx.msk [tilespmem:v1+s15+$0x30 ss:$0x1], $0xffff;
	[tilespmem:v0+s14+$0xFFFFFFB0 ss:$0x1] =	vst.idx.msk $0xffff, v4  }
0x13: {  	v57 =	vld.idx.msk [tilespmem:v1+s15+$0xFFFFFFC0 ss:$0x1], $0xffff;
	[tilespmem:v0+s14+$0xFFFFFFC0 ss:$0x1] =	vst.idx.msk $0xffff, v2  }
0x14: {  	v58 =	vld.idx.msk [tilespmem:v1+s15+$0xFFFFFFD0 ss:$0x1], $0xffff;
	[tilespmem:v0+s14+$0xFFFFFFD0 ss:$0x1] =	vst.idx.msk $0xffff, v3  }
0x15: {  	v59 =	vld.idx.msk [tilespmem:v1+s15+$0xFFFFFFE0 ss:$0x1], $0xffff;
	[tilespmem:v0+s14+$0xFFFFFFE0 ss:$0x1] =	vst.idx.msk $0xffff, v5  }
0x16: {  	v60 =	vld.idx.msk [tilespmem:v1+s15+$0xFFFFFFF0 ss:$0x1], $0xffff;
	[tilespmem:v0+s14+$0xFFFFFFF0 ss:$0x1] =	vst.idx.msk $0xffff, v7;
	s12 =	sand.u32 $0x1FFFFFF, s12  }
0x17: {  	v61 =	vld.idx.msk [tilespmem:v1+s15+$0x0 ss:$0x1], $0xffff;
	s31 =	smulhi.u32 $0xCF6475, s12;
	[tilespmem:v0+s15+$0x0 ss:$0x1] =	vst.idx.msk $0xffff, v56  }
0x18: {  	v62 =	vld.idx.msk [tilespmem:v1+s15+$0x10 ss:$0x1], $0xffff;
	[tilespmem:v0+s15+$0xFFFFFF90 ss:$0x1] =	vst.idx.msk $0xffff, v57  }
0x19: {  	v63 =	vld.idx.msk [tilespmem:v1+s15+$0x20 ss:$0x1], $0xffff;
	s14 =	sshrl.u32 s31, $0x5;
	[tilespmem:v0+s15+$0xFFFFFFA0 ss:$0x1] =	vst.idx.msk $0xffff, v58  }
0x1a: {  	s14 =	smul.u32 $0x2780, s14;
	[tilespmem:v0+s15+$0xFFFFFFB0 ss:$0x1] =	vst.idx.msk $0xffff, v59  }
0x1b: {  	[tilespmem:v0+s15+$0xFFFFFFC0 ss:$0x1] =	vst.idx.msk $0xffff, v60  }
0x1c: {  	[tilespmem:v0+s15+$0xFFFFFFD0 ss:$0x1] =	vst.idx.msk $0xffff, v61;
	s12 =	ssub.s32 s12, s14  }
0x1d: {  	[tilespmem:v0+s15+$0xFFFFFFE0 ss:$0x1] =	vst.idx.msk $0xffff, v62;
	s12 =	sshll.u32 s12, $0x4  }
0x1e: {  	[tilespmem:v0+s15+$0xFFFFFFF0 ss:$0x1] =	vst.idx.msk $0xffff, v63;
	s12 =	sadd.s32 s4, s12  }
0x1f: {  	[hbm4b:s12+s8] =	stream.linear.scatter [tilespmem:s13], [sflag:$0x2], $0x4000, $0x38;
	[tilespmem:$0x10000] =	vst v63  }
.LBB2_5:
0x20: {  	s14 =	sadd.s32 $0x1000, s10  }
0x21: {  	p2 =	sgt.s32 s14, $0x277F  }
0x22: {  	s14 =	smov.u32 @p2 s2;
	p2 =	sne.s32 s11, s7  }
.Ltmp1:
0x23: {  	p1 =	slt.u32 s11, $0x2;
	(pc) =	sbr.rel @!p2 .LBB2_6-.Ltmp1, $4  }
0x24: {  	s13 =	simm.s32 @!p1 $0x2  }
0x25: {  	s15 =	sadd.s32 $0x1, s11;
	_ =	swait.ge @!p1 [sflag:s13], $0x4000  }
0x26: {  	s12 =	smov.u32 s10;
	s9 =	sadd.s32 $0x4000, s9;
	[sflag:s13] =	ssyncset.done @!p1 $0x0  }
0x27: {  	s11 =	smov.u32 s15;
	s10 =	smov.u32 s14;
	[sflag:s13] =	ssyncadd.s32 @!p1 $0xFFFFC000  }
.LBB2_1:
0x28: {  	p1 =	sge.u32 s11, s6  }
0x29: {  	s13 =	sand.u32 @!p1 $0x1FFFFFF, s10  }
0x2a: {  	s14 =	smulhi.u32 @!p1 $0xCF6475, s13;
	_ =	sdelay $0x1  }
0x2b: {  	s14 =	sshrl.u32 @!p1 s14, $0x5  }
0x2c: {  	s14 =	smul.u32 @!p1 $0x2780, s14;
	_ =	sdelay $0x1  }
0x2d: {  	s15 =	sxor.u32 @!p1 $0xFFFFFFFF, s11;
	s13 =	ssub.s32 @!p1 s13, s14  }
0x2e: {  	s31 =	sadd.s32 $0xFFFFFFFF, s11;
	s14 =	sshll.u32 @!p1 s15, $0xE;
	s13 =	sshll.u32 @!p1 s13, $0x4  }
0x2f: {  	s15 =	simm.s32 @!p1 $0x0;
	s14 =	sand.u32 @!p1 $0x4000, s14;
	s13 =	sadd.s32 @!p1 s3, s13  }
0x30: {  	[tilespmem:s14], [sflag:$0x1] =	stream.linear.gather @!p1 [hbm4b:s13+s15], $0x4000, $0x38;
	[tilespmem:$0x10000] =	vst v63  }
0x31: {  	p1 =	sge.u32 s31, s6  }
.Ltmp2:
0x32: {  	_ = 	snop;
	(pc) =	sbr.rel @p1 .LBB2_5-.Ltmp2, $1  }
0x33: {  	_ =	sdelay $0x3  }
0x34: {  	s13 =	sand.u32 $0x4000, s9  }
0x35: {  	s14 =	sor.u32 $0x40, s13  }
0x36: {  	v1 =	vmov s14;
	_ =	sdelay $0x1  }
0x37: {  	_ =	swait.ge [sflag:s5], $0x4000  }
0x38: {  	[sflag:s5] =	ssyncset.done $0x0  }
0x39: {  	[sflag:s5] =	ssyncadd.s32 $0xFFFFC000;
	s14 =	simm.s32 $0x0  }
0x3a: {  	s13 =	sor.u32 $0x8070, s13;
	v7 =	vld.idx.msk [tilespmem:v1+s14+$0x30 ss:$0x1], $0xffff  }
0x3b: {  	v0 =	vmov s13;
	v8 =	vld.idx.msk [tilespmem:v1+s14+$0xFFFFFFC0 ss:$0x1], $0xffff  }
0x3c: {  	v6 =	vld.idx.msk [tilespmem:v1+s14+$0xFFFFFFD0 ss:$0x1], $0xffff  }
0x3d: {  	v4 =	vld.idx.msk [tilespmem:v1+s14+$0xFFFFFFE0 ss:$0x1], $0xffff  }
0x3e: {  	v2 =	vld.idx.msk [tilespmem:v1+s14+$0xFFFFFFF0 ss:$0x1], $0xffff  }
0x3f: {  	s31 =	sshll.u32 s11, $0xE;
	v3 =	vld.idx.msk [tilespmem:v1+s14+$0x0 ss:$0x1], $0xffff  }
0x40: {  	s13 =	sand.u32 $0x4000, s31;
	v5 =	vld.idx.msk [tilespmem:v1+s14+$0x10 ss:$0x1], $0xffff;
	[tilespmem:v0+s14+$0x0 ss:$0x1] =	vst.idx.msk $0xffff, v7  }
0x41: {  	s15 =	simm.s32 $0x80;
	s16 =	simm.s32 $0x400;
	s13 =	sor.u32 $0x8000, s13;
	[tilespmem:v0+s14+$0xFFFFFF90 ss:$0x1] =	vst.idx.msk $0xffff, v8;
	v7 =	vld.idx.msk [tilespmem:v1+s14+$0x20 ss:$0x1], $0xffff  }
.LBB2_3:
0x42: {  	p1 =	sne.s32 s16, $0xFE00;
	v8 =	vld.idx.msk [tilespmem:v1+s15+$0x30 ss:$0x1], $0xffff;
	[tilespmem:v0+s14+$0xFFFFFFA0 ss:$0x1] =	vst.idx.msk $0xffff, v6  }
0x43: {  	v9 =	vld.idx.msk [tilespmem:v1+s15+$0xFFFFFFC0 ss:$0x1], $0xffff;
	[tilespmem:v0+s14+$0xFFFFFFB0 ss:$0x1] =	vst.idx.msk $0xffff, v4  }
0x44: {  	v6 =	vld.idx.msk [tilespmem:v1+s15+$0xFFFFFFD0 ss:$0x1], $0xffff;
	[tilespmem:v0+s14+$0xFFFFFFC0 ss:$0x1] =	vst.idx.msk $0xffff, v2  }
.Ltmp3:
0x45: {  	v4 =	vld.idx.msk [tilespmem:v1+s15+$0xFFFFFFE0 ss:$0x1], $0xffff;
	[tilespmem:v0+s14+$0xFFFFFFD0 ss:$0x1] =	vst.idx.msk $0xffff, v3;
	(pc) =	sbr.rel @p1 .LBB2_3-.Ltmp3, $4  }
0x46: {  	v2 =	vld.idx.msk [tilespmem:v1+s15+$0xFFFFFFF0 ss:$0x1], $0xffff;
	[tilespmem:v0+s14+$0xFFFFFFE0 ss:$0x1] =	vst.idx.msk $0xffff, v5  }
0x47: {  	v3 =	vld.idx.msk [tilespmem:v1+s15+$0x0 ss:$0x1], $0xffff;
	[tilespmem:v0+s14+$0xFFFFFFF0 ss:$0x1] =	vst.idx.msk $0xffff, v7;
	s14 =	smov.u32 s15  }
0x48: {  	v5 =	vld.idx.msk [tilespmem:v1+s14+$0x10 ss:$0x1], $0xffff;
	[tilespmem:v0+s14+$0x0 ss:$0x1] =	vst.idx.msk $0xffff, v8  }
0x49: {  	s15 =	sshra.s32 s16, $0x2;
	s16 =	sadd.s32 $0x200, s16;
	[tilespmem:v0+s14+$0xFFFFFF90 ss:$0x1] =	vst.idx.msk $0xffff, v9;
	v7 =	vld.idx.msk [tilespmem:v1+s14+$0x20 ss:$0x1], $0xffff  }
.Ltmp4:
0x4a: {  	_ = 	snop;
	(pc) =	sbr.rel .LBB2_4-.Ltmp4, $1  }
0x4b: {  	_ =	sdelay $0x3  }
.LBB2_6:
0x4c: {  	_ =	sfence.sel $0x180000  }
0x4d: {  	s2 =	simm.s32 $0x1;
	[bflag:$0x0] =	sbarrier.arrive $0xFFFF  }
0x4e: {  	s31 =	simm.s32 $0x2;
	[sflag:s2] =	ssyncpa.u1 $0x1  }
0x4f: {  	[sflag:s31] =	ssyncpa.u1 $0x1  }
0x50: {  	_ =	strace $0x90000050  }
0x51: {  	s0 =	sadd.s32 @!p0 $0x100000, s0;
	[bflag:$0x2] =	sbarrier.arrive $0xFFFF  }
0x52: {  	[sflag:s0] =	ssyncadd.tile.s32 @!p0 $0x1;
	s0 =	simm.s32 @!p0 $0x3F  }
0x53: {  	_ =	swait.ge @!p0 [sflag:s0], s1  }
0x54: {  	s1 =	ssub.s32 @!p0 $0x0, s1;
	[sflag:s0] =	ssyncset.done @!p0 $0x0  }
0x55: {  	[sflag:s0] =	ssyncadd.s32 @!p0 s1  }
0x56: {  	[bflag:$0x3] =	sbarrier.arrive $0xFFFF  }
0x57: {  	_ =	shalt  }
.Lfunc_end2:
execute1_lowered:
.L_overlay_start_2:
0x58: {  	(tag) =	ssettag $0x2  }
0x59: {  	s2 =	rddreg [dreg:$0x0]  }
0x5a: {  	s3 =	rddreg [dreg:$0x1];
	_ =	strace $0x80000053;
	s0 =	simm.s32 $0x1  }
0x5b: {  	v0 =	vimm.s32 $0x0;
	[sflag:s0] =	ssyncpa.u1 $0x0;
	s0 =	simm.s32 $0x108  }
0x5c: {  	[tilespmem:s0+$0x70] =	vst v0  }
0x5d: {  	[tilespmem:s0+$0x60] =	vst v0  }
0x5e: {  	[tilespmem:s0+$0x50] =	vst v0  }
0x5f: {  	[tilespmem:s0+$0x40] =	vst v0  }
0x60: {  	s1 =	sadd.s32 $0x578600, s2;
	[tilespmem:s0+$0x30] =	vst v0  }
0x61: {  	s15 =	sadd.s32 $0x528E00, s2;
	s6 =	sadd.s32 $0x28E00, s2;
	[tilespmem:s0+$0x20] =	vst v0  }
0x62: {  	s14 =	sadd.s32 $0x532E00, s2;
	s5 =	sand.u32 $0x1, s3;
	s3 =	simm.s32 $0x40;
	[tilespmem:s0+$0x10] =	vst v0  }
.LBB3_1:
0x63: {  	s3 =	sadd.s32 $0x40, s3;
	[tilespmem:s0+$0x0] =	vst v0;
	s0 =	sadd.s32 $0x80, s0  }
0x64: {  	p0 =	slt.u32 s3, $0x3C40;
	[tilespmem:s0+$0x70] =	vst v0  }
0x65: {  	[tilespmem:s0+$0x60] =	vst v0  }
.Ltmp5:
0x66: {  	[tilespmem:s0+$0x50] =	vst v0;
	(pc) =	sbr.rel @p0 .LBB3_1-.Ltmp5, $4  }
0x67: {  	[tilespmem:s0+$0x40] =	vst v0  }
0x68: {  	[tilespmem:s0+$0x30] =	vst v0  }
0x69: {  	[tilespmem:s0+$0x20] =	vst v0  }
0x6a: {  	[tilespmem:s0+$0x10] =	vst v0  }
0x6b: {  	s9 =	stileid.u32  }
0x6c: {  	s2 =	smul.u32 $0x2A, s9  }
0x6d: {  	s3 =	smin.u32 s9, $0xB  }
0x6e: {  	s2 =	sadd.s32 s3, s2  }
0x6f: {  	p0 =	slt.u32 s9, $0xB;
	s7 =	smul.u32 $0xF0, s2;
	s2 =	simm.s32 $0x2850  }
0x70: {  	s2 =	simm.s32 @!p0 $0x2760  }
0x71: {  	s2 =	sadd.s32 s2, s7  }
0x72: {  	s8 =	smin.u32 s2, $0x28000  }
0x73: {  	s2 =	ssub.s32 s8, s7  }
0x74: {  	p0 =	sgt.s32 s2, $0x0  }
0x75: {  	s29 =	simm.s32 $0x2;
	s10 =	simm.s32 $0x9;
	s2 =	simm.s32 @!p0 $0x0  }
0x76: {  	s4 =	simm.s32 $0xA;
	s11 =	simm.s32 $0xB;
	s28 =	smulhi.u32 $0x88888889, s2  }
0x77: {  	[dreg:$0x4] =	wrdreg s5;
	s31 =	smul.u32 $0x5000, s5;
	s12 =	simm.s32 $0x1  }
0x78: {  	s22 =	simm.s32 $0x0;
	s18 =	simm.s32 $0xC;
	s30 =	sshrl.u32 s28, $0x7  }
0x79: {  	s20 =	simm.s32 $0x0;
	s21 =	simm.s32 $0x0;
	s3 =	smul.u32 $0xF0, s30  }
.Ltmp6:
0x7a: {  	[tilespmem:s0+$0x0] =	vst v0;
	v0 =	vimm.s32 $0xFFFFFFFF;
	[sflag:s29] =	ssyncpa.u1 $0x0;
	s16 =	sshll.u32 s9, $0x8;
	(pc) =	sbr.rel .LBB3_3-.Ltmp6, $4  }
0x7b: {  	[tilespmem:$0xF208] =	vst v0;
	[sflag:s10] =	ssyncpa.u1 $0x0;
	p0 =	sne.s32 s2, s3;
	s2 =	simm.s32 $0x1  }
0x7c: {  	s14 =	sadd.s32 s31, s14;
	[sflag:s4] =	ssyncpa.u1 $0x0;
	s2 =	simm.s32 @!p0 $0x0  }
0x7d: {  	s15 =	sadd.s32 s31, s15;
	[sflag:s11] =	ssyncpa.u1 $0x0;
	s13 =	sadd.s32 s2, s30  }
0x7e: {  	v0 =	vlaneseq.u32;
	s19 =	smov.u32 s7;
	p0 =	por $0x0, $0x0;
	s17 =	sadd.s32 $0x1, s13  }
.LBB3_18:
0x7f: {  	s0 =	sshrl.u32 s31, $0x2  }
.LBB3_20:
0x80: {  	_ =	swait.ge [sflag:s18], s0  }
0x81: {  	s31 =	ssub.s32 $0x0, s0;
	v1 =	vmov s24;
	vm0 =	veq.s32 v0, $0x0;
	[sflag:s18] =	ssyncset.done $0x0  }
0x82: {  	vm15 =	veq.s32 v0, $0x2;
	v1 =	vsel vm0, s30, v1;
	[sflag:s18] =	ssyncadd.s32 s31  }
0x83: {  	v1 =	vsel vm15, s22, v1;
	[sflag:s18] =	ssyncpa.u1 $0x1  }
0x84: {  	[tilespmem:$0xF208] =	vst v1  }
.LBB3_21:
0x85: {  	s0 =	sadd.s32 $0xF0, s19  }
0x86: {  	s2 =	smov.u32 s7;
	p1 =	slt.s32 s0, s8  }
0x87: {  	s2 =	smov.u32 @p1 s0;
	p1 =	sne.s32 s21, s17  }
.Ltmp7:
0x88: {  	_ = 	snop;
	(pc) =	sbr.rel @!p1 .LBB3_22-.Ltmp7, $3  }
0x89: {  	_ =	sdelay $0x1  }
0x8a: {  	s22 =	smov.u32 s20;
	s31 =	sadd.s32 $0x1, s21;
	s20 =	smov.u32 s19  }
0x8b: {  	p0 =	por !p0, !p0;
	s21 =	smov.u32 s31;
	s19 =	smov.u32 s2  }
.LBB3_3:
0x8c: {  	p1 =	sge.u32 s21, s13  }
0x8d: {  	s0 =	smulhi.u32 @!p1 $0xAAAAAAAB, s21  }
0x8e: {  	s2 =	smov.u32 s19;
	p2 =	sgt.s32 @!p1 s19, $0x27F10  }
0x8f: {  	s3 =	sshra.s32 @!p1 s19, $0x1F;
	p2 =	por !p2, p1;
	s0 =	sshrl.u32 @!p1 s0, $0x1  }
0x90: {  	s3 =	sand.u32 @!p1 s3, s19;
	s2 =	simm.s32 @p2 $0x27F10;
	s0 =	smul.u32 @!p1 $0x3, s0  }
0x91: {  	s2 =	ssub.s32 @!p1 s2, s3  }
0x92: {  	s2 =	sadd.s32 @!p1 $0xFFFD80F0, s2;
	s0 =	ssub.s32 @!p1 s21, s0  }
0x93: {  	s3 =	sshll.u32 @!p1 s2, $0x2;
	p2 =	sgt.s32 @!p1 s2, $0xEF;
	s0 =	smul.u32 @!p1 $0x3C0, s0  }
0x94: {  	s4 =	sand.u32 @!p1 $0x7, s19;
	s2 =	ssub.s32 @!p1 $0x3C0, s3;
	p2 =	por !p2, p1  }
0x95: {  	s3 =	sshrl.u32 @!p1 s19, $0x3;
	s2 =	sshrl.u32 @!p1 s2, $0x2;
	s0 =	sshrl.u32 @!p1 s0, $0x2  }
0x96: {  	s3 =	sadd.s32 @!p1 s3, s14;
	s2 =	simm.s32 @!p2 $0x0;
	s0 =	sadd.s32 @!p1 $0x10248, s0  }
0x97: {  	[tilespmem:s0], [sflag:$0xA] =	stream.linear.gather @!p1 [hbm4b:s3+s4], s2, $0x38;
	[tilespmem:$0x1F6F8] =	vst v63  }
0x98: {  	s0 =	sadd.s32 $0xFFFFFFFF, s21  }
0x99: {  	p1 =	sge.u32 s0, s13  }
0x9a: {  	p2 =	sgt.s32 @!p1 s20, $0x27F10  }
0x9b: {  	s2 =	smov.u32 s20;
	s3 =	sshra.s32 @!p1 s20, $0x1F;
	p2 =	por !p2, p1  }
0x9c: {  	s3 =	sand.u32 @!p1 s3, s20;
	s2 =	simm.s32 @p2 $0x27F10  }
0x9d: {  	s2 =	ssub.s32 @!p1 s2, s3  }
0x9e: {  	s2 =	sadd.s32 @!p1 $0xFFFD80F0, s2  }
0x9f: {  	s4 =	sand.u32 @!p1 $0x1, s0;
	s3 =	sshll.u32 @!p1 s2, $0x2  }
0xa0: {  	p2 =	sgt.s32 @!p1 s2, $0xEF;
	s2 =	ssub.s32 @!p1 $0x3C0, s3;
	s3 =	smulhi.u32 @!p1 $0xAAAAAAAB, s0  }
0xa1: {  	s23 =	smul.u32 @!p1 $0x3C0, s4;
	p2 =	por !p2, p1;
	s2 =	sshrl.u32 @!p1 s2, $0x2  }
0xa2: {  	s5 =	simm.s32 @!p1 $0xA;
	s2 =	simm.s32 @!p2 $0x0;
	s3 =	sshrl.u32 @!p1 s3, $0x1  }
0xa3: {  	s23 =	sshrl.u32 @!p1 s23, $0x2;
	_ =	swait.ge @!p1 [sflag:s5], s2;
	s3 =	smul.u32 @!p1 $0x3, s3  }
0xa4: {  	s23 =	sadd.s32 @!p1 $0x10518, s23;
	s24 =	ssub.s32 @!p1 $0x0, s2;
	[sflag:s5] =	ssyncset.done @!p1 $0x0  }
0xa5: {  	[sflag:s5] =	ssyncadd.s32 @!p1 s24;
	s5 =	sshrl.u32 @!p1 s20, $0x3;
	s0 =	ssub.s32 @!p1 s0, s3  }
0xa6: {  	s24 =	sand.u32 @!p1 $0x7, s20;
	s5 =	sadd.s32 @!p1 s5, s15;
	s0 =	smul.u32 @!p1 $0x3C0, s0  }
0xa7: {  	[tilespmem:s23], [sflag:$0xB] =	stream.linear.gather @!p1 [hbm4b:s5+s24], s2, $0x38;
	[tilespmem:$0x1F6F8] =	vst v63  }
0xa8: {  	s3 =	ssub.s32 @!p1 $0x28000, s20;
	s2 =	smul.u32 @!p1 $0x1E000, s4  }
0xa9: {  	p2 =	slt.s32 @!p1 s3, $0xF0  }
0xaa: {  	p2 =	por !p2, p1;
	s0 =	sshrl.u32 @!p1 s0, $0x2;
	s2 =	sshrl.u32 @!p1 s2, $0x2  }
0xab: {  	s3 =	simm.s32 @p2 $0xF0;
	s0 =	sadd.s32 @!p1 $0x10248, s0;
	s2 =	sor.u32 @!p1 $0x106F8, s2  }
0xac: {  	[tilespmem:s2], [sflag:$0x9] =	stream.indirect.gather @!p1 [hbm4b:s6+s3], $0x80, s0, s3, $0xb8;
	[tilespmem:$0x1F6F8] =	vst v63  }
0xad: {  	p1 =	slt.u32 s21, $0x2  }
.Ltmp8:
0xae: {  	_ = 	snop;
	(pc) =	sbr.rel @p1 .LBB3_21-.Ltmp8, $1  }
0xaf: {  	_ =	sdelay $0x3  }
0xb0: {  	p1 =	sgt.s32 s22, $0x27F10  }
0xb1: {  	s0 =	smov.u32 s22;
	s2 =	sshra.s32 s22, $0x1F;
	s3 =	ssub.s32 $0x28000, s22  }
0xb2: {  	s0 =	simm.s32 @!p1 $0x27F10;
	s2 =	sand.u32 s2, s22;
	p1 =	slt.s32 s3, $0xF0  }
0xb3: {  	s0 =	ssub.s32 s0, s2;
	s3 =	simm.s32 @!p1 $0xF0  }
0xb4: {  	s0 =	sadd.s32 $0xFFFD80F0, s0;
	s25 =	sshll.u32 s3, $0x7  }
0xb5: {  	s26 =	sshll.u32 s0, $0x2;
	s2 =	sand.u32 $0x3FFFFF80, s25  }
0xb6: {  	p1 =	sgt.s32 s0, $0xEF;
	s29 =	ssub.s32 $0x3C0, s26;
	_ =	swait.ge [sflag:s10], s2  }
0xb7: {  	s2 =	ssub.s32 $0x0, s2;
	[sflag:s10] =	ssyncset.done $0x0;
	s0 =	sshrl.u32 s29, $0x2  }
0xb8: {  	[sflag:s10] =	ssyncadd.s32 s2;
	s0 =	simm.s32 @p1 $0x0  }
0xb9: {  	_ =	swait.ge [sflag:s11], s0  }
0xba: {  	s0 =	ssub.s32 $0x0, s0;
	[sflag:s11] =	ssyncset.done $0x0  }
0xbb: {  	[sflag:s11] =	ssyncadd.s32 s0  }
0xbc: {  	v1 =	vld [tilespmem:$0xF208];
	_ =	sdelay $0x4  }
0xbd: {  	(v2sf) =	vpush v1, $0x0  }
0xbe: {  	(v2sf) =	vpush v1, $0x1  }
0xbf: {  	(v2sf) =	vpush v1, $0x2;
	_ =	sdelay $0x3  }
0xc0: {  	s0 =	sadd.s32 $0xF0, s22  }
0xc1: {  	s2 =	ssub.s32 $0x50000, s22;
	p1 =	slt.s32 s8, s0  }
0xc2: {  	s0 =	smov.u32 @p1 s8;
	p1 =	sgt.s32 s2, $0x0  }
0xc3: {  	s26 =	ssub.s32 s0, s22;
	s2 =	simm.s32 @!p1 $0x0  }
0xc4: {  	p1 =	slt.s32 s2, s26  }
0xc5: {  	s26 =	smov.u32 @p1 s2  }
0xc6: {  	s25 =	simm.s32 $0x1;
	p1 =	slt.s32 s26, $0x1  }
.Ltmp9:
0xc7: {  	s25 =	simm.s32 @!p0 $0x0;
	(pc) =	sbr.rel @p1 .LBB3_8-.Ltmp9, $4  }
0xc8: {  	s31 =	smul.u32 $0x3C0, s25  }
0xc9: {  	s28 =	spop (v2sf)  }
0xca: {  	s0 =	sshrl.u32 s31, $0x2;
	s30 =	spop (v2sf)  }
0xcb: {  	s23 =	sadd.s32 $0x10518, s0;
	s22 =	spop (v2sf)  }
0xcc: {  	s0 =	smin.u32 s26, $0x10  }
0xcd: {  	v1 =	vmov s0  }
0xce: {  	p2 =	sgt.s32 s26, $0x10;
	vm1 =	vgt.u32 v1, v0  }
.Ltmp10:
0xcf: {  	_ = 	snop;
	(pc) =	sbr.rel @!p2 .LBB3_7-.Ltmp10, $2  }
0xd0: {  	_ =	sdelay $0x2  }
0xd1: {  	s4 =	simm.s32 $0x10;
	s24 =	sadd.s32 $0xFFFFFFF0, s26;
	s0 =	smov.u32 s23;
	vm0 =	vmmov vm1  }
.LBB3_6:
0xd2: {  	s2 =	smin.u32 s24, $0x10;
	s4 =	sadd.s32 $0x10, s4;
	v1 =	vld.msk [tilespmem:s0+$0x0 ss:$0x1], vm1  }
0xd3: {  	v2 =	vmov s2;
	p2 =	slt.s32 s4, s26  }
0xd4: {  	vm1 =	vgt.u32 v2, v0  }
.Ltmp11:
0xd5: {  	(pc) =	sbr.rel @p2 .LBB3_6-.Ltmp11, $3  }
0xd6: {  	_ =	sdelay $0x1  }
0xd7: {  	v1 =	vshll.u32 v1, $0x4  }
0xd8: {  	s24 =	sadd.s32 $0xFFFFFFF0, s24;
	[tilespmem:s0+$0x0] =	vst.msk vm0, v1;
	s0 =	sadd.s32 $0x10, s0;
	vm0 =	vmmov vm1  }
.LBB3_7:
0xd9: {  	_ =	sdelay $0x4  }
0xda: {  	v1 =	vld.msk [tilespmem:s0+$0x0 ss:$0x1], vm1;
	_ =	sdelay $0x4  }
0xdb: {  	v1 =	vshll.u32 v1, $0x4  }
0xdc: {  	[tilespmem:s0+$0x0] =	vst.msk vm0, v1  }
.LBB3_8:
0xdd: {  	s0 =	sand.u32 $0x1, s21  }
0xde: {  	s0 =	smul.u32 $0xF0, s0  }
0xdf: {  	p2 =	sne.s32 s30, $0xFFFFFFFF  }
0xe0: {  	v1 =	vld.msk @!p2 [tilespmem:s0+$0x10518], $0x1;
	_ =	sdelay $0x4  }
0xe1: {  	(v2sf) =	vpush @!p2 v1, $0x0;
	_ =	sdelay $0xc  }
.Ltmp12:
0xe2: {  	_ = 	snop;
	(pc) =	sbr.rel @p1 .LBB3_19-.Ltmp12, $4  }
0xe3: {  	_ = 	snop  }
0xe4: {  	s29 =	spop @!p2 (v2sf)  }
0xe5: {  	s22 =	simm.s32 @!p2 $0x0;
	s24 =	smov.u32 s29  }
0xe6: {  	[sflag:s18] =	ssyncpa.u1 $0x0;
	s29 =	smov.u32 @p2 s28;
	s24 =	smov.u32 @p2 s30  }
0xe7: {  	v1 =	vld.msk [tilespmem:s23+$0x0], $0x1;
	_ =	sdelay $0x4  }
0xe8: {  	(v2sf) =	vpush v1, $0x0;
	_ =	sdelay $0xe  }
0xe9: {  	s2 =	smul.u32 $0x1E000, s25;
	s0 =	spop (v2sf)  }
0xea: {  	s26 =	ssub.s32 $0x0, s26;
	p1 =	seq.s32 s29, s0  }
0xeb: {  	s30 =	sadd.s32 $0x1, s26;
	s2 =	sshrl.u32 s2, $0x2;
	p2 =	sgt.s32 @!p1 s29, $0x0  }
0xec: {  	s25 =	sor.u32 $0x10738, s2;
	s2 =	smov.u32 s29;
	p2 =	por !p2, p1  }
0xed: {  	s2 =	simm.s32 @p2 $0x0;
	p2 =	seq.s32 s30, $0x0  }
.Ltmp13:
0xee: {  	_ = 	snop;
	(pc) =	sbr.rel @p2 .LBB3_11-.Ltmp13, $4  }
0xef: {  	_ = 	snop  }
0xf0: {  	s28 =	simm.s32 $0x0;
	s31 =	sadd.s32 $0x1, s23;
	s2 =	smin.u32 @!p1 s2, $0x277F0  }
0xf1: {  	s4 =	simm.s32 @!p1 $0x1;
	s5 =	simm.s32 @!p1 $0x7988;
	s3 =	sand.u32 @!p1 $0x3FFF8, s2  }
0xf2: {  	s4 =	smov.u32 @p1 s28;
	s2 =	sand.u32 @!p1 $0x7, s2;
	s3 =	sadd.s32 @!p1 s1, s3  }
.LBB3_10:
0xf3: {  	s9 =	smov.u32 s4  }
0xf4: {  	[tilespmem:s5], [sflag:$0x2] =	stream.linear.gather @!p1 [hbm4b:s3+s2], $0x80, $0x38;
	[tilespmem:$0x1F6F8] =	vst v63  }
0xf5: {  	s30 =	sadd.s32 $0x1, s30;
	s2 =	smov.u32 s0;
	v1 =	vld.msk [tilespmem:s31+$0x0], $0x1  }
0xf6: {  	p2 =	seq.s32 s30, $0x0;
	_ =	sdelay $0x3  }
0xf7: {  	(v2sf) =	vpush v1, $0x0;
	_ =	sdelay $0xe  }
0xf8: {  	s0 =	spop (v2sf)  }
0xf9: {  	p1 =	seq.s32 s2, s0  }
0xfa: {  	p3 =	sgt.s32 @!p1 s2, $0x0;
	s3 =	sshll.u32 @!p1 s4, $0x9;
	s4 =	sadd.s32 @!p1 $0x1, s4  }
.Ltmp14:
0xfb: {  	p3 =	por !p3, p1;
	s3 =	sshra.s32 @!p1 s3, $0x2;
	(pc) =	sbr.rel @!p2 .LBB3_10-.Ltmp14, $4  }
0xfc: {  	s4 =	smov.u32 @p1 s9;
	s2 =	simm.s32 @p3 $0x0;
	s5 =	sadd.s32 @!p1 $0x7988, s3  }
0xfd: {  	s2 =	smin.u32 @!p1 s2, $0x277F0  }
0xfe: {  	s3 =	sand.u32 @!p1 $0x3FFF8, s2;
	s2 =	sand.u32 @!p1 $0x7, s2  }
0xff: {  	s31 =	sadd.s32 $0x1, s31;
	s3 =	sadd.s32 @!p1 s1, s3  }
.LBB3_11:
0x100: {  	[tilespmem:s5], [sflag:$0x2] =	stream.linear.gather @!p1 [hbm4b:s3+s2], $0x80, $0x38;
	[tilespmem:$0x1F6F8] =	vst v63  }
.Ltmp15:
0x101: {  	s0 =	sshll.u32 s4, $0x7;
	(pc) =	sbr.rel .LBB3_12-.Ltmp15, $4  }
0x102: {  	s30 =	simm.s32 $0x2;
	s0 =	sand.u32 $0x3FFFFF80, s0  }
0x103: {  	_ =	swait.ge [sflag:s30], s0  }
0x104: {  	s0 =	ssub.s32 $0x0, s0;
	[sflag:s30] =	ssyncset.done $0x0  }
0x105: {  	s31 =	simm.s32 $0x0;
	[sflag:s30] =	ssyncadd.s32 s0  }
.LBB3_13:
0x106: {  	v1 =	vld [tilespmem:s25+$0xFFFFFFC0];
	_ =	sdelay $0x3  }
0x107: {  	s0 =	sshra.s32 s0, $0x2  }
0x108: {  	[tilespmem:s0+$0x108] =	vst.add.f32.msk $0xffff, v1  }
0x109: {  	v1 =	vld [tilespmem:s25+$0xFFFFFFD0];
	_ =	sdelay $0x4  }
0x10a: {  	[tilespmem:s0+$0x118] =	vst.add.f32.msk $0xffff, v1  }
0x10b: {  	v1 =	vld [tilespmem:s25+$0xFFFFFFE0];
	_ =	sdelay $0x4  }
0x10c: {  	[tilespmem:s0+$0x128] =	vst.add.f32.msk $0xffff, v1  }
0x10d: {  	v1 =	vld [tilespmem:s25+$0xFFFFFFF0];
	_ =	sdelay $0x4  }
0x10e: {  	[tilespmem:s0+$0x138] =	vst.add.f32.msk $0xffff, v1  }
0x10f: {  	v1 =	vld [tilespmem:s25+$0x0];
	_ =	sdelay $0x4  }
0x110: {  	[tilespmem:s0+$0x148] =	vst.add.f32.msk $0xffff, v1  }
0x111: {  	v1 =	vld [tilespmem:s25+$0x10];
	_ =	sdelay $0x4  }
0x112: {  	[tilespmem:s0+$0x158] =	vst.add.f32.msk $0xffff, v1  }
0x113: {  	v1 =	vld [tilespmem:s25+$0x20];
	_ =	sdelay $0x4  }
0x114: {  	[tilespmem:s0+$0x168] =	vst.add.f32.msk $0xffff, v1  }
0x115: {  	v1 =	vld [tilespmem:s25+$0x30];
	_ =	sdelay $0x4  }
0x116: {  	[tilespmem:s0+$0x178] =	vst.add.f32.msk $0xffff, v1  }
.LBB3_17:
0x117: {  	s26 =	sadd.s32 $0x1, s26  }
0x118: {  	p1 =	seq.s32 s26, $0x0  }
.Ltmp16:
0x119: {  	_ = 	snop;
	(pc) =	sbr.rel @p1 .LBB3_18-.Ltmp16, $2  }
0x11a: {  	_ =	sdelay $0x2  }
0x11b: {  	s23 =	sadd.s32 $0x1, s23;
	s25 =	sadd.s32 $0x80, s25;
	s29 =	smov.u32 s30  }
.LBB3_12:
0x11c: {  	v1 =	vld.msk [tilespmem:s23+$0x0], $0x1;
	_ =	sdelay $0x4  }
0x11d: {  	(v2sf) =	vpush v1, $0x0;
	_ =	sdelay $0xe  }
0x11e: {  	s30 =	spop (v2sf)  }
0x11f: {  	p1 =	sne.s32 s29, s30  }
.Ltmp17:
0x120: {  	_ = 	snop;
	(pc) =	sbr.rel @!p1 .LBB3_13-.Ltmp17, $2  }
0x121: {  	_ =	sdelay $0x2  }
0x122: {  	s0 =	sshll.u32 s22, $0x9  }
0x123: {  	p1 =	seq.s32 s29, s24  }
.Ltmp18:
0x124: {  	_ = 	snop;
	(pc) =	sbr.rel @!p1 .LBB3_15-.Ltmp18, $1  }
0x125: {  	_ =	sdelay $0x3  }
0x126: {  	s0 =	sshra.s32 s0, $0x2  }
.Ltmp19:
0x127: {  	s0 =	sadd.s32 $0x108, s0;
	(pc) =	sbr.rel .LBB3_16-.Ltmp19, $4  }
0x128: {  	[spmem:s16] =	stream.linear.scatter [tilespmem:s0], [sflag:$0x1], $0x80, $0x38;
	[tilespmem:$0x1F6F8] =	vst v63  }
0x129: {  	_ =	swait.ge [sflag:s12], $0x80  }
0x12a: {  	[sflag:s12] =	ssyncset.done $0x0  }
0x12b: {  	[sflag:s12] =	ssyncadd.s32 $0xFFFFFF80  }
.LBB3_15:
0x12c: {  	s2 =	sshll.u32 s28, $0x9  }
0x12d: {  	s2 =	sshra.s32 s2, $0x2  }
0x12e: {  	v1 =	vld [tilespmem:s2+$0x7988];
	_ =	sdelay $0x3  }
0x12f: {  	s0 =	sshra.s32 s0, $0x2  }
0x130: {  	[tilespmem:s0+$0x108] =	vst.add.f32.msk $0xffff, v1  }
0x131: {  	v1 =	vld [tilespmem:s2+$0x7998];
	_ =	sdelay $0x4  }
0x132: {  	[tilespmem:s0+$0x118] =	vst.add.f32.msk $0xffff, v1  }
0x133: {  	v1 =	vld [tilespmem:s2+$0x79A8];
	_ =	sdelay $0x4  }
0x134: {  	[tilespmem:s0+$0x128] =	vst.add.f32.msk $0xffff, v1  }
0x135: {  	v1 =	vld [tilespmem:s2+$0x79B8];
	_ =	sdelay $0x4  }
0x136: {  	[tilespmem:s0+$0x138] =	vst.add.f32.msk $0xffff, v1  }
0x137: {  	v1 =	vld [tilespmem:s2+$0x79C8];
	_ =	sdelay $0x4  }
0x138: {  	[tilespmem:s0+$0x148] =	vst.add.f32.msk $0xffff, v1  }
0x139: {  	v1 =	vld [tilespmem:s2+$0x79D8];
	_ =	sdelay $0x4  }
0x13a: {  	[tilespmem:s0+$0x158] =	vst.add.f32.msk $0xffff, v1  }
0x13b: {  	v1 =	vld [tilespmem:s2+$0x79E8];
	_ =	sdelay $0x4  }
0x13c: {  	[tilespmem:s0+$0x168] =	vst.add.f32.msk $0xffff, v1  }
0x13d: {  	v1 =	vld [tilespmem:s2+$0x79F8];
	_ =	sdelay $0x2  }
0x13e: {  	p1 =	sgt.u32 s29, $0x277F0  }
0x13f: {  	s2 =	sand.u32 @!p1 $0x3FFF8, s29  }
0x140: {  	s3 =	sadd.s32 $0x108, s0;
	[tilespmem:s0+$0x178] =	vst.add.f32.msk $0xffff, v1;
	s0 =	sadd.s32 @!p1 s1, s2;
	s2 =	sand.u32 @!p1 $0x7, s29  }
0x141: {  	[hbm4b:s0+s2] =	stream.linear.scatter @!p1 [tilespmem:s3], [sflag:$0xC], $0x80, $0x38;
	[tilespmem:$0x1F6F8] =	vst v63  }
0x142: {  	s0 =	simm.s32 $0x0  }
0x143: {  	s0 =	simm.s32 @!p1 $0x200  }
0x144: {  	s31 =	sadd.s32 s0, s31  }
.LBB3_16:
0x145: {  	s0 =	sadd.s32 $0x1, s22  }
0x146: {  	s2 =	smulhi.u32 $0x88888889, s0;
	_ =	sdelay $0x1  }
0x147: {  	v1 =	vld [tilespmem:s25+$0xFFFFFFC0];
	s2 =	sshrl.u32 s2, $0x7  }
0x148: {  	s2 =	smul.u32 $0xF0, s2;
	_ =	sdelay $0x1  }
0x149: {  	s22 =	ssub.s32 s0, s2  }
0x14a: {  	s0 =	sshll.u32 s22, $0x7  }
0x14b: {  	[tilespmem:s0+$0x108] =	vst v1  }
0x14c: {  	v1 =	vld [tilespmem:s25+$0xFFFFFFD0];
	_ =	sdelay $0x4  }
0x14d: {  	[tilespmem:s0+$0x118] =	vst v1  }
0x14e: {  	v1 =	vld [tilespmem:s25+$0xFFFFFFE0];
	_ =	sdelay $0x4  }
0x14f: {  	[tilespmem:s0+$0x128] =	vst v1  }
0x150: {  	v1 =	vld [tilespmem:s25+$0xFFFFFFF0];
	_ =	sdelay $0x4  }
0x151: {  	[tilespmem:s0+$0x138] =	vst v1  }
0x152: {  	v1 =	vld [tilespmem:s25+$0x0];
	_ =	sdelay $0x4  }
0x153: {  	[tilespmem:s0+$0x148] =	vst v1  }
0x154: {  	v1 =	vld [tilespmem:s25+$0x10];
	_ =	sdelay $0x4  }
0x155: {  	[tilespmem:s0+$0x158] =	vst v1  }
0x156: {  	v1 =	vld [tilespmem:s25+$0x20];
	_ =	sdelay $0x4  }
0x157: {  	[tilespmem:s0+$0x168] =	vst v1  }
0x158: {  	v1 =	vld [tilespmem:s25+$0x30]  }
.Ltmp20:
0x159: {  	_ = 	snop;
	(pc) =	sbr.rel .LBB3_17-.Ltmp20, $2  }
0x15a: {  	_ =	sdelay $0x2  }
0x15b: {  	s28 =	sadd.s32 $0x1, s28;
	[tilespmem:s0+$0x178] =	vst v1  }
.LBB3_19:
.Ltmp21:
0x15c: {  	(pc) =	sbr.rel .LBB3_20-.Ltmp21, $4  }
0x15d: {  	_ = 	snop  }
0x15e: {  	s0 =	simm.s32 $0x2  }
0x15f: {  	_ =	swait.ge [sflag:s0], $0x0  }
0x160: {  	s30 =	smov.u32 s29;
	[sflag:s0] =	ssyncset.done $0x0;
	s0 =	simm.s32 $0x0  }
.LBB3_22:
0x161: {  	_ =	sfence.sel $0x180000  }
0x162: {  	s0 =	simm.s32 $0x9;
	[bflag:$0x0] =	sbarrier.arrive $0xFFFF  }
0x163: {  	s24 =	simm.s32 $0xA;
	[sflag:s0] =	ssyncpa.u1 $0x1  }
0x164: {  	s25 =	simm.s32 $0xB;
	[sflag:s24] =	ssyncpa.u1 $0x1  }
0x165: {  	s26 =	simm.s32 $0x2;
	[sflag:s25] =	ssyncpa.u1 $0x1  }
0x166: {  	[sflag:s26] =	ssyncpa.u1 $0x1  }
0x167: {  	v0 =	vld [tilespmem:$0xF208];
	_ =	sdelay $0x4  }
0x168: {  	(v2sf) =	vpush v0, $0x0  }
0x169: {  	(v2sf) =	vpush v0, $0x1;
	_ =	sdelay $0x1  }
0x16a: {  	(v2sf) =	vpush v0, $0x2;
	_ =	sdelay $0xb  }
0x16b: {  	s0 =	spop (v2sf)  }
0x16c: {  	s2 =	spop (v2sf)  }
0x16d: {  	s3 =	smov.u32 s0;
	p0 =	sne.s32 s0, s2  }
0x16e: {  	s4 =	spop (v2sf);
	s3 =	simm.s32 @!p0 $0xFFFFFFFF  }
0x16f: {  	v2 =	vimm.s32 $0x1;
	v3 =	vlaneseq.u32;
	p0 =	seq.s32 s4, $0xFFFFFFFF;
	v1 =	vmov s3  }
0x170: {  	s16 =	stileid.u32;
	v0 =	vperm.xlane v0, v2;
	p1 =	sne.s32 @!p0 s0, s2;
	v1 =	vperm.xlane v1, v3  }
0x171: {  	vm0 =	vcmask $0x3F04;
	s6 =	simm.s32 $0xF208;
	s0 =	simm.s32 @!p0 $0x1;
	p1 =	por !p1, p0  }
0x172: {  	s3 =	sshll.u32 s16, $0x1;
	s2 =	sshll.u32 @!p0 s4, $0x9;
	s0 =	simm.s32 @p1 $0x0;
	v0 =	vsel vm0, v1, v0  }
0x173: {  	s5 =	sor.u32 $0x1000, s3;
	s2 =	sshra.s32 @!p0 s2, $0x2;
	s0 =	sor.u32 @!p0 s0, s3;
	[tilespmem:$0xF208] =	vst v0  }
0x174: {  	[spmem:s5] =	stream.linear.scatter [tilespmem:s6], [sflag:$0x1], $0x2, $0x38;
	[tilespmem:$0x1F6F8] =	vst v63  }
0x175: {  	s2 =	sadd.s32 @!p0 $0x108, s2;
	s0 =	sshll.u32 @!p0 s0, $0x7  }
0x176: {  	[spmem:s0] =	stream.linear.scatter @!p0 [tilespmem:s2], [sflag:$0x1], $0x80, $0x38;
	[tilespmem:$0x1F6F8] =	vst v63  }
0x177: {  	s0 =	simm.s32 @!p0 $0x82  }
0x178: {  	s28 =	simm.s32 $0x1;
	s0 =	simm.s32 @p0 $0x2  }
0x179: {  	_ =	swait.ge [sflag:s28], s0  }
0x17a: {  	s0 =	ssub.s32 $0x0, s0;
	[sflag:s28] =	ssyncset.done $0x0  }
0x17b: {  	p0 =	sne.s32 s16, $0x0;
	[sflag:s28] =	ssyncadd.s32 s0  }
.Ltmp22:
0x17c: {  	_ =	sfence.stream.spmem;
	(pc) =	sbr.rel @p0 .LBB3_39-.Ltmp22, $4  }
0x17d: {  	s29 =	simm.s32 $0x3;
	[bflag:$0x0] =	sbarrier.arrive $0xFFFF  }
0x17e: {  	s30 =	simm.s32 $0x4;
	[sflag:s29] =	ssyncpa.u1 $0x1  }
0x17f: {  	s31 =	simm.s32 $0x3C;
	[sflag:s30] =	ssyncpa.u1 $0x1  }
0x180: {  	s15 =	rddreg [dreg:$0x4];
	[sflag:s31] =	ssyncpa.u1 $0x1  }
0x181: {  	_ =	sfence.stream.spmem;
	s0 =	simm.s32 $0x5  }
0x182: {  	s2 =	simm.s32 $0x1000;
	s3 =	simm.s32 $0xF218;
	[sflag:s0] =	ssyncpa.u1 $0x0  }
0x183: {  	[tilespmem:s3], [sflag:$0x5] =	stream.linear.gather [spmem:s2], $0x20, $0x38;
	[tilespmem:$0x1F6F8] =	vst v63  }
0x184: {  	s26 =	simm.s32 $0x0;
	s28 =	simm.s32 $0xF238  }
0x185: {  	[tilespmem:s28], [sflag:$0x5] =	stream.linear.gather [spmem:s26], $0x1000, $0x38;
	[tilespmem:$0x1F6F8] =	vst v63  }
0x186: {  	_ =	swait.ge [sflag:s0], $0x1020  }
0x187: {  	[sflag:s0] =	ssyncset.done $0x0  }
0x188: {  	s29 =	simm.s32 $0x0;
	[sflag:s0] =	ssyncadd.s32 $0xFFFFEFE0  }
0x189: {  	v0 =	vld.msk [tilespmem:s29+$0xF218], $0x1;
	_ =	sdelay $0x1  }
0x18a: {  	s30 =	simm.s32 $0x1  }
0x18b: {  	v1 =	vld.msk [tilespmem:s30+$0xF218], $0x1;
	_ =	sdelay $0x1  }
0x18c: {  	(v2sf) =	vpush v0, $0x0;
	_ =	sdelay $0x2  }
0x18d: {  	(v2sf) =	vpush v1, $0x0;
	_ =	sdelay $0x2  }
0x18e: {  	s31 =	simm.s32 $0x2  }
0x18f: {  	v0 =	vld.msk [tilespmem:s31+$0xF218], $0x1;
	_ =	sdelay $0x2  }
0x190: {  	s4 =	simm.s32 $0xFFFFFFFF;
	s5 =	simm.s32 $0xFFFFFFFF;
	s0 =	simm.s32 $0xC  }
.LBB3_24:
0x191: {  	s2 =	smov.u32 s5;
	s3 =	smov.u32 s4  }
0x192: {  	s4 =	sshra.s32 s0, $0x2;
	p1 =	sne.s32 s0, $0x7C;
	s0 =	sadd.s32 $0x4, s0;
	(v2sf) =	vpush v0, $0x0  }
0x193: {  	v0 =	vld.msk [tilespmem:s4+$0xF218], $0x1  }
.Ltmp23:
0x194: {  	(pc) =	sbr.rel @p1 .LBB3_24-.Ltmp23, $4  }
0x195: {  	s5 =	spop (v2sf)  }
0x196: {  	p2 =	sne.s32 s3, $0xFFFFFFFF;
	s4 =	smov.u32 s5  }
0x197: {  	p3 =	seq.s32 s5, $0xFFFFFFFF;
	s4 =	smov.u32 @p2 s3  }
0x198: {  	s5 =	smov.u32 @p3 s2;
	s4 =	smov.u32 @p3 s3  }
0x199: {  	(v2sf) =	vpush v0, $0x0;
	_ =	sdelay $0x8  }
0x19a: {  	s0 =	spop (v2sf)  }
0x19b: {  	p1 =	sne.s32 s4, $0xFFFFFFFF;
	s2 =	smov.u32 s0  }
0x19c: {  	s9 =	simm.s32 $0x6;
	p2 =	seq.s32 s0, $0xFFFFFFFF;
	s2 =	smov.u32 @p1 s4  }
0x19d: {  	s6 =	simm.s32 $0x0;
	s2 =	smov.u32 @p2 s4;
	s3 =	spop (v2sf)  }
0x19e: {  	s0 =	smov.u32 @p2 s5;
	p1 =	sne.s32 s2, $0xFFFFFFFF;
	s4 =	smov.u32 s3  }
.Ltmp24:
0x19f: {  	p2 =	seq.s32 s3, $0xFFFFFFFF;
	s4 =	smov.u32 @p1 s2;
	(pc) =	sbr.rel .LBB3_26-.Ltmp24, $4  }
0x1a0: {  	s10 =	simm.s32 $0xF188;
	s4 =	smov.u32 @p2 s2;
	s7 =	spop (v2sf)  }
0x1a1: {  	s11 =	simm.s32 $0x0;
	p1 =	sne.s32 s4, $0xFFFFFFFF;
	s8 =	smov.u32 s7  }
0x1a2: {  	s3 =	smov.u32 @p2 s0;
	p2 =	seq.s32 s7, $0xFFFFFFFF;
	s8 =	smov.u32 @p1 s4  }
0x1a3: {  	[sflag:s9] =	ssyncpa.u1 $0x0;
	s7 =	smov.u32 @p2 s3;
	s8 =	smov.u32 @p2 s4  }
.LBB3_32:
0x1a4: {  	p1 =	sgt.u32 s12, $0x277F0  }
0x1a5: {  	p2 =	seq.s32 @!p1 s12, s8  }
0x1a6: {  	p1 =	por p1, p2  }
0x1a7: {  	p2 =	sne.s32 @!p1 s12, s7  }
0x1a8: {  	p1 =	por p1, !p2  }
0x1a9: {  	s0 =	sshll.u32 @p1 s11, $0x9  }
0x1aa: {  	s0 =	sand.u32 @!p1 $0x3FFF8, s12  }
0x1ab: {  	s2 =	sand.u32 @!p1 $0x7, s12;
	s0 =	sadd.s32 @!p1 s1, s0  }
0x1ac: {  	[tilespmem:s10], [sflag:$0x6] =	stream.linear.gather @!p1 [hbm4b:s0+s2], $0x80, $0x38;
	[tilespmem:$0x1F6F8] =	vst v63  }
0x1ad: {  	_ =	swait.ge @!p1 [sflag:s9], $0x80  }
0x1ae: {  	[sflag:s9] =	ssyncset.done @!p1 $0x0  }
0x1af: {  	[sflag:s9] =	ssyncadd.s32 @!p1 $0xFFFFFF80  }
0x1b0: {  	v1 =	vld @!p1 [tilespmem:$0xF188];
	_ =	sdelay $0x2  }
0x1b1: {  	s0 =	sshll.u32 @!p1 s11, $0x9  }
0x1b2: {  	s2 =	sshrl.u32 @!p1 s0, $0x2  }
0x1b3: {  	[tilespmem:s2+$0xF238] =	vst.add.f32.msk @!p1 $0xffff, v1  }
0x1b4: {  	v1 =	vld @!p1 [tilespmem:$0xF198];
	_ =	sdelay $0x4  }
0x1b5: {  	[tilespmem:s2+$0xF248] =	vst.add.f32.msk @!p1 $0xffff, v1  }
0x1b6: {  	v1 =	vld @!p1 [tilespmem:$0xF1A8];
	_ =	sdelay $0x4  }
0x1b7: {  	[tilespmem:s2+$0xF258] =	vst.add.f32.msk @!p1 $0xffff, v1  }
0x1b8: {  	v1 =	vld @!p1 [tilespmem:$0xF1B8];
	_ =	sdelay $0x4  }
0x1b9: {  	[tilespmem:s2+$0xF268] =	vst.add.f32.msk @!p1 $0xffff, v1  }
0x1ba: {  	v1 =	vld @!p1 [tilespmem:$0xF1C8];
	_ =	sdelay $0x4  }
0x1bb: {  	[tilespmem:s2+$0xF278] =	vst.add.f32.msk @!p1 $0xffff, v1  }
0x1bc: {  	v1 =	vld @!p1 [tilespmem:$0xF1D8];
	_ =	sdelay $0x4  }
0x1bd: {  	[tilespmem:s2+$0xF288] =	vst.add.f32.msk @!p1 $0xffff, v1  }
0x1be: {  	v1 =	vld @!p1 [tilespmem:$0xF1E8];
	_ =	sdelay $0x4  }
0x1bf: {  	[tilespmem:s2+$0xF298] =	vst.add.f32.msk @!p1 $0xffff, v1  }
0x1c0: {  	v1 =	vld @!p1 [tilespmem:$0xF1F8];
	_ =	sdelay $0x4  }
0x1c1: {  	[tilespmem:s2+$0xF2A8] =	vst.add.f32.msk @!p1 $0xffff, v1  }
0x1c2: {  	s0 =	sshrl.u32 s0, $0x2;
	[tilespmem:s6+$0xF218] =	vst.msk $0x1, v0  }
0x1c3: {  	v0 =	vld [tilespmem:s0+$0xF238];
	_ =	sdelay $0x2  }
0x1c4: {  	s31 =	sshll.u32 s6, $0x9  }
0x1c5: {  	s2 =	sshra.s32 s31, $0x2  }
0x1c6: {  	[tilespmem:s2+$0xF238] =	vst v0  }
0x1c7: {  	v0 =	vld [tilespmem:s0+$0xF248];
	_ =	sdelay $0x4  }
0x1c8: {  	[tilespmem:s2+$0xF248] =	vst v0  }
0x1c9: {  	v0 =	vld [tilespmem:s0+$0xF258];
	_ =	sdelay $0x4  }
0x1ca: {  	[tilespmem:s2+$0xF258] =	vst v0  }
0x1cb: {  	v0 =	vld [tilespmem:s0+$0xF268];
	_ =	sdelay $0x4  }
0x1cc: {  	[tilespmem:s2+$0xF268] =	vst v0  }
0x1cd: {  	v0 =	vld [tilespmem:s0+$0xF278];
	_ =	sdelay $0x4  }
0x1ce: {  	[tilespmem:s2+$0xF278] =	vst v0  }
0x1cf: {  	v0 =	vld [tilespmem:s0+$0xF288];
	_ =	sdelay $0x4  }
0x1d0: {  	[tilespmem:s2+$0xF288] =	vst v0  }
0x1d1: {  	v0 =	vld [tilespmem:s0+$0xF298];
	_ =	sdelay $0x4  }
0x1d2: {  	[tilespmem:s2+$0xF298] =	vst v0  }
0x1d3: {  	v0 =	vld [tilespmem:s0+$0xF2A8];
	_ =	sdelay $0x4  }
0x1d4: {  	s6 =	sadd.s32 $0x1, s6;
	[tilespmem:s2+$0xF2A8] =	vst v0  }
.LBB3_33:
0x1d5: {  	s11 =	sadd.s32 $0x1, s11  }
0x1d6: {  	p1 =	sne.s32 s11, $0x20  }
.Ltmp25:
0x1d7: {  	_ = 	snop;
	(pc) =	sbr.rel @!p1 .LBB3_34-.Ltmp25, $1  }
0x1d8: {  	_ =	sdelay $0x3  }
.LBB3_26:
0x1d9: {  	v0 =	vld.msk [tilespmem:s11+$0xF218], $0x1;
	_ =	sdelay $0x4  }
0x1da: {  	(v2sf) =	vpush v0, $0x0;
	_ =	sdelay $0xe  }
0x1db: {  	s12 =	spop (v2sf)  }
0x1dc: {  	p1 =	seq.s32 s12, $0xFFFFFFFF  }
.Ltmp26:
0x1dd: {  	_ = 	snop;
	(pc) =	sbr.rel @p1 .LBB3_33-.Ltmp26, $1  }
0x1de: {  	_ =	sdelay $0x3  }
0x1df: {  	p1 =	slt.s32 s6, $0x1  }
.Ltmp27:
0x1e0: {  	_ = 	snop;
	(pc) =	sbr.rel @p1 .LBB3_32-.Ltmp27, $1  }
0x1e1: {  	_ =	sdelay $0x3  }
0x1e2: {  	s13 =	simm.s32 $0xF218;
	p1 =	por $0x0, $0x0  }
0x1e3: {  	v1 =	vld.msk @!p1 [tilespmem:s13+$0x0], $0x1;
	_ =	sdelay $0x4  }
0x1e4: {  	(v2sf) =	vpush @!p1 v1, $0x0;
	_ =	sdelay $0xd  }
0x1e5: {  	p3 =	sne.s32 s6, $0x1  }
.Ltmp28:
0x1e6: {  	s0 =	spop @!p1 (v2sf);
	(pc) =	sbr.rel @!p3 .LBB3_30-.Ltmp28, $4  }
0x1e7: {  	p2 =	seq.s32 @!p1 s12, s0  }
0x1e8: {  	s14 =	simm.s32 $0x0;
	p2 =	por !p2, p1  }
0x1e9: {  	s2 =	simm.s32 $0xFFFFFFFF;
	s14 =	simm.s32 @p2 $0xFFFFFFFF  }
0x1ea: {  	s0 =	simm.s32 $0x1;
	s14 =	smov.u32 @p1 s2  }
.LBB3_29:
0x1eb: {  	s2 =	smov.u32 s14;
	p1 =	sne.s32 s14, $0xFFFFFFFF  }
0x1ec: {  	s13 =	sadd.s32 $0x1, s13;
	s14 =	smov.u32 s0;
	s0 =	sadd.s32 $0x1, s0  }
0x1ed: {  	p2 =	sne.s32 s6, s0;
	v1 =	vld.msk @!p1 [tilespmem:s13+$0x0], $0x1;
	_ =	sdelay $0x4  }
0x1ee: {  	(v2sf) =	vpush @!p1 v1, $0x0;
	_ =	sdelay $0xe  }
.Ltmp29:
0x1ef: {  	s3 =	spop @!p1 (v2sf);
	(pc) =	sbr.rel @p2 .LBB3_29-.Ltmp29, $4  }
0x1f0: {  	p3 =	seq.s32 @!p1 s12, s3  }
0x1f1: {  	p3 =	por !p3, p1  }
0x1f2: {  	s14 =	simm.s32 @p3 $0xFFFFFFFF  }
0x1f3: {  	s14 =	smov.u32 @p1 s2  }
.LBB3_30:
0x1f4: {  	p1 =	seq.s32 s14, $0xFFFFFFFF  }
.Ltmp30:
0x1f5: {  	_ = 	snop;
	(pc) =	sbr.rel @p1 .LBB3_32-.Ltmp30, $1  }
0x1f6: {  	_ =	sdelay $0x3  }
0x1f7: {  	s0 =	sshll.u32 s11, $0x7  }
0x1f8: {  	s0 =	sand.u32 $0x3FFFFF80, s0  }
0x1f9: {  	v0 =	vld [tilespmem:s0+$0xF238];
	_ =	sdelay $0x2  }
0x1fa: {  	s2 =	sshll.u32 s14, $0x9  }
0x1fb: {  	s2 =	sshra.s32 s2, $0x2  }
0x1fc: {  	[tilespmem:s2+$0xF238] =	vst.add.f32.msk $0xffff, v0  }
0x1fd: {  	v0 =	vld [tilespmem:s0+$0xF248];
	_ =	sdelay $0x4  }
0x1fe: {  	[tilespmem:s2+$0xF248] =	vst.add.f32.msk $0xffff, v0  }
0x1ff: {  	v0 =	vld [tilespmem:s0+$0xF258];
	_ =	sdelay $0x4  }
0x200: {  	[tilespmem:s2+$0xF258] =	vst.add.f32.msk $0xffff, v0  }
0x201: {  	v0 =	vld [tilespmem:s0+$0xF268];
	_ =	sdelay $0x4  }
0x202: {  	[tilespmem:s2+$0xF268] =	vst.add.f32.msk $0xffff, v0  }
0x203: {  	v0 =	vld [tilespmem:s0+$0xF278];
	_ =	sdelay $0x4  }
0x204: {  	[tilespmem:s2+$0xF278] =	vst.add.f32.msk $0xffff, v0  }
0x205: {  	v0 =	vld [tilespmem:s0+$0xF288];
	_ =	sdelay $0x4  }
0x206: {  	[tilespmem:s2+$0xF288] =	vst.add.f32.msk $0xffff, v0  }
0x207: {  	v0 =	vld [tilespmem:s0+$0xF298];
	_ =	sdelay $0x4  }
0x208: {  	[tilespmem:s2+$0xF298] =	vst.add.f32.msk $0xffff, v0  }
0x209: {  	v0 =	vld [tilespmem:s0+$0xF2A8]  }
.Ltmp31:
0x20a: {  	_ = 	snop;
	(pc) =	sbr.rel .LBB3_33-.Ltmp31, $2  }
0x20b: {  	_ =	sdelay $0x2  }
0x20c: {  	[tilespmem:s2+$0xF2A8] =	vst.add.f32.msk $0xffff, v0  }
.LBB3_34:
0x20d: {  	s0 =	simm.s32 $0x6;
	p1 =	seq.s32 s6, $0x0  }
0x20e: {  	[sflag:s0] =	ssyncpa.u1 $0x1;
	v0 =	vimm.s32 @p1 $0xFFFFFFFF  }
0x20f: {  	s9 =	sadd.s32 $0xFFFFFFFF, s6;
	[tilespmem:$0x10238] =	vst @p1 v0  }
0x210: {  	v0 =	vld.msk @!p1 [tilespmem:s9+$0xF218], $0x1;
	_ =	sdelay $0x1  }
0x211: {  	v1 =	vld.msk @!p1 [tilespmem:$0xF218], $0x1;
	_ =	sdelay $0x2  }
0x212: {  	p2 =	seq.s32 @!p1 s9, $0x0;
	v0 =	vbroadcast @!p1 v0, $0x0  }
0x213: {  	vm0 =	vmmov @!p1 $0x1;
	p2 =	por !p2, p1  }
0x214: {  	v1 =	vnsel @!p1 vm0, $0xFFFFFFFF, v1;
	vm0 =	vcmask @!p1 $0x308;
	v0 =	vpsel !p2, $0xFFFFFFFF, v0  }
0x215: {  	p2 =	sne.s32 @!p1 s8, s7;
	v0 =	vsel @!p1 vm0, v1, v0  }
0x216: {  	s0 =	simm.s32 @!p1 $0xF238;
	s2 =	simm.s32 @!p1 $0x0;
	p3 =	por !p2, p1;
	[tilespmem:$0x10238] =	vst @!p1 v0  }
0x217: {  	[spmem:s2] =	stream.linear.scatter @!p1 [tilespmem:s0], [sflag:$0x1], $0x80, $0x38;
	[tilespmem:$0x1F6F8] =	vst v63  }
0x218: {  	s0 =	sshll.u32 @!p3 s9, $0x9  }
0x219: {  	s0 =	sshra.s32 @!p3 s0, $0x2  }
0x21a: {  	s2 =	simm.s32 @!p3 $0x80;
	s0 =	sadd.s32 @!p3 $0xF238, s0  }
0x21b: {  	[spmem:s2] =	stream.linear.scatter @!p3 [tilespmem:s0], [sflag:$0x1], $0x80, $0x38;
	[tilespmem:$0x1F6F8] =	vst v63  }
0x21c: {  	s0 =	simm.s32 @!p3 $0x1  }
0x21d: {  	_ =	swait.ge @!p3 [sflag:s0], $0x100  }
0x21e: {  	p1 =	por p2, p1;
	[sflag:s0] =	ssyncset.done @!p3 $0x0  }
0x21f: {  	[sflag:s0] =	ssyncadd.s32 @!p3 $0xFFFFFF00;
	s0 =	simm.s32 @!p1 $0x1  }
0x220: {  	_ =	swait.ge @!p1 [sflag:s0], $0x80  }
0x221: {  	s29 =	simm.s32 $0x10238;
	[sflag:s0] =	ssyncset.done @!p1 $0x0  }
0x222: {  	s30 =	simm.s32 $0x1000;
	s31 =	simm.s32 $0x1;
	[sflag:s0] =	ssyncadd.s32 @!p1 $0xFFFFFF80  }
0x223: {  	[spmem:s30] =	stream.linear.scatter [tilespmem:s29], [sflag:$0x1], $0x10, $0x38;
	[tilespmem:$0x1F6F8] =	vst v63  }
0x224: {  	_ =	swait.ge [sflag:s31], $0x10  }
0x225: {  	[sflag:s31] =	ssyncset.done $0x0  }
0x226: {  	p1 =	seq.s32 s15, $0x0;
	s8 =	rddreg [dreg:$0x1];
	[sflag:s31] =	ssyncadd.s32 $0xFFFFFFF0  }
0x227: {  	s2 =	sshll.u32 @p1 s8, $0xE;
	s7 =	rddreg [dreg:$0x2]  }
0x228: {  	s0 =	sadd.s32 @p1 $0x15C3C, s2;
	s2 =	sshll.u32 @p1 s7, $0x11  }
0x229: {  	_ =	sfence.stream.spmem;
	s0 =	sor.u32 @p1 s2, s0  }
0x22a: {  	[sflag:s0] =	ssyncadd.remote.s32 @p1 $0x1;
	s0 =	simm.s32 @p1 $0x4  }
0x22b: {  	s3 =	simm.s32 @!p1 $0x3C;
	s2 =	sand.u32 $0xFFFFFFFE, s8;
	_ =	swait.ge @p1 [sflag:s0], $0x22  }
0x22c: {  	s4 =	simm.s32 @!p1 $0x0;
	s2 =	sadd.s32 @!p1 $0x4, s2;
	[sflag:s0] =	ssyncset.done @p1 $0x0  }
0x22d: {  	s5 =	simm.s32 @!p1 $0x100;
	[sflag:s0] =	ssyncadd.s32 @p1 $0xFFFFFFDE;
	s0 =	sshll.u32 @!p1 s2, $0x1A  }
0x22e: {  	s2 =	sshll.u32 @!p1 s2, $0xD;
	s0 =	sor.u32 @!p1 s0, s7;
	_ =	swait.eq @!p1 [sflag:s3], $0x1  }
0x22f: {  	s2 =	sor.u32 @!p1 $0x1C04, s2;
	s3 =	simm.s32 @!p1 $0x1C03;
	s0 =	sor.u32 @!p1 $0x80004000, s0  }
0x230: {  	[spmem:s5], [sflag:s2] =	dma.general @!p1 [spmem:s4], [sflag:s3], length:$0x20, [dreg:$0x0], stride_count:$0x0, ici_dest:s0, dma_misc:DstOpCode:WRITE  }
0x231: {  	p2 =	slt.s32 s9, $0x2;
	s4 =	simm.s32 @!p1 $0x200;
	s5 =	simm.s32 @!p1 $0x202  }
0x232: {  	[spmem:s5], [sflag:s2] =	dma.general @!p1 [spmem:s4], [sflag:s3], length:$0x2, [dreg:$0x0], stride_count:$0x0, ici_dest:s0, dma_misc:DstOpCode:WRITE  }
.Ltmp32:
0x233: {  	s0 =	simm.s32 @!p1 $0x3;
	(pc) =	sbr.rel @p2 .LBB3_38-.Ltmp32, $4  }
0x234: {  	s2 =	sshll.u32 @!p1 s8, $0xE;
	_ =	swait.ge @!p1 [sflag:s0], $0x22  }
0x235: {  	s3 =	sshll.u32 @!p1 s7, $0x11;
	s2 =	sadd.s32 @!p1 $0x11C3C, s2;
	[sflag:s0] =	ssyncset.done @!p1 $0x0  }
0x236: {  	[sflag:s0] =	ssyncadd.s32 @!p1 $0xFFFFFFDE;
	s0 =	sor.u32 @!p1 s3, s2  }
0x237: {  	[sflag:s0] =	ssyncadd.remote.s32 @!p1 $0xFFFFFFFF;
	s0 =	simm.s32 $0x0  }
0x238: {  	s0 =	simm.s32 $0xF219  }
0x239: {  	v0 =	vld.msk [tilespmem:s0+$0x0], $0x1;
	_ =	sdelay $0x4  }
0x23a: {  	(v2sf) =	vpush v0, $0x0;
	_ =	sdelay $0xb  }
0x23b: {  	s31 =	sadd.s32 $0xFFFFFFFE, s6  }
0x23c: {  	s0 =	sadd.s32 $0xFFFFFFFF, s31  }
0x23d: {  	p2 =	sne.s32 s0, $0x0  }
.Ltmp33:
0x23e: {  	s2 =	spop (v2sf);
	(pc) =	sbr.rel @!p2 .LBB3_37-.Ltmp33, $4  }
0x23f: {  	s4 =	simm.s32 $0xF2B8;
	s7 =	simm.s32 $0x0;
	p1 =	sgt.u32 s2, $0x277F0  }
0x240: {  	s5 =	simm.s32 $0x0;
	s6 =	simm.s32 $0xF21A;
	s3 =	sand.u32 @!p1 $0x3FFF8, s2  }
0x241: {  	s2 =	sand.u32 @!p1 $0x7, s2;
	s7 =	simm.s32 @!p1 $0x200;
	s3 =	sadd.s32 @!p1 s1, s3  }
0x242: {  	[hbm4b:s3+s2] =	stream.linear.scatter @!p1 [tilespmem:s4], [sflag:$0x5], $0x80, $0x38;
	[tilespmem:$0x1F6F8] =	vst v63  }
.LBB3_36:
0x243: {  	v0 =	vld.msk [tilespmem:s6+$0x0], $0x1;
	s0 =	sadd.s32 $0xFFFFFFFF, s0;
	s5 =	sadd.s32 s5, s7  }
0x244: {  	p1 =	sne.s32 s0, $0x0;
	_ =	sdelay $0x3  }
0x245: {  	(v2sf) =	vpush v0, $0x0;
	_ =	sdelay $0xe  }
.Ltmp34:
0x246: {  	s2 =	spop (v2sf);
	(pc) =	sbr.rel @p1 .LBB3_36-.Ltmp34, $4  }
0x247: {  	s7 =	simm.s32 $0x0;
	p2 =	sgt.u32 s2, $0x277F0  }
0x248: {  	s4 =	sadd.s32 $0x80, s4;
	s7 =	simm.s32 @!p2 $0x200;
	s3 =	sand.u32 @!p2 $0x3FFF8, s2  }
0x249: {  	s6 =	sadd.s32 $0x1, s6;
	s2 =	sand.u32 @!p2 $0x7, s2;
	s3 =	sadd.s32 @!p2 s1, s3  }
0x24a: {  	[hbm4b:s3+s2] =	stream.linear.scatter @!p2 [tilespmem:s4], [sflag:$0x5], $0x80, $0x38;
	[tilespmem:$0x1F6F8] =	vst v63  }
.LBB3_37:
0x24b: {  	s0 =	sadd.s32 s5, s7  }
0x24c: {  	s0 =	sshrl.u32 s0, $0x2  }
.LBB3_38:
0x24d: {  	s2 =	simm.s32 $0x5  }
0x24e: {  	_ =	swait.ge [sflag:s2], s0  }
0x24f: {  	s31 =	ssub.s32 $0x0, s0;
	[sflag:s2] =	ssyncset.done $0x0  }
0x250: {  	[sflag:s2] =	ssyncadd.s32 s31  }
0x251: {  	[sflag:s2] =	ssyncpa.u1 $0x1  }
.LBB3_39:
0x252: {  	s0 =	sor.u32 s15, s16  }
0x253: {  	p1 =	sne.s32 s0, $0x0  }
.Ltmp35:
0x254: {  	_ = 	snop;
	(pc) =	sbr.rel @p1 .LBB3_54-.Ltmp35, $3  }
0x255: {  	_ =	sdelay $0x1  }
0x256: {  	[bflag:$0x0] =	sbarrier.arrive $0xFFFF  }
0x257: {  	_ =	sfence  }
0x258: {  	s0 =	simm.s32 $0x7  }
0x259: {  	s2 =	simm.s32 $0x1000;
	s3 =	simm.s32 $0xF218;
	[sflag:s0] =	ssyncpa.u1 $0x0  }
0x25a: {  	[tilespmem:s3], [sflag:$0x7] =	stream.linear.gather [spmem:s2], $0x20, $0x38;
	[tilespmem:$0x1F6F8] =	vst v63  }
0x25b: {  	s30 =	simm.s32 $0xF238;
	s2 =	simm.s32 $0x0  }
0x25c: {  	[tilespmem:s30], [sflag:$0x7] =	stream.linear.gather [spmem:s2], $0x1000, $0x38;
	[tilespmem:$0x1F6F8] =	vst v63  }
.Ltmp36:
0x25d: {  	_ = 	snop;
	(pc) =	sbr.rel .LBB3_41-.Ltmp36, $4  }
0x25e: {  	_ =	swait.ge [sflag:s0], $0x1020  }
0x25f: {  	[sflag:s0] =	ssyncset.done $0x0  }
0x260: {  	s31 =	simm.s32 $0x8;
	[sflag:s0] =	ssyncadd.s32 $0xFFFFEFE0  }
0x261: {  	s3 =	simm.s32 $0x0;
	[sflag:s31] =	ssyncpa.u1 $0x0  }
.LBB3_47:
0x262: {  	p1 =	slt.u32 s4, $0x277F1  }
0x263: {  	s0 =	sand.u32 @p1 $0x3FFF8, s4  }
0x264: {  	s4 =	sand.u32 @p1 $0x7, s4;
	s5 =	simm.s32 @p1 $0xF188;
	s0 =	sadd.s32 @p1 s1, s0  }
0x265: {  	[tilespmem:s5], [sflag:$0x8] =	stream.linear.gather @p1 [hbm4b:s0+s4], $0x80, $0x38;
	[tilespmem:$0x1F6F8] =	vst v63  }
0x266: {  	s0 =	simm.s32 @p1 $0x8  }
0x267: {  	_ =	swait.ge @p1 [sflag:s0], $0x80  }
0x268: {  	[sflag:s0] =	ssyncset.done @p1 $0x0  }
0x269: {  	[sflag:s0] =	ssyncadd.s32 @p1 $0xFFFFFF80  }
0x26a: {  	v1 =	vld @p1 [tilespmem:$0xF188];
	_ =	sdelay $0x2  }
0x26b: {  	s0 =	sshll.u32 @p1 s3, $0x9  }
0x26c: {  	s4 =	sshrl.u32 @p1 s0, $0x2  }
0x26d: {  	[tilespmem:s4+$0xF238] =	vst.add.f32.msk @p1 $0xffff, v1  }
0x26e: {  	v1 =	vld @p1 [tilespmem:$0xF198];
	_ =	sdelay $0x4  }
0x26f: {  	[tilespmem:s4+$0xF248] =	vst.add.f32.msk @p1 $0xffff, v1  }
0x270: {  	v1 =	vld @p1 [tilespmem:$0xF1A8];
	_ =	sdelay $0x4  }
0x271: {  	[tilespmem:s4+$0xF258] =	vst.add.f32.msk @p1 $0xffff, v1  }
0x272: {  	v1 =	vld @p1 [tilespmem:$0xF1B8];
	_ =	sdelay $0x4  }
0x273: {  	[tilespmem:s4+$0xF268] =	vst.add.f32.msk @p1 $0xffff, v1  }
0x274: {  	v1 =	vld @p1 [tilespmem:$0xF1C8];
	_ =	sdelay $0x4  }
0x275: {  	[tilespmem:s4+$0xF278] =	vst.add.f32.msk @p1 $0xffff, v1  }
0x276: {  	v1 =	vld @p1 [tilespmem:$0xF1D8];
	_ =	sdelay $0x4  }
0x277: {  	[tilespmem:s4+$0xF288] =	vst.add.f32.msk @p1 $0xffff, v1  }
0x278: {  	v1 =	vld @p1 [tilespmem:$0xF1E8];
	_ =	sdelay $0x4  }
0x279: {  	[tilespmem:s4+$0xF298] =	vst.add.f32.msk @p1 $0xffff, v1  }
0x27a: {  	v1 =	vld @p1 [tilespmem:$0xF1F8];
	_ =	sdelay $0x3  }
0x27b: {  	s5 =	sshll.u32 @!p1 s3, $0x9  }
0x27c: {  	s5 =	smov.u32 @p1 s0;
	[tilespmem:s4+$0xF2A8] =	vst.add.f32.msk @p1 $0xffff, v1  }
0x27d: {  	s0 =	sshrl.u32 s5, $0x2;
	[tilespmem:s2+$0xF218] =	vst.msk $0x1, v0  }
0x27e: {  	v0 =	vld [tilespmem:s0+$0xF238];
	_ =	sdelay $0x2  }
0x27f: {  	s31 =	sshll.u32 s2, $0x9  }
0x280: {  	s4 =	sshra.s32 s31, $0x2  }
0x281: {  	[tilespmem:s4+$0xF238] =	vst v0  }
0x282: {  	v0 =	vld [tilespmem:s0+$0xF248];
	_ =	sdelay $0x4  }
0x283: {  	[tilespmem:s4+$0xF248] =	vst v0  }
0x284: {  	v0 =	vld [tilespmem:s0+$0xF258];
	_ =	sdelay $0x4  }
0x285: {  	[tilespmem:s4+$0xF258] =	vst v0  }
0x286: {  	v0 =	vld [tilespmem:s0+$0xF268];
	_ =	sdelay $0x4  }
0x287: {  	[tilespmem:s4+$0xF268] =	vst v0  }
0x288: {  	v0 =	vld [tilespmem:s0+$0xF278];
	_ =	sdelay $0x4  }
0x289: {  	[tilespmem:s4+$0xF278] =	vst v0  }
0x28a: {  	v0 =	vld [tilespmem:s0+$0xF288];
	_ =	sdelay $0x4  }
0x28b: {  	[tilespmem:s4+$0xF288] =	vst v0  }
0x28c: {  	v0 =	vld [tilespmem:s0+$0xF298];
	_ =	sdelay $0x4  }
0x28d: {  	[tilespmem:s4+$0xF298] =	vst v0  }
0x28e: {  	v0 =	vld [tilespmem:s0+$0xF2A8];
	_ =	sdelay $0x4  }
0x28f: {  	s2 =	sadd.s32 $0x1, s2;
	[tilespmem:s4+$0xF2A8] =	vst v0  }
.LBB3_48:
0x290: {  	s3 =	sadd.s32 $0x1, s3  }
0x291: {  	p1 =	sne.s32 s3, $0x20  }
.Ltmp37:
0x292: {  	_ = 	snop;
	(pc) =	sbr.rel @!p1 .LBB3_49-.Ltmp37, $1  }
0x293: {  	_ =	sdelay $0x3  }
.LBB3_41:
0x294: {  	v0 =	vld.msk [tilespmem:s3+$0xF218], $0x1;
	_ =	sdelay $0x4  }
0x295: {  	(v2sf) =	vpush v0, $0x0;
	_ =	sdelay $0xe  }
0x296: {  	s4 =	spop (v2sf)  }
0x297: {  	p1 =	seq.s32 s4, $0xFFFFFFFF  }
.Ltmp38:
0x298: {  	_ = 	snop;
	(pc) =	sbr.rel @p1 .LBB3_48-.Ltmp38, $1  }
0x299: {  	_ =	sdelay $0x3  }
0x29a: {  	p1 =	slt.s32 s2, $0x1  }
.Ltmp39:
0x29b: {  	_ = 	snop;
	(pc) =	sbr.rel @p1 .LBB3_47-.Ltmp39, $1  }
0x29c: {  	_ =	sdelay $0x3  }
0x29d: {  	s5 =	simm.s32 $0xF218;
	p1 =	por $0x0, $0x0  }
0x29e: {  	v1 =	vld.msk @!p1 [tilespmem:s5+$0x0], $0x1;
	_ =	sdelay $0x4  }
0x29f: {  	(v2sf) =	vpush @!p1 v1, $0x0;
	_ =	sdelay $0xd  }
0x2a0: {  	p3 =	sne.s32 s2, $0x1  }
.Ltmp40:
0x2a1: {  	s0 =	spop @!p1 (v2sf);
	(pc) =	sbr.rel @!p3 .LBB3_45-.Ltmp40, $4  }
0x2a2: {  	p2 =	seq.s32 @!p1 s4, s0  }
0x2a3: {  	s6 =	simm.s32 $0x0;
	p2 =	por !p2, p1  }
0x2a4: {  	s7 =	simm.s32 $0xFFFFFFFF;
	s6 =	simm.s32 @p2 $0xFFFFFFFF  }
0x2a5: {  	s0 =	simm.s32 $0x1;
	s6 =	smov.u32 @p1 s7  }
.LBB3_44:
0x2a6: {  	s7 =	smov.u32 s6;
	p1 =	sne.s32 s6, $0xFFFFFFFF  }
0x2a7: {  	s5 =	sadd.s32 $0x1, s5;
	s6 =	smov.u32 s0;
	s0 =	sadd.s32 $0x1, s0  }
0x2a8: {  	p2 =	sne.s32 s2, s0;
	v1 =	vld.msk @!p1 [tilespmem:s5+$0x0], $0x1;
	_ =	sdelay $0x4  }
0x2a9: {  	(v2sf) =	vpush @!p1 v1, $0x0;
	_ =	sdelay $0xe  }
.Ltmp41:
0x2aa: {  	s8 =	spop @!p1 (v2sf);
	(pc) =	sbr.rel @p2 .LBB3_44-.Ltmp41, $4  }
0x2ab: {  	p3 =	seq.s32 @!p1 s4, s8  }
0x2ac: {  	p3 =	por !p3, p1  }
0x2ad: {  	s6 =	simm.s32 @p3 $0xFFFFFFFF  }
0x2ae: {  	s6 =	smov.u32 @p1 s7  }
.LBB3_45:
0x2af: {  	p1 =	seq.s32 s6, $0xFFFFFFFF  }
.Ltmp42:
0x2b0: {  	_ = 	snop;
	(pc) =	sbr.rel @p1 .LBB3_47-.Ltmp42, $1  }
0x2b1: {  	_ =	sdelay $0x3  }
0x2b2: {  	s0 =	sshll.u32 s3, $0x7  }
0x2b3: {  	s0 =	sand.u32 $0x3FFFFF80, s0  }
0x2b4: {  	v0 =	vld [tilespmem:s0+$0xF238];
	_ =	sdelay $0x2  }
0x2b5: {  	s4 =	sshll.u32 s6, $0x9  }
0x2b6: {  	s4 =	sshra.s32 s4, $0x2  }
0x2b7: {  	[tilespmem:s4+$0xF238] =	vst.add.f32.msk $0xffff, v0  }
0x2b8: {  	v0 =	vld [tilespmem:s0+$0xF248];
	_ =	sdelay $0x4  }
0x2b9: {  	[tilespmem:s4+$0xF248] =	vst.add.f32.msk $0xffff, v0  }
0x2ba: {  	v0 =	vld [tilespmem:s0+$0xF258];
	_ =	sdelay $0x4  }
0x2bb: {  	[tilespmem:s4+$0xF258] =	vst.add.f32.msk $0xffff, v0  }
0x2bc: {  	v0 =	vld [tilespmem:s0+$0xF268];
	_ =	sdelay $0x4  }
0x2bd: {  	[tilespmem:s4+$0xF268] =	vst.add.f32.msk $0xffff, v0  }
0x2be: {  	v0 =	vld [tilespmem:s0+$0xF278];
	_ =	sdelay $0x4  }
0x2bf: {  	[tilespmem:s4+$0xF278] =	vst.add.f32.msk $0xffff, v0  }
0x2c0: {  	v0 =	vld [tilespmem:s0+$0xF288];
	_ =	sdelay $0x4  }
0x2c1: {  	[tilespmem:s4+$0xF288] =	vst.add.f32.msk $0xffff, v0  }
0x2c2: {  	v0 =	vld [tilespmem:s0+$0xF298];
	_ =	sdelay $0x4  }
0x2c3: {  	[tilespmem:s4+$0xF298] =	vst.add.f32.msk $0xffff, v0  }
0x2c4: {  	v0 =	vld [tilespmem:s0+$0xF2A8]  }
.Ltmp43:
0x2c5: {  	_ = 	snop;
	(pc) =	sbr.rel .LBB3_48-.Ltmp43, $2  }
0x2c6: {  	_ =	sdelay $0x2  }
0x2c7: {  	[tilespmem:s4+$0xF2A8] =	vst.add.f32.msk $0xffff, v0  }
.LBB3_49:
0x2c8: {  	p1 =	slt.s32 s2, $0x1  }
.Ltmp44:
0x2c9: {  	_ = 	snop;
	(pc) =	sbr.rel @p1 .LBB3_53-.Ltmp44, $3  }
0x2ca: {  	_ =	sdelay $0x1  }
0x2cb: {  	s0 =	simm.s32 $0x8  }
0x2cc: {  	s3 =	simm.s32 $0x0;
	[sflag:s0] =	ssyncpa.u1 $0x1  }
0x2cd: {  	s0 =	simm.s32 $0xF218  }
0x2ce: {  	v0 =	vld.msk [tilespmem:s0+$0x0], $0x1;
	_ =	sdelay $0x4  }
0x2cf: {  	(v2sf) =	vpush v0, $0x0;
	_ =	sdelay $0xe  }
0x2d0: {  	s0 =	sadd.s32 $0xFFFFFFFF, s2;
	s5 =	spop (v2sf)  }
0x2d1: {  	p2 =	sne.s32 s0, $0x0;
	p1 =	sgt.u32 s5, $0x277F0  }
.Ltmp45:
0x2d2: {  	s6 =	sand.u32 @!p1 $0x3FFF8, s5;
	(pc) =	sbr.rel @!p2 .LBB3_52-.Ltmp45, $4  }
0x2d3: {  	s4 =	simm.s32 $0xF238;
	s5 =	sand.u32 @!p1 $0x7, s5;
	s2 =	sadd.s32 @!p1 s1, s6  }
0x2d4: {  	[hbm4b:s2+s5] =	stream.linear.scatter @!p1 [tilespmem:s4], [sflag:$0x7], $0x80, $0x38;
	[tilespmem:$0x1F6F8] =	vst v63  }
0x2d5: {  	s5 =	simm.s32 $0x0  }
0x2d6: {  	s2 =	simm.s32 $0xF219;
	s5 =	simm.s32 @!p1 $0x200  }
.LBB3_51:
0x2d7: {  	v0 =	vld.msk [tilespmem:s2+$0x0], $0x1;
	s0 =	sadd.s32 $0xFFFFFFFF, s0;
	s3 =	sadd.s32 s3, s5  }
0x2d8: {  	p1 =	sne.s32 s0, $0x0;
	_ =	sdelay $0x3  }
0x2d9: {  	(v2sf) =	vpush v0, $0x0;
	_ =	sdelay $0xe  }
.Ltmp46:
0x2da: {  	s6 =	spop (v2sf);
	(pc) =	sbr.rel @p1 .LBB3_51-.Ltmp46, $4  }
0x2db: {  	s5 =	simm.s32 $0x0;
	p2 =	sgt.u32 s6, $0x277F0  }
0x2dc: {  	s4 =	sadd.s32 $0x80, s4;
	s5 =	simm.s32 @!p2 $0x200;
	s7 =	sand.u32 @!p2 $0x3FFF8, s6  }
0x2dd: {  	s2 =	sadd.s32 $0x1, s2;
	s6 =	sand.u32 @!p2 $0x7, s6;
	s7 =	sadd.s32 @!p2 s1, s7  }
0x2de: {  	[hbm4b:s7+s6] =	stream.linear.scatter @!p2 [tilespmem:s4], [sflag:$0x7], $0x80, $0x38;
	[tilespmem:$0x1F6F8] =	vst v63  }
.LBB3_52:
0x2df: {  	s0 =	sadd.s32 s3, s5  }
0x2e0: {  	s3 =	sshrl.u32 s0, $0x2  }
.LBB3_53:
0x2e1: {  	s0 =	simm.s32 $0x7  }
0x2e2: {  	_ =	swait.ge [sflag:s0], s3  }
0x2e3: {  	s1 =	ssub.s32 $0x0, s3;
	[sflag:s0] =	ssyncset.done $0x0  }
0x2e4: {  	[sflag:s0] =	ssyncadd.s32 s1  }
0x2e5: {  	[sflag:s0] =	ssyncpa.u1 $0x1  }
.LBB3_54:
0x2e6: {  	_ =	sfence;
	s0 =	simm.s32 $0x1  }
0x2e7: {  	[sflag:s0] =	ssyncpa.u1 $0x1  }
0x2e8: {  	_ =	strace $0x90000053  }
0x2e9: {  	[bflag:$0x2] =	sbarrier.arrive $0xFFFF  }
0x2ea: {  	s0 =	rddreg [dreg:$0x3]  }
0x2eb: {  	s0 =	sadd.s32 @!p0 $0x100000, s0  }
0x2ec: {  	[sflag:s0] =	ssyncadd.tile.s32 @!p0 $0x1;
	_ =	shalt  }
.Lfunc_end3:
_tile_overlayer_lowered:
.L_overlay_start_3:
0x2ed: {  	(tag) =	ssettag $0x3  }
0x2ee: {  	s0 =	rddreg [dreg:$0x0];
	s2 =	stileid.u32  }
0x2ef: {  	s1 =	rddreg [dreg:$0x1];
	p0 =	sne.s32 s2, $0x0  }
0x2f0: {  	s3 =	rddreg [dreg:$0x2];
	[bflag:$0x3] =	sbarrier.arrive $0xFFFF;
	s2 =	simm.s32 @!p0 $0x1C01  }
0x2f1: {  	[timem:s3], [sflag:s2] =	dma.local @!p0 [hbm:s0], s1  }
0x2f2: {  	s0 =	simm.s32 @!p0 $0x1  }
0x2f3: {  	_ =	swait.ge @!p0 [sflag:s0], s1  }
0x2f4: {  	s1 =	ssub.s32 @!p0 $0x0, s1;
	[sflag:s0] =	ssyncset.done @!p0 $0x0  }
0x2f5: {  	[sflag:s0] =	ssyncadd.s32 @!p0 s1  }
0x2f6: {  	[bflag:$0x3] =	sbarrier.arrive $0xFFFF  }
0x2f7: {  	_ =	shalt  }

</sc_bundles>
